<compile_context>
chip_gen: v7x
topology: tpu7x:2x2x1
jax: 0.10.2.dev20260603
libtpu: 0.0.44.dev20260713+nightly
codegen_flags: <defaults>
</compile_context>

<pallas_src>
import functools

import jax
import jax.numpy as jnp
from jax import lax
from jax.experimental import pallas as pl
from jax.experimental.pallas import tpu as pltpu
from jax.experimental.pallas import tpu_sc as plsc

N_NODES = 10000
D_FEAT = 256
N_EDGES = 160000
NPAD = 10240
ROWS128 = NPAD // 128
K_KEEP = N_NODES // 2
NTILES = 32
OUT_ROWS = 160
OUT_GROUPS8 = K_KEEP // 8
EDGE_BIG = 5120
EDGE_SMALL = 4992


def _mv_sel_body(d_ref, w_ref, b_ref, s_ref, g_ref, c_ref, sb_ref):
    i = pl.program_id(0)
    wt = w_ref[...]
    for rr in range(40):
        blk = d_ref[pl.ds(rr * 128, 128), :]
        row = (
            lax.dot_general(wt, blk, (((1,), (1,)), ((), ())),
                            preferred_element_type=jnp.float32)
            + b_ref[0, 0]
        )
        s_ref[pl.ds(rr, 1), :] = row
        sb_ref[pl.ds(i * 40 + rr, 1), :] = row

    @pl.when(i == 1)
    def _():
        _sel_body(sb_ref, g_ref, c_ref)


def _sel_body(s_ref, g_ref, c_ref):
    s = s_ref[...]
    u = lax.bitcast_convert_type(s, jnp.uint32)
    key = jnp.where(u >= jnp.uint32(0x80000000), ~u, u | jnp.uint32(0x80000000))
    row = lax.broadcasted_iota(jnp.int32, (ROWS128, 128), 0)
    lane = lax.broadcasted_iota(jnp.int32, (ROWS128, 128), 1)
    flat = row * 128 + lane
    key = jnp.where(flat < N_NODES, key, jnp.uint32(0))

    def bs(i, ans):
        sh = jnp.uint32(31) - i.astype(jnp.uint32)
        cand = ans | (jnp.uint32(1) << sh)
        cnt = jnp.sum((key >= cand).astype(jnp.int32))
        return lax.select(cnt >= K_KEEP, cand, ans)

    thr = lax.fori_loop(0, 32, bs, jnp.uint32(0))
    cnt_gt = jnp.sum((key > thr).astype(jnp.int32))
    need = (K_KEEP - cnt_gt).astype(jnp.float32)
    eq = key == thr
    upper = (
        lax.broadcasted_iota(jnp.int32, (128, 128), 0)
        <= lax.broadcasted_iota(jnp.int32, (128, 128), 1)
    ).astype(jnp.float32)
    lstrict = (
        lax.broadcasted_iota(jnp.int32, (ROWS128, ROWS128), 0)
        > lax.broadcasted_iota(jnp.int32, (ROWS128, ROWS128), 1)
    ).astype(jnp.float32)
    ef = eq.astype(jnp.float32)
    incl_e = jnp.dot(ef, upper, preferred_element_type=jnp.float32)
    off_e = jnp.dot(lstrict, incl_e[:, 127:128], preferred_element_type=jnp.float32)
    excl_rank = incl_e - ef + off_e
    kept = (key > thr) | (eq & (excl_rank < need))
    kf = kept.astype(jnp.float32)
    incl_k = jnp.dot(kf, upper, preferred_element_type=jnp.float32)
    off_k = jnp.dot(lstrict, incl_k[:, 127:128], preferred_element_type=jnp.float32)
    cnt = (incl_k + off_k).astype(jnp.int32)
    g_ref[...] = jnp.where(kept, cnt - 1, -1)
    c_ref[...] = cnt


def _scores_select_tc(data, W, b):
    return pl.pallas_call(
        _mv_sel_body,
        grid=(2,),
        in_specs=[
            pl.BlockSpec((5120, D_FEAT), lambda i: (i, 0)),
            pl.BlockSpec((1, D_FEAT), lambda i: (0, 0)),
            pl.BlockSpec((1, 1), lambda i: (0, 0)),
        ],
        out_specs=[
            pl.BlockSpec((40, 128), lambda i: (i, 0)),
            pl.BlockSpec((ROWS128, 128), lambda i: (0, 0)),
            pl.BlockSpec((ROWS128, 128), lambda i: (0, 0)),
        ],
        out_shape=[
            jax.ShapeDtypeStruct((ROWS128, 128), jnp.float32),
            jax.ShapeDtypeStruct((ROWS128, 128), jnp.int32),
            jax.ShapeDtypeStruct((ROWS128, 128), jnp.int32),
        ],
        scratch_shapes=[pltpu.VMEM((ROWS128, 128), jnp.float32)],
    )(data, W.reshape(1, D_FEAT), b.reshape(1, 1))


def _sc_pool(data, scores, g, cnt, structure):
    mesh = plsc.VectorSubcoreMesh(core_axis_name="c", subcore_axis_name="s")

    @functools.partial(
        pl.kernel,
        mesh=mesh,
        compiler_params=pltpu.CompilerParams(needs_layout_passes=False),
        out_type=[
            jax.ShapeDtypeStruct((K_KEEP, D_FEAT), jnp.float32),
            jax.ShapeDtypeStruct((2, N_EDGES), jnp.int32),
        ],
        scratch_types=[
            pltpu.VMEM((OUT_ROWS, D_FEAT), jnp.float32),
            pltpu.VMEM((NPAD,), jnp.int32),
            pltpu.VMEM((NPAD,), jnp.float32),
            pltpu.VMEM((NPAD,), jnp.int32),
            pltpu.VMEM((OUT_ROWS + 16,), jnp.int32),
            pltpu.VMEM((OUT_ROWS,), jnp.int32),
            pltpu.VMEM((2, EDGE_BIG), jnp.int32),
            pltpu.VMEM((2, EDGE_BIG), jnp.int32),
            pltpu.SemaphoreType.DMA,
            pltpu.SemaphoreType.DMA,
            pltpu.SemaphoreType.DMA,
            pltpu.SemaphoreType.DMA,
            pltpu.SemaphoreType.DMA,
            pltpu.SemaphoreType.DMA,
        ],
    )
    def k(data_hbm, scores_hbm, g_hbm, cnt_hbm, st_hbm,
          pooled_hbm, ps_hbm,
          dbuf, gt, scb, cb, kbuf, kidx, ebuf, ebo,
          sem_in, sem_e, sem_gt, sem_sc, sem_cnt, sem_eo):
        wid = lax.axis_index("s") * 2 + lax.axis_index("c")
        ob0 = ((wid * OUT_GROUPS8) // NTILES) * 8
        e0 = jnp.where(wid < 2, wid * EDGE_BIG,
                       2 * EDGE_BIG + (wid - 2) * EDGE_SMALL)

        @pl.when(wid < 2)
        def _():
            pltpu.make_async_copy(
                st_hbm.at[:, pl.ds(e0, EDGE_BIG)], ebuf, sem_e).start()

        @pl.when(wid >= 2)
        def _():
            pltpu.make_async_copy(
                st_hbm.at[:, pl.ds(e0, EDGE_SMALL)],
                ebuf.at[:, pl.ds(0, EDGE_SMALL)], sem_e).start()
        cp_gt = pltpu.make_async_copy(g_hbm, gt, sem_gt)
        cp_gt.start()
        cp_sc = pltpu.make_async_copy(scores_hbm, scb, sem_sc)
        cp_sc.start()
        cp_cnt = pltpu.make_async_copy(cnt_hbm, cb, sem_cnt)
        cp_cnt.start()

        cp_cnt.wait()

        def first_geq(target):
            lo = jnp.int32(0)
            for s in (8192, 4096, 2048, 1024, 512, 256, 128, 64, 32, 16,
                      8, 4, 2, 1):
                cand = lo + s
                idx = jnp.minimum(cand - 1, NPAD - 1)
                v = plsc.load_gather(cb, [lax.broadcast(idx, (16,))])[0]
                ok = (cand <= NPAD) & (v < target)
                lo = jnp.where(ok, cand, lo)
            return lo

        hi = ob0 + OUT_ROWS
        blo = first_geq(ob0 + 1) // 16
        bhi = first_geq(hi) // 16 + 1

        iota16 = lax.iota(jnp.int32, 16)
        cp_gt.wait()

        def scan_body(i, c):
            gv = gt[pl.ds(i * 16, 16)]
            m = (gv >= ob0) & (gv < hi)
            ids = lax.broadcast(i * 16, (16,)) + iota16
            plsc.store_compressed(kbuf.at[pl.ds(c, 16)], ids, mask=m)
            return c + plsc.all_reduce_population_count(m)[0]

        lax.fori_loop(blo, bhi, scan_body, 0)
        for j in range(OUT_ROWS // 16):
            kidx[pl.ds(j * 16, 16)] = kbuf[pl.ds(j * 16, 16)]

        pltpu.make_async_copy(data_hbm.at[kidx], dbuf, sem_in).start()

        @pl.when(wid < 2)
        def _():
            pltpu.make_async_copy(
                st_hbm.at[:, pl.ds(e0, EDGE_BIG)], ebuf, sem_e).wait()

        @pl.when(wid >= 2)
        def _():
            pltpu.make_async_copy(
                st_hbm.at[:, pl.ds(e0, EDGE_SMALL)],
                ebuf.at[:, pl.ds(0, EDGE_SMALL)], sem_e).wait()

        nvec = jnp.where(wid < 2, EDGE_BIG // 16, EDGE_SMALL // 16)

        def ebody(i, carry):
            sv = ebuf[0, pl.ds(i * 16, 16)]
            dv = ebuf[1, pl.ds(i * 16, 16)]
            a = plsc.load_gather(gt, [sv])
            bb = plsc.load_gather(gt, [dv])
            m = (a >= 0) & (bb >= 0)
            ebo[0, pl.ds(i * 16, 16)] = jnp.where(m, a, -1)
            ebo[1, pl.ds(i * 16, 16)] = jnp.where(m, bb, -1)
            return carry

        lax.fori_loop(0, nvec, ebody, 0)

        @pl.when(wid < 2)
        def _():
            pltpu.make_async_copy(
                ebo, ps_hbm.at[:, pl.ds(e0, EDGE_BIG)], sem_eo).start()

        @pl.when(wid >= 2)
        def _():
            pltpu.make_async_copy(
                ebo.at[:, pl.ds(0, EDGE_SMALL)],
                ps_hbm.at[:, pl.ds(e0, EDGE_SMALL)], sem_eo).start()

        pltpu.make_async_copy(data_hbm.at[kidx], dbuf, sem_in).wait()
        cp_sc.wait()

        def grp_body(j, carry):
            kv = kidx[pl.ds(j * 16, 16)]
            svec = plsc.load_gather(scb, [kv])
            for r in range(16):
                vv = lax.broadcast(svec[r], (16,))
                row = j * 16 + r
                for c in range(D_FEAT // 16):
                    dbuf[row, pl.ds(c * 16, 16)] = (
                        dbuf[row, pl.ds(c * 16, 16)] * vv)
            return carry

        lax.fori_loop(0, OUT_ROWS // 16, grp_body, 0)
        pltpu.sync_copy(dbuf, pooled_hbm.at[pl.ds(ob0, OUT_ROWS), :])

        @pl.when(wid < 2)
        def _():
            pltpu.make_async_copy(
                ebo, ps_hbm.at[:, pl.ds(e0, EDGE_BIG)], sem_eo).wait()

        @pl.when(wid >= 2)
        def _():
            pltpu.make_async_copy(
                ebo.at[:, pl.ds(0, EDGE_SMALL)],
                ps_hbm.at[:, pl.ds(e0, EDGE_SMALL)], sem_eo).wait()

    return k(data, scores, g, cnt, structure)


def kernel(data, structure, W, b):
    scores2d, g2d, cnt2d = _scores_select_tc(data, W, b)
    pooled, ps = _sc_pool(
        data, scores2d.reshape(NPAD), g2d.reshape(NPAD),
        cnt2d.reshape(NPAD), structure)
    return pooled, ps

# --- scband reference (transcript-rebuilt; emitter-appended) ---
"""Pipeline reference for scband-deletion-pool-11355893530756 (READ-ONLY COPY).

The authoritative reference and input builder live on the scoring server;
editing this copy changes nothing except your own understanding.
"""

import jax, jax.numpy as jnp
import numpy as np

N_NODES = 10000
D_FEAT = 256
N_EDGES = 160000


def setup_inputs(seed: int = 0) -> dict:
    key = jax.random.key(seed)
    k1, k2, k3, k4 = jax.random.split(key, 4)
    data = jax.random.normal(k1, (N_NODES, D_FEAT), dtype=jnp.float32)
    structure = jax.random.randint(k2, (2, N_EDGES), 0, N_NODES, dtype=jnp.int32)
    # nn.Linear(size, 1) parameters: weight [1, size] -> stored as W [size, 1], bias [1]
    W = jax.random.normal(k3, (D_FEAT, 1), dtype=jnp.float32) * (1.0 / np.sqrt(D_FEAT))
    b = jax.random.normal(k4, (1,), dtype=jnp.float32) * 0.01
    return {"data": data, "structure": structure, "W": W, "b": b}


def reference(data, structure, W, b):
    N = data.shape[0]
    # vals = self.project(data)
    vals = data @ W + b  # [N, 1]
    # median_val = torch.median(vals); keep_nodes = (vals > median_val).nonzero()
    # For even N with continuous scores, exactly N//2 entries exceed the median,
    # so the kept set equals the top-k (k = N//2) by score -> static shapes for JAX.
    median_val = jnp.median(vals)
    scores = vals[:, 0]
    k = N // 2
    _, keep_nodes = jax.lax.top_k(scores, k)
    keep_nodes = jnp.sort(keep_nodes)  # preserve original node ordering like nonzero()
    # pooled_data = vals[keep_nodes] * data[keep_nodes]
    pooled_data = vals[keep_nodes] * data[keep_nodes]  # [k, 1] * [k, d] -> [k, d]
    # pooled_structure = es.ConnectMissing(structure, keep_nodes):
    # keep only edges whose both endpoints survive, remap node ids to the pooled
    # index space; dropped edges are marked with -1 (static edge count for JAX).
    mask = jnp.zeros((N,), dtype=bool).at[keep_nodes].set(True)
    new_id = jnp.cumsum(mask.astype(jnp.int32)) - 1  # old id -> new compacted id
    src = structure[0]
    dst = structure[1]
    edge_keep = mask[src] & mask[dst]
    pooled_structure = jnp.where(edge_keep[None, :], new_id[structure], -1)
    return pooled_data, pooled_structure

if __name__ == "__main__":
    import jax
    _d = setup_inputs()
    print(jax.jit(kernel)(*tuple(_d.values())))

</pallas_src>

<mosaic_0001>
#map = affine_map<(d0, d1) -> (0, 0)>
#map1 = affine_map<(d0, d1) -> (0)>
module attributes {stable_mosaic.version = 14 : i64} {
  func.func @k(%arg0: i32, %arg1: i32, %arg2: memref<10000x256xf32, #tpu.memory_space<hbm>>, %arg3: memref<10240xf32, #tpu.memory_space<hbm>>, %arg4: memref<10240xi32, #tpu.memory_space<hbm>>, %arg5: memref<10240xi32, #tpu.memory_space<hbm>>, %arg6: memref<2x160000xi32, #tpu.memory_space<hbm>>, %arg7: memref<5000x256xf32, #tpu.memory_space<hbm>>, %arg8: memref<2x160000xi32, #tpu.memory_space<hbm>>, %arg9: memref<160x256xf32, #tpu.memory_space<vmem>>, %arg10: memref<10240xi32, #tpu.memory_space<vmem>>, %arg11: memref<10240xf32, #tpu.memory_space<vmem>>, %arg12: memref<10240xi32, #tpu.memory_space<vmem>>, %arg13: memref<176xi32, #tpu.memory_space<vmem>>, %arg14: memref<160xi32, #tpu.memory_space<vmem>>, %arg15: memref<2x5120xi32, #tpu.memory_space<vmem>>, %arg16: memref<2x5120xi32, #tpu.memory_space<vmem>>, %arg17: memref<!tpu.dma_semaphore, #tpu.memory_space<semaphore_mem>>, %arg18: memref<!tpu.dma_semaphore, #tpu.memory_space<semaphore_mem>>, %arg19: memref<!tpu.dma_semaphore, #tpu.memory_space<semaphore_mem>>, %arg20: memref<!tpu.dma_semaphore, #tpu.memory_space<semaphore_mem>>, %arg21: memref<!tpu.dma_semaphore, #tpu.memory_space<semaphore_mem>>, %arg22: memref<!tpu.dma_semaphore, #tpu.memory_space<semaphore_mem>>) attributes {dimension_semantics = [#tpu.dimension_semantics<core_parallel>, #tpu.dimension_semantics<subcore_parallel>], iteration_bounds = array<i64: 2, 16>, scalar_prefetch = 0 : i64, scratch_operands = 14 : i64, tpu.core_type = #tpu.core_type<sc_vector_subcore>, window_params = [{transform_indices = #map}, {transform_indices = #map1}, {transform_indices = #map1}, {transform_indices = #map1}, {transform_indices = #map}, {transform_indices = #map}, {transform_indices = #map}]} {
    %mul3A = arith.constant 2 : i32
    %mul3A_0 = arith.muli %arg1, %mul3A : i32
    %add3A = arith.addi %mul3A_0, %arg0 : i32
    %mul3A_1 = arith.constant 625 : i32
    %mul3A_2 = arith.muli %add3A, %mul3A_1 : i32
    %jit3A = arith.constant 32 : i32
    %div3A = arith.divsi %mul3A_2, %jit3A : i32
    %sign3A = arith.constant 0 : i32
    %sign3A_3 = arith.cmpi sgt, %mul3A_2, %sign3A : i32
    %sign3A_4 = arith.extui %sign3A_3 : i1 to i32
    %sign3A_5 = arith.constant 0 : i32
    %sign3A_6 = arith.cmpi slt, %mul3A_2, %sign3A_5 : i32
    %sign3A_7 = arith.extui %sign3A_6 : i1 to i32
    %sign3A_8 = arith.subi %sign3A_4, %sign3A_7 : i32
    %sign3A_9 = arith.constant 0 : i32
    %sign3A_10 = arith.cmpi sgt, %jit3A, %sign3A_9 : i32
    %sign3A_11 = arith.extui %sign3A_10 : i1 to i32
    %sign3A_12 = arith.constant 0 : i32
    %sign3A_13 = arith.cmpi slt, %jit3A, %sign3A_12 : i32
    %sign3A_14 = arith.extui %sign3A_13 : i1 to i32
    %sign3A_15 = arith.subi %sign3A_11, %sign3A_14 : i32
    %ne3A = arith.cmpi ne, %sign3A_8, %sign3A_15 : i32
    %rem3A = arith.remsi %mul3A_2, %jit3A : i32
    %ne3A_16 = arith.constant 0 : i32
    %ne3A_17 = arith.cmpi ne, %rem3A, %ne3A_16 : i32
    %and3A = arith.andi %ne3A, %ne3A_17 : i1
    %sub3A = arith.constant 1 : i32
    %sub3A_18 = arith.subi %div3A, %sub3A : i32
    %select_n3A = arith.select %and3A, %sub3A_18, %div3A : i32
    %mul3A_19 = arith.constant 8 : i32
    %mul3A_20 = arith.muli %select_n3A, %mul3A_19 : i32
    %lt3A = arith.constant 2 : i32
    %lt3A_21 = arith.cmpi slt, %add3A, %lt3A : i32
    %mul3A_22 = arith.constant 5120 : i32
    %mul3A_23 = arith.muli %add3A, %mul3A_22 : i32
    %sub3A_24 = arith.constant 2 : i32
    %sub3A_25 = arith.subi %add3A, %sub3A_24 : i32
    %mul3A_26 = arith.constant 4992 : i32
    %mul3A_27 = arith.muli %sub3A_25, %mul3A_26 : i32
    %add3A_28 = arith.constant 10240 : i32
    %add3A_29 = arith.addi %add3A_28, %mul3A_27 : i32
    %select_n3A_30 = arith.select %lt3A_21, %mul3A_23, %add3A_29 : i32
    %lt3A_31 = arith.constant 2 : i32
    %lt3A_32 = arith.cmpi slt, %add3A, %lt3A_31 : i32
    %convert_element_type3A = arith.extui %lt3A_32 : i1 to i32
    %cond3A = arith.constant 0 : i32
    %cond3A_33 = arith.cmpi ne, %convert_element_type3A, %cond3A : i32
    scf.if %cond3A_33 {
      %dma_start3A_612 = arith.constant 0 : i32
      %dma_start3A_613 = tpu.memref_slice %arg6[%dma_start3A_612, %select_n3A_30] : memref<2x160000xi32, #tpu.memory_space<hbm>> -> memref<2x5120xi32, #tpu.memory_space<hbm>>
      %dma_start3A_614 = arith.constant 0 : i32
      %dma_start3A_615 = tpu.memref_slice %arg6[%dma_start3A_614, %select_n3A_30] : memref<2x160000xi32, #tpu.memory_space<hbm>> -> memref<2x5120xi32, #tpu.memory_space<hbm>>
      tpu.enqueue_dma source(%dma_start3A_615 : memref<2x5120xi32, #tpu.memory_space<hbm>>) target(%arg15 : memref<2x5120xi32, #tpu.memory_space<vmem>>) target_semaphore(%arg18 : memref<!tpu.dma_semaphore, #tpu.memory_space<semaphore_mem>>)
    } else {
    }
    %ge3A = arith.constant 2 : i32
    %ge3A_34 = arith.cmpi sge, %add3A, %ge3A : i32
    %convert_element_type3A_35 = arith.extui %ge3A_34 : i1 to i32
    %cond3A_36 = arith.constant 0 : i32
    %cond3A_37 = arith.cmpi ne, %convert_element_type3A_35, %cond3A_36 : i32
    scf.if %cond3A_37 {
      %dma_start3A_612 = arith.constant 0 : i32
      %dma_start3A_613 = arith.constant 0 : i32
      %dma_start3A_614 = tpu.memref_slice %arg15[%dma_start3A_612, %dma_start3A_613] : memref<2x5120xi32, #tpu.memory_space<vmem>> -> memref<2x4992xi32, #tpu.memory_space<vmem>>
      %dma_start3A_615 = arith.constant 0 : i32
      %dma_start3A_616 = tpu.memref_slice %arg6[%dma_start3A_615, %select_n3A_30] : memref<2x160000xi32, #tpu.memory_space<hbm>> -> memref<2x4992xi32, #tpu.memory_space<hbm>>
      %dma_start3A_617 = arith.constant 0 : i32
      %dma_start3A_618 = arith.constant 0 : i32
      %dma_start3A_619 = tpu.memref_slice %arg15[%dma_start3A_617, %dma_start3A_618] : memref<2x5120xi32, #tpu.memory_space<vmem>> -> memref<2x4992xi32, #tpu.memory_space<vmem>>
      %dma_start3A_620 = arith.constant 0 : i32
      %dma_start3A_621 = tpu.memref_slice %arg6[%dma_start3A_620, %select_n3A_30] : memref<2x160000xi32, #tpu.memory_space<hbm>> -> memref<2x4992xi32, #tpu.memory_space<hbm>>
      tpu.enqueue_dma source(%dma_start3A_621 : memref<2x4992xi32, #tpu.memory_space<hbm>>) target(%dma_start3A_619 : memref<2x4992xi32, #tpu.memory_space<vmem>>) target_semaphore(%arg18 : memref<!tpu.dma_semaphore, #tpu.memory_space<semaphore_mem>>)
    } else {
    }
    tpu.enqueue_dma source(%arg4 : memref<10240xi32, #tpu.memory_space<hbm>>) target(%arg10 : memref<10240xi32, #tpu.memory_space<vmem>>) target_semaphore(%arg19 : memref<!tpu.dma_semaphore, #tpu.memory_space<semaphore_mem>>)
    tpu.enqueue_dma source(%arg3 : memref<10240xf32, #tpu.memory_space<hbm>>) target(%arg11 : memref<10240xf32, #tpu.memory_space<vmem>>) target_semaphore(%arg20 : memref<!tpu.dma_semaphore, #tpu.memory_space<semaphore_mem>>)
    tpu.enqueue_dma source(%arg5 : memref<10240xi32, #tpu.memory_space<hbm>>) target(%arg12 : memref<10240xi32, #tpu.memory_space<vmem>>) target_semaphore(%arg21 : memref<!tpu.dma_semaphore, #tpu.memory_space<semaphore_mem>>)
    tpu.wait_dma2 semaphore(%arg21 : memref<!tpu.dma_semaphore, #tpu.memory_space<semaphore_mem>>) src(%arg5 : memref<10240xi32, #tpu.memory_space<hbm>>) dst(%arg12 : memref<10240xi32, #tpu.memory_space<vmem>>)
    %add3A_38 = arith.constant 160 : i32
    %add3A_39 = arith.addi %mul3A_20, %add3A_38 : i32
    %add3A_40 = arith.constant 1 : i32
    %add3A_41 = arith.addi %mul3A_20, %add3A_40 : i32
    %add3A_42 = arith.constant 0 : i32
    %add3A_43 = arith.constant 8192 : i32
    %add3A_44 = arith.addi %add3A_42, %add3A_43 : i32
    %sub3A_45 = arith.constant 1 : i32
    %sub3A_46 = arith.subi %add3A_44, %sub3A_45 : i32
    %min3A = arith.constant 10239 : i32
    %min3A_47 = arith.minsi %sub3A_46, %min3A : i32
    %broadcast_in_dim3A = vector.broadcast %min3A_47 : i32 to vector<16xi32>
    %gather3A = tpu.vector_load_idx %arg12[%broadcast_in_dim3A] : memref<10240xi32, #tpu.memory_space<vmem>>[vector<16xi32>], vector<16xi32>,
    %slice3A = vector.extract_strided_slice %gather3A {offsets = [0], sizes = [1], strides = [1]} : vector<16xi32> to vector<1xi32>
    %squeeze3A = vector.extract %slice3A[0] : i32 from vector<1xi32>
    %le3A = arith.constant 10240 : i32
    %le3A_48 = arith.cmpi sle, %add3A_44, %le3A : i32
    %lt3A_49 = arith.cmpi slt, %squeeze3A, %add3A_41 : i32
    %and3A_50 = arith.andi %le3A_48, %lt3A_49 : i1
    %jit3A_51 = arith.constant 0 : i32
    %select_n3A_52 = arith.select %and3A_50, %add3A_44, %jit3A_51 : i32
    %add3A_53 = arith.constant 4096 : i32
    %add3A_54 = arith.addi %select_n3A_52, %add3A_53 : i32
    %sub3A_55 = arith.constant 1 : i32
    %sub3A_56 = arith.subi %add3A_54, %sub3A_55 : i32
    %min3A_57 = arith.constant 10239 : i32
    %min3A_58 = arith.minsi %sub3A_56, %min3A_57 : i32
    %broadcast_in_dim3A_59 = vector.broadcast %min3A_58 : i32 to vector<16xi32>
    %gather3A_60 = tpu.vector_load_idx %arg12[%broadcast_in_dim3A_59] : memref<10240xi32, #tpu.memory_space<vmem>>[vector<16xi32>], vector<16xi32>,
    %slice3A_61 = vector.extract_strided_slice %gather3A_60 {offsets = [0], sizes = [1], strides = [1]} : vector<16xi32> to vector<1xi32>
    %squeeze3A_62 = vector.extract %slice3A_61[0] : i32 from vector<1xi32>
    %le3A_63 = arith.constant 10240 : i32
    %le3A_64 = arith.cmpi sle, %add3A_54, %le3A_63 : i32
    %lt3A_65 = arith.cmpi slt, %squeeze3A_62, %add3A_41 : i32
    %and3A_66 = arith.andi %le3A_64, %lt3A_65 : i1
    %select_n3A_67 = arith.select %and3A_66, %add3A_54, %select_n3A_52 : i32
    %add3A_68 = arith.constant 2048 : i32
    %add3A_69 = arith.addi %select_n3A_67, %add3A_68 : i32
    %sub3A_70 = arith.constant 1 : i32
    %sub3A_71 = arith.subi %add3A_69, %sub3A_70 : i32
    %min3A_72 = arith.constant 10239 : i32
    %min3A_73 = arith.minsi %sub3A_71, %min3A_72 : i32
    %broadcast_in_dim3A_74 = vector.broadcast %min3A_73 : i32 to vector<16xi32>
    %gather3A_75 = tpu.vector_load_idx %arg12[%broadcast_in_dim3A_74] : memref<10240xi32, #tpu.memory_space<vmem>>[vector<16xi32>], vector<16xi32>,
    %slice3A_76 = vector.extract_strided_slice %gather3A_75 {offsets = [0], sizes = [1], strides = [1]} : vector<16xi32> to vector<1xi32>
    %squeeze3A_77 = vector.extract %slice3A_76[0] : i32 from vector<1xi32>
    %le3A_78 = arith.constant 10240 : i32
    %le3A_79 = arith.cmpi sle, %add3A_69, %le3A_78 : i32
    %lt3A_80 = arith.cmpi slt, %squeeze3A_77, %add3A_41 : i32
    %and3A_81 = arith.andi %le3A_79, %lt3A_80 : i1
    %select_n3A_82 = arith.select %and3A_81, %add3A_69, %select_n3A_67 : i32
    %add3A_83 = arith.constant 1024 : i32
    %add3A_84 = arith.addi %select_n3A_82, %add3A_83 : i32
    %sub3A_85 = arith.constant 1 : i32
    %sub3A_86 = arith.subi %add3A_84, %sub3A_85 : i32
    %min3A_87 = arith.constant 10239 : i32
    %min3A_88 = arith.minsi %sub3A_86, %min3A_87 : i32
    %broadcast_in_dim3A_89 = vector.broadcast %min3A_88 : i32 to vector<16xi32>
    %gather3A_90 = tpu.vector_load_idx %arg12[%broadcast_in_dim3A_89] : memref<10240xi32, #tpu.memory_space<vmem>>[vector<16xi32>], vector<16xi32>,
    %slice3A_91 = vector.extract_strided_slice %gather3A_90 {offsets = [0], sizes = [1], strides = [1]} : vector<16xi32> to vector<1xi32>
    %squeeze3A_92 = vector.extract %slice3A_91[0] : i32 from vector<1xi32>
    %le3A_93 = arith.constant 10240 : i32
    %le3A_94 = arith.cmpi sle, %add3A_84, %le3A_93 : i32
    %lt3A_95 = arith.cmpi slt, %squeeze3A_92, %add3A_41 : i32
    %and3A_96 = arith.andi %le3A_94, %lt3A_95 : i1
    %select_n3A_97 = arith.select %and3A_96, %add3A_84, %select_n3A_82 : i32
    %add3A_98 = arith.constant 512 : i32
    %add3A_99 = arith.addi %select_n3A_97, %add3A_98 : i32
    %sub3A_100 = arith.constant 1 : i32
    %sub3A_101 = arith.subi %add3A_99, %sub3A_100 : i32
    %min3A_102 = arith.constant 10239 : i32
    %min3A_103 = arith.minsi %sub3A_101, %min3A_102 : i32
    %broadcast_in_dim3A_104 = vector.broadcast %min3A_103 : i32 to vector<16xi32>
    %gather3A_105 = tpu.vector_load_idx %arg12[%broadcast_in_dim3A_104] : memref<10240xi32, #tpu.memory_space<vmem>>[vector<16xi32>], vector<16xi32>,
    %slice3A_106 = vector.extract_strided_slice %gather3A_105 {offsets = [0], sizes = [1], strides = [1]} : vector<16xi32> to vector<1xi32>
    %squeeze3A_107 = vector.extract %slice3A_106[0] : i32 from vector<1xi32>
    %le3A_108 = arith.constant 10240 : i32
    %le3A_109 = arith.cmpi sle, %add3A_99, %le3A_108 : i32
    %lt3A_110 = arith.cmpi slt, %squeeze3A_107, %add3A_41 : i32
    %and3A_111 = arith.andi %le3A_109, %lt3A_110 : i1
    %select_n3A_112 = arith.select %and3A_111, %add3A_99, %select_n3A_97 : i32
    %add3A_113 = arith.constant 256 : i32
    %add3A_114 = arith.addi %select_n3A_112, %add3A_113 : i32
    %sub3A_115 = arith.constant 1 : i32
    %sub3A_116 = arith.subi %add3A_114, %sub3A_115 : i32
    %min3A_117 = arith.constant 10239 : i32
    %min3A_118 = arith.minsi %sub3A_116, %min3A_117 : i32
    %broadcast_in_dim3A_119 = vector.broadcast %min3A_118 : i32 to vector<16xi32>
    %gather3A_120 = tpu.vector_load_idx %arg12[%broadcast_in_dim3A_119] : memref<10240xi32, #tpu.memory_space<vmem>>[vector<16xi32>], vector<16xi32>,
    %slice3A_121 = vector.extract_strided_slice %gather3A_120 {offsets = [0], sizes = [1], strides = [1]} : vector<16xi32> to vector<1xi32>
    %squeeze3A_122 = vector.extract %slice3A_121[0] : i32 from vector<1xi32>
    %le3A_123 = arith.constant 10240 : i32
    %le3A_124 = arith.cmpi sle, %add3A_114, %le3A_123 : i32
    %lt3A_125 = arith.cmpi slt, %squeeze3A_122, %add3A_41 : i32
    %and3A_126 = arith.andi %le3A_124, %lt3A_125 : i1
    %select_n3A_127 = arith.select %and3A_126, %add3A_114, %select_n3A_112 : i32
    %add3A_128 = arith.constant 128 : i32
    %add3A_129 = arith.addi %select_n3A_127, %add3A_128 : i32
    %sub3A_130 = arith.constant 1 : i32
    %sub3A_131 = arith.subi %add3A_129, %sub3A_130 : i32
    %min3A_132 = arith.constant 10239 : i32
    %min3A_133 = arith.minsi %sub3A_131, %min3A_132 : i32
    %broadcast_in_dim3A_134 = vector.broadcast %min3A_133 : i32 to vector<16xi32>
    %gather3A_135 = tpu.vector_load_idx %arg12[%broadcast_in_dim3A_134] : memref<10240xi32, #tpu.memory_space<vmem>>[vector<16xi32>], vector<16xi32>,
    %slice3A_136 = vector.extract_strided_slice %gather3A_135 {offsets = [0], sizes = [1], strides = [1]} : vector<16xi32> to vector<1xi32>
    %squeeze3A_137 = vector.extract %slice3A_136[0] : i32 from vector<1xi32>
    %le3A_138 = arith.constant 10240 : i32
    %le3A_139 = arith.cmpi sle, %add3A_129, %le3A_138 : i32
    %lt3A_140 = arith.cmpi slt, %squeeze3A_137, %add3A_41 : i32
    %and3A_141 = arith.andi %le3A_139, %lt3A_140 : i1
    %select_n3A_142 = arith.select %and3A_141, %add3A_129, %select_n3A_127 : i32
    %add3A_143 = arith.constant 64 : i32
    %add3A_144 = arith.addi %select_n3A_142, %add3A_143 : i32
    %sub3A_145 = arith.constant 1 : i32
    %sub3A_146 = arith.subi %add3A_144, %sub3A_145 : i32
    %min3A_147 = arith.constant 10239 : i32
    %min3A_148 = arith.minsi %sub3A_146, %min3A_147 : i32
    %broadcast_in_dim3A_149 = vector.broadcast %min3A_148 : i32 to vector<16xi32>
    %gather3A_150 = tpu.vector_load_idx %arg12[%broadcast_in_dim3A_149] : memref<10240xi32, #tpu.memory_space<vmem>>[vector<16xi32>], vector<16xi32>,
    %slice3A_151 = vector.extract_strided_slice %gather3A_150 {offsets = [0], sizes = [1], strides = [1]} : vector<16xi32> to vector<1xi32>
    %squeeze3A_152 = vector.extract %slice3A_151[0] : i32 from vector<1xi32>
    %le3A_153 = arith.constant 10240 : i32
    %le3A_154 = arith.cmpi sle, %add3A_144, %le3A_153 : i32
    %lt3A_155 = arith.cmpi slt, %squeeze3A_152, %add3A_41 : i32
    %and3A_156 = arith.andi %le3A_154, %lt3A_155 : i1
    %select_n3A_157 = arith.select %and3A_156, %add3A_144, %select_n3A_142 : i32
    %add3A_158 = arith.constant 32 : i32
    %add3A_159 = arith.addi %select_n3A_157, %add3A_158 : i32
    %sub3A_160 = arith.constant 1 : i32
    %sub3A_161 = arith.subi %add3A_159, %sub3A_160 : i32
    %min3A_162 = arith.constant 10239 : i32
    %min3A_163 = arith.minsi %sub3A_161, %min3A_162 : i32
    %broadcast_in_dim3A_164 = vector.broadcast %min3A_163 : i32 to vector<16xi32>
    %gather3A_165 = tpu.vector_load_idx %arg12[%broadcast_in_dim3A_164] : memref<10240xi32, #tpu.memory_space<vmem>>[vector<16xi32>], vector<16xi32>,
    %slice3A_166 = vector.extract_strided_slice %gather3A_165 {offsets = [0], sizes = [1], strides = [1]} : vector<16xi32> to vector<1xi32>
    %squeeze3A_167 = vector.extract %slice3A_166[0] : i32 from vector<1xi32>
    %le3A_168 = arith.constant 10240 : i32
    %le3A_169 = arith.cmpi sle, %add3A_159, %le3A_168 : i32
    %lt3A_170 = arith.cmpi slt, %squeeze3A_167, %add3A_41 : i32
    %and3A_171 = arith.andi %le3A_169, %lt3A_170 : i1
    %select_n3A_172 = arith.select %and3A_171, %add3A_159, %select_n3A_157 : i32
    %add3A_173 = arith.constant 16 : i32
    %add3A_174 = arith.addi %select_n3A_172, %add3A_173 : i32
    %sub3A_175 = arith.constant 1 : i32
    %sub3A_176 = arith.subi %add3A_174, %sub3A_175 : i32
    %min3A_177 = arith.constant 10239 : i32
    %min3A_178 = arith.minsi %sub3A_176, %min3A_177 : i32
    %broadcast_in_dim3A_179 = vector.broadcast %min3A_178 : i32 to vector<16xi32>
    %gather3A_180 = tpu.vector_load_idx %arg12[%broadcast_in_dim3A_179] : memref<10240xi32, #tpu.memory_space<vmem>>[vector<16xi32>], vector<16xi32>,
    %slice3A_181 = vector.extract_strided_slice %gather3A_180 {offsets = [0], sizes = [1], strides = [1]} : vector<16xi32> to vector<1xi32>
    %squeeze3A_182 = vector.extract %slice3A_181[0] : i32 from vector<1xi32>
    %le3A_183 = arith.constant 10240 : i32
    %le3A_184 = arith.cmpi sle, %add3A_174, %le3A_183 : i32
    %lt3A_185 = arith.cmpi slt, %squeeze3A_182, %add3A_41 : i32
    %and3A_186 = arith.andi %le3A_184, %lt3A_185 : i1
    %select_n3A_187 = arith.select %and3A_186, %add3A_174, %select_n3A_172 : i32
    %add3A_188 = arith.constant 8 : i32
    %add3A_189 = arith.addi %select_n3A_187, %add3A_188 : i32
    %sub3A_190 = arith.constant 1 : i32
    %sub3A_191 = arith.subi %add3A_189, %sub3A_190 : i32
    %min3A_192 = arith.constant 10239 : i32
    %min3A_193 = arith.minsi %sub3A_191, %min3A_192 : i32
    %broadcast_in_dim3A_194 = vector.broadcast %min3A_193 : i32 to vector<16xi32>
    %gather3A_195 = tpu.vector_load_idx %arg12[%broadcast_in_dim3A_194] : memref<10240xi32, #tpu.memory_space<vmem>>[vector<16xi32>], vector<16xi32>,
    %slice3A_196 = vector.extract_strided_slice %gather3A_195 {offsets = [0], sizes = [1], strides = [1]} : vector<16xi32> to vector<1xi32>
    %squeeze3A_197 = vector.extract %slice3A_196[0] : i32 from vector<1xi32>
    %le3A_198 = arith.constant 10240 : i32
    %le3A_199 = arith.cmpi sle, %add3A_189, %le3A_198 : i32
    %lt3A_200 = arith.cmpi slt, %squeeze3A_197, %add3A_41 : i32
    %and3A_201 = arith.andi %le3A_199, %lt3A_200 : i1
    %select_n3A_202 = arith.select %and3A_201, %add3A_189, %select_n3A_187 : i32
    %add3A_203 = arith.constant 4 : i32
    %add3A_204 = arith.addi %select_n3A_202, %add3A_203 : i32
    %sub3A_205 = arith.constant 1 : i32
    %sub3A_206 = arith.subi %add3A_204, %sub3A_205 : i32
    %min3A_207 = arith.constant 10239 : i32
    %min3A_208 = arith.minsi %sub3A_206, %min3A_207 : i32
    %broadcast_in_dim3A_209 = vector.broadcast %min3A_208 : i32 to vector<16xi32>
    %gather3A_210 = tpu.vector_load_idx %arg12[%broadcast_in_dim3A_209] : memref<10240xi32, #tpu.memory_space<vmem>>[vector<16xi32>], vector<16xi32>,
    %slice3A_211 = vector.extract_strided_slice %gather3A_210 {offsets = [0], sizes = [1], strides = [1]} : vector<16xi32> to vector<1xi32>
    %squeeze3A_212 = vector.extract %slice3A_211[0] : i32 from vector<1xi32>
    %le3A_213 = arith.constant 10240 : i32
    %le3A_214 = arith.cmpi sle, %add3A_204, %le3A_213 : i32
    %lt3A_215 = arith.cmpi slt, %squeeze3A_212, %add3A_41 : i32
    %and3A_216 = arith.andi %le3A_214, %lt3A_215 : i1
    %select_n3A_217 = arith.select %and3A_216, %add3A_204, %select_n3A_202 : i32
    %add3A_218 = arith.constant 2 : i32
    %add3A_219 = arith.addi %select_n3A_217, %add3A_218 : i32
    %sub3A_220 = arith.constant 1 : i32
    %sub3A_221 = arith.subi %add3A_219, %sub3A_220 : i32
    %min3A_222 = arith.constant 10239 : i32
    %min3A_223 = arith.minsi %sub3A_221, %min3A_222 : i32
    %broadcast_in_dim3A_224 = vector.broadcast %min3A_223 : i32 to vector<16xi32>
    %gather3A_225 = tpu.vector_load_idx %arg12[%broadcast_in_dim3A_224] : memref<10240xi32, #tpu.memory_space<vmem>>[vector<16xi32>], vector<16xi32>,
    %slice3A_226 = vector.extract_strided_slice %gather3A_225 {offsets = [0], sizes = [1], strides = [1]} : vector<16xi32> to vector<1xi32>
    %squeeze3A_227 = vector.extract %slice3A_226[0] : i32 from vector<1xi32>
    %le3A_228 = arith.constant 10240 : i32
    %le3A_229 = arith.cmpi sle, %add3A_219, %le3A_228 : i32
    %lt3A_230 = arith.cmpi slt, %squeeze3A_227, %add3A_41 : i32
    %and3A_231 = arith.andi %le3A_229, %lt3A_230 : i1
    %select_n3A_232 = arith.select %and3A_231, %add3A_219, %select_n3A_217 : i32
    %add3A_233 = arith.constant 1 : i32
    %add3A_234 = arith.addi %select_n3A_232, %add3A_233 : i32
    %sub3A_235 = arith.constant 1 : i32
    %sub3A_236 = arith.subi %add3A_234, %sub3A_235 : i32
    %min3A_237 = arith.constant 10239 : i32
    %min3A_238 = arith.minsi %sub3A_236, %min3A_237 : i32
    %broadcast_in_dim3A_239 = vector.broadcast %min3A_238 : i32 to vector<16xi32>
    %gather3A_240 = tpu.vector_load_idx %arg12[%broadcast_in_dim3A_239] : memref<10240xi32, #tpu.memory_space<vmem>>[vector<16xi32>], vector<16xi32>,
    %slice3A_241 = vector.extract_strided_slice %gather3A_240 {offsets = [0], sizes = [1], strides = [1]} : vector<16xi32> to vector<1xi32>
    %squeeze3A_242 = vector.extract %slice3A_241[0] : i32 from vector<1xi32>
    %le3A_243 = arith.constant 10240 : i32
    %le3A_244 = arith.cmpi sle, %add3A_234, %le3A_243 : i32
    %lt3A_245 = arith.cmpi slt, %squeeze3A_242, %add3A_41 : i32
    %and3A_246 = arith.andi %le3A_244, %lt3A_245 : i1
    %select_n3A_247 = arith.select %and3A_246, %add3A_234, %select_n3A_232 : i32
    %jit3A_248 = arith.constant 16 : i32
    %div3A_249 = arith.divsi %select_n3A_247, %jit3A_248 : i32
    %sign3A_250 = arith.constant 0 : i32
    %sign3A_251 = arith.cmpi sgt, %select_n3A_247, %sign3A_250 : i32
    %sign3A_252 = arith.extui %sign3A_251 : i1 to i32
    %sign3A_253 = arith.constant 0 : i32
    %sign3A_254 = arith.cmpi slt, %select_n3A_247, %sign3A_253 : i32
    %sign3A_255 = arith.extui %sign3A_254 : i1 to i32
    %sign3A_256 = arith.subi %sign3A_252, %sign3A_255 : i32
    %sign3A_257 = arith.constant 0 : i32
    %sign3A_258 = arith.cmpi sgt, %jit3A_248, %sign3A_257 : i32
    %sign3A_259 = arith.extui %sign3A_258 : i1 to i32
    %sign3A_260 = arith.constant 0 : i32
    %sign3A_261 = arith.cmpi slt, %jit3A_248, %sign3A_260 : i32
    %sign3A_262 = arith.extui %sign3A_261 : i1 to i32
    %sign3A_263 = arith.subi %sign3A_259, %sign3A_262 : i32
    %ne3A_264 = arith.cmpi ne, %sign3A_256, %sign3A_263 : i32
    %rem3A_265 = arith.remsi %select_n3A_247, %jit3A_248 : i32
    %ne3A_266 = arith.constant 0 : i32
    %ne3A_267 = arith.cmpi ne, %rem3A_265, %ne3A_266 : i32
    %and3A_268 = arith.andi %ne3A_264, %ne3A_267 : i1
    %sub3A_269 = arith.constant 1 : i32
    %sub3A_270 = arith.subi %div3A_249, %sub3A_269 : i32
    %select_n3A_271 = arith.select %and3A_268, %sub3A_270, %div3A_249 : i32
    %add3A_272 = arith.constant 0 : i32
    %add3A_273 = arith.constant 8192 : i32
    %add3A_274 = arith.addi %add3A_272, %add3A_273 : i32
    %sub3A_275 = arith.constant 1 : i32
    %sub3A_276 = arith.subi %add3A_274, %sub3A_275 : i32
    %min3A_277 = arith.constant 10239 : i32
    %min3A_278 = arith.minsi %sub3A_276, %min3A_277 : i32
    %broadcast_in_dim3A_279 = vector.broadcast %min3A_278 : i32 to vector<16xi32>
    %gather3A_280 = tpu.vector_load_idx %arg12[%broadcast_in_dim3A_279] : memref<10240xi32, #tpu.memory_space<vmem>>[vector<16xi32>], vector<16xi32>,
    %slice3A_281 = vector.extract_strided_slice %gather3A_280 {offsets = [0], sizes = [1], strides = [1]} : vector<16xi32> to vector<1xi32>
    %squeeze3A_282 = vector.extract %slice3A_281[0] : i32 from vector<1xi32>
    %le3A_283 = arith.constant 10240 : i32
    %le3A_284 = arith.cmpi sle, %add3A_274, %le3A_283 : i32
    %lt3A_285 = arith.cmpi slt, %squeeze3A_282, %add3A_39 : i32
    %and3A_286 = arith.andi %le3A_284, %lt3A_285 : i1
    %jit3A_287 = arith.constant 0 : i32
    %select_n3A_288 = arith.select %and3A_286, %add3A_274, %jit3A_287 : i32
    %add3A_289 = arith.constant 4096 : i32
    %add3A_290 = arith.addi %select_n3A_288, %add3A_289 : i32
    %sub3A_291 = arith.constant 1 : i32
    %sub3A_292 = arith.subi %add3A_290, %sub3A_291 : i32
    %min3A_293 = arith.constant 10239 : i32
    %min3A_294 = arith.minsi %sub3A_292, %min3A_293 : i32
    %broadcast_in_dim3A_295 = vector.broadcast %min3A_294 : i32 to vector<16xi32>
    %gather3A_296 = tpu.vector_load_idx %arg12[%broadcast_in_dim3A_295] : memref<10240xi32, #tpu.memory_space<vmem>>[vector<16xi32>], vector<16xi32>,
    %slice3A_297 = vector.extract_strided_slice %gather3A_296 {offsets = [0], sizes = [1], strides = [1]} : vector<16xi32> to vector<1xi32>
    %squeeze3A_298 = vector.extract %slice3A_297[0] : i32 from vector<1xi32>
    %le3A_299 = arith.constant 10240 : i32
    %le3A_300 = arith.cmpi sle, %add3A_290, %le3A_299 : i32
    %lt3A_301 = arith.cmpi slt, %squeeze3A_298, %add3A_39 : i32
    %and3A_302 = arith.andi %le3A_300, %lt3A_301 : i1
    %select_n3A_303 = arith.select %and3A_302, %add3A_290, %select_n3A_288 : i32
    %add3A_304 = arith.constant 2048 : i32
    %add3A_305 = arith.addi %select_n3A_303, %add3A_304 : i32
    %sub3A_306 = arith.constant 1 : i32
    %sub3A_307 = arith.subi %add3A_305, %sub3A_306 : i32
    %min3A_308 = arith.constant 10239 : i32
    %min3A_309 = arith.minsi %sub3A_307, %min3A_308 : i32
    %broadcast_in_dim3A_310 = vector.broadcast %min3A_309 : i32 to vector<16xi32>
    %gather3A_311 = tpu.vector_load_idx %arg12[%broadcast_in_dim3A_310] : memref<10240xi32, #tpu.memory_space<vmem>>[vector<16xi32>], vector<16xi32>,
    %slice3A_312 = vector.extract_strided_slice %gather3A_311 {offsets = [0], sizes = [1], strides = [1]} : vector<16xi32> to vector<1xi32>
    %squeeze3A_313 = vector.extract %slice3A_312[0] : i32 from vector<1xi32>
    %le3A_314 = arith.constant 10240 : i32
    %le3A_315 = arith.cmpi sle, %add3A_305, %le3A_314 : i32
    %lt3A_316 = arith.cmpi slt, %squeeze3A_313, %add3A_39 : i32
    %and3A_317 = arith.andi %le3A_315, %lt3A_316 : i1
    %select_n3A_318 = arith.select %and3A_317, %add3A_305, %select_n3A_303 : i32
    %add3A_319 = arith.constant 1024 : i32
    %add3A_320 = arith.addi %select_n3A_318, %add3A_319 : i32
    %sub3A_321 = arith.constant 1 : i32
    %sub3A_322 = arith.subi %add3A_320, %sub3A_321 : i32
    %min3A_323 = arith.constant 10239 : i32
    %min3A_324 = arith.minsi %sub3A_322, %min3A_323 : i32
    %broadcast_in_dim3A_325 = vector.broadcast %min3A_324 : i32 to vector<16xi32>
    %gather3A_326 = tpu.vector_load_idx %arg12[%broadcast_in_dim3A_325] : memref<10240xi32, #tpu.memory_space<vmem>>[vector<16xi32>], vector<16xi32>,
    %slice3A_327 = vector.extract_strided_slice %gather3A_326 {offsets = [0], sizes = [1], strides = [1]} : vector<16xi32> to vector<1xi32>
    %squeeze3A_328 = vector.extract %slice3A_327[0] : i32 from vector<1xi32>
    %le3A_329 = arith.constant 10240 : i32
    %le3A_330 = arith.cmpi sle, %add3A_320, %le3A_329 : i32
    %lt3A_331 = arith.cmpi slt, %squeeze3A_328, %add3A_39 : i32
    %and3A_332 = arith.andi %le3A_330, %lt3A_331 : i1
    %select_n3A_333 = arith.select %and3A_332, %add3A_320, %select_n3A_318 : i32
    %add3A_334 = arith.constant 512 : i32
    %add3A_335 = arith.addi %select_n3A_333, %add3A_334 : i32
    %sub3A_336 = arith.constant 1 : i32
    %sub3A_337 = arith.subi %add3A_335, %sub3A_336 : i32
    %min3A_338 = arith.constant 10239 : i32
    %min3A_339 = arith.minsi %sub3A_337, %min3A_338 : i32
    %broadcast_in_dim3A_340 = vector.broadcast %min3A_339 : i32 to vector<16xi32>
    %gather3A_341 = tpu.vector_load_idx %arg12[%broadcast_in_dim3A_340] : memref<10240xi32, #tpu.memory_space<vmem>>[vector<16xi32>], vector<16xi32>,
    %slice3A_342 = vector.extract_strided_slice %gather3A_341 {offsets = [0], sizes = [1], strides = [1]} : vector<16xi32> to vector<1xi32>
    %squeeze3A_343 = vector.extract %slice3A_342[0] : i32 from vector<1xi32>
    %le3A_344 = arith.constant 10240 : i32
    %le3A_345 = arith.cmpi sle, %add3A_335, %le3A_344 : i32
    %lt3A_346 = arith.cmpi slt, %squeeze3A_343, %add3A_39 : i32
    %and3A_347 = arith.andi %le3A_345, %lt3A_346 : i1
    %select_n3A_348 = arith.select %and3A_347, %add3A_335, %select_n3A_333 : i32
    %add3A_349 = arith.constant 256 : i32
    %add3A_350 = arith.addi %select_n3A_348, %add3A_349 : i32
    %sub3A_351 = arith.constant 1 : i32
    %sub3A_352 = arith.subi %add3A_350, %sub3A_351 : i32
    %min3A_353 = arith.constant 10239 : i32
    %min3A_354 = arith.minsi %sub3A_352, %min3A_353 : i32
    %broadcast_in_dim3A_355 = vector.broadcast %min3A_354 : i32 to vector<16xi32>
    %gather3A_356 = tpu.vector_load_idx %arg12[%broadcast_in_dim3A_355] : memref<10240xi32, #tpu.memory_space<vmem>>[vector<16xi32>], vector<16xi32>,
    %slice3A_357 = vector.extract_strided_slice %gather3A_356 {offsets = [0], sizes = [1], strides = [1]} : vector<16xi32> to vector<1xi32>
    %squeeze3A_358 = vector.extract %slice3A_357[0] : i32 from vector<1xi32>
    %le3A_359 = arith.constant 10240 : i32
    %le3A_360 = arith.cmpi sle, %add3A_350, %le3A_359 : i32
    %lt3A_361 = arith.cmpi slt, %squeeze3A_358, %add3A_39 : i32
    %and3A_362 = arith.andi %le3A_360, %lt3A_361 : i1
    %select_n3A_363 = arith.select %and3A_362, %add3A_350, %select_n3A_348 : i32
    %add3A_364 = arith.constant 128 : i32
    %add3A_365 = arith.addi %select_n3A_363, %add3A_364 : i32
    %sub3A_366 = arith.constant 1 : i32
    %sub3A_367 = arith.subi %add3A_365, %sub3A_366 : i32
    %min3A_368 = arith.constant 10239 : i32
    %min3A_369 = arith.minsi %sub3A_367, %min3A_368 : i32
    %broadcast_in_dim3A_370 = vector.broadcast %min3A_369 : i32 to vector<16xi32>
    %gather3A_371 = tpu.vector_load_idx %arg12[%broadcast_in_dim3A_370] : memref<10240xi32, #tpu.memory_space<vmem>>[vector<16xi32>], vector<16xi32>,
    %slice3A_372 = vector.extract_strided_slice %gather3A_371 {offsets = [0], sizes = [1], strides = [1]} : vector<16xi32> to vector<1xi32>
    %squeeze3A_373 = vector.extract %slice3A_372[0] : i32 from vector<1xi32>
    %le3A_374 = arith.constant 10240 : i32
    %le3A_375 = arith.cmpi sle, %add3A_365, %le3A_374 : i32
    %lt3A_376 = arith.cmpi slt, %squeeze3A_373, %add3A_39 : i32
    %and3A_377 = arith.andi %le3A_375, %lt3A_376 : i1
    %select_n3A_378 = arith.select %and3A_377, %add3A_365, %select_n3A_363 : i32
    %add3A_379 = arith.constant 64 : i32
    %add3A_380 = arith.addi %select_n3A_378, %add3A_379 : i32
    %sub3A_381 = arith.constant 1 : i32
    %sub3A_382 = arith.subi %add3A_380, %sub3A_381 : i32
    %min3A_383 = arith.constant 10239 : i32
    %min3A_384 = arith.minsi %sub3A_382, %min3A_383 : i32
    %broadcast_in_dim3A_385 = vector.broadcast %min3A_384 : i32 to vector<16xi32>
    %gather3A_386 = tpu.vector_load_idx %arg12[%broadcast_in_dim3A_385] : memref<10240xi32, #tpu.memory_space<vmem>>[vector<16xi32>], vector<16xi32>,
    %slice3A_387 = vector.extract_strided_slice %gather3A_386 {offsets = [0], sizes = [1], strides = [1]} : vector<16xi32> to vector<1xi32>
    %squeeze3A_388 = vector.extract %slice3A_387[0] : i32 from vector<1xi32>
    %le3A_389 = arith.constant 10240 : i32
    %le3A_390 = arith.cmpi sle, %add3A_380, %le3A_389 : i32
    %lt3A_391 = arith.cmpi slt, %squeeze3A_388, %add3A_39 : i32
    %and3A_392 = arith.andi %le3A_390, %lt3A_391 : i1
    %select_n3A_393 = arith.select %and3A_392, %add3A_380, %select_n3A_378 : i32
    %add3A_394 = arith.constant 32 : i32
    %add3A_395 = arith.addi %select_n3A_393, %add3A_394 : i32
    %sub3A_396 = arith.constant 1 : i32
    %sub3A_397 = arith.subi %add3A_395, %sub3A_396 : i32
    %min3A_398 = arith.constant 10239 : i32
    %min3A_399 = arith.minsi %sub3A_397, %min3A_398 : i32
    %broadcast_in_dim3A_400 = vector.broadcast %min3A_399 : i32 to vector<16xi32>
    %gather3A_401 = tpu.vector_load_idx %arg12[%broadcast_in_dim3A_400] : memref<10240xi32, #tpu.memory_space<vmem>>[vector<16xi32>], vector<16xi32>,
    %slice3A_402 = vector.extract_strided_slice %gather3A_401 {offsets = [0], sizes = [1], strides = [1]} : vector<16xi32> to vector<1xi32>
    %squeeze3A_403 = vector.extract %slice3A_402[0] : i32 from vector<1xi32>
    %le3A_404 = arith.constant 10240 : i32
    %le3A_405 = arith.cmpi sle, %add3A_395, %le3A_404 : i32
    %lt3A_406 = arith.cmpi slt, %squeeze3A_403, %add3A_39 : i32
    %and3A_407 = arith.andi %le3A_405, %lt3A_406 : i1
    %select_n3A_408 = arith.select %and3A_407, %add3A_395, %select_n3A_393 : i32
    %add3A_409 = arith.constant 16 : i32
    %add3A_410 = arith.addi %select_n3A_408, %add3A_409 : i32
    %sub3A_411 = arith.constant 1 : i32
    %sub3A_412 = arith.subi %add3A_410, %sub3A_411 : i32
    %min3A_413 = arith.constant 10239 : i32
    %min3A_414 = arith.minsi %sub3A_412, %min3A_413 : i32
    %broadcast_in_dim3A_415 = vector.broadcast %min3A_414 : i32 to vector<16xi32>
    %gather3A_416 = tpu.vector_load_idx %arg12[%broadcast_in_dim3A_415] : memref<10240xi32, #tpu.memory_space<vmem>>[vector<16xi32>], vector<16xi32>,
    %slice3A_417 = vector.extract_strided_slice %gather3A_416 {offsets = [0], sizes = [1], strides = [1]} : vector<16xi32> to vector<1xi32>
    %squeeze3A_418 = vector.extract %slice3A_417[0] : i32 from vector<1xi32>
    %le3A_419 = arith.constant 10240 : i32
    %le3A_420 = arith.cmpi sle, %add3A_410, %le3A_419 : i32
    %lt3A_421 = arith.cmpi slt, %squeeze3A_418, %add3A_39 : i32
    %and3A_422 = arith.andi %le3A_420, %lt3A_421 : i1
    %select_n3A_423 = arith.select %and3A_422, %add3A_410, %select_n3A_408 : i32
    %add3A_424 = arith.constant 8 : i32
    %add3A_425 = arith.addi %select_n3A_423, %add3A_424 : i32
    %sub3A_426 = arith.constant 1 : i32
    %sub3A_427 = arith.subi %add3A_425, %sub3A_426 : i32
    %min3A_428 = arith.constant 10239 : i32
    %min3A_429 = arith.minsi %sub3A_427, %min3A_428 : i32
    %broadcast_in_dim3A_430 = vector.broadcast %min3A_429 : i32 to vector<16xi32>
    %gather3A_431 = tpu.vector_load_idx %arg12[%broadcast_in_dim3A_430] : memref<10240xi32, #tpu.memory_space<vmem>>[vector<16xi32>], vector<16xi32>,
    %slice3A_432 = vector.extract_strided_slice %gather3A_431 {offsets = [0], sizes = [1], strides = [1]} : vector<16xi32> to vector<1xi32>
    %squeeze3A_433 = vector.extract %slice3A_432[0] : i32 from vector<1xi32>
    %le3A_434 = arith.constant 10240 : i32
    %le3A_435 = arith.cmpi sle, %add3A_425, %le3A_434 : i32
    %lt3A_436 = arith.cmpi slt, %squeeze3A_433, %add3A_39 : i32
    %and3A_437 = arith.andi %le3A_435, %lt3A_436 : i1
    %select_n3A_438 = arith.select %and3A_437, %add3A_425, %select_n3A_423 : i32
    %add3A_439 = arith.constant 4 : i32
    %add3A_440 = arith.addi %select_n3A_438, %add3A_439 : i32
    %sub3A_441 = arith.constant 1 : i32
    %sub3A_442 = arith.subi %add3A_440, %sub3A_441 : i32
    %min3A_443 = arith.constant 10239 : i32
    %min3A_444 = arith.minsi %sub3A_442, %min3A_443 : i32
    %broadcast_in_dim3A_445 = vector.broadcast %min3A_444 : i32 to vector<16xi32>
    %gather3A_446 = tpu.vector_load_idx %arg12[%broadcast_in_dim3A_445] : memref<10240xi32, #tpu.memory_space<vmem>>[vector<16xi32>], vector<16xi32>,
    %slice3A_447 = vector.extract_strided_slice %gather3A_446 {offsets = [0], sizes = [1], strides = [1]} : vector<16xi32> to vector<1xi32>
    %squeeze3A_448 = vector.extract %slice3A_447[0] : i32 from vector<1xi32>
    %le3A_449 = arith.constant 10240 : i32
    %le3A_450 = arith.cmpi sle, %add3A_440, %le3A_449 : i32
    %lt3A_451 = arith.cmpi slt, %squeeze3A_448, %add3A_39 : i32
    %and3A_452 = arith.andi %le3A_450, %lt3A_451 : i1
    %select_n3A_453 = arith.select %and3A_452, %add3A_440, %select_n3A_438 : i32
    %add3A_454 = arith.constant 2 : i32
    %add3A_455 = arith.addi %select_n3A_453, %add3A_454 : i32
    %sub3A_456 = arith.constant 1 : i32
    %sub3A_457 = arith.subi %add3A_455, %sub3A_456 : i32
    %min3A_458 = arith.constant 10239 : i32
    %min3A_459 = arith.minsi %sub3A_457, %min3A_458 : i32
    %broadcast_in_dim3A_460 = vector.broadcast %min3A_459 : i32 to vector<16xi32>
    %gather3A_461 = tpu.vector_load_idx %arg12[%broadcast_in_dim3A_460] : memref<10240xi32, #tpu.memory_space<vmem>>[vector<16xi32>], vector<16xi32>,
    %slice3A_462 = vector.extract_strided_slice %gather3A_461 {offsets = [0], sizes = [1], strides = [1]} : vector<16xi32> to vector<1xi32>
    %squeeze3A_463 = vector.extract %slice3A_462[0] : i32 from vector<1xi32>
    %le3A_464 = arith.constant 10240 : i32
    %le3A_465 = arith.cmpi sle, %add3A_455, %le3A_464 : i32
    %lt3A_466 = arith.cmpi slt, %squeeze3A_463, %add3A_39 : i32
    %and3A_467 = arith.andi %le3A_465, %lt3A_466 : i1
    %select_n3A_468 = arith.select %and3A_467, %add3A_455, %select_n3A_453 : i32
    %add3A_469 = arith.constant 1 : i32
    %add3A_470 = arith.addi %select_n3A_468, %add3A_469 : i32
    %sub3A_471 = arith.constant 1 : i32
    %sub3A_472 = arith.subi %add3A_470, %sub3A_471 : i32
    %min3A_473 = arith.constant 10239 : i32
    %min3A_474 = arith.minsi %sub3A_472, %min3A_473 : i32
    %broadcast_in_dim3A_475 = vector.broadcast %min3A_474 : i32 to vector<16xi32>
    %gather3A_476 = tpu.vector_load_idx %arg12[%broadcast_in_dim3A_475] : memref<10240xi32, #tpu.memory_space<vmem>>[vector<16xi32>], vector<16xi32>,
    %slice3A_477 = vector.extract_strided_slice %gather3A_476 {offsets = [0], sizes = [1], strides = [1]} : vector<16xi32> to vector<1xi32>
    %squeeze3A_478 = vector.extract %slice3A_477[0] : i32 from vector<1xi32>
    %le3A_479 = arith.constant 10240 : i32
    %le3A_480 = arith.cmpi sle, %add3A_470, %le3A_479 : i32
    %lt3A_481 = arith.cmpi slt, %squeeze3A_478, %add3A_39 : i32
    %and3A_482 = arith.andi %le3A_480, %lt3A_481 : i1
    %select_n3A_483 = arith.select %and3A_482, %add3A_470, %select_n3A_468 : i32
    %jit3A_484 = arith.constant 16 : i32
    %div3A_485 = arith.divsi %select_n3A_483, %jit3A_484 : i32
    %sign3A_486 = arith.constant 0 : i32
    %sign3A_487 = arith.cmpi sgt, %select_n3A_483, %sign3A_486 : i32
    %sign3A_488 = arith.extui %sign3A_487 : i1 to i32
    %sign3A_489 = arith.constant 0 : i32
    %sign3A_490 = arith.cmpi slt, %select_n3A_483, %sign3A_489 : i32
    %sign3A_491 = arith.extui %sign3A_490 : i1 to i32
    %sign3A_492 = arith.subi %sign3A_488, %sign3A_491 : i32
    %sign3A_493 = arith.constant 0 : i32
    %sign3A_494 = arith.cmpi sgt, %jit3A_484, %sign3A_493 : i32
    %sign3A_495 = arith.extui %sign3A_494 : i1 to i32
    %sign3A_496 = arith.constant 0 : i32
    %sign3A_497 = arith.cmpi slt, %jit3A_484, %sign3A_496 : i32
    %sign3A_498 = arith.extui %sign3A_497 : i1 to i32
    %sign3A_499 = arith.subi %sign3A_495, %sign3A_498 : i32
    %ne3A_500 = arith.cmpi ne, %sign3A_492, %sign3A_499 : i32
    %rem3A_501 = arith.remsi %select_n3A_483, %jit3A_484 : i32
    %ne3A_502 = arith.constant 0 : i32
    %ne3A_503 = arith.cmpi ne, %rem3A_501, %ne3A_502 : i32
    %and3A_504 = arith.andi %ne3A_500, %ne3A_503 : i1
    %sub3A_505 = arith.constant 1 : i32
    %sub3A_506 = arith.subi %div3A_485, %sub3A_505 : i32
    %select_n3A_507 = arith.select %and3A_504, %sub3A_506, %div3A_485 : i32
    %add3A_508 = arith.constant 1 : i32
    %add3A_509 = arith.addi %select_n3A_507, %add3A_508 : i32
    %iota3A = tpu.iota {dimensions = array<i32: 0>} : vector<16xi32>
    tpu.wait_dma2 semaphore(%arg19 : memref<!tpu.dma_semaphore, #tpu.memory_space<semaphore_mem>>) src(%arg4 : memref<10240xi32, #tpu.memory_space<hbm>>) dst(%arg10 : memref<10240xi32, #tpu.memory_space<vmem>>)
    %while3A = arith.constant 0 : i32
    %while3A_510 = arith.subi %add3A_509, %select_n3A_271 : i32
    %while3A_511 = arith.addi %select_n3A_271, %while3A_510 : i32
    %while3A_512 = arith.constant 1 : i32
    %while3A_513 = arith.divsi %while3A_510, %while3A_512 : i32
    %while3A_514 = arith.muli %while3A_513, %while3A_512 : i32
    %while3A_515 = arith.addi %select_n3A_271, %while3A_514 : i32
    %while3A_516 = arith.constant 1 : i32
    %while3A_517 = scf.for %while3A_612 = %select_n3A_271 to %while3A_515 step %while3A_516 iter_args(%while3A_613 = %while3A) -> (i32)  : i32 {
      %mul3A_614 = arith.constant 16 : i32
      %mul3A_615 = arith.muli %while3A_612, %mul3A_614 : i32
      %get3A_616 = arith.index_cast %mul3A_615 : i32 to index
      %get3A_617 = tpu.vector_load %arg10[%get3A_616] {strides = array<i32>} : memref<10240xi32, #tpu.memory_space<vmem>>, vector<16xi32>,
      %ge3A_618 = vector.broadcast %mul3A_20 : i32 to vector<16xi32>
      %ge3A_619 = arith.cmpi sge, %get3A_617, %ge3A_618 : vector<16xi32>
      %lt3A_620 = vector.broadcast %add3A_39 : i32 to vector<16xi32>
      %lt3A_621 = arith.cmpi slt, %get3A_617, %lt3A_620 : vector<16xi32>
      %and3A_622 = arith.andi %ge3A_619, %lt3A_621 : vector<16xi1>
      %mul3A_623 = arith.constant 16 : i32
      %mul3A_624 = arith.muli %while3A_612, %mul3A_623 : i32
      %broadcast_in_dim3A_625 = vector.broadcast %mul3A_624 : i32 to vector<16xi32>
      %add3A_626 = arith.addi %broadcast_in_dim3A_625, %iota3A : vector<16xi32>
      %swap3A_627 = arith.index_cast %while3A_613 : i32 to index
      %swap3A_628 = tpu.vector_load %arg13[%swap3A_627] masked %and3A_622 {strides = array<i32>} : memref<176xi32, #tpu.memory_space<vmem>>, vector<16xi32>, vector<16xi1>
      tpu.vector_store %arg13[%swap3A_627], %add3A_626 masked %and3A_622 {strides = array<i32>} : memref<176xi32, #tpu.memory_space<vmem>>, vector<16xi32>, vector<16xi1>
      %all_reduce_population_count3A = tpu.all_reduce %and3A_622 {dim = 0 : i64, kind = #tpu.reduction_kind<sum>} : vector<16xi1> -> vector<16xi32>
      %slice3A_629 = vector.extract_strided_slice %all_reduce_population_count3A {offsets = [0], sizes = [1], strides = [1]} : vector<16xi32> to vector<1xi32>
      %squeeze3A_630 = vector.extract %slice3A_629[0] : i32 from vector<1xi32>
      %add3A_631 = arith.addi %while3A_613, %squeeze3A_630 : i32
      scf.yield %add3A_631 : i32
    }
    %while3A_518 = arith.constant 1 : i32
    %while3A_519 = scf.for %while3A_612 = %while3A_515 to %while3A_511 step %while3A_518 iter_args(%while3A_613 = %while3A_517) -> (i32)  : i32 {
      %mul3A_614 = arith.constant 16 : i32
      %mul3A_615 = arith.muli %while3A_612, %mul3A_614 : i32
      %get3A_616 = arith.index_cast %mul3A_615 : i32 to index
      %get3A_617 = tpu.vector_load %arg10[%get3A_616] {strides = array<i32>} : memref<10240xi32, #tpu.memory_space<vmem>>, vector<16xi32>,
      %ge3A_618 = vector.broadcast %mul3A_20 : i32 to vector<16xi32>
      %ge3A_619 = arith.cmpi sge, %get3A_617, %ge3A_618 : vector<16xi32>
      %lt3A_620 = vector.broadcast %add3A_39 : i32 to vector<16xi32>
      %lt3A_621 = arith.cmpi slt, %get3A_617, %lt3A_620 : vector<16xi32>
      %and3A_622 = arith.andi %ge3A_619, %lt3A_621 : vector<16xi1>
      %mul3A_623 = arith.constant 16 : i32
      %mul3A_624 = arith.muli %while3A_612, %mul3A_623 : i32
      %broadcast_in_dim3A_625 = vector.broadcast %mul3A_624 : i32 to vector<16xi32>
      %add3A_626 = arith.addi %broadcast_in_dim3A_625, %iota3A : vector<16xi32>
      %swap3A_627 = arith.index_cast %while3A_613 : i32 to index
      %swap3A_628 = tpu.vector_load %arg13[%swap3A_627] masked %and3A_622 {strides = array<i32>} : memref<176xi32, #tpu.memory_space<vmem>>, vector<16xi32>, vector<16xi1>
      tpu.vector_store %arg13[%swap3A_627], %add3A_626 masked %and3A_622 {strides = array<i32>} : memref<176xi32, #tpu.memory_space<vmem>>, vector<16xi32>, vector<16xi1>
      %all_reduce_population_count3A = tpu.all_reduce %and3A_622 {dim = 0 : i64, kind = #tpu.reduction_kind<sum>} : vector<16xi1> -> vector<16xi32>
      %slice3A_629 = vector.extract_strided_slice %all_reduce_population_count3A {offsets = [0], sizes = [1], strides = [1]} : vector<16xi32> to vector<1xi32>
      %squeeze3A_630 = vector.extract %slice3A_629[0] : i32 from vector<1xi32>
      %add3A_631 = arith.addi %while3A_613, %squeeze3A_630 : i32
      scf.yield %add3A_631 : i32
    }
    %get3A = arith.constant 0 : index
    %get3A_520 = tpu.vector_load %arg13[%get3A] {strides = array<i32>} : memref<176xi32, #tpu.memory_space<vmem>>, vector<16xi32>,
    %swap3A = arith.constant 0 : index
    %swap3A_521 = tpu.vector_load %arg14[%swap3A] {strides = array<i32>} : memref<160xi32, #tpu.memory_space<vmem>>, vector<16xi32>,
    tpu.vector_store %arg14[%swap3A], %get3A_520 {strides = array<i32>} : memref<160xi32, #tpu.memory_space<vmem>>, vector<16xi32>,
    %get3A_522 = arith.constant 16 : index
    %get3A_523 = tpu.vector_load %arg13[%get3A_522] {strides = array<i32>} : memref<176xi32, #tpu.memory_space<vmem>>, vector<16xi32>,
    %swap3A_524 = arith.constant 16 : index
    %swap3A_525 = tpu.vector_load %arg14[%swap3A_524] {strides = array<i32>} : memref<160xi32, #tpu.memory_space<vmem>>, vector<16xi32>,
    tpu.vector_store %arg14[%swap3A_524], %get3A_523 {strides = array<i32>} : memref<160xi32, #tpu.memory_space<vmem>>, vector<16xi32>,
    %get3A_526 = arith.constant 32 : index
    %get3A_527 = tpu.vector_load %arg13[%get3A_526] {strides = array<i32>} : memref<176xi32, #tpu.memory_space<vmem>>, vector<16xi32>,
    %swap3A_528 = arith.constant 32 : index
    %swap3A_529 = tpu.vector_load %arg14[%swap3A_528] {strides = array<i32>} : memref<160xi32, #tpu.memory_space<vmem>>, vector<16xi32>,
    tpu.vector_store %arg14[%swap3A_528], %get3A_527 {strides = array<i32>} : memref<160xi32, #tpu.memory_space<vmem>>, vector<16xi32>,
    %get3A_530 = arith.constant 48 : index
    %get3A_531 = tpu.vector_load %arg13[%get3A_530] {strides = array<i32>} : memref<176xi32, #tpu.memory_space<vmem>>, vector<16xi32>,
    %swap3A_532 = arith.constant 48 : index
    %swap3A_533 = tpu.vector_load %arg14[%swap3A_532] {strides = array<i32>} : memref<160xi32, #tpu.memory_space<vmem>>, vector<16xi32>,
    tpu.vector_store %arg14[%swap3A_532], %get3A_531 {strides = array<i32>} : memref<160xi32, #tpu.memory_space<vmem>>, vector<16xi32>,
    %get3A_534 = arith.constant 64 : index
    %get3A_535 = tpu.vector_load %arg13[%get3A_534] {strides = array<i32>} : memref<176xi32, #tpu.memory_space<vmem>>, vector<16xi32>,
    %swap3A_536 = arith.constant 64 : index
    %swap3A_537 = tpu.vector_load %arg14[%swap3A_536] {strides = array<i32>} : memref<160xi32, #tpu.memory_space<vmem>>, vector<16xi32>,
    tpu.vector_store %arg14[%swap3A_536], %get3A_535 {strides = array<i32>} : memref<160xi32, #tpu.memory_space<vmem>>, vector<16xi32>,
    %get3A_538 = arith.constant 80 : index
    %get3A_539 = tpu.vector_load %arg13[%get3A_538] {strides = array<i32>} : memref<176xi32, #tpu.memory_space<vmem>>, vector<16xi32>,
    %swap3A_540 = arith.constant 80 : index
    %swap3A_541 = tpu.vector_load %arg14[%swap3A_540] {strides = array<i32>} : memref<160xi32, #tpu.memory_space<vmem>>, vector<16xi32>,
    tpu.vector_store %arg14[%swap3A_540], %get3A_539 {strides = array<i32>} : memref<160xi32, #tpu.memory_space<vmem>>, vector<16xi32>,
    %get3A_542 = arith.constant 96 : index
    %get3A_543 = tpu.vector_load %arg13[%get3A_542] {strides = array<i32>} : memref<176xi32, #tpu.memory_space<vmem>>, vector<16xi32>,
    %swap3A_544 = arith.constant 96 : index
    %swap3A_545 = tpu.vector_load %arg14[%swap3A_544] {strides = array<i32>} : memref<160xi32, #tpu.memory_space<vmem>>, vector<16xi32>,
    tpu.vector_store %arg14[%swap3A_544], %get3A_543 {strides = array<i32>} : memref<160xi32, #tpu.memory_space<vmem>>, vector<16xi32>,
    %get3A_546 = arith.constant 112 : index
    %get3A_547 = tpu.vector_load %arg13[%get3A_546] {strides = array<i32>} : memref<176xi32, #tpu.memory_space<vmem>>, vector<16xi32>,
    %swap3A_548 = arith.constant 112 : index
    %swap3A_549 = tpu.vector_load %arg14[%swap3A_548] {strides = array<i32>} : memref<160xi32, #tpu.memory_space<vmem>>, vector<16xi32>,
    tpu.vector_store %arg14[%swap3A_548], %get3A_547 {strides = array<i32>} : memref<160xi32, #tpu.memory_space<vmem>>, vector<16xi32>,
    %get3A_550 = arith.constant 128 : index
    %get3A_551 = tpu.vector_load %arg13[%get3A_550] {strides = array<i32>} : memref<176xi32, #tpu.memory_space<vmem>>, vector<16xi32>,
    %swap3A_552 = arith.constant 128 : index
    %swap3A_553 = tpu.vector_load %arg14[%swap3A_552] {strides = array<i32>} : memref<160xi32, #tpu.memory_space<vmem>>, vector<16xi32>,
    tpu.vector_store %arg14[%swap3A_552], %get3A_551 {strides = array<i32>} : memref<160xi32, #tpu.memory_space<vmem>>, vector<16xi32>,
    %get3A_554 = arith.constant 144 : index
    %get3A_555 = tpu.vector_load %arg13[%get3A_554] {strides = array<i32>} : memref<176xi32, #tpu.memory_space<vmem>>, vector<16xi32>,
    %swap3A_556 = arith.constant 144 : index
    %swap3A_557 = tpu.vector_load %arg14[%swap3A_556] {strides = array<i32>} : memref<160xi32, #tpu.memory_space<vmem>>, vector<16xi32>,
    tpu.vector_store %arg14[%swap3A_556], %get3A_555 {strides = array<i32>} : memref<160xi32, #tpu.memory_space<vmem>>, vector<16xi32>,
    %dma_start3A = arith.constant 0 : i32
    %dma_start3A_558 = arith.constant 0 : i32
    %dma_start3A_559 = tpu.memref_slice %arg2[%dma_start3A, %dma_start3A_558] : memref<10000x256xf32, #tpu.memory_space<hbm>> -> memref<10000x256xf32, #tpu.memory_space<hbm>>
    tpu.enqueue_indirect_dma source(%dma_start3A_559 : memref<10000x256xf32, #tpu.memory_space<hbm>>) target(%arg9 : memref<160x256xf32, #tpu.memory_space<vmem>>) offsets(%arg14 : memref<160xi32, #tpu.memory_space<vmem>>) semaphore(%arg17 : memref<!tpu.dma_semaphore, #tpu.memory_space<semaphore_mem>>)
    %lt3A_560 = arith.constant 2 : i32
    %lt3A_561 = arith.cmpi slt, %add3A, %lt3A_560 : i32
    %convert_element_type3A_562 = arith.extui %lt3A_561 : i1 to i32
    %cond3A_563 = arith.constant 0 : i32
    %cond3A_564 = arith.cmpi ne, %convert_element_type3A_562, %cond3A_563 : i32
    scf.if %cond3A_564 {
      %dma_wait3A_612 = arith.constant 0 : i32
      %dma_wait3A_613 = tpu.memref_slice %arg6[%dma_wait3A_612, %select_n3A_30] : memref<2x160000xi32, #tpu.memory_space<hbm>> -> memref<2x5120xi32, #tpu.memory_space<hbm>>
      %dma_wait3A_614 = arith.constant 0 : i32
      %dma_wait3A_615 = tpu.memref_slice %arg6[%dma_wait3A_614, %select_n3A_30] : memref<2x160000xi32, #tpu.memory_space<hbm>> -> memref<2x5120xi32, #tpu.memory_space<hbm>>
      tpu.wait_dma2 semaphore(%arg18 : memref<!tpu.dma_semaphore, #tpu.memory_space<semaphore_mem>>) src(%dma_wait3A_615 : memref<2x5120xi32, #tpu.memory_space<hbm>>) dst(%arg15 : memref<2x5120xi32, #tpu.memory_space<vmem>>)
    } else {
    }
    %ge3A_565 = arith.constant 2 : i32
    %ge3A_566 = arith.cmpi sge, %add3A, %ge3A_565 : i32
    %convert_element_type3A_567 = arith.extui %ge3A_566 : i1 to i32
    %cond3A_568 = arith.constant 0 : i32
    %cond3A_569 = arith.cmpi ne, %convert_element_type3A_567, %cond3A_568 : i32
    scf.if %cond3A_569 {
      %dma_wait3A_612 = arith.constant 0 : i32
      %dma_wait3A_613 = arith.constant 0 : i32
      %dma_wait3A_614 = tpu.memref_slice %arg15[%dma_wait3A_612, %dma_wait3A_613] : memref<2x5120xi32, #tpu.memory_space<vmem>> -> memref<2x4992xi32, #tpu.memory_space<vmem>>
      %dma_wait3A_615 = arith.constant 0 : i32
      %dma_wait3A_616 = tpu.memref_slice %arg6[%dma_wait3A_615, %select_n3A_30] : memref<2x160000xi32, #tpu.memory_space<hbm>> -> memref<2x4992xi32, #tpu.memory_space<hbm>>
      %dma_wait3A_617 = arith.constant 0 : i32
      %dma_wait3A_618 = arith.constant 0 : i32
      %dma_wait3A_619 = tpu.memref_slice %arg15[%dma_wait3A_617, %dma_wait3A_618] : memref<2x5120xi32, #tpu.memory_space<vmem>> -> memref<2x4992xi32, #tpu.memory_space<vmem>>
      %dma_wait3A_620 = arith.constant 0 : i32
      %dma_wait3A_621 = tpu.memref_slice %arg6[%dma_wait3A_620, %select_n3A_30] : memref<2x160000xi32, #tpu.memory_space<hbm>> -> memref<2x4992xi32, #tpu.memory_space<hbm>>
      tpu.wait_dma2 semaphore(%arg18 : memref<!tpu.dma_semaphore, #tpu.memory_space<semaphore_mem>>) src(%dma_wait3A_621 : memref<2x4992xi32, #tpu.memory_space<hbm>>) dst(%dma_wait3A_619 : memref<2x4992xi32, #tpu.memory_space<vmem>>)
    } else {
    }
    %lt3A_570 = arith.constant 2 : i32
    %lt3A_571 = arith.cmpi slt, %add3A, %lt3A_570 : i32
    %jit3A_572 = arith.constant 320 : i32
    %jit3A_573 = arith.constant 312 : i32
    %select_n3A_574 = arith.select %lt3A_571, %jit3A_572, %jit3A_573 : i32
    %while3A_575 = arith.constant 0 : i32
    %while3A_576 = arith.constant 0 : i32
    %while3A_577 = arith.subi %select_n3A_574, %while3A_576 : i32
    %while3A_578 = arith.addi %while3A_576, %while3A_577 : i32
    %while3A_579 = arith.constant 1 : i32
    %while3A_580 = arith.divsi %while3A_577, %while3A_579 : i32
    %while3A_581 = arith.muli %while3A_580, %while3A_579 : i32
    %while3A_582 = arith.addi %while3A_576, %while3A_581 : i32
    %while3A_583 = arith.constant 1 : i32
    scf.for %while3A_612 = %while3A_576 to %while3A_582 step %while3A_583  : i32 {
      %mul3A_613 = arith.constant 16 : i32
      %mul3A_614 = arith.muli %while3A_612, %mul3A_613 : i32
      %get3A_615 = arith.constant 0 : i32
      %get3A_616 = arith.index_cast %get3A_615 : i32 to index
      %get3A_617 = arith.index_cast %mul3A_614 : i32 to index
      %get3A_618 = tpu.vector_load %arg15[%get3A_616, %get3A_617] {strides = array<i32>} : memref<2x5120xi32, #tpu.memory_space<vmem>>, vector<16xi32>,
      %mul3A_619 = arith.constant 16 : i32
      %mul3A_620 = arith.muli %while3A_612, %mul3A_619 : i32
      %get3A_621 = arith.constant 1 : i32
      %get3A_622 = arith.index_cast %get3A_621 : i32 to index
      %get3A_623 = arith.index_cast %mul3A_620 : i32 to index
      %get3A_624 = tpu.vector_load %arg15[%get3A_622, %get3A_623] {strides = array<i32>} : memref<2x5120xi32, #tpu.memory_space<vmem>>, vector<16xi32>,
      %gather3A_625 = tpu.vector_load_idx %arg10[%get3A_618] : memref<10240xi32, #tpu.memory_space<vmem>>[vector<16xi32>], vector<16xi32>,
      %gather3A_626 = tpu.vector_load_idx %arg10[%get3A_624] : memref<10240xi32, #tpu.memory_space<vmem>>[vector<16xi32>], vector<16xi32>,
      %ge3A_627 = arith.constant 0 : i32
      %ge3A_628 = vector.broadcast %ge3A_627 : i32 to vector<16xi32>
      %ge3A_629 = arith.cmpi sge, %gather3A_625, %ge3A_628 : vector<16xi32>
      %ge3A_630 = arith.constant 0 : i32
      %ge3A_631 = vector.broadcast %ge3A_630 : i32 to vector<16xi32>
      %ge3A_632 = arith.cmpi sge, %gather3A_626, %ge3A_631 : vector<16xi32>
      %and3A_633 = arith.andi %ge3A_629, %ge3A_632 : vector<16xi1>
      %jit3A_634 = arith.constant -1 : i32
      %broadcast_in_dim3A_635 = vector.broadcast %jit3A_634 : i32 to vector<16xi32>
      %select_n3A_636 = arith.select %and3A_633, %gather3A_625, %broadcast_in_dim3A_635 : vector<16xi1>, vector<16xi32>
      %mul3A_637 = arith.constant 16 : i32
      %mul3A_638 = arith.muli %while3A_612, %mul3A_637 : i32
      %swap3A_639 = arith.constant 0 : i32
      %swap3A_640 = arith.index_cast %swap3A_639 : i32 to index
      %swap3A_641 = arith.index_cast %mul3A_638 : i32 to index
      %swap3A_642 = tpu.vector_load %arg16[%swap3A_640, %swap3A_641] {strides = array<i32>} : memref<2x5120xi32, #tpu.memory_space<vmem>>, vector<16xi32>,
      tpu.vector_store %arg16[%swap3A_640, %swap3A_641], %select_n3A_636 {strides = array<i32>} : memref<2x5120xi32, #tpu.memory_space<vmem>>, vector<16xi32>,
      %jit3A_643 = arith.constant -1 : i32
      %broadcast_in_dim3A_644 = vector.broadcast %jit3A_643 : i32 to vector<16xi32>
      %select_n3A_645 = arith.select %and3A_633, %gather3A_626, %broadcast_in_dim3A_644 : vector<16xi1>, vector<16xi32>
      %mul3A_646 = arith.constant 16 : i32
      %mul3A_647 = arith.muli %while3A_612, %mul3A_646 : i32
      %swap3A_648 = arith.constant 1 : i32
      %swap3A_649 = arith.index_cast %swap3A_648 : i32 to index
      %swap3A_650 = arith.index_cast %mul3A_647 : i32 to index
      %swap3A_651 = tpu.vector_load %arg16[%swap3A_649, %swap3A_650] {strides = array<i32>} : memref<2x5120xi32, #tpu.memory_space<vmem>>, vector<16xi32>,
      tpu.vector_store %arg16[%swap3A_649, %swap3A_650], %select_n3A_645 {strides = array<i32>} : memref<2x5120xi32, #tpu.memory_space<vmem>>, vector<16xi32>,
    }
    %while3A_584 = arith.constant 1 : i32
    scf.for %while3A_612 = %while3A_582 to %while3A_578 step %while3A_584  : i32 {
      %mul3A_613 = arith.constant 16 : i32
      %mul3A_614 = arith.muli %while3A_612, %mul3A_613 : i32
      %get3A_615 = arith.constant 0 : i32
      %get3A_616 = arith.index_cast %get3A_615 : i32 to index
      %get3A_617 = arith.index_cast %mul3A_614 : i32 to index
      %get3A_618 = tpu.vector_load %arg15[%get3A_616, %get3A_617] {strides = array<i32>} : memref<2x5120xi32, #tpu.memory_space<vmem>>, vector<16xi32>,
      %mul3A_619 = arith.constant 16 : i32
      %mul3A_620 = arith.muli %while3A_612, %mul3A_619 : i32
      %get3A_621 = arith.constant 1 : i32
      %get3A_622 = arith.index_cast %get3A_621 : i32 to index
      %get3A_623 = arith.index_cast %mul3A_620 : i32 to index
      %get3A_624 = tpu.vector_load %arg15[%get3A_622, %get3A_623] {strides = array<i32>} : memref<2x5120xi32, #tpu.memory_space<vmem>>, vector<16xi32>,
      %gather3A_625 = tpu.vector_load_idx %arg10[%get3A_618] : memref<10240xi32, #tpu.memory_space<vmem>>[vector<16xi32>], vector<16xi32>,
      %gather3A_626 = tpu.vector_load_idx %arg10[%get3A_624] : memref<10240xi32, #tpu.memory_space<vmem>>[vector<16xi32>], vector<16xi32>,
      %ge3A_627 = arith.constant 0 : i32
      %ge3A_628 = vector.broadcast %ge3A_627 : i32 to vector<16xi32>
      %ge3A_629 = arith.cmpi sge, %gather3A_625, %ge3A_628 : vector<16xi32>
      %ge3A_630 = arith.constant 0 : i32
      %ge3A_631 = vector.broadcast %ge3A_630 : i32 to vector<16xi32>
      %ge3A_632 = arith.cmpi sge, %gather3A_626, %ge3A_631 : vector<16xi32>
      %and3A_633 = arith.andi %ge3A_629, %ge3A_632 : vector<16xi1>
      %jit3A_634 = arith.constant -1 : i32
      %broadcast_in_dim3A_635 = vector.broadcast %jit3A_634 : i32 to vector<16xi32>
      %select_n3A_636 = arith.select %and3A_633, %gather3A_625, %broadcast_in_dim3A_635 : vector<16xi1>, vector<16xi32>
      %mul3A_637 = arith.constant 16 : i32
      %mul3A_638 = arith.muli %while3A_612, %mul3A_637 : i32
      %swap3A_639 = arith.constant 0 : i32
      %swap3A_640 = arith.index_cast %swap3A_639 : i32 to index
      %swap3A_641 = arith.index_cast %mul3A_638 : i32 to index
      %swap3A_642 = tpu.vector_load %arg16[%swap3A_640, %swap3A_641] {strides = array<i32>} : memref<2x5120xi32, #tpu.memory_space<vmem>>, vector<16xi32>,
      tpu.vector_store %arg16[%swap3A_640, %swap3A_641], %select_n3A_636 {strides = array<i32>} : memref<2x5120xi32, #tpu.memory_space<vmem>>, vector<16xi32>,
      %jit3A_643 = arith.constant -1 : i32
      %broadcast_in_dim3A_644 = vector.broadcast %jit3A_643 : i32 to vector<16xi32>
      %select_n3A_645 = arith.select %and3A_633, %gather3A_626, %broadcast_in_dim3A_644 : vector<16xi1>, vector<16xi32>
      %mul3A_646 = arith.constant 16 : i32
      %mul3A_647 = arith.muli %while3A_612, %mul3A_646 : i32
      %swap3A_648 = arith.constant 1 : i32
      %swap3A_649 = arith.index_cast %swap3A_648 : i32 to index
      %swap3A_650 = arith.index_cast %mul3A_647 : i32 to index
      %swap3A_651 = tpu.vector_load %arg16[%swap3A_649, %swap3A_650] {strides = array<i32>} : memref<2x5120xi32, #tpu.memory_space<vmem>>, vector<16xi32>,
      tpu.vector_store %arg16[%swap3A_649, %swap3A_650], %select_n3A_645 {strides = array<i32>} : memref<2x5120xi32, #tpu.memory_space<vmem>>, vector<16xi32>,
    }
    %lt3A_585 = arith.constant 2 : i32
    %lt3A_586 = arith.cmpi slt, %add3A, %lt3A_585 : i32
    %convert_element_type3A_587 = arith.extui %lt3A_586 : i1 to i32
    %cond3A_588 = arith.constant 0 : i32
    %cond3A_589 = arith.cmpi ne, %convert_element_type3A_587, %cond3A_588 : i32
    scf.if %cond3A_589 {
      %dma_start3A_612 = arith.constant 0 : i32
      %dma_start3A_613 = tpu.memref_slice %arg8[%dma_start3A_612, %select_n3A_30] : memref<2x160000xi32, #tpu.memory_space<hbm>> -> memref<2x5120xi32, #tpu.memory_space<hbm>>
      %dma_start3A_614 = arith.constant 0 : i32
      %dma_start3A_615 = tpu.memref_slice %arg8[%dma_start3A_614, %select_n3A_30] : memref<2x160000xi32, #tpu.memory_space<hbm>> -> memref<2x5120xi32, #tpu.memory_space<hbm>>
      tpu.enqueue_dma source(%arg16 : memref<2x5120xi32, #tpu.memory_space<vmem>>) target(%dma_start3A_615 : memref<2x5120xi32, #tpu.memory_space<hbm>>) target_semaphore(%arg22 : memref<!tpu.dma_semaphore, #tpu.memory_space<semaphore_mem>>)
    } else {
    }
    %ge3A_590 = arith.constant 2 : i32
    %ge3A_591 = arith.cmpi sge, %add3A, %ge3A_590 : i32
    %convert_element_type3A_592 = arith.extui %ge3A_591 : i1 to i32
    %cond3A_593 = arith.constant 0 : i32
    %cond3A_594 = arith.cmpi ne, %convert_element_type3A_592, %cond3A_593 : i32
    scf.if %cond3A_594 {
      %dma_start3A_612 = arith.constant 0 : i32
      %dma_start3A_613 = arith.constant 0 : i32
      %dma_start3A_614 = tpu.memref_slice %arg16[%dma_start3A_612, %dma_start3A_613] : memref<2x5120xi32, #tpu.memory_space<vmem>> -> memref<2x4992xi32, #tpu.memory_space<vmem>>
      %dma_start3A_615 = arith.constant 0 : i32
      %dma_start3A_616 = tpu.memref_slice %arg8[%dma_start3A_615, %select_n3A_30] : memref<2x160000xi32, #tpu.memory_space<hbm>> -> memref<2x4992xi32, #tpu.memory_space<hbm>>
      %dma_start3A_617 = arith.constant 0 : i32
      %dma_start3A_618 = tpu.memref_slice %arg8[%dma_start3A_617, %select_n3A_30] : memref<2x160000xi32, #tpu.memory_space<hbm>> -> memref<2x4992xi32, #tpu.memory_space<hbm>>
      %dma_start3A_619 = arith.constant 0 : i32
      %dma_start3A_620 = arith.constant 0 : i32
      %dma_start3A_621 = tpu.memref_slice %arg16[%dma_start3A_619, %dma_start3A_620] : memref<2x5120xi32, #tpu.memory_space<vmem>> -> memref<2x4992xi32, #tpu.memory_space<vmem>>
      tpu.enqueue_dma source(%dma_start3A_621 : memref<2x4992xi32, #tpu.memory_space<vmem>>) target(%dma_start3A_618 : memref<2x4992xi32, #tpu.memory_space<hbm>>) target_semaphore(%arg22 : memref<!tpu.dma_semaphore, #tpu.memory_space<semaphore_mem>>)
    } else {
    }
    %dma_wait3A = arith.constant 0 : i32
    %dma_wait3A_595 = arith.constant 0 : i32
    %dma_wait3A_596 = tpu.memref_slice %arg2[%dma_wait3A, %dma_wait3A_595] : memref<10000x256xf32, #tpu.memory_space<hbm>> -> memref<10000x256xf32, #tpu.memory_space<hbm>>
    tpu.wait_indirect_dma semaphore(%arg17 : memref<!tpu.dma_semaphore, #tpu.memory_space<semaphore_mem>>) src(%dma_wait3A_596 : memref<10000x256xf32, #tpu.memory_space<hbm>>) dst(%arg9 : memref<160x256xf32, #tpu.memory_space<vmem>>)
    tpu.wait_dma2 semaphore(%arg20 : memref<!tpu.dma_semaphore, #tpu.memory_space<semaphore_mem>>) src(%arg3 : memref<10240xf32, #tpu.memory_space<hbm>>) dst(%arg11 : memref<10240xf32, #tpu.memory_space<vmem>>)
    %scan3A = arith.constant 0 : i32
    %scan3A_597 = arith.constant 0 : i32
    %scan3A_598 = arith.constant 10 : i32
    %scan3A_599 = arith.addi %scan3A_597, %scan3A_598 : i32
    %scan3A_600 = arith.constant 1 : i32
    scf.for %scan3A_612 = %scan3A_597 to %scan3A_599 step %scan3A_600  : i32 {
      %mul3A_613 = arith.constant 16 : i32
      %mul3A_614 = arith.muli %scan3A_612, %mul3A_613 : i32
      %get3A_615 = arith.index_cast %mul3A_614 : i32 to index
      %get3A_616 = tpu.vector_load %arg14[%get3A_615] {strides = array<i32>} : memref<160xi32, #tpu.memory_space<vmem>>, vector<16xi32>,
      %gather3A_617 = tpu.vector_load_idx %arg11[%get3A_616] : memref<10240xf32, #tpu.memory_space<vmem>>[vector<16xi32>], vector<16xf32>,
      %slice3A_618 = vector.extract_strided_slice %gather3A_617 {offsets = [0], sizes = [1], strides = [1]} : vector<16xf32> to vector<1xf32>
      %squeeze3A_619 = vector.extract %slice3A_618[0] : f32 from vector<1xf32>
      %broadcast_in_dim3A_620 = vector.broadcast %squeeze3A_619 : f32 to vector<16xf32>
      %mul3A_621 = arith.constant 16 : i32
      %mul3A_622 = arith.muli %scan3A_612, %mul3A_621 : i32
      %add3A_623 = arith.constant 0 : i32
      %add3A_624 = arith.addi %mul3A_622, %add3A_623 : i32
      %get3A_625 = arith.index_cast %add3A_624 : i32 to index
      %get3A_626 = arith.constant 0 : index
      %get3A_627 = tpu.vector_load %arg9[%get3A_625, %get3A_626] {strides = array<i32>} : memref<160x256xf32, #tpu.memory_space<vmem>>, vector<16xf32>,
      %mul3A_628 = arith.mulf %get3A_627, %broadcast_in_dim3A_620 : vector<16xf32>
      %swap3A_629 = arith.index_cast %add3A_624 : i32 to index
      %swap3A_630 = arith.constant 0 : index
      %swap3A_631 = tpu.vector_load %arg9[%swap3A_629, %swap3A_630] {strides = array<i32>} : memref<160x256xf32, #tpu.memory_space<vmem>>, vector<16xf32>,
      tpu.vector_store %arg9[%swap3A_629, %swap3A_630], %mul3A_628 {strides = array<i32>} : memref<160x256xf32, #tpu.memory_space<vmem>>, vector<16xf32>,
      %get3A_632 = arith.index_cast %add3A_624 : i32 to index
      %get3A_633 = arith.constant 16 : index
      %get3A_634 = tpu.vector_load %arg9[%get3A_632, %get3A_633] {strides = array<i32>} : memref<160x256xf32, #tpu.memory_space<vmem>>, vector<16xf32>,
      %mul3A_635 = arith.mulf %get3A_634, %broadcast_in_dim3A_620 : vector<16xf32>
      %swap3A_636 = arith.index_cast %add3A_624 : i32 to index
      %swap3A_637 = arith.constant 16 : index
      %swap3A_638 = tpu.vector_load %arg9[%swap3A_636, %swap3A_637] {strides = array<i32>} : memref<160x256xf32, #tpu.memory_space<vmem>>, vector<16xf32>,
      tpu.vector_store %arg9[%swap3A_636, %swap3A_637], %mul3A_635 {strides = array<i32>} : memref<160x256xf32, #tpu.memory_space<vmem>>, vector<16xf32>,
      %get3A_639 = arith.index_cast %add3A_624 : i32 to index
      %get3A_640 = arith.constant 32 : index
      %get3A_641 = tpu.vector_load %arg9[%get3A_639, %get3A_640] {strides = array<i32>} : memref<160x256xf32, #tpu.memory_space<vmem>>, vector<16xf32>,
      %mul3A_642 = arith.mulf %get3A_641, %broadcast_in_dim3A_620 : vector<16xf32>
      %swap3A_643 = arith.index_cast %add3A_624 : i32 to index
      %swap3A_644 = arith.constant 32 : index
      %swap3A_645 = tpu.vector_load %arg9[%swap3A_643, %swap3A_644] {strides = array<i32>} : memref<160x256xf32, #tpu.memory_space<vmem>>, vector<16xf32>,
      tpu.vector_store %arg9[%swap3A_643, %swap3A_644], %mul3A_642 {strides = array<i32>} : memref<160x256xf32, #tpu.memory_space<vmem>>, vector<16xf32>,
      %get3A_646 = arith.index_cast %add3A_624 : i32 to index
      %get3A_647 = arith.constant 48 : index
      %get3A_648 = tpu.vector_load %arg9[%get3A_646, %get3A_647] {strides = array<i32>} : memref<160x256xf32, #tpu.memory_space<vmem>>, vector<16xf32>,
      %mul3A_649 = arith.mulf %get3A_648, %broadcast_in_dim3A_620 : vector<16xf32>
      %swap3A_650 = arith.index_cast %add3A_624 : i32 to index
      %swap3A_651 = arith.constant 48 : index
      %swap3A_652 = tpu.vector_load %arg9[%swap3A_650, %swap3A_651] {strides = array<i32>} : memref<160x256xf32, #tpu.memory_space<vmem>>, vector<16xf32>,
      tpu.vector_store %arg9[%swap3A_650, %swap3A_651], %mul3A_649 {strides = array<i32>} : memref<160x256xf32, #tpu.memory_space<vmem>>, vector<16xf32>,
      %get3A_653 = arith.index_cast %add3A_624 : i32 to index
      %get3A_654 = arith.constant 64 : index
      %get3A_655 = tpu.vector_load %arg9[%get3A_653, %get3A_654] {strides = array<i32>} : memref<160x256xf32, #tpu.memory_space<vmem>>, vector<16xf32>,
      %mul3A_656 = arith.mulf %get3A_655, %broadcast_in_dim3A_620 : vector<16xf32>
      %swap3A_657 = arith.index_cast %add3A_624 : i32 to index
      %swap3A_658 = arith.constant 64 : index
      %swap3A_659 = tpu.vector_load %arg9[%swap3A_657, %swap3A_658] {strides = array<i32>} : memref<160x256xf32, #tpu.memory_space<vmem>>, vector<16xf32>,
      tpu.vector_store %arg9[%swap3A_657, %swap3A_658], %mul3A_656 {strides = array<i32>} : memref<160x256xf32, #tpu.memory_space<vmem>>, vector<16xf32>,
      %get3A_660 = arith.index_cast %add3A_624 : i32 to index
      %get3A_661 = arith.constant 80 : index
      %get3A_662 = tpu.vector_load %arg9[%get3A_660, %get3A_661] {strides = array<i32>} : memref<160x256xf32, #tpu.memory_space<vmem>>, vector<16xf32>,
      %mul3A_663 = arith.mulf %get3A_662, %broadcast_in_dim3A_620 : vector<16xf32>
      %swap3A_664 = arith.index_cast %add3A_624 : i32 to index
      %swap3A_665 = arith.constant 80 : index
      %swap3A_666 = tpu.vector_load %arg9[%swap3A_664, %swap3A_665] {strides = array<i32>} : memref<160x256xf32, #tpu.memory_space<vmem>>, vector<16xf32>,
      tpu.vector_store %arg9[%swap3A_664, %swap3A_665], %mul3A_663 {strides = array<i32>} : memref<160x256xf32, #tpu.memory_space<vmem>>, vector<16xf32>,
      %get3A_667 = arith.index_cast %add3A_624 : i32 to index
      %get3A_668 = arith.constant 96 : index
      %get3A_669 = tpu.vector_load %arg9[%get3A_667, %get3A_668] {strides = array<i32>} : memref<160x256xf32, #tpu.memory_space<vmem>>, vector<16xf32>,
      %mul3A_670 = arith.mulf %get3A_669, %broadcast_in_dim3A_620 : vector<16xf32>
      %swap3A_671 = arith.index_cast %add3A_624 : i32 to index
      %swap3A_672 = arith.constant 96 : index
      %swap3A_673 = tpu.vector_load %arg9[%swap3A_671, %swap3A_672] {strides = array<i32>} : memref<160x256xf32, #tpu.memory_space<vmem>>, vector<16xf32>,
      tpu.vector_store %arg9[%swap3A_671, %swap3A_672], %mul3A_670 {strides = array<i32>} : memref<160x256xf32, #tpu.memory_space<vmem>>, vector<16xf32>,
      %get3A_674 = arith.index_cast %add3A_624 : i32 to index
      %get3A_675 = arith.constant 112 : index
      %get3A_676 = tpu.vector_load %arg9[%get3A_674, %get3A_675] {strides = array<i32>} : memref<160x256xf32, #tpu.memory_space<vmem>>, vector<16xf32>,
      %mul3A_677 = arith.mulf %get3A_676, %broadcast_in_dim3A_620 : vector<16xf32>
      %swap3A_678 = arith.index_cast %add3A_624 : i32 to index
      %swap3A_679 = arith.constant 112 : index
      %swap3A_680 = tpu.vector_load %arg9[%swap3A_678, %swap3A_679] {strides = array<i32>} : memref<160x256xf32, #tpu.memory_space<vmem>>, vector<16xf32>,
      tpu.vector_store %arg9[%swap3A_678, %swap3A_679], %mul3A_677 {strides = array<i32>} : memref<160x256xf32, #tpu.memory_space<vmem>>, vector<16xf32>,
      %get3A_681 = arith.index_cast %add3A_624 : i32 to index
      %get3A_682 = arith.constant 128 : index
      %get3A_683 = tpu.vector_load %arg9[%get3A_681, %get3A_682] {strides = array<i32>} : memref<160x256xf32, #tpu.memory_space<vmem>>, vector<16xf32>,
      %mul3A_684 = arith.mulf %get3A_683, %broadcast_in_dim3A_620 : vector<16xf32>
      %swap3A_685 = arith.index_cast %add3A_624 : i32 to index
      %swap3A_686 = arith.constant 128 : index
      %swap3A_687 = tpu.vector_load %arg9[%swap3A_685, %swap3A_686] {strides = array<i32>} : memref<160x256xf32, #tpu.memory_space<vmem>>, vector<16xf32>,
      tpu.vector_store %arg9[%swap3A_685, %swap3A_686], %mul3A_684 {strides = array<i32>} : memref<160x256xf32, #tpu.memory_space<vmem>>, vector<16xf32>,
      %get3A_688 = arith.index_cast %add3A_624 : i32 to index
      %get3A_689 = arith.constant 144 : index
      %get3A_690 = tpu.vector_load %arg9[%get3A_688, %get3A_689] {strides = array<i32>} : memref<160x256xf32, #tpu.memory_space<vmem>>, vector<16xf32>,
      %mul3A_691 = arith.mulf %get3A_690, %broadcast_in_dim3A_620 : vector<16xf32>
      %swap3A_692 = arith.index_cast %add3A_624 : i32 to index
      %swap3A_693 = arith.constant 144 : index
      %swap3A_694 = tpu.vector_load %arg9[%swap3A_692, %swap3A_693] {strides = array<i32>} : memref<160x256xf32, #tpu.memory_space<vmem>>, vector<16xf32>,
      tpu.vector_store %arg9[%swap3A_692, %swap3A_693], %mul3A_691 {strides = array<i32>} : memref<160x256xf32, #tpu.memory_space<vmem>>, vector<16xf32>,
      %get3A_695 = arith.index_cast %add3A_624 : i32 to index
      %get3A_696 = arith.constant 160 : index
      %get3A_697 = tpu.vector_load %arg9[%get3A_695, %get3A_696] {strides = array<i32>} : memref<160x256xf32, #tpu.memory_space<vmem>>, vector<16xf32>,
      %mul3A_698 = arith.mulf %get3A_697, %broadcast_in_dim3A_620 : vector<16xf32>
      %swap3A_699 = arith.index_cast %add3A_624 : i32 to index
      %swap3A_700 = arith.constant 160 : index
      %swap3A_701 = tpu.vector_load %arg9[%swap3A_699, %swap3A_700] {strides = array<i32>} : memref<160x256xf32, #tpu.memory_space<vmem>>, vector<16xf32>,
      tpu.vector_store %arg9[%swap3A_699, %swap3A_700], %mul3A_698 {strides = array<i32>} : memref<160x256xf32, #tpu.memory_space<vmem>>, vector<16xf32>,
      %get3A_702 = arith.index_cast %add3A_624 : i32 to index
      %get3A_703 = arith.constant 176 : index
      %get3A_704 = tpu.vector_load %arg9[%get3A_702, %get3A_703] {strides = array<i32>} : memref<160x256xf32, #tpu.memory_space<vmem>>, vector<16xf32>,
      %mul3A_705 = arith.mulf %get3A_704, %broadcast_in_dim3A_620 : vector<16xf32>
      %swap3A_706 = arith.index_cast %add3A_624 : i32 to index
      %swap3A_707 = arith.constant 176 : index
      %swap3A_708 = tpu.vector_load %arg9[%swap3A_706, %swap3A_707] {strides = array<i32>} : memref<160x256xf32, #tpu.memory_space<vmem>>, vector<16xf32>,
      tpu.vector_store %arg9[%swap3A_706, %swap3A_707], %mul3A_705 {strides = array<i32>} : memref<160x256xf32, #tpu.memory_space<vmem>>, vector<16xf32>,
      %get3A_709 = arith.index_cast %add3A_624 : i32 to index
      %get3A_710 = arith.constant 192 : index
      %get3A_711 = tpu.vector_load %arg9[%get3A_709, %get3A_710] {strides = array<i32>} : memref<160x256xf32, #tpu.memory_space<vmem>>, vector<16xf32>,
      %mul3A_712 = arith.mulf %get3A_711, %broadcast_in_dim3A_620 : vector<16xf32>
      %swap3A_713 = arith.index_cast %add3A_624 : i32 to index
      %swap3A_714 = arith.constant 192 : index
      %swap3A_715 = tpu.vector_load %arg9[%swap3A_713, %swap3A_714] {strides = array<i32>} : memref<160x256xf32, #tpu.memory_space<vmem>>, vector<16xf32>,
      tpu.vector_store %arg9[%swap3A_713, %swap3A_714], %mul3A_712 {strides = array<i32>} : memref<160x256xf32, #tpu.memory_space<vmem>>, vector<16xf32>,
      %get3A_716 = arith.index_cast %add3A_624 : i32 to index
      %get3A_717 = arith.constant 208 : index
      %get3A_718 = tpu.vector_load %arg9[%get3A_716, %get3A_717] {strides = array<i32>} : memref<160x256xf32, #tpu.memory_space<vmem>>, vector<16xf32>,
      %mul3A_719 = arith.mulf %get3A_718, %broadcast_in_dim3A_620 : vector<16xf32>
      %swap3A_720 = arith.index_cast %add3A_624 : i32 to index
      %swap3A_721 = arith.constant 208 : index
      %swap3A_722 = tpu.vector_load %arg9[%swap3A_720, %swap3A_721] {strides = array<i32>} : memref<160x256xf32, #tpu.memory_space<vmem>>, vector<16xf32>,
      tpu.vector_store %arg9[%swap3A_720, %swap3A_721], %mul3A_719 {strides = array<i32>} : memref<160x256xf32, #tpu.memory_space<vmem>>, vector<16xf32>,
      %get3A_723 = arith.index_cast %add3A_624 : i32 to index
      %get3A_724 = arith.constant 224 : index
      %get3A_725 = tpu.vector_load %arg9[%get3A_723, %get3A_724] {strides = array<i32>} : memref<160x256xf32, #tpu.memory_space<vmem>>, vector<16xf32>,
      %mul3A_726 = arith.mulf %get3A_725, %broadcast_in_dim3A_620 : vector<16xf32>
      %swap3A_727 = arith.index_cast %add3A_624 : i32 to index
      %swap3A_728 = arith.constant 224 : index
      %swap3A_729 = tpu.vector_load %arg9[%swap3A_727, %swap3A_728] {strides = array<i32>} : memref<160x256xf32, #tpu.memory_space<vmem>>, vector<16xf32>,
      tpu.vector_store %arg9[%swap3A_727, %swap3A_728], %mul3A_726 {strides = array<i32>} : memref<160x256xf32, #tpu.memory_space<vmem>>, vector<16xf32>,
      %get3A_730 = arith.index_cast %add3A_624 : i32 to index
      %get3A_731 = arith.constant 240 : index
      %get3A_732 = tpu.vector_load %arg9[%get3A_730, %get3A_731] {strides = array<i32>} : memref<160x256xf32, #tpu.memory_space<vmem>>, vector<16xf32>,
      %mul3A_733 = arith.mulf %get3A_732, %broadcast_in_dim3A_620 : vector<16xf32>
      %swap3A_734 = arith.index_cast %add3A_624 : i32 to index
      %swap3A_735 = arith.constant 240 : index
      %swap3A_736 = tpu.vector_load %arg9[%swap3A_734, %swap3A_735] {strides = array<i32>} : memref<160x256xf32, #tpu.memory_space<vmem>>, vector<16xf32>,
      tpu.vector_store %arg9[%swap3A_734, %swap3A_735], %mul3A_733 {strides = array<i32>} : memref<160x256xf32, #tpu.memory_space<vmem>>, vector<16xf32>,
      %slice3A_737 = vector.extract_strided_slice %gather3A_617 {offsets = [1], sizes = [1], strides = [1]} : vector<16xf32> to vector<1xf32>
      %squeeze3A_738 = vector.extract %slice3A_737[0] : f32 from vector<1xf32>
      %broadcast_in_dim3A_739 = vector.broadcast %squeeze3A_738 : f32 to vector<16xf32>
      %mul3A_740 = arith.constant 16 : i32
      %mul3A_741 = arith.muli %scan3A_612, %mul3A_740 : i32
      %add3A_742 = arith.constant 1 : i32
      %add3A_743 = arith.addi %mul3A_741, %add3A_742 : i32
      %get3A_744 = arith.index_cast %add3A_743 : i32 to index
      %get3A_745 = arith.constant 0 : index
      %get3A_746 = tpu.vector_load %arg9[%get3A_744, %get3A_745] {strides = array<i32>} : memref<160x256xf32, #tpu.memory_space<vmem>>, vector<16xf32>,
      %mul3A_747 = arith.mulf %get3A_746, %broadcast_in_dim3A_739 : vector<16xf32>
      %swap3A_748 = arith.index_cast %add3A_743 : i32 to index
      %swap3A_749 = arith.constant 0 : index
      %swap3A_750 = tpu.vector_load %arg9[%swap3A_748, %swap3A_749] {strides = array<i32>} : memref<160x256xf32, #tpu.memory_space<vmem>>, vector<16xf32>,
      tpu.vector_store %arg9[%swap3A_748, %swap3A_749], %mul3A_747 {strides = array<i32>} : memref<160x256xf32, #tpu.memory_space<vmem>>, vector<16xf32>,
      %get3A_751 = arith.index_cast %add3A_743 : i32 to index
      %get3A_752 = arith.constant 16 : index
      %get3A_753 = tpu.vector_load %arg9[%get3A_751, %get3A_752] {strides = array<i32>} : memref<160x256xf32, #tpu.memory_space<vmem>>, vector<16xf32>,
      %mul3A_754 = arith.mulf %get3A_753, %broadcast_in_dim3A_739 : vector<16xf32>
      %swap3A_755 = arith.index_cast %add3A_743 : i32 to index
      %swap3A_756 = arith.constant 16 : index
      %swap3A_757 = tpu.vector_load %arg9[%swap3A_755, %swap3A_756] {strides = array<i32>} : memref<160x256xf32, #tpu.memory_space<vmem>>, vector<16xf32>,
      tpu.vector_store %arg9[%swap3A_755, %swap3A_756], %mul3A_754 {strides = array<i32>} : memref<160x256xf32, #tpu.memory_space<vmem>>, vector<16xf32>,
      %get3A_758 = arith.index_cast %add3A_743 : i32 to index
      %get3A_759 = arith.constant 32 : index
      %get3A_760 = tpu.vector_load %arg9[%get3A_758, %get3A_759] {strides = array<i32>} : memref<160x256xf32, #tpu.memory_space<vmem>>, vector<16xf32>,
      %mul3A_761 = arith.mulf %get3A_760, %broadcast_in_dim3A_739 : vector<16xf32>
      %swap3A_762 = arith.index_cast %add3A_743 : i32 to index
      %swap3A_763 = arith.constant 32 : index
      %swap3A_764 = tpu.vector_load %arg9[%swap3A_762, %swap3A_763] {strides = array<i32>} : memref<160x256xf32, #tpu.memory_space<vmem>>, vector<16xf32>,
      tpu.vector_store %arg9[%swap3A_762, %swap3A_763], %mul3A_761 {strides = array<i32>} : memref<160x256xf32, #tpu.memory_space<vmem>>, vector<16xf32>,
      %get3A_765 = arith.index_cast %add3A_743 : i32 to index
      %get3A_766 = arith.constant 48 : index
      %get3A_767 = tpu.vector_load %arg9[%get3A_765, %get3A_766] {strides = array<i32>} : memref<160x256xf32, #tpu.memory_space<vmem>>, vector<16xf32>,
      %mul3A_768 = arith.mulf %get3A_767, %broadcast_in_dim3A_739 : vector<16xf32>
      %swap3A_769 = arith.index_cast %add3A_743 : i32 to index
      %swap3A_770 = arith.constant 48 : index
      %swap3A_771 = tpu.vector_load %arg9[%swap3A_769, %swap3A_770] {strides = array<i32>} : memref<160x256xf32, #tpu.memory_space<vmem>>, vector<16xf32>,
      tpu.vector_store %arg9[%swap3A_769, %swap3A_770], %mul3A_768 {strides = array<i32>} : memref<160x256xf32, #tpu.memory_space<vmem>>, vector<16xf32>,
      %get3A_772 = arith.index_cast %add3A_743 : i32 to index
      %get3A_773 = arith.constant 64 : index
      %get3A_774 = tpu.vector_load %arg9[%get3A_772, %get3A_773] {strides = array<i32>} : memref<160x256xf32, #tpu.memory_space<vmem>>, vector<16xf32>,
      %mul3A_775 = arith.mulf %get3A_774, %broadcast_in_dim3A_739 : vector<16xf32>
      %swap3A_776 = arith.index_cast %add3A_743 : i32 to index
      %swap3A_777 = arith.constant 64 : index
      %swap3A_778 = tpu.vector_load %arg9[%swap3A_776, %swap3A_777] {strides = array<i32>} : memref<160x256xf32, #tpu.memory_space<vmem>>, vector<16xf32>,
      tpu.vector_store %arg9[%swap3A_776, %swap3A_777], %mul3A_775 {strides = array<i32>} : memref<160x256xf32, #tpu.memory_space<vmem>>, vector<16xf32>,
      %get3A_779 = arith.index_cast %add3A_743 : i32 to index
      %get3A_780 = arith.constant 80 : index
      %get3A_781 = tpu.vector_load %arg9[%get3A_779, %get3A_780] {strides = array<i32>} : memref<160x256xf32, #tpu.memory_space<vmem>>, vector<16xf32>,
      %mul3A_782 = arith.mulf %get3A_781, %broadcast_in_dim3A_739 : vector<16xf32>
      %swap3A_783 = arith.index_cast %add3A_743 : i32 to index
      %swap3A_784 = arith.constant 80 : index
      %swap3A_785 = tpu.vector_load %arg9[%swap3A_783, %swap3A_784] {strides = array<i32>} : memref<160x256xf32, #tpu.memory_space<vmem>>, vector<16xf32>,
      tpu.vector_store %arg9[%swap3A_783, %swap3A_784], %mul3A_782 {strides = array<i32>} : memref<160x256xf32, #tpu.memory_space<vmem>>, vector<16xf32>,
      %get3A_786 = arith.index_cast %add3A_743 : i32 to index
      %get3A_787 = arith.constant 96 : index
      %get3A_788 = tpu.vector_load %arg9[%get3A_786, %get3A_787] {strides = array<i32>} : memref<160x256xf32, #tpu.memory_space<vmem>>, vector<16xf32>,
      %mul3A_789 = arith.mulf %get3A_788, %broadcast_in_dim3A_739 : vector<16xf32>
      %swap3A_790 = arith.index_cast %add3A_743 : i32 to index
      %swap3A_791 = arith.constant 96 : index
      %swap3A_792 = tpu.vector_load %arg9[%swap3A_790, %swap3A_791] {strides = array<i32>} : memref<160x256xf32, #tpu.memory_space<vmem>>, vector<16xf32>,
      tpu.vector_store %arg9[%swap3A_790, %swap3A_791], %mul3A_789 {strides = array<i32>} : memref<160x256xf32, #tpu.memory_space<vmem>>, vector<16xf32>,
      %get3A_793 = arith.index_cast %add3A_743 : i32 to index
      %get3A_794 = arith.constant 112 : index
      %get3A_795 = tpu.vector_load %arg9[%get3A_793, %get3A_794] {strides = array<i32>} : memref<160x256xf32, #tpu.memory_space<vmem>>, vector<16xf32>,
      %mul3A_796 = arith.mulf %get3A_795, %broadcast_in_dim3A_739 : vector<16xf32>
      %swap3A_797 = arith.index_cast %add3A_743 : i32 to index
      %swap3A_798 = arith.constant 112 : index
      %swap3A_799 = tpu.vector_load %arg9[%swap3A_797, %swap3A_798] {strides = array<i32>} : memref<160x256xf32, #tpu.memory_space<vmem>>, vector<16xf32>,
      tpu.vector_store %arg9[%swap3A_797, %swap3A_798], %mul3A_796 {strides = array<i32>} : memref<160x256xf32, #tpu.memory_space<vmem>>, vector<16xf32>,
      %get3A_800 = arith.index_cast %add3A_743 : i32 to index
      %get3A_801 = arith.constant 128 : index
      %get3A_802 = tpu.vector_load %arg9[%get3A_800, %get3A_801] {strides = array<i32>} : memref<160x256xf32, #tpu.memory_space<vmem>>, vector<16xf32>,
      %mul3A_803 = arith.mulf %get3A_802, %broadcast_in_dim3A_739 : vector<16xf32>
      %swap3A_804 = arith.index_cast %add3A_743 : i32 to index
      %swap3A_805 = arith.constant 128 : index
      %swap3A_806 = tpu.vector_load %arg9[%swap3A_804, %swap3A_805] {strides = array<i32>} : memref<160x256xf32, #tpu.memory_space<vmem>>, vector<16xf32>,
      tpu.vector_store %arg9[%swap3A_804, %swap3A_805], %mul3A_803 {strides = array<i32>} : memref<160x256xf32, #tpu.memory_space<vmem>>, vector<16xf32>,
      %get3A_807 = arith.index_cast %add3A_743 : i32 to index
      %get3A_808 = arith.constant 144 : index
      %get3A_809 = tpu.vector_load %arg9[%get3A_807, %get3A_808] {strides = array<i32>} : memref<160x256xf32, #tpu.memory_space<vmem>>, vector<16xf32>,
      %mul3A_810 = arith.mulf %get3A_809, %broadcast_in_dim3A_739 : vector<16xf32>
      %swap3A_811 = arith.index_cast %add3A_743 : i32 to index
      %swap3A_812 = arith.constant 144 : index
      %swap3A_813 = tpu.vector_load %arg9[%swap3A_811, %swap3A_812] {strides = array<i32>} : memref<160x256xf32, #tpu.memory_space<vmem>>, vector<16xf32>,
      tpu.vector_store %arg9[%swap3A_811, %swap3A_812], %mul3A_810 {strides = array<i32>} : memref<160x256xf32, #tpu.memory_space<vmem>>, vector<16xf32>,
      %get3A_814 = arith.index_cast %add3A_743 : i32 to index
      %get3A_815 = arith.constant 160 : index
      %get3A_816 = tpu.vector_load %arg9[%get3A_814, %get3A_815] {strides = array<i32>} : memref<160x256xf32, #tpu.memory_space<vmem>>, vector<16xf32>,
      %mul3A_817 = arith.mulf %get3A_816, %broadcast_in_dim3A_739 : vector<16xf32>
      %swap3A_818 = arith.index_cast %add3A_743 : i32 to index
      %swap3A_819 = arith.constant 160 : index
      %swap3A_820 = tpu.vector_load %arg9[%swap3A_818, %swap3A_819] {strides = array<i32>} : memref<160x256xf32, #tpu.memory_space<vmem>>, vector<16xf32>,
      tpu.vector_store %arg9[%swap3A_818, %swap3A_819], %mul3A_817 {strides = array<i32>} : memref<160x256xf32, #tpu.memory_space<vmem>>, vector<16xf32>,
      %get3A_821 = arith.index_cast %add3A_743 : i32 to index
      %get3A_822 = arith.constant 176 : index
      %get3A_823 = tpu.vector_load %arg9[%get3A_821, %get3A_822] {strides = array<i32>} : memref<160x256xf32, #tpu.memory_space<vmem>>, vector<16xf32>,
      %mul3A_824 = arith.mulf %get3A_823, %broadcast_in_dim3A_739 : vector<16xf32>
      %swap3A_825 = arith.index_cast %add3A_743 : i32 to index
      %swap3A_826 = arith.constant 176 : index
      %swap3A_827 = tpu.vector_load %arg9[%swap3A_825, %swap3A_826] {strides = array<i32>} : memref<160x256xf32, #tpu.memory_space<vmem>>, vector<16xf32>,
      tpu.vector_store %arg9[%swap3A_825, %swap3A_826], %mul3A_824 {strides = array<i32>} : memref<160x256xf32, #tpu.memory_space<vmem>>, vector<16xf32>,
      %get3A_828 = arith.index_cast %add3A_743 : i32 to index
      %get3A_829 = arith.constant 192 : index
      %get3A_830 = tpu.vector_load %arg9[%get3A_828, %get3A_829] {strides = array<i32>} : memref<160x256xf32, #tpu.memory_space<vmem>>, vector<16xf32>,
      %mul3A_831 = arith.mulf %get3A_830, %broadcast_in_dim3A_739 : vector<16xf32>
      %swap3A_832 = arith.index_cast %add3A_743 : i32 to index
      %swap3A_833 = arith.constant 192 : index
      %swap3A_834 = tpu.vector_load %arg9[%swap3A_832, %swap3A_833] {strides = array<i32>} : memref<160x256xf32, #tpu.memory_space<vmem>>, vector<16xf32>,
      tpu.vector_store %arg9[%swap3A_832, %swap3A_833], %mul3A_831 {strides = array<i32>} : memref<160x256xf32, #tpu.memory_space<vmem>>, vector<16xf32>,
      %get3A_835 = arith.index_cast %add3A_743 : i32 to index
      %get3A_836 = arith.constant 208 : index
      %get3A_837 = tpu.vector_load %arg9[%get3A_835, %get3A_836] {strides = array<i32>} : memref<160x256xf32, #tpu.memory_space<vmem>>, vector<16xf32>,
      %mul3A_838 = arith.mulf %get3A_837, %broadcast_in_dim3A_739 : vector<16xf32>
      %swap3A_839 = arith.index_cast %add3A_743 : i32 to index
      %swap3A_840 = arith.constant 208 : index
      %swap3A_841 = tpu.vector_load %arg9[%swap3A_839, %swap3A_840] {strides = array<i32>} : memref<160x256xf32, #tpu.memory_space<vmem>>, vector<16xf32>,
      tpu.vector_store %arg9[%swap3A_839, %swap3A_840], %mul3A_838 {strides = array<i32>} : memref<160x256xf32, #tpu.memory_space<vmem>>, vector<16xf32>,
      %get3A_842 = arith.index_cast %add3A_743 : i32 to index
      %get3A_843 = arith.constant 224 : index
      %get3A_844 = tpu.vector_load %arg9[%get3A_842, %get3A_843] {strides = array<i32>} : memref<160x256xf32, #tpu.memory_space<vmem>>, vector<16xf32>,
      %mul3A_845 = arith.mulf %get3A_844, %broadcast_in_dim3A_739 : vector<16xf32>
      %swap3A_846 = arith.index_cast %add3A_743 : i32 to index
      %swap3A_847 = arith.constant 224 : index
      %swap3A_848 = tpu.vector_load %arg9[%swap3A_846, %swap3A_847] {strides = array<i32>} : memref<160x256xf32, #tpu.memory_space<vmem>>, vector<16xf32>,
      tpu.vector_store %arg9[%swap3A_846, %swap3A_847], %mul3A_845 {strides = array<i32>} : memref<160x256xf32, #tpu.memory_space<vmem>>, vector<16xf32>,
      %get3A_849 = arith.index_cast %add3A_743 : i32 to index
      %get3A_850 = arith.constant 240 : index
      %get3A_851 = tpu.vector_load %arg9[%get3A_849, %get3A_850] {strides = array<i32>} : memref<160x256xf32, #tpu.memory_space<vmem>>, vector<16xf32>,
      %mul3A_852 = arith.mulf %get3A_851, %broadcast_in_dim3A_739 : vector<16xf32>
      %swap3A_853 = arith.index_cast %add3A_743 : i32 to index
      %swap3A_854 = arith.constant 240 : index
      %swap3A_855 = tpu.vector_load %arg9[%swap3A_853, %swap3A_854] {strides = array<i32>} : memref<160x256xf32, #tpu.memory_space<vmem>>, vector<16xf32>,
      tpu.vector_store %arg9[%swap3A_853, %swap3A_854], %mul3A_852 {strides = array<i32>} : memref<160x256xf32, #tpu.memory_space<vmem>>, vector<16xf32>,
      %slice3A_856 = vector.extract_strided_slice %gather3A_617 {offsets = [2], sizes = [1], strides = [1]} : vector<16xf32> to vector<1xf32>
      %squeeze3A_857 = vector.extract %slice3A_856[0] : f32 from vector<1xf32>
      %broadcast_in_dim3A_858 = vector.broadcast %squeeze3A_857 : f32 to vector<16xf32>
      %mul3A_859 = arith.constant 16 : i32
      %mul3A_860 = arith.muli %scan3A_612, %mul3A_859 : i32
      %add3A_861 = arith.constant 2 : i32
      %add3A_862 = arith.addi %mul3A_860, %add3A_861 : i32
      %get3A_863 = arith.index_cast %add3A_862 : i32 to index
      %get3A_864 = arith.constant 0 : index
      %get3A_865 = tpu.vector_load %arg9[%get3A_863, %get3A_864] {strides = array<i32>} : memref<160x256xf32, #tpu.memory_space<vmem>>, vector<16xf32>,
      %mul3A_866 = arith.mulf %get3A_865, %broadcast_in_dim3A_858 : vector<16xf32>
      %swap3A_867 = arith.index_cast %add3A_862 : i32 to index
      %swap3A_868 = arith.constant 0 : index
      %swap3A_869 = tpu.vector_load %arg9[%swap3A_867, %swap3A_868] {strides = array<i32>} : memref<160x256xf32, #tpu.memory_space<vmem>>, vector<16xf32>,
      tpu.vector_store %arg9[%swap3A_867, %swap3A_868], %mul3A_866 {strides = array<i32>} : memref<160x256xf32, #tpu.memory_space<vmem>>, vector<16xf32>,
      %get3A_870 = arith.index_cast %add3A_862 : i32 to index
      %get3A_871 = arith.constant 16 : index
      %get3A_872 = tpu.vector_load %arg9[%get3A_870, %get3A_871] {strides = array<i32>} : memref<160x256xf32, #tpu.memory_space<vmem>>, vector<16xf32>,
      %mul3A_873 = arith.mulf %get3A_872, %broadcast_in_dim3A_858 : vector<16xf32>
      %swap3A_874 = arith.index_cast %add3A_862 : i32 to index
      %swap3A_875 = arith.constant 16 : index
      %swap3A_876 = tpu.vector_load %arg9[%swap3A_874, %swap3A_875] {strides = array<i32>} : memref<160x256xf32, #tpu.memory_space<vmem>>, vector<16xf32>,
      tpu.vector_store %arg9[%swap3A_874, %swap3A_875], %mul3A_873 {strides = array<i32>} : memref<160x256xf32, #tpu.memory_space<vmem>>, vector<16xf32>,
      %get3A_877 = arith.index_cast %add3A_862 : i32 to index
      %get3A_878 = arith.constant 32 : index
      %get3A_879 = tpu.vector_load %arg9[%get3A_877, %get3A_878] {strides = array<i32>} : memref<160x256xf32, #tpu.memory_space<vmem>>, vector<16xf32>,
      %mul3A_880 = arith.mulf %get3A_879, %broadcast_in_dim3A_858 : vector<16xf32>
      %swap3A_881 = arith.index_cast %add3A_862 : i32 to index
      %swap3A_882 = arith.constant 32 : index
      %swap3A_883 = tpu.vector_load %arg9[%swap3A_881, %swap3A_882] {strides = array<i32>} : memref<160x256xf32, #tpu.memory_space<vmem>>, vector<16xf32>,
      tpu.vector_store %arg9[%swap3A_881, %swap3A_882], %mul3A_880 {strides = array<i32>} : memref<160x256xf32, #tpu.memory_space<vmem>>, vector<16xf32>,
      %get3A_884 = arith.index_cast %add3A_862 : i32 to index
      %get3A_885 = arith.constant 48 : index
      %get3A_886 = tpu.vector_load %arg9[%get3A_884, %get3A_885] {strides = array<i32>} : memref<160x256xf32, #tpu.memory_space<vmem>>, vector<16xf32>,
      %mul3A_887 = arith.mulf %get3A_886, %broadcast_in_dim3A_858 : vector<16xf32>
      %swap3A_888 = arith.index_cast %add3A_862 : i32 to index
      %swap3A_889 = arith.constant 48 : index
      %swap3A_890 = tpu.vector_load %arg9[%swap3A_888, %swap3A_889] {strides = array<i32>} : memref<160x256xf32, #tpu.memory_space<vmem>>, vector<16xf32>,
      tpu.vector_store %arg9[%swap3A_888, %swap3A_889], %mul3A_887 {strides = array<i32>} : memref<160x256xf32, #tpu.memory_space<vmem>>, vector<16xf32>,
      %get3A_891 = arith.index_cast %add3A_862 : i32 to index
      %get3A_892 = arith.constant 64 : index
      %get3A_893 = tpu.vector_load %arg9[%get3A_891, %get3A_892] {strides = array<i32>} : memref<160x256xf32, #tpu.memory_space<vmem>>, vector<16xf32>,
      %mul3A_894 = arith.mulf %get3A_893, %broadcast_in_dim3A_858 : vector<16xf32>
      %swap3A_895 = arith.index_cast %add3A_862 : i32 to index
      %swap3A_896 = arith.constant 64 : index
      %swap3A_897 = tpu.vector_load %arg9[%swap3A_895, %swap3A_896] {strides = array<i32>} : memref<160x256xf32, #tpu.memory_space<vmem>>, vector<16xf32>,
      tpu.vector_store %arg9[%swap3A_895, %swap3A_896], %mul3A_894 {strides = array<i32>} : memref<160x256xf32, #tpu.memory_space<vmem>>, vector<16xf32>,
      %get3A_898 = arith.index_cast %add3A_862 : i32 to index
      %get3A_899 = arith.constant 80 : index
      %get3A_900 = tpu.vector_load %arg9[%get3A_898, %get3A_899] {strides = array<i32>} : memref<160x256xf32, #tpu.memory_space<vmem>>, vector<16xf32>,
      %mul3A_901 = arith.mulf %get3A_900, %broadcast_in_dim3A_858 : vector<16xf32>
      %swap3A_902 = arith.index_cast %add3A_862 : i32 to index
      %swap3A_903 = arith.constant 80 : index
      %swap3A_904 = tpu.vector_load %arg9[%swap3A_902, %swap3A_903] {strides = array<i32>} : memref<160x256xf32, #tpu.memory_space<vmem>>, vector<16xf32>,
      tpu.vector_store %arg9[%swap3A_902, %swap3A_903], %mul3A_901 {strides = array<i32>} : memref<160x256xf32, #tpu.memory_space<vmem>>, vector<16xf32>,
      %get3A_905 = arith.index_cast %add3A_862 : i32 to index
      %get3A_906 = arith.constant 96 : index
      %get3A_907 = tpu.vector_load %arg9[%get3A_905, %get3A_906] {strides = array<i32>} : memref<160x256xf32, #tpu.memory_space<vmem>>, vector<16xf32>,
      %mul3A_908 = arith.mulf %get3A_907, %broadcast_in_dim3A_858 : vector<16xf32>
      %swap3A_909 = arith.index_cast %add3A_862 : i32 to index
      %swap3A_910 = arith.constant 96 : index
      %swap3A_911 = tpu.vector_load %arg9[%swap3A_909, %swap3A_910] {strides = array<i32>} : memref<160x256xf32, #tpu.memory_space<vmem>>, vector<16xf32>,
      tpu.vector_store %arg9[%swap3A_909, %swap3A_910], %mul3A_908 {strides = array<i32>} : memref<160x256xf32, #tpu.memory_space<vmem>>, vector<16xf32>,
      %get3A_912 = arith.index_cast %add3A_862 : i32 to index
      %get3A_913 = arith.constant 112 : index
      %get3A_914 = tpu.vector_load %arg9[%get3A_912, %get3A_913] {strides = array<i32>} : memref<160x256xf32, #tpu.memory_space<vmem>>, vector<16xf32>,
      %mul3A_915 = arith.mulf %get3A_914, %broadcast_in_dim3A_858 : vector<16xf32>
      %swap3A_916 = arith.index_cast %add3A_862 : i32 to index
      %swap3A_917 = arith.constant 112 : index
      %swap3A_918 = tpu.vector_load %arg9[%swap3A_916, %swap3A_917] {strides = array<i32>} : memref<160x256xf32, #tpu.memory_space<vmem>>, vector<16xf32>,
      tpu.vector_store %arg9[%swap3A_916, %swap3A_917], %mul3A_915 {strides = array<i32>} : memref<160x256xf32, #tpu.memory_space<vmem>>, vector<16xf32>,
      %get3A_919 = arith.index_cast %add3A_862 : i32 to index
      %get3A_920 = arith.constant 128 : index
      %get3A_921 = tpu.vector_load %arg9[%get3A_919, %get3A_920] {strides = array<i32>} : memref<160x256xf32, #tpu.memory_space<vmem>>, vector<16xf32>,
      %mul3A_922 = arith.mulf %get3A_921, %broadcast_in_dim3A_858 : vector<16xf32>
      %swap3A_923 = arith.index_cast %add3A_862 : i32 to index
      %swap3A_924 = arith.constant 128 : index
      %swap3A_925 = tpu.vector_load %arg9[%swap3A_923, %swap3A_924] {strides = array<i32>} : memref<160x256xf32, #tpu.memory_space<vmem>>, vector<16xf32>,
      tpu.vector_store %arg9[%swap3A_923, %swap3A_924], %mul3A_922 {strides = array<i32>} : memref<160x256xf32, #tpu.memory_space<vmem>>, vector<16xf32>,
      %get3A_926 = arith.index_cast %add3A_862 : i32 to index
      %get3A_927 = arith.constant 144 : index
      %get3A_928 = tpu.vector_load %arg9[%get3A_926, %get3A_927] {strides = array<i32>} : memref<160x256xf32, #tpu.memory_space<vmem>>, vector<16xf32>,
      %mul3A_929 = arith.mulf %get3A_928, %broadcast_in_dim3A_858 : vector<16xf32>
      %swap3A_930 = arith.index_cast %add3A_862 : i32 to index
      %swap3A_931 = arith.constant 144 : index
      %swap3A_932 = tpu.vector_load %arg9[%swap3A_930, %swap3A_931] {strides = array<i32>} : memref<160x256xf32, #tpu.memory_space<vmem>>, vector<16xf32>,
      tpu.vector_store %arg9[%swap3A_930, %swap3A_931], %mul3A_929 {strides = array<i32>} : memref<160x256xf32, #tpu.memory_space<vmem>>, vector<16xf32>,
      %get3A_933 = arith.index_cast %add3A_862 : i32 to index
      %get3A_934 = arith.constant 160 : index
      %get3A_935 = tpu.vector_load %arg9[%get3A_933, %get3A_934] {strides = array<i32>} : memref<160x256xf32, #tpu.memory_space<vmem>>, vector<16xf32>,
      %mul3A_936 = arith.mulf %get3A_935, %broadcast_in_dim3A_858 : vector<16xf32>
      %swap3A_937 = arith.index_cast %add3A_862 : i32 to index
      %swap3A_938 = arith.constant 160 : index
      %swap3A_939 = tpu.vector_load %arg9[%swap3A_937, %swap3A_938] {strides = array<i32>} : memref<160x256xf32, #tpu.memory_space<vmem>>, vector<16xf32>,
      tpu.vector_store %arg9[%swap3A_937, %swap3A_938], %mul3A_936 {strides = array<i32>} : memref<160x256xf32, #tpu.memory_space<vmem>>, vector<16xf32>,
      %get3A_940 = arith.index_cast %add3A_862 : i32 to index
      %get3A_941 = arith.constant 176 : index
      %get3A_942 = tpu.vector_load %arg9[%get3A_940, %get3A_941] {strides = array<i32>} : memref<160x256xf32, #tpu.memory_space<vmem>>, vector<16xf32>,
      %mul3A_943 = arith.mulf %get3A_942, %broadcast_in_dim3A_858 : vector<16xf32>
      %swap3A_944 = arith.index_cast %add3A_862 : i32 to index
      %swap3A_945 = arith.constant 176 : index
      %swap3A_946 = tpu.vector_load %arg9[%swap3A_944, %swap3A_945] {strides = array<i32>} : memref<160x256xf32, #tpu.memory_space<vmem>>, vector<16xf32>,
      tpu.vector_store %arg9[%swap3A_944, %swap3A_945], %mul3A_943 {strides = array<i32>} : memref<160x256xf32, #tpu.memory_space<vmem>>, vector<16xf32>,
      %get3A_947 = arith.index_cast %add3A_862 : i32 to index
      %get3A_948 = arith.constant 192 : index
      %get3A_949 = tpu.vector_load %arg9[%get3A_947, %get3A_948] {strides = array<i32>} : memref<160x256xf32, #tpu.memory_space<vmem>>, vector<16xf32>,
      %mul3A_950 = arith.mulf %get3A_949, %broadcast_in_dim3A_858 : vector<16xf32>
      %swap3A_951 = arith.index_cast %add3A_862 : i32 to index
      %swap3A_952 = arith.constant 192 : index
      %swap3A_953 = tpu.vector_load %arg9[%swap3A_951, %swap3A_952] {strides = array<i32>} : memref<160x256xf32, #tpu.memory_space<vmem>>, vector<16xf32>,
      tpu.vector_store %arg9[%swap3A_951, %swap3A_952], %mul3A_950 {strides = array<i32>} : memref<160x256xf32, #tpu.memory_space<vmem>>, vector<16xf32>,
      %get3A_954 = arith.index_cast %add3A_862 : i32 to index
      %get3A_955 = arith.constant 208 : index
      %get3A_956 = tpu.vector_load %arg9[%get3A_954, %get3A_955] {strides = array<i32>} : memref<160x256xf32, #tpu.memory_space<vmem>>, vector<16xf32>,
      %mul3A_957 = arith.mulf %get3A_956, %broadcast_in_dim3A_858 : vector<16xf32>
      %swap3A_958 = arith.index_cast %add3A_862 : i32 to index
      %swap3A_959 = arith.constant 208 : index
      %swap3A_960 = tpu.vector_load %arg9[%swap3A_958, %swap3A_959] {strides = array<i32>} : memref<160x256xf32, #tpu.memory_space<vmem>>, vector<16xf32>,
      tpu.vector_store %arg9[%swap3A_958, %swap3A_959], %mul3A_957 {strides = array<i32>} : memref<160x256xf32, #tpu.memory_space<vmem>>, vector<16xf32>,
      %get3A_961 = arith.index_cast %add3A_862 : i32 to index
      %get3A_962 = arith.constant 224 : index
      %get3A_963 = tpu.vector_load %arg9[%get3A_961, %get3A_962] {strides = array<i32>} : memref<160x256xf32, #tpu.memory_space<vmem>>, vector<16xf32>,
      %mul3A_964 = arith.mulf %get3A_963, %broadcast_in_dim3A_858 : vector<16xf32>
      %swap3A_965 = arith.index_cast %add3A_862 : i32 to index
      %swap3A_966 = arith.constant 224 : index
      %swap3A_967 = tpu.vector_load %arg9[%swap3A_965, %swap3A_966] {strides = array<i32>} : memref<160x256xf32, #tpu.memory_space<vmem>>, vector<16xf32>,
      tpu.vector_store %arg9[%swap3A_965, %swap3A_966], %mul3A_964 {strides = array<i32>} : memref<160x256xf32, #tpu.memory_space<vmem>>, vector<16xf32>,
      %get3A_968 = arith.index_cast %add3A_862 : i32 to index
      %get3A_969 = arith.constant 240 : index
      %get3A_970 = tpu.vector_load %arg9[%get3A_968, %get3A_969] {strides = array<i32>} : memref<160x256xf32, #tpu.memory_space<vmem>>, vector<16xf32>,
      %mul3A_971 = arith.mulf %get3A_970, %broadcast_in_dim3A_858 : vector<16xf32>
      %swap3A_972 = arith.index_cast %add3A_862 : i32 to index
      %swap3A_973 = arith.constant 240 : index
      %swap3A_974 = tpu.vector_load %arg9[%swap3A_972, %swap3A_973] {strides = array<i32>} : memref<160x256xf32, #tpu.memory_space<vmem>>, vector<16xf32>,
      tpu.vector_store %arg9[%swap3A_972, %swap3A_973], %mul3A_971 {strides = array<i32>} : memref<160x256xf32, #tpu.memory_space<vmem>>, vector<16xf32>,
      %slice3A_975 = vector.extract_strided_slice %gather3A_617 {offsets = [3], sizes = [1], strides = [1]} : vector<16xf32> to vector<1xf32>
      %squeeze3A_976 = vector.extract %slice3A_975[0] : f32 from vector<1xf32>
      %broadcast_in_dim3A_977 = vector.broadcast %squeeze3A_976 : f32 to vector<16xf32>
      %mul3A_978 = arith.constant 16 : i32
      %mul3A_979 = arith.muli %scan3A_612, %mul3A_978 : i32
      %add3A_980 = arith.constant 3 : i32
      %add3A_981 = arith.addi %mul3A_979, %add3A_980 : i32
      %get3A_982 = arith.index_cast %add3A_981 : i32 to index
      %get3A_983 = arith.constant 0 : index
      %get3A_984 = tpu.vector_load %arg9[%get3A_982, %get3A_983] {strides = array<i32>} : memref<160x256xf32, #tpu.memory_space<vmem>>, vector<16xf32>,
      %mul3A_985 = arith.mulf %get3A_984, %broadcast_in_dim3A_977 : vector<16xf32>
      %swap3A_986 = arith.index_cast %add3A_981 : i32 to index
      %swap3A_987 = arith.constant 0 : index
      %swap3A_988 = tpu.vector_load %arg9[%swap3A_986, %swap3A_987] {strides = array<i32>} : memref<160x256xf32, #tpu.memory_space<vmem>>, vector<16xf32>,
      tpu.vector_store %arg9[%swap3A_986, %swap3A_987], %mul3A_985 {strides = array<i32>} : memref<160x256xf32, #tpu.memory_space<vmem>>, vector<16xf32>,
      %get3A_989 = arith.index_cast %add3A_981 : i32 to index
      %get3A_990 = arith.constant 16 : index
      %get3A_991 = tpu.vector_load %arg9[%get3A_989, %get3A_990] {strides = array<i32>} : memref<160x256xf32, #tpu.memory_space<vmem>>, vector<16xf32>,
      %mul3A_992 = arith.mulf %get3A_991, %broadcast_in_dim3A_977 : vector<16xf32>
      %swap3A_993 = arith.index_cast %add3A_981 : i32 to index
      %swap3A_994 = arith.constant 16 : index
      %swap3A_995 = tpu.vector_load %arg9[%swap3A_993, %swap3A_994] {strides = array<i32>} : memref<160x256xf32, #tpu.memory_space<vmem>>, vector<16xf32>,
      tpu.vector_store %arg9[%swap3A_993, %swap3A_994], %mul3A_992 {strides = array<i32>} : memref<160x256xf32, #tpu.memory_space<vmem>>, vector<16xf32>,
      %get3A_996 = arith.index_cast %add3A_981 : i32 to index
      %get3A_997 = arith.constant 32 : index
      %get3A_998 = tpu.vector_load %arg9[%get3A_996, %get3A_997] {strides = array<i32>} : memref<160x256xf32, #tpu.memory_space<vmem>>, vector<16xf32>,
      %mul3A_999 = arith.mulf %get3A_998, %broadcast_in_dim3A_977 : vector<16xf32>
      %swap3A_1000 = arith.index_cast %add3A_981 : i32 to index
      %swap3A_1001 = arith.constant 32 : index
      %swap3A_1002 = tpu.vector_load %arg9[%swap3A_1000, %swap3A_1001] {strides = array<i32>} : memref<160x256xf32, #tpu.memory_space<vmem>>, vector<16xf32>,
      tpu.vector_store %arg9[%swap3A_1000, %swap3A_1001], %mul3A_999 {strides = array<i32>} : memref<160x256xf32, #tpu.memory_space<vmem>>, vector<16xf32>,
      %get3A_1003 = arith.index_cast %add3A_981 : i32 to index
      %get3A_1004 = arith.constant 48 : index
      %get3A_1005 = tpu.vector_load %arg9[%get3A_1003, %get3A_1004] {strides = array<i32>} : memref<160x256xf32, #tpu.memory_space<vmem>>, vector<16xf32>,
      %mul3A_1006 = arith.mulf %get3A_1005, %broadcast_in_dim3A_977 : vector<16xf32>
      %swap3A_1007 = arith.index_cast %add3A_981 : i32 to index
      %swap3A_1008 = arith.constant 48 : index
      %swap3A_1009 = tpu.vector_load %arg9[%swap3A_1007, %swap3A_1008] {strides = array<i32>} : memref<160x256xf32, #tpu.memory_space<vmem>>, vector<16xf32>,
      tpu.vector_store %arg9[%swap3A_1007, %swap3A_1008], %mul3A_1006 {strides = array<i32>} : memref<160x256xf32, #tpu.memory_space<vmem>>, vector<16xf32>,
      %get3A_1010 = arith.index_cast %add3A_981 : i32 to index
      %get3A_1011 = arith.constant 64 : index
      %get3A_1012 = tpu.vector_load %arg9[%get3A_1010, %get3A_1011] {strides = array<i32>} : memref<160x256xf32, #tpu.memory_space<vmem>>, vector<16xf32>,
      %mul3A_1013 = arith.mulf %get3A_1012, %broadcast_in_dim3A_977 : vector<16xf32>
      %swap3A_1014 = arith.index_cast %add3A_981 : i32 to index
      %swap3A_1015 = arith.constant 64 : index
      %swap3A_1016 = tpu.vector_load %arg9[%swap3A_1014, %swap3A_1015] {strides = array<i32>} : memref<160x256xf32, #tpu.memory_space<vmem>>, vector<16xf32>,
      tpu.vector_store %arg9[%swap3A_1014, %swap3A_1015], %mul3A_1013 {strides = array<i32>} : memref<160x256xf32, #tpu.memory_space<vmem>>, vector<16xf32>,
      %get3A_1017 = arith.index_cast %add3A_981 : i32 to index
      %get3A_1018 = arith.constant 80 : index
      %get3A_1019 = tpu.vector_load %arg9[%get3A_1017, %get3A_1018] {strides = array<i32>} : memref<160x256xf32, #tpu.memory_space<vmem>>, vector<16xf32>,
      %mul3A_1020 = arith.mulf %get3A_1019, %broadcast_in_dim3A_977 : vector<16xf32>
      %swap3A_1021 = arith.index_cast %add3A_981 : i32 to index
      %swap3A_1022 = arith.constant 80 : index
      %swap3A_1023 = tpu.vector_load %arg9[%swap3A_1021, %swap3A_1022] {strides = array<i32>} : memref<160x256xf32, #tpu.memory_space<vmem>>, vector<16xf32>,
      tpu.vector_store %arg9[%swap3A_1021, %swap3A_1022], %mul3A_1020 {strides = array<i32>} : memref<160x256xf32, #tpu.memory_space<vmem>>, vector<16xf32>,
      %get3A_1024 = arith.index_cast %add3A_981 : i32 to index
      %get3A_1025 = arith.constant 96 : index
      %get3A_1026 = tpu.vector_load %arg9[%get3A_1024, %get3A_1025] {strides = array<i32>} : memref<160x256xf32, #tpu.memory_space<vmem>>, vector<16xf32>,
      %mul3A_1027 = arith.mulf %get3A_1026, %broadcast_in_dim3A_977 : vector<16xf32>
      %swap3A_1028 = arith.index_cast %add3A_981 : i32 to index
      %swap3A_1029 = arith.constant 96 : index
      %swap3A_1030 = tpu.vector_load %arg9[%swap3A_1028, %swap3A_1029] {strides = array<i32>} : memref<160x256xf32, #tpu.memory_space<vmem>>, vector<16xf32>,
      tpu.vector_store %arg9[%swap3A_1028, %swap3A_1029], %mul3A_1027 {strides = array<i32>} : memref<160x256xf32, #tpu.memory_space<vmem>>, vector<16xf32>,
      %get3A_1031 = arith.index_cast %add3A_981 : i32 to index
      %get3A_1032 = arith.constant 112 : index
      %get3A_1033 = tpu.vector_load %arg9[%get3A_1031, %get3A_1032] {strides = array<i32>} : memref<160x256xf32, #tpu.memory_space<vmem>>, vector<16xf32>,
      %mul3A_1034 = arith.mulf %get3A_1033, %broadcast_in_dim3A_977 : vector<16xf32>
      %swap3A_1035 = arith.index_cast %add3A_981 : i32 to index
      %swap3A_1036 = arith.constant 112 : index
      %swap3A_1037 = tpu.vector_load %arg9[%swap3A_1035, %swap3A_1036] {strides = array<i32>} : memref<160x256xf32, #tpu.memory_space<vmem>>, vector<16xf32>,
      tpu.vector_store %arg9[%swap3A_1035, %swap3A_1036], %mul3A_1034 {strides = array<i32>} : memref<160x256xf32, #tpu.memory_space<vmem>>, vector<16xf32>,
      %get3A_1038 = arith.index_cast %add3A_981 : i32 to index
      %get3A_1039 = arith.constant 128 : index
      %get3A_1040 = tpu.vector_load %arg9[%get3A_1038, %get3A_1039] {strides = array<i32>} : memref<160x256xf32, #tpu.memory_space<vmem>>, vector<16xf32>,
      %mul3A_1041 = arith.mulf %get3A_1040, %broadcast_in_dim3A_977 : vector<16xf32>
      %swap3A_1042 = arith.index_cast %add3A_981 : i32 to index
      %swap3A_1043 = arith.constant 128 : index
      %swap3A_1044 = tpu.vector_load %arg9[%swap3A_1042, %swap3A_1043] {strides = array<i32>} : memref<160x256xf32, #tpu.memory_space<vmem>>, vector<16xf32>,
      tpu.vector_store %arg9[%swap3A_1042, %swap3A_1043], %mul3A_1041 {strides = array<i32>} : memref<160x256xf32, #tpu.memory_space<vmem>>, vector<16xf32>,
      %get3A_1045 = arith.index_cast %add3A_981 : i32 to index
      %get3A_1046 = arith.constant 144 : index
      %get3A_1047 = tpu.vector_load %arg9[%get3A_1045, %get3A_1046] {strides = array<i32>} : memref<160x256xf32, #tpu.memory_space<vmem>>, vector<16xf32>,
      %mul3A_1048 = arith.mulf %get3A_1047, %broadcast_in_dim3A_977 : vector<16xf32>
      %swap3A_1049 = arith.index_cast %add3A_981 : i32 to index
      %swap3A_1050 = arith.constant 144 : index
      %swap3A_1051 = tpu.vector_load %arg9[%swap3A_1049, %swap3A_1050] {strides = array<i32>} : memref<160x256xf32, #tpu.memory_space<vmem>>, vector<16xf32>,
      tpu.vector_store %arg9[%swap3A_1049, %swap3A_1050], %mul3A_1048 {strides = array<i32>} : memref<160x256xf32, #tpu.memory_space<vmem>>, vector<16xf32>,
      %get3A_1052 = arith.index_cast %add3A_981 : i32 to index
      %get3A_1053 = arith.constant 160 : index
      %get3A_1054 = tpu.vector_load %arg9[%get3A_1052, %get3A_1053] {strides = array<i32>} : memref<160x256xf32, #tpu.memory_space<vmem>>, vector<16xf32>,
      %mul3A_1055 = arith.mulf %get3A_1054, %broadcast_in_dim3A_977 : vector<16xf32>
      %swap3A_1056 = arith.index_cast %add3A_981 : i32 to index
      %swap3A_1057 = arith.constant 160 : index
      %swap3A_1058 = tpu.vector_load %arg9[%swap3A_1056, %swap3A_1057] {strides = array<i32>} : memref<160x256xf32, #tpu.memory_space<vmem>>, vector<16xf32>,
      tpu.vector_store %arg9[%swap3A_1056, %swap3A_1057], %mul3A_1055 {strides = array<i32>} : memref<160x256xf32, #tpu.memory_space<vmem>>, vector<16xf32>,
      %get3A_1059 = arith.index_cast %add3A_981 : i32 to index
      %get3A_1060 = arith.constant 176 : index
      %get3A_1061 = tpu.vector_load %arg9[%get3A_1059, %get3A_1060] {strides = array<i32>} : memref<160x256xf32, #tpu.memory_space<vmem>>, vector<16xf32>,
      %mul3A_1062 = arith.mulf %get3A_1061, %broadcast_in_dim3A_977 : vector<16xf32>
      %swap3A_1063 = arith.index_cast %add3A_981 : i32 to index
      %swap3A_1064 = arith.constant 176 : index
      %swap3A_1065 = tpu.vector_load %arg9[%swap3A_1063, %swap3A_1064] {strides = array<i32>} : memref<160x256xf32, #tpu.memory_space<vmem>>, vector<16xf32>,
      tpu.vector_store %arg9[%swap3A_1063, %swap3A_1064], %mul3A_1062 {strides = array<i32>} : memref<160x256xf32, #tpu.memory_space<vmem>>, vector<16xf32>,
      %get3A_1066 = arith.index_cast %add3A_981 : i32 to index
      %get3A_1067 = arith.constant 192 : index
      %get3A_1068 = tpu.vector_load %arg9[%get3A_1066, %get3A_1067] {strides = array<i32>} : memref<160x256xf32, #tpu.memory_space<vmem>>, vector<16xf32>,
      %mul3A_1069 = arith.mulf %get3A_1068, %broadcast_in_dim3A_977 : vector<16xf32>
      %swap3A_1070 = arith.index_cast %add3A_981 : i32 to index
      %swap3A_1071 = arith.constant 192 : index
      %swap3A_1072 = tpu.vector_load %arg9[%swap3A_1070, %swap3A_1071] {strides = array<i32>} : memref<160x256xf32, #tpu.memory_space<vmem>>, vector<16xf32>,
      tpu.vector_store %arg9[%swap3A_1070, %swap3A_1071], %mul3A_1069 {strides = array<i32>} : memref<160x256xf32, #tpu.memory_space<vmem>>, vector<16xf32>,
      %get3A_1073 = arith.index_cast %add3A_981 : i32 to index
      %get3A_1074 = arith.constant 208 : index
      %get3A_1075 = tpu.vector_load %arg9[%get3A_1073, %get3A_1074] {strides = array<i32>} : memref<160x256xf32, #tpu.memory_space<vmem>>, vector<16xf32>,
      %mul3A_1076 = arith.mulf %get3A_1075, %broadcast_in_dim3A_977 : vector<16xf32>
      %swap3A_1077 = arith.index_cast %add3A_981 : i32 to index
      %swap3A_1078 = arith.constant 208 : index
      %swap3A_1079 = tpu.vector_load %arg9[%swap3A_1077, %swap3A_1078] {strides = array<i32>} : memref<160x256xf32, #tpu.memory_space<vmem>>, vector<16xf32>,
      tpu.vector_store %arg9[%swap3A_1077, %swap3A_1078], %mul3A_1076 {strides = array<i32>} : memref<160x256xf32, #tpu.memory_space<vmem>>, vector<16xf32>,
      %get3A_1080 = arith.index_cast %add3A_981 : i32 to index
      %get3A_1081 = arith.constant 224 : index
      %get3A_1082 = tpu.vector_load %arg9[%get3A_1080, %get3A_1081] {strides = array<i32>} : memref<160x256xf32, #tpu.memory_space<vmem>>, vector<16xf32>,
      %mul3A_1083 = arith.mulf %get3A_1082, %broadcast_in_dim3A_977 : vector<16xf32>
      %swap3A_1084 = arith.index_cast %add3A_981 : i32 to index
      %swap3A_1085 = arith.constant 224 : index
      %swap3A_1086 = tpu.vector_load %arg9[%swap3A_1084, %swap3A_1085] {strides = array<i32>} : memref<160x256xf32, #tpu.memory_space<vmem>>, vector<16xf32>,
      tpu.vector_store %arg9[%swap3A_1084, %swap3A_1085], %mul3A_1083 {strides = array<i32>} : memref<160x256xf32, #tpu.memory_space<vmem>>, vector<16xf32>,
      %get3A_1087 = arith.index_cast %add3A_981 : i32 to index
      %get3A_1088 = arith.constant 240 : index
      %get3A_1089 = tpu.vector_load %arg9[%get3A_1087, %get3A_1088] {strides = array<i32>} : memref<160x256xf32, #tpu.memory_space<vmem>>, vector<16xf32>,
      %mul3A_1090 = arith.mulf %get3A_1089, %broadcast_in_dim3A_977 : vector<16xf32>
      %swap3A_1091 = arith.index_cast %add3A_981 : i32 to index
      %swap3A_1092 = arith.constant 240 : index
      %swap3A_1093 = tpu.vector_load %arg9[%swap3A_1091, %swap3A_1092] {strides = array<i32>} : memref<160x256xf32, #tpu.memory_space<vmem>>, vector<16xf32>,
      tpu.vector_store %arg9[%swap3A_1091, %swap3A_1092], %mul3A_1090 {strides = array<i32>} : memref<160x256xf32, #tpu.memory_space<vmem>>, vector<16xf32>,
      %slice3A_1094 = vector.extract_strided_slice %gather3A_617 {offsets = [4], sizes = [1], strides = [1]} : vector<16xf32> to vector<1xf32>
      %squeeze3A_1095 = vector.extract %slice3A_1094[0] : f32 from vector<1xf32>
      %broadcast_in_dim3A_1096 = vector.broadcast %squeeze3A_1095 : f32 to vector<16xf32>
      %mul3A_1097 = arith.constant 16 : i32
      %mul3A_1098 = arith.muli %scan3A_612, %mul3A_1097 : i32
      %add3A_1099 = arith.constant 4 : i32
      %add3A_1100 = arith.addi %mul3A_1098, %add3A_1099 : i32
      %get3A_1101 = arith.index_cast %add3A_1100 : i32 to index
      %get3A_1102 = arith.constant 0 : index
      %get3A_1103 = tpu.vector_load %arg9[%get3A_1101, %get3A_1102] {strides = array<i32>} : memref<160x256xf32, #tpu.memory_space<vmem>>, vector<16xf32>,
      %mul3A_1104 = arith.mulf %get3A_1103, %broadcast_in_dim3A_1096 : vector<16xf32>
      %swap3A_1105 = arith.index_cast %add3A_1100 : i32 to index
      %swap3A_1106 = arith.constant 0 : index
      %swap3A_1107 = tpu.vector_load %arg9[%swap3A_1105, %swap3A_1106] {strides = array<i32>} : memref<160x256xf32, #tpu.memory_space<vmem>>, vector<16xf32>,
      tpu.vector_store %arg9[%swap3A_1105, %swap3A_1106], %mul3A_1104 {strides = array<i32>} : memref<160x256xf32, #tpu.memory_space<vmem>>, vector<16xf32>,
      %get3A_1108 = arith.index_cast %add3A_1100 : i32 to index
      %get3A_1109 = arith.constant 16 : index
      %get3A_1110 = tpu.vector_load %arg9[%get3A_1108, %get3A_1109] {strides = array<i32>} : memref<160x256xf32, #tpu.memory_space<vmem>>, vector<16xf32>,
      %mul3A_1111 = arith.mulf %get3A_1110, %broadcast_in_dim3A_1096 : vector<16xf32>
      %swap3A_1112 = arith.index_cast %add3A_1100 : i32 to index
      %swap3A_1113 = arith.constant 16 : index
      %swap3A_1114 = tpu.vector_load %arg9[%swap3A_1112, %swap3A_1113] {strides = array<i32>} : memref<160x256xf32, #tpu.memory_space<vmem>>, vector<16xf32>,
      tpu.vector_store %arg9[%swap3A_1112, %swap3A_1113], %mul3A_1111 {strides = array<i32>} : memref<160x256xf32, #tpu.memory_space<vmem>>, vector<16xf32>,
      %get3A_1115 = arith.index_cast %add3A_1100 : i32 to index
      %get3A_1116 = arith.constant 32 : index
      %get3A_1117 = tpu.vector_load %arg9[%get3A_1115, %get3A_1116] {strides = array<i32>} : memref<160x256xf32, #tpu.memory_space<vmem>>, vector<16xf32>,
      %mul3A_1118 = arith.mulf %get3A_1117, %broadcast_in_dim3A_1096 : vector<16xf32>
      %swap3A_1119 = arith.index_cast %add3A_1100 : i32 to index
      %swap3A_1120 = arith.constant 32 : index
      %swap3A_1121 = tpu.vector_load %arg9[%swap3A_1119, %swap3A_1120] {strides = array<i32>} : memref<160x256xf32, #tpu.memory_space<vmem>>, vector<16xf32>,
      tpu.vector_store %arg9[%swap3A_1119, %swap3A_1120], %mul3A_1118 {strides = array<i32>} : memref<160x256xf32, #tpu.memory_space<vmem>>, vector<16xf32>,
      %get3A_1122 = arith.index_cast %add3A_1100 : i32 to index
      %get3A_1123 = arith.constant 48 : index
      %get3A_1124 = tpu.vector_load %arg9[%get3A_1122, %get3A_1123] {strides = array<i32>} : memref<160x256xf32, #tpu.memory_space<vmem>>, vector<16xf32>,
      %mul3A_1125 = arith.mulf %get3A_1124, %broadcast_in_dim3A_1096 : vector<16xf32>
      %swap3A_1126 = arith.index_cast %add3A_1100 : i32 to index
      %swap3A_1127 = arith.constant 48 : index
      %swap3A_1128 = tpu.vector_load %arg9[%swap3A_1126, %swap3A_1127] {strides = array<i32>} : memref<160x256xf32, #tpu.memory_space<vmem>>, vector<16xf32>,
      tpu.vector_store %arg9[%swap3A_1126, %swap3A_1127], %mul3A_1125 {strides = array<i32>} : memref<160x256xf32, #tpu.memory_space<vmem>>, vector<16xf32>,
      %get3A_1129 = arith.index_cast %add3A_1100 : i32 to index
      %get3A_1130 = arith.constant 64 : index
      %get3A_1131 = tpu.vector_load %arg9[%get3A_1129, %get3A_1130] {strides = array<i32>} : memref<160x256xf32, #tpu.memory_space<vmem>>, vector<16xf32>,
      %mul3A_1132 = arith.mulf %get3A_1131, %broadcast_in_dim3A_1096 : vector<16xf32>
      %swap3A_1133 = arith.index_cast %add3A_1100 : i32 to index
      %swap3A_1134 = arith.constant 64 : index
      %swap3A_1135 = tpu.vector_load %arg9[%swap3A_1133, %swap3A_1134] {strides = array<i32>} : memref<160x256xf32, #tpu.memory_space<vmem>>, vector<16xf32>,
      tpu.vector_store %arg9[%swap3A_1133, %swap3A_1134], %mul3A_1132 {strides = array<i32>} : memref<160x256xf32, #tpu.memory_space<vmem>>, vector<16xf32>,
      %get3A_1136 = arith.index_cast %add3A_1100 : i32 to index
      %get3A_1137 = arith.constant 80 : index
      %get3A_1138 = tpu.vector_load %arg9[%get3A_1136, %get3A_1137] {strides = array<i32>} : memref<160x256xf32, #tpu.memory_space<vmem>>, vector<16xf32>,
      %mul3A_1139 = arith.mulf %get3A_1138, %broadcast_in_dim3A_1096 : vector<16xf32>
      %swap3A_1140 = arith.index_cast %add3A_1100 : i32 to index
      %swap3A_1141 = arith.constant 80 : index
      %swap3A_1142 = tpu.vector_load %arg9[%swap3A_1140, %swap3A_1141] {strides = array<i32>} : memref<160x256xf32, #tpu.memory_space<vmem>>, vector<16xf32>,
      tpu.vector_store %arg9[%swap3A_1140, %swap3A_1141], %mul3A_1139 {strides = array<i32>} : memref<160x256xf32, #tpu.memory_space<vmem>>, vector<16xf32>,
      %get3A_1143 = arith.index_cast %add3A_1100 : i32 to index
      %get3A_1144 = arith.constant 96 : index
      %get3A_1145 = tpu.vector_load %arg9[%get3A_1143, %get3A_1144] {strides = array<i32>} : memref<160x256xf32, #tpu.memory_space<vmem>>, vector<16xf32>,
      %mul3A_1146 = arith.mulf %get3A_1145, %broadcast_in_dim3A_1096 : vector<16xf32>
      %swap3A_1147 = arith.index_cast %add3A_1100 : i32 to index
      %swap3A_1148 = arith.constant 96 : index
      %swap3A_1149 = tpu.vector_load %arg9[%swap3A_1147, %swap3A_1148] {strides = array<i32>} : memref<160x256xf32, #tpu.memory_space<vmem>>, vector<16xf32>,
      tpu.vector_store %arg9[%swap3A_1147, %swap3A_1148], %mul3A_1146 {strides = array<i32>} : memref<160x256xf32, #tpu.memory_space<vmem>>, vector<16xf32>,
      %get3A_1150 = arith.index_cast %add3A_1100 : i32 to index
      %get3A_1151 = arith.constant 112 : index
      %get3A_1152 = tpu.vector_load %arg9[%get3A_1150, %get3A_1151] {strides = array<i32>} : memref<160x256xf32, #tpu.memory_space<vmem>>, vector<16xf32>,
      %mul3A_1153 = arith.mulf %get3A_1152, %broadcast_in_dim3A_1096 : vector<16xf32>
      %swap3A_1154 = arith.index_cast %add3A_1100 : i32 to index
      %swap3A_1155 = arith.constant 112 : index
      %swap3A_1156 = tpu.vector_load %arg9[%swap3A_1154, %swap3A_1155] {strides = array<i32>} : memref<160x256xf32, #tpu.memory_space<vmem>>, vector<16xf32>,
      tpu.vector_store %arg9[%swap3A_1154, %swap3A_1155], %mul3A_1153 {strides = array<i32>} : memref<160x256xf32, #tpu.memory_space<vmem>>, vector<16xf32>,
      %get3A_1157 = arith.index_cast %add3A_1100 : i32 to index
      %get3A_1158 = arith.constant 128 : index
      %get3A_1159 = tpu.vector_load %arg9[%get3A_1157, %get3A_1158] {strides = array<i32>} : memref<160x256xf32, #tpu.memory_space<vmem>>, vector<16xf32>,
      %mul3A_1160 = arith.mulf %get3A_1159, %broadcast_in_dim3A_1096 : vector<16xf32>
      %swap3A_1161 = arith.index_cast %add3A_1100 : i32 to index
      %swap3A_1162 = arith.constant 128 : index
      %swap3A_1163 = tpu.vector_load %arg9[%swap3A_1161, %swap3A_1162] {strides = array<i32>} : memref<160x256xf32, #tpu.memory_space<vmem>>, vector<16xf32>,
      tpu.vector_store %arg9[%swap3A_1161, %swap3A_1162], %mul3A_1160 {strides = array<i32>} : memref<160x256xf32, #tpu.memory_space<vmem>>, vector<16xf32>,
      %get3A_1164 = arith.index_cast %add3A_1100 : i32 to index
      %get3A_1165 = arith.constant 144 : index
      %get3A_1166 = tpu.vector_load %arg9[%get3A_1164, %get3A_1165] {strides = array<i32>} : memref<160x256xf32, #tpu.memory_space<vmem>>, vector<16xf32>,
      %mul3A_1167 = arith.mulf %get3A_1166, %broadcast_in_dim3A_1096 : vector<16xf32>
      %swap3A_1168 = arith.index_cast %add3A_1100 : i32 to index
      %swap3A_1169 = arith.constant 144 : index
      %swap3A_1170 = tpu.vector_load %arg9[%swap3A_1168, %swap3A_1169] {strides = array<i32>} : memref<160x256xf32, #tpu.memory_space<vmem>>, vector<16xf32>,
      tpu.vector_store %arg9[%swap3A_1168, %swap3A_1169], %mul3A_1167 {strides = array<i32>} : memref<160x256xf32, #tpu.memory_space<vmem>>, vector<16xf32>,
      %get3A_1171 = arith.index_cast %add3A_1100 : i32 to index
      %get3A_1172 = arith.constant 160 : index
      %get3A_1173 = tpu.vector_load %arg9[%get3A_1171, %get3A_1172] {strides = array<i32>} : memref<160x256xf32, #tpu.memory_space<vmem>>, vector<16xf32>,
      %mul3A_1174 = arith.mulf %get3A_1173, %broadcast_in_dim3A_1096 : vector<16xf32>
      %swap3A_1175 = arith.index_cast %add3A_1100 : i32 to index
      %swap3A_1176 = arith.constant 160 : index
      %swap3A_1177 = tpu.vector_load %arg9[%swap3A_1175, %swap3A_1176] {strides = array<i32>} : memref<160x256xf32, #tpu.memory_space<vmem>>, vector<16xf32>,
      tpu.vector_store %arg9[%swap3A_1175, %swap3A_1176], %mul3A_1174 {strides = array<i32>} : memref<160x256xf32, #tpu.memory_space<vmem>>, vector<16xf32>,
      %get3A_1178 = arith.index_cast %add3A_1100 : i32 to index
      %get3A_1179 = arith.constant 176 : index
      %get3A_1180 = tpu.vector_load %arg9[%get3A_1178, %get3A_1179] {strides = array<i32>} : memref<160x256xf32, #tpu.memory_space<vmem>>, vector<16xf32>,
      %mul3A_1181 = arith.mulf %get3A_1180, %broadcast_in_dim3A_1096 : vector<16xf32>
      %swap3A_1182 = arith.index_cast %add3A_1100 : i32 to index
      %swap3A_1183 = arith.constant 176 : index
      %swap3A_1184 = tpu.vector_load %arg9[%swap3A_1182, %swap3A_1183] {strides = array<i32>} : memref<160x256xf32, #tpu.memory_space<vmem>>, vector<16xf32>,
      tpu.vector_store %arg9[%swap3A_1182, %swap3A_1183], %mul3A_1181 {strides = array<i32>} : memref<160x256xf32, #tpu.memory_space<vmem>>, vector<16xf32>,
      %get3A_1185 = arith.index_cast %add3A_1100 : i32 to index
      %get3A_1186 = arith.constant 192 : index
      %get3A_1187 = tpu.vector_load %arg9[%get3A_1185, %get3A_1186] {strides = array<i32>} : memref<160x256xf32, #tpu.memory_space<vmem>>, vector<16xf32>,
      %mul3A_1188 = arith.mulf %get3A_1187, %broadcast_in_dim3A_1096 : vector<16xf32>
      %swap3A_1189 = arith.index_cast %add3A_1100 : i32 to index
      %swap3A_1190 = arith.constant 192 : index
      %swap3A_1191 = tpu.vector_load %arg9[%swap3A_1189, %swap3A_1190] {strides = array<i32>} : memref<160x256xf32, #tpu.memory_space<vmem>>, vector<16xf32>,
      tpu.vector_store %arg9[%swap3A_1189, %swap3A_1190], %mul3A_1188 {strides = array<i32>} : memref<160x256xf32, #tpu.memory_space<vmem>>, vector<16xf32>,
      %get3A_1192 = arith.index_cast %add3A_1100 : i32 to index
      %get3A_1193 = arith.constant 208 : index
      %get3A_1194 = tpu.vector_load %arg9[%get3A_1192, %get3A_1193] {strides = array<i32>} : memref<160x256xf32, #tpu.memory_space<vmem>>, vector<16xf32>,
      %mul3A_1195 = arith.mulf %get3A_1194, %broadcast_in_dim3A_1096 : vector<16xf32>
      %swap3A_1196 = arith.index_cast %add3A_1100 : i32 to index
      %swap3A_1197 = arith.constant 208 : index
      %swap3A_1198 = tpu.vector_load %arg9[%swap3A_1196, %swap3A_1197] {strides = array<i32>} : memref<160x256xf32, #tpu.memory_space<vmem>>, vector<16xf32>,
      tpu.vector_store %arg9[%swap3A_1196, %swap3A_1197], %mul3A_1195 {strides = array<i32>} : memref<160x256xf32, #tpu.memory_space<vmem>>, vector<16xf32>,
      %get3A_1199 = arith.index_cast %add3A_1100 : i32 to index
      %get3A_1200 = arith.constant 224 : index
      %get3A_1201 = tpu.vector_load %arg9[%get3A_1199, %get3A_1200] {strides = array<i32>} : memref<160x256xf32, #tpu.memory_space<vmem>>, vector<16xf32>,
      %mul3A_1202 = arith.mulf %get3A_1201, %broadcast_in_dim3A_1096 : vector<16xf32>
      %swap3A_1203 = arith.index_cast %add3A_1100 : i32 to index
      %swap3A_1204 = arith.constant 224 : index
      %swap3A_1205 = tpu.vector_load %arg9[%swap3A_1203, %swap3A_1204] {strides = array<i32>} : memref<160x256xf32, #tpu.memory_space<vmem>>, vector<16xf32>,
      tpu.vector_store %arg9[%swap3A_1203, %swap3A_1204], %mul3A_1202 {strides = array<i32>} : memref<160x256xf32, #tpu.memory_space<vmem>>, vector<16xf32>,
      %get3A_1206 = arith.index_cast %add3A_1100 : i32 to index
      %get3A_1207 = arith.constant 240 : index
      %get3A_1208 = tpu.vector_load %arg9[%get3A_1206, %get3A_1207] {strides = array<i32>} : memref<160x256xf32, #tpu.memory_space<vmem>>, vector<16xf32>,
      %mul3A_1209 = arith.mulf %get3A_1208, %broadcast_in_dim3A_1096 : vector<16xf32>
      %swap3A_1210 = arith.index_cast %add3A_1100 : i32 to index
      %swap3A_1211 = arith.constant 240 : index
      %swap3A_1212 = tpu.vector_load %arg9[%swap3A_1210, %swap3A_1211] {strides = array<i32>} : memref<160x256xf32, #tpu.memory_space<vmem>>, vector<16xf32>,
      tpu.vector_store %arg9[%swap3A_1210, %swap3A_1211], %mul3A_1209 {strides = array<i32>} : memref<160x256xf32, #tpu.memory_space<vmem>>, vector<16xf32>,
      %slice3A_1213 = vector.extract_strided_slice %gather3A_617 {offsets = [5], sizes = [1], strides = [1]} : vector<16xf32> to vector<1xf32>
      %squeeze3A_1214 = vector.extract %slice3A_1213[0] : f32 from vector<1xf32>
      %broadcast_in_dim3A_1215 = vector.broadcast %squeeze3A_1214 : f32 to vector<16xf32>
      %mul3A_1216 = arith.constant 16 : i32
      %mul3A_1217 = arith.muli %scan3A_612, %mul3A_1216 : i32
      %add3A_1218 = arith.constant 5 : i32
      %add3A_1219 = arith.addi %mul3A_1217, %add3A_1218 : i32
      %get3A_1220 = arith.index_cast %add3A_1219 : i32 to index
      %get3A_1221 = arith.constant 0 : index
      %get3A_1222 = tpu.vector_load %arg9[%get3A_1220, %get3A_1221] {strides = array<i32>} : memref<160x256xf32, #tpu.memory_space<vmem>>, vector<16xf32>,
      %mul3A_1223 = arith.mulf %get3A_1222, %broadcast_in_dim3A_1215 : vector<16xf32>
      %swap3A_1224 = arith.index_cast %add3A_1219 : i32 to index
      %swap3A_1225 = arith.constant 0 : index
      %swap3A_1226 = tpu.vector_load %arg9[%swap3A_1224, %swap3A_1225] {strides = array<i32>} : memref<160x256xf32, #tpu.memory_space<vmem>>, vector<16xf32>,
      tpu.vector_store %arg9[%swap3A_1224, %swap3A_1225], %mul3A_1223 {strides = array<i32>} : memref<160x256xf32, #tpu.memory_space<vmem>>, vector<16xf32>,
      %get3A_1227 = arith.index_cast %add3A_1219 : i32 to index
      %get3A_1228 = arith.constant 16 : index
      %get3A_1229 = tpu.vector_load %arg9[%get3A_1227, %get3A_1228] {strides = array<i32>} : memref<160x256xf32, #tpu.memory_space<vmem>>, vector<16xf32>,
      %mul3A_1230 = arith.mulf %get3A_1229, %broadcast_in_dim3A_1215 : vector<16xf32>
      %swap3A_1231 = arith.index_cast %add3A_1219 : i32 to index
      %swap3A_1232 = arith.constant 16 : index
      %swap3A_1233 = tpu.vector_load %arg9[%swap3A_1231, %swap3A_1232] {strides = array<i32>} : memref<160x256xf32, #tpu.memory_space<vmem>>, vector<16xf32>,
      tpu.vector_store %arg9[%swap3A_1231, %swap3A_1232], %mul3A_1230 {strides = array<i32>} : memref<160x256xf32, #tpu.memory_space<vmem>>, vector<16xf32>,
      %get3A_1234 = arith.index_cast %add3A_1219 : i32 to index
      %get3A_1235 = arith.constant 32 : index
      %get3A_1236 = tpu.vector_load %arg9[%get3A_1234, %get3A_1235] {strides = array<i32>} : memref<160x256xf32, #tpu.memory_space<vmem>>, vector<16xf32>,
      %mul3A_1237 = arith.mulf %get3A_1236, %broadcast_in_dim3A_1215 : vector<16xf32>
      %swap3A_1238 = arith.index_cast %add3A_1219 : i32 to index
      %swap3A_1239 = arith.constant 32 : index
      %swap3A_1240 = tpu.vector_load %arg9[%swap3A_1238, %swap3A_1239] {strides = array<i32>} : memref<160x256xf32, #tpu.memory_space<vmem>>, vector<16xf32>,
      tpu.vector_store %arg9[%swap3A_1238, %swap3A_1239], %mul3A_1237 {strides = array<i32>} : memref<160x256xf32, #tpu.memory_space<vmem>>, vector<16xf32>,
      %get3A_1241 = arith.index_cast %add3A_1219 : i32 to index
      %get3A_1242 = arith.constant 48 : index
      %get3A_1243 = tpu.vector_load %arg9[%get3A_1241, %get3A_1242] {strides = array<i32>} : memref<160x256xf32, #tpu.memory_space<vmem>>, vector<16xf32>,
      %mul3A_1244 = arith.mulf %get3A_1243, %broadcast_in_dim3A_1215 : vector<16xf32>
      %swap3A_1245 = arith.index_cast %add3A_1219 : i32 to index
      %swap3A_1246 = arith.constant 48 : index
      %swap3A_1247 = tpu.vector_load %arg9[%swap3A_1245, %swap3A_1246] {strides = array<i32>} : memref<160x256xf32, #tpu.memory_space<vmem>>, vector<16xf32>,
      tpu.vector_store %arg9[%swap3A_1245, %swap3A_1246], %mul3A_1244 {strides = array<i32>} : memref<160x256xf32, #tpu.memory_space<vmem>>, vector<16xf32>,
      %get3A_1248 = arith.index_cast %add3A_1219 : i32 to index
      %get3A_1249 = arith.constant 64 : index
      %get3A_1250 = tpu.vector_load %arg9[%get3A_1248, %get3A_1249] {strides = array<i32>} : memref<160x256xf32, #tpu.memory_space<vmem>>, vector<16xf32>,
      %mul3A_1251 = arith.mulf %get3A_1250, %broadcast_in_dim3A_1215 : vector<16xf32>
      %swap3A_1252 = arith.index_cast %add3A_1219 : i32 to index
      %swap3A_1253 = arith.constant 64 : index
      %swap3A_1254 = tpu.vector_load %arg9[%swap3A_1252, %swap3A_1253] {strides = array<i32>} : memref<160x256xf32, #tpu.memory_space<vmem>>, vector<16xf32>,
      tpu.vector_store %arg9[%swap3A_1252, %swap3A_1253], %mul3A_1251 {strides = array<i32>} : memref<160x256xf32, #tpu.memory_space<vmem>>, vector<16xf32>,
      %get3A_1255 = arith.index_cast %add3A_1219 : i32 to index
      %get3A_1256 = arith.constant 80 : index
      %get3A_1257 = tpu.vector_load %arg9[%get3A_1255, %get3A_1256] {strides = array<i32>} : memref<160x256xf32, #tpu.memory_space<vmem>>, vector<16xf32>,
      %mul3A_1258 = arith.mulf %get3A_1257, %broadcast_in_dim3A_1215 : vector<16xf32>
      %swap3A_1259 = arith.index_cast %add3A_1219 : i32 to index
      %swap3A_1260 = arith.constant 80 : index
      %swap3A_1261 = tpu.vector_load %arg9[%swap3A_1259, %swap3A_1260] {strides = array<i32>} : memref<160x256xf32, #tpu.memory_space<vmem>>, vector<16xf32>,
      tpu.vector_store %arg9[%swap3A_1259, %swap3A_1260], %mul3A_1258 {strides = array<i32>} : memref<160x256xf32, #tpu.memory_space<vmem>>, vector<16xf32>,
      %get3A_1262 = arith.index_cast %add3A_1219 : i32 to index
      %get3A_1263 = arith.constant 96 : index
      %get3A_1264 = tpu.vector_load %arg9[%get3A_1262, %get3A_1263] {strides = array<i32>} : memref<160x256xf32, #tpu.memory_space<vmem>>, vector<16xf32>,
      %mul3A_1265 = arith.mulf %get3A_1264, %broadcast_in_dim3A_1215 : vector<16xf32>
      %swap3A_1266 = arith.index_cast %add3A_1219 : i32 to index
      %swap3A_1267 = arith.constant 96 : index
      %swap3A_1268 = tpu.vector_load %arg9[%swap3A_1266, %swap3A_1267] {strides = array<i32>} : memref<160x256xf32, #tpu.memory_space<vmem>>, vector<16xf32>,
      tpu.vector_store %arg9[%swap3A_1266, %swap3A_1267], %mul3A_1265 {strides = array<i32>} : memref<160x256xf32, #tpu.memory_space<vmem>>, vector<16xf32>,
      %get3A_1269 = arith.index_cast %add3A_1219 : i32 to index
      %get3A_1270 = arith.constant 112 : index
      %get3A_1271 = tpu.vector_load %arg9[%get3A_1269, %get3A_1270] {strides = array<i32>} : memref<160x256xf32, #tpu.memory_space<vmem>>, vector<16xf32>,
      %mul3A_1272 = arith.mulf %get3A_1271, %broadcast_in_dim3A_1215 : vector<16xf32>
      %swap3A_1273 = arith.index_cast %add3A_1219 : i32 to index
      %swap3A_1274 = arith.constant 112 : index
      %swap3A_1275 = tpu.vector_load %arg9[%swap3A_1273, %swap3A_1274] {strides = array<i32>} : memref<160x256xf32, #tpu.memory_space<vmem>>, vector<16xf32>,
      tpu.vector_store %arg9[%swap3A_1273, %swap3A_1274], %mul3A_1272 {strides = array<i32>} : memref<160x256xf32, #tpu.memory_space<vmem>>, vector<16xf32>,
      %get3A_1276 = arith.index_cast %add3A_1219 : i32 to index
      %get3A_1277 = arith.constant 128 : index
      %get3A_1278 = tpu.vector_load %arg9[%get3A_1276, %get3A_1277] {strides = array<i32>} : memref<160x256xf32, #tpu.memory_space<vmem>>, vector<16xf32>,
      %mul3A_1279 = arith.mulf %get3A_1278, %broadcast_in_dim3A_1215 : vector<16xf32>
      %swap3A_1280 = arith.index_cast %add3A_1219 : i32 to index
      %swap3A_1281 = arith.constant 128 : index
      %swap3A_1282 = tpu.vector_load %arg9[%swap3A_1280, %swap3A_1281] {strides = array<i32>} : memref<160x256xf32, #tpu.memory_space<vmem>>, vector<16xf32>,
      tpu.vector_store %arg9[%swap3A_1280, %swap3A_1281], %mul3A_1279 {strides = array<i32>} : memref<160x256xf32, #tpu.memory_space<vmem>>, vector<16xf32>,
      %get3A_1283 = arith.index_cast %add3A_1219 : i32 to index
      %get3A_1284 = arith.constant 144 : index
      %get3A_1285 = tpu.vector_load %arg9[%get3A_1283, %get3A_1284] {strides = array<i32>} : memref<160x256xf32, #tpu.memory_space<vmem>>, vector<16xf32>,
      %mul3A_1286 = arith.mulf %get3A_1285, %broadcast_in_dim3A_1215 : vector<16xf32>
      %swap3A_1287 = arith.index_cast %add3A_1219 : i32 to index
      %swap3A_1288 = arith.constant 144 : index
      %swap3A_1289 = tpu.vector_load %arg9[%swap3A_1287, %swap3A_1288] {strides = array<i32>} : memref<160x256xf32, #tpu.memory_space<vmem>>, vector<16xf32>,
      tpu.vector_store %arg9[%swap3A_1287, %swap3A_1288], %mul3A_1286 {strides = array<i32>} : memref<160x256xf32, #tpu.memory_space<vmem>>, vector<16xf32>,
      %get3A_1290 = arith.index_cast %add3A_1219 : i32 to index
      %get3A_1291 = arith.constant 160 : index
      %get3A_1292 = tpu.vector_load %arg9[%get3A_1290, %get3A_1291] {strides = array<i32>} : memref<160x256xf32, #tpu.memory_space<vmem>>, vector<16xf32>,
      %mul3A_1293 = arith.mulf %get3A_1292, %broadcast_in_dim3A_1215 : vector<16xf32>
      %swap3A_1294 = arith.index_cast %add3A_1219 : i32 to index
      %swap3A_1295 = arith.constant 160 : index
      %swap3A_1296 = tpu.vector_load %arg9[%swap3A_1294, %swap3A_1295] {strides = array<i32>} : memref<160x256xf32, #tpu.memory_space<vmem>>, vector<16xf32>,
      tpu.vector_store %arg9[%swap3A_1294, %swap3A_1295], %mul3A_1293 {strides = array<i32>} : memref<160x256xf32, #tpu.memory_space<vmem>>, vector<16xf32>,
      %get3A_1297 = arith.index_cast %add3A_1219 : i32 to index
      %get3A_1298 = arith.constant 176 : index
      %get3A_1299 = tpu.vector_load %arg9[%get3A_1297, %get3A_1298] {strides = array<i32>} : memref<160x256xf32, #tpu.memory_space<vmem>>, vector<16xf32>,
      %mul3A_1300 = arith.mulf %get3A_1299, %broadcast_in_dim3A_1215 : vector<16xf32>
      %swap3A_1301 = arith.index_cast %add3A_1219 : i32 to index
      %swap3A_1302 = arith.constant 176 : index
      %swap3A_1303 = tpu.vector_load %arg9[%swap3A_1301, %swap3A_1302] {strides = array<i32>} : memref<160x256xf32, #tpu.memory_space<vmem>>, vector<16xf32>,
      tpu.vector_store %arg9[%swap3A_1301, %swap3A_1302], %mul3A_1300 {strides = array<i32>} : memref<160x256xf32, #tpu.memory_space<vmem>>, vector<16xf32>,
      %get3A_1304 = arith.index_cast %add3A_1219 : i32 to index
      %get3A_1305 = arith.constant 192 : index
      %get3A_1306 = tpu.vector_load %arg9[%get3A_1304, %get3A_1305] {strides = array<i32>} : memref<160x256xf32, #tpu.memory_space<vmem>>, vector<16xf32>,
      %mul3A_1307 = arith.mulf %get3A_1306, %broadcast_in_dim3A_1215 : vector<16xf32>
      %swap3A_1308 = arith.index_cast %add3A_1219 : i32 to index
      %swap3A_1309 = arith.constant 192 : index
      %swap3A_1310 = tpu.vector_load %arg9[%swap3A_1308, %swap3A_1309] {strides = array<i32>} : memref<160x256xf32, #tpu.memory_space<vmem>>, vector<16xf32>,
      tpu.vector_store %arg9[%swap3A_1308, %swap3A_1309], %mul3A_1307 {strides = array<i32>} : memref<160x256xf32, #tpu.memory_space<vmem>>, vector<16xf32>,
      %get3A_1311 = arith.index_cast %add3A_1219 : i32 to index
      %get3A_1312 = arith.constant 208 : index
      %get3A_1313 = tpu.vector_load %arg9[%get3A_1311, %get3A_1312] {strides = array<i32>} : memref<160x256xf32, #tpu.memory_space<vmem>>, vector<16xf32>,
      %mul3A_1314 = arith.mulf %get3A_1313, %broadcast_in_dim3A_1215 : vector<16xf32>
      %swap3A_1315 = arith.index_cast %add3A_1219 : i32 to index
      %swap3A_1316 = arith.constant 208 : index
      %swap3A_1317 = tpu.vector_load %arg9[%swap3A_1315, %swap3A_1316] {strides = array<i32>} : memref<160x256xf32, #tpu.memory_space<vmem>>, vector<16xf32>,
      tpu.vector_store %arg9[%swap3A_1315, %swap3A_1316], %mul3A_1314 {strides = array<i32>} : memref<160x256xf32, #tpu.memory_space<vmem>>, vector<16xf32>,
      %get3A_1318 = arith.index_cast %add3A_1219 : i32 to index
      %get3A_1319 = arith.constant 224 : index
      %get3A_1320 = tpu.vector_load %arg9[%get3A_1318, %get3A_1319] {strides = array<i32>} : memref<160x256xf32, #tpu.memory_space<vmem>>, vector<16xf32>,
      %mul3A_1321 = arith.mulf %get3A_1320, %broadcast_in_dim3A_1215 : vector<16xf32>
      %swap3A_1322 = arith.index_cast %add3A_1219 : i32 to index
      %swap3A_1323 = arith.constant 224 : index
      %swap3A_1324 = tpu.vector_load %arg9[%swap3A_1322, %swap3A_1323] {strides = array<i32>} : memref<160x256xf32, #tpu.memory_space<vmem>>, vector<16xf32>,
      tpu.vector_store %arg9[%swap3A_1322, %swap3A_1323], %mul3A_1321 {strides = array<i32>} : memref<160x256xf32, #tpu.memory_space<vmem>>, vector<16xf32>,
      %get3A_1325 = arith.index_cast %add3A_1219 : i32 to index
      %get3A_1326 = arith.constant 240 : index
      %get3A_1327 = tpu.vector_load %arg9[%get3A_1325, %get3A_1326] {strides = array<i32>} : memref<160x256xf32, #tpu.memory_space<vmem>>, vector<16xf32>,
      %mul3A_1328 = arith.mulf %get3A_1327, %broadcast_in_dim3A_1215 : vector<16xf32>
      %swap3A_1329 = arith.index_cast %add3A_1219 : i32 to index
      %swap3A_1330 = arith.constant 240 : index
      %swap3A_1331 = tpu.vector_load %arg9[%swap3A_1329, %swap3A_1330] {strides = array<i32>} : memref<160x256xf32, #tpu.memory_space<vmem>>, vector<16xf32>,
      tpu.vector_store %arg9[%swap3A_1329, %swap3A_1330], %mul3A_1328 {strides = array<i32>} : memref<160x256xf32, #tpu.memory_space<vmem>>, vector<16xf32>,
      %slice3A_1332 = vector.extract_strided_slice %gather3A_617 {offsets = [6], sizes = [1], strides = [1]} : vector<16xf32> to vector<1xf32>
      %squeeze3A_1333 = vector.extract %slice3A_1332[0] : f32 from vector<1xf32>
      %broadcast_in_dim3A_1334 = vector.broadcast %squeeze3A_1333 : f32 to vector<16xf32>
      %mul3A_1335 = arith.constant 16 : i32
      %mul3A_1336 = arith.muli %scan3A_612, %mul3A_1335 : i32
      %add3A_1337 = arith.constant 6 : i32
      %add3A_1338 = arith.addi %mul3A_1336, %add3A_1337 : i32
      %get3A_1339 = arith.index_cast %add3A_1338 : i32 to index
      %get3A_1340 = arith.constant 0 : index
      %get3A_1341 = tpu.vector_load %arg9[%get3A_1339, %get3A_1340] {strides = array<i32>} : memref<160x256xf32, #tpu.memory_space<vmem>>, vector<16xf32>,
      %mul3A_1342 = arith.mulf %get3A_1341, %broadcast_in_dim3A_1334 : vector<16xf32>
      %swap3A_1343 = arith.index_cast %add3A_1338 : i32 to index
      %swap3A_1344 = arith.constant 0 : index
      %swap3A_1345 = tpu.vector_load %arg9[%swap3A_1343, %swap3A_1344] {strides = array<i32>} : memref<160x256xf32, #tpu.memory_space<vmem>>, vector<16xf32>,
      tpu.vector_store %arg9[%swap3A_1343, %swap3A_1344], %mul3A_1342 {strides = array<i32>} : memref<160x256xf32, #tpu.memory_space<vmem>>, vector<16xf32>,
      %get3A_1346 = arith.index_cast %add3A_1338 : i32 to index
      %get3A_1347 = arith.constant 16 : index
      %get3A_1348 = tpu.vector_load %arg9[%get3A_1346, %get3A_1347] {strides = array<i32>} : memref<160x256xf32, #tpu.memory_space<vmem>>, vector<16xf32>,
      %mul3A_1349 = arith.mulf %get3A_1348, %broadcast_in_dim3A_1334 : vector<16xf32>
      %swap3A_1350 = arith.index_cast %add3A_1338 : i32 to index
      %swap3A_1351 = arith.constant 16 : index
      %swap3A_1352 = tpu.vector_load %arg9[%swap3A_1350, %swap3A_1351] {strides = array<i32>} : memref<160x256xf32, #tpu.memory_space<vmem>>, vector<16xf32>,
      tpu.vector_store %arg9[%swap3A_1350, %swap3A_1351], %mul3A_1349 {strides = array<i32>} : memref<160x256xf32, #tpu.memory_space<vmem>>, vector<16xf32>,
      %get3A_1353 = arith.index_cast %add3A_1338 : i32 to index
      %get3A_1354 = arith.constant 32 : index
      %get3A_1355 = tpu.vector_load %arg9[%get3A_1353, %get3A_1354] {strides = array<i32>} : memref<160x256xf32, #tpu.memory_space<vmem>>, vector<16xf32>,
      %mul3A_1356 = arith.mulf %get3A_1355, %broadcast_in_dim3A_1334 : vector<16xf32>
      %swap3A_1357 = arith.index_cast %add3A_1338 : i32 to index
      %swap3A_1358 = arith.constant 32 : index
      %swap3A_1359 = tpu.vector_load %arg9[%swap3A_1357, %swap3A_1358] {strides = array<i32>} : memref<160x256xf32, #tpu.memory_space<vmem>>, vector<16xf32>,
      tpu.vector_store %arg9[%swap3A_1357, %swap3A_1358], %mul3A_1356 {strides = array<i32>} : memref<160x256xf32, #tpu.memory_space<vmem>>, vector<16xf32>,
      %get3A_1360 = arith.index_cast %add3A_1338 : i32 to index
      %get3A_1361 = arith.constant 48 : index
      %get3A_1362 = tpu.vector_load %arg9[%get3A_1360, %get3A_1361] {strides = array<i32>} : memref<160x256xf32, #tpu.memory_space<vmem>>, vector<16xf32>,
      %mul3A_1363 = arith.mulf %get3A_1362, %broadcast_in_dim3A_1334 : vector<16xf32>
      %swap3A_1364 = arith.index_cast %add3A_1338 : i32 to index
      %swap3A_1365 = arith.constant 48 : index
      %swap3A_1366 = tpu.vector_load %arg9[%swap3A_1364, %swap3A_1365] {strides = array<i32>} : memref<160x256xf32, #tpu.memory_space<vmem>>, vector<16xf32>,
      tpu.vector_store %arg9[%swap3A_1364, %swap3A_1365], %mul3A_1363 {strides = array<i32>} : memref<160x256xf32, #tpu.memory_space<vmem>>, vector<16xf32>,
      %get3A_1367 = arith.index_cast %add3A_1338 : i32 to index
      %get3A_1368 = arith.constant 64 : index
      %get3A_1369 = tpu.vector_load %arg9[%get3A_1367, %get3A_1368] {strides = array<i32>} : memref<160x256xf32, #tpu.memory_space<vmem>>, vector<16xf32>,
      %mul3A_1370 = arith.mulf %get3A_1369, %broadcast_in_dim3A_1334 : vector<16xf32>
      %swap3A_1371 = arith.index_cast %add3A_1338 : i32 to index
      %swap3A_1372 = arith.constant 64 : index
      %swap3A_1373 = tpu.vector_load %arg9[%swap3A_1371, %swap3A_1372] {strides = array<i32>} : memref<160x256xf32, #tpu.memory_space<vmem>>, vector<16xf32>,
      tpu.vector_store %arg9[%swap3A_1371, %swap3A_1372], %mul3A_1370 {strides = array<i32>} : memref<160x256xf32, #tpu.memory_space<vmem>>, vector<16xf32>,
      %get3A_1374 = arith.index_cast %add3A_1338 : i32 to index
      %get3A_1375 = arith.constant 80 : index
      %get3A_1376 = tpu.vector_load %arg9[%get3A_1374, %get3A_1375] {strides = array<i32>} : memref<160x256xf32, #tpu.memory_space<vmem>>, vector<16xf32>,
      %mul3A_1377 = arith.mulf %get3A_1376, %broadcast_in_dim3A_1334 : vector<16xf32>
      %swap3A_1378 = arith.index_cast %add3A_1338 : i32 to index
      %swap3A_1379 = arith.constant 80 : index
      %swap3A_1380 = tpu.vector_load %arg9[%swap3A_1378, %swap3A_1379] {strides = array<i32>} : memref<160x256xf32, #tpu.memory_space<vmem>>, vector<16xf32>,
      tpu.vector_store %arg9[%swap3A_1378, %swap3A_1379], %mul3A_1377 {strides = array<i32>} : memref<160x256xf32, #tpu.memory_space<vmem>>, vector<16xf32>,
      %get3A_1381 = arith.index_cast %add3A_1338 : i32 to index
      %get3A_1382 = arith.constant 96 : index
      %get3A_1383 = tpu.vector_load %arg9[%get3A_1381, %get3A_1382] {strides = array<i32>} : memref<160x256xf32, #tpu.memory_space<vmem>>, vector<16xf32>,
      %mul3A_1384 = arith.mulf %get3A_1383, %broadcast_in_dim3A_1334 : vector<16xf32>
      %swap3A_1385 = arith.index_cast %add3A_1338 : i32 to index
      %swap3A_1386 = arith.constant 96 : index
      %swap3A_1387 = tpu.vector_load %arg9[%swap3A_1385, %swap3A_1386] {strides = array<i32>} : memref<160x256xf32, #tpu.memory_space<vmem>>, vector<16xf32>,
      tpu.vector_store %arg9[%swap3A_1385, %swap3A_1386], %mul3A_1384 {strides = array<i32>} : memref<160x256xf32, #tpu.memory_space<vmem>>, vector<16xf32>,
      %get3A_1388 = arith.index_cast %add3A_1338 : i32 to index
      %get3A_1389 = arith.constant 112 : index
      %get3A_1390 = tpu.vector_load %arg9[%get3A_1388, %get3A_1389] {strides = array<i32>} : memref<160x256xf32, #tpu.memory_space<vmem>>, vector<16xf32>,
      %mul3A_1391 = arith.mulf %get3A_1390, %broadcast_in_dim3A_1334 : vector<16xf32>
      %swap3A_1392 = arith.index_cast %add3A_1338 : i32 to index
      %swap3A_1393 = arith.constant 112 : index
      %swap3A_1394 = tpu.vector_load %arg9[%swap3A_1392, %swap3A_1393] {strides = array<i32>} : memref<160x256xf32, #tpu.memory_space<vmem>>, vector<16xf32>,
      tpu.vector_store %arg9[%swap3A_1392, %swap3A_1393], %mul3A_1391 {strides = array<i32>} : memref<160x256xf32, #tpu.memory_space<vmem>>, vector<16xf32>,
      %get3A_1395 = arith.index_cast %add3A_1338 : i32 to index
      %get3A_1396 = arith.constant 128 : index
      %get3A_1397 = tpu.vector_load %arg9[%get3A_1395, %get3A_1396] {strides = array<i32>} : memref<160x256xf32, #tpu.memory_space<vmem>>, vector<16xf32>,
      %mul3A_1398 = arith.mulf %get3A_1397, %broadcast_in_dim3A_1334 : vector<16xf32>
      %swap3A_1399 = arith.index_cast %add3A_1338 : i32 to index
      %swap3A_1400 = arith.constant 128 : index
      %swap3A_1401 = tpu.vector_load %arg9[%swap3A_1399, %swap3A_1400] {strides = array<i32>} : memref<160x256xf32, #tpu.memory_space<vmem>>, vector<16xf32>,
      tpu.vector_store %arg9[%swap3A_1399, %swap3A_1400], %mul3A_1398 {strides = array<i32>} : memref<160x256xf32, #tpu.memory_space<vmem>>, vector<16xf32>,
      %get3A_1402 = arith.index_cast %add3A_1338 : i32 to index
      %get3A_1403 = arith.constant 144 : index
      %get3A_1404 = tpu.vector_load %arg9[%get3A_1402, %get3A_1403] {strides = array<i32>} : memref<160x256xf32, #tpu.memory_space<vmem>>, vector<16xf32>,
      %mul3A_1405 = arith.mulf %get3A_1404, %broadcast_in_dim3A_1334 : vector<16xf32>
      %swap3A_1406 = arith.index_cast %add3A_1338 : i32 to index
      %swap3A_1407 = arith.constant 144 : index
      %swap3A_1408 = tpu.vector_load %arg9[%swap3A_1406, %swap3A_1407] {strides = array<i32>} : memref<160x256xf32, #tpu.memory_space<vmem>>, vector<16xf32>,
      tpu.vector_store %arg9[%swap3A_1406, %swap3A_1407], %mul3A_1405 {strides = array<i32>} : memref<160x256xf32, #tpu.memory_space<vmem>>, vector<16xf32>,
      %get3A_1409 = arith.index_cast %add3A_1338 : i32 to index
      %get3A_1410 = arith.constant 160 : index
      %get3A_1411 = tpu.vector_load %arg9[%get3A_1409, %get3A_1410] {strides = array<i32>} : memref<160x256xf32, #tpu.memory_space<vmem>>, vector<16xf32>,
      %mul3A_1412 = arith.mulf %get3A_1411, %broadcast_in_dim3A_1334 : vector<16xf32>
      %swap3A_1413 = arith.index_cast %add3A_1338 : i32 to index
      %swap3A_1414 = arith.constant 160 : index
      %swap3A_1415 = tpu.vector_load %arg9[%swap3A_1413, %swap3A_1414] {strides = array<i32>} : memref<160x256xf32, #tpu.memory_space<vmem>>, vector<16xf32>,
      tpu.vector_store %arg9[%swap3A_1413, %swap3A_1414], %mul3A_1412 {strides = array<i32>} : memref<160x256xf32, #tpu.memory_space<vmem>>, vector<16xf32>,
      %get3A_1416 = arith.index_cast %add3A_1338 : i32 to index
      %get3A_1417 = arith.constant 176 : index
      %get3A_1418 = tpu.vector_load %arg9[%get3A_1416, %get3A_1417] {strides = array<i32>} : memref<160x256xf32, #tpu.memory_space<vmem>>, vector<16xf32>,
      %mul3A_1419 = arith.mulf %get3A_1418, %broadcast_in_dim3A_1334 : vector<16xf32>
      %swap3A_1420 = arith.index_cast %add3A_1338 : i32 to index
      %swap3A_1421 = arith.constant 176 : index
      %swap3A_1422 = tpu.vector_load %arg9[%swap3A_1420, %swap3A_1421] {strides = array<i32>} : memref<160x256xf32, #tpu.memory_space<vmem>>, vector<16xf32>,
      tpu.vector_store %arg9[%swap3A_1420, %swap3A_1421], %mul3A_1419 {strides = array<i32>} : memref<160x256xf32, #tpu.memory_space<vmem>>, vector<16xf32>,
      %get3A_1423 = arith.index_cast %add3A_1338 : i32 to index
      %get3A_1424 = arith.constant 192 : index
      %get3A_1425 = tpu.vector_load %arg9[%get3A_1423, %get3A_1424] {strides = array<i32>} : memref<160x256xf32, #tpu.memory_space<vmem>>, vector<16xf32>,
      %mul3A_1426 = arith.mulf %get3A_1425, %broadcast_in_dim3A_1334 : vector<16xf32>
      %swap3A_1427 = arith.index_cast %add3A_1338 : i32 to index
      %swap3A_1428 = arith.constant 192 : index
      %swap3A_1429 = tpu.vector_load %arg9[%swap3A_1427, %swap3A_1428] {strides = array<i32>} : memref<160x256xf32, #tpu.memory_space<vmem>>, vector<16xf32>,
      tpu.vector_store %arg9[%swap3A_1427, %swap3A_1428], %mul3A_1426 {strides = array<i32>} : memref<160x256xf32, #tpu.memory_space<vmem>>, vector<16xf32>,
      %get3A_1430 = arith.index_cast %add3A_1338 : i32 to index
      %get3A_1431 = arith.constant 208 : index
      %get3A_1432 = tpu.vector_load %arg9[%get3A_1430, %get3A_1431] {strides = array<i32>} : memref<160x256xf32, #tpu.memory_space<vmem>>, vector<16xf32>,
      %mul3A_1433 = arith.mulf %get3A_1432, %broadcast_in_dim3A_1334 : vector<16xf32>
      %swap3A_1434 = arith.index_cast %add3A_1338 : i32 to index
      %swap3A_1435 = arith.constant 208 : index
      %swap3A_1436 = tpu.vector_load %arg9[%swap3A_1434, %swap3A_1435] {strides = array<i32>} : memref<160x256xf32, #tpu.memory_space<vmem>>, vector<16xf32>,
      tpu.vector_store %arg9[%swap3A_1434, %swap3A_1435], %mul3A_1433 {strides = array<i32>} : memref<160x256xf32, #tpu.memory_space<vmem>>, vector<16xf32>,
      %get3A_1437 = arith.index_cast %add3A_1338 : i32 to index
      %get3A_1438 = arith.constant 224 : index
      %get3A_1439 = tpu.vector_load %arg9[%get3A_1437, %get3A_1438] {strides = array<i32>} : memref<160x256xf32, #tpu.memory_space<vmem>>, vector<16xf32>,
      %mul3A_1440 = arith.mulf %get3A_1439, %broadcast_in_dim3A_1334 : vector<16xf32>
      %swap3A_1441 = arith.index_cast %add3A_1338 : i32 to index
      %swap3A_1442 = arith.constant 224 : index
      %swap3A_1443 = tpu.vector_load %arg9[%swap3A_1441, %swap3A_1442] {strides = array<i32>} : memref<160x256xf32, #tpu.memory_space<vmem>>, vector<16xf32>,
      tpu.vector_store %arg9[%swap3A_1441, %swap3A_1442], %mul3A_1440 {strides = array<i32>} : memref<160x256xf32, #tpu.memory_space<vmem>>, vector<16xf32>,
      %get3A_1444 = arith.index_cast %add3A_1338 : i32 to index
      %get3A_1445 = arith.constant 240 : index
      %get3A_1446 = tpu.vector_load %arg9[%get3A_1444, %get3A_1445] {strides = array<i32>} : memref<160x256xf32, #tpu.memory_space<vmem>>, vector<16xf32>,
      %mul3A_1447 = arith.mulf %get3A_1446, %broadcast_in_dim3A_1334 : vector<16xf32>
      %swap3A_1448 = arith.index_cast %add3A_1338 : i32 to index
      %swap3A_1449 = arith.constant 240 : index
      %swap3A_1450 = tpu.vector_load %arg9[%swap3A_1448, %swap3A_1449] {strides = array<i32>} : memref<160x256xf32, #tpu.memory_space<vmem>>, vector<16xf32>,
      tpu.vector_store %arg9[%swap3A_1448, %swap3A_1449], %mul3A_1447 {strides = array<i32>} : memref<160x256xf32, #tpu.memory_space<vmem>>, vector<16xf32>,
      %slice3A_1451 = vector.extract_strided_slice %gather3A_617 {offsets = [7], sizes = [1], strides = [1]} : vector<16xf32> to vector<1xf32>
      %squeeze3A_1452 = vector.extract %slice3A_1451[0] : f32 from vector<1xf32>
      %broadcast_in_dim3A_1453 = vector.broadcast %squeeze3A_1452 : f32 to vector<16xf32>
      %mul3A_1454 = arith.constant 16 : i32
      %mul3A_1455 = arith.muli %scan3A_612, %mul3A_1454 : i32
      %add3A_1456 = arith.constant 7 : i32
      %add3A_1457 = arith.addi %mul3A_1455, %add3A_1456 : i32
      %get3A_1458 = arith.index_cast %add3A_1457 : i32 to index
      %get3A_1459 = arith.constant 0 : index
      %get3A_1460 = tpu.vector_load %arg9[%get3A_1458, %get3A_1459] {strides = array<i32>} : memref<160x256xf32, #tpu.memory_space<vmem>>, vector<16xf32>,
      %mul3A_1461 = arith.mulf %get3A_1460, %broadcast_in_dim3A_1453 : vector<16xf32>
      %swap3A_1462 = arith.index_cast %add3A_1457 : i32 to index
      %swap3A_1463 = arith.constant 0 : index
      %swap3A_1464 = tpu.vector_load %arg9[%swap3A_1462, %swap3A_1463] {strides = array<i32>} : memref<160x256xf32, #tpu.memory_space<vmem>>, vector<16xf32>,
      tpu.vector_store %arg9[%swap3A_1462, %swap3A_1463], %mul3A_1461 {strides = array<i32>} : memref<160x256xf32, #tpu.memory_space<vmem>>, vector<16xf32>,
      %get3A_1465 = arith.index_cast %add3A_1457 : i32 to index
      %get3A_1466 = arith.constant 16 : index
      %get3A_1467 = tpu.vector_load %arg9[%get3A_1465, %get3A_1466] {strides = array<i32>} : memref<160x256xf32, #tpu.memory_space<vmem>>, vector<16xf32>,
      %mul3A_1468 = arith.mulf %get3A_1467, %broadcast_in_dim3A_1453 : vector<16xf32>
      %swap3A_1469 = arith.index_cast %add3A_1457 : i32 to index
      %swap3A_1470 = arith.constant 16 : index
      %swap3A_1471 = tpu.vector_load %arg9[%swap3A_1469, %swap3A_1470] {strides = array<i32>} : memref<160x256xf32, #tpu.memory_space<vmem>>, vector<16xf32>,
      tpu.vector_store %arg9[%swap3A_1469, %swap3A_1470], %mul3A_1468 {strides = array<i32>} : memref<160x256xf32, #tpu.memory_space<vmem>>, vector<16xf32>,
      %get3A_1472 = arith.index_cast %add3A_1457 : i32 to index
      %get3A_1473 = arith.constant 32 : index
      %get3A_1474 = tpu.vector_load %arg9[%get3A_1472, %get3A_1473] {strides = array<i32>} : memref<160x256xf32, #tpu.memory_space<vmem>>, vector<16xf32>,
      %mul3A_1475 = arith.mulf %get3A_1474, %broadcast_in_dim3A_1453 : vector<16xf32>
      %swap3A_1476 = arith.index_cast %add3A_1457 : i32 to index
      %swap3A_1477 = arith.constant 32 : index
      %swap3A_1478 = tpu.vector_load %arg9[%swap3A_1476, %swap3A_1477] {strides = array<i32>} : memref<160x256xf32, #tpu.memory_space<vmem>>, vector<16xf32>,
      tpu.vector_store %arg9[%swap3A_1476, %swap3A_1477], %mul3A_1475 {strides = array<i32>} : memref<160x256xf32, #tpu.memory_space<vmem>>, vector<16xf32>,
      %get3A_1479 = arith.index_cast %add3A_1457 : i32 to index
      %get3A_1480 = arith.constant 48 : index
      %get3A_1481 = tpu.vector_load %arg9[%get3A_1479, %get3A_1480] {strides = array<i32>} : memref<160x256xf32, #tpu.memory_space<vmem>>, vector<16xf32>,
      %mul3A_1482 = arith.mulf %get3A_1481, %broadcast_in_dim3A_1453 : vector<16xf32>
      %swap3A_1483 = arith.index_cast %add3A_1457 : i32 to index
      %swap3A_1484 = arith.constant 48 : index
      %swap3A_1485 = tpu.vector_load %arg9[%swap3A_1483, %swap3A_1484] {strides = array<i32>} : memref<160x256xf32, #tpu.memory_space<vmem>>, vector<16xf32>,
      tpu.vector_store %arg9[%swap3A_1483, %swap3A_1484], %mul3A_1482 {strides = array<i32>} : memref<160x256xf32, #tpu.memory_space<vmem>>, vector<16xf32>,
      %get3A_1486 = arith.index_cast %add3A_1457 : i32 to index
      %get3A_1487 = arith.constant 64 : index
      %get3A_1488 = tpu.vector_load %arg9[%get3A_1486, %get3A_1487] {strides = array<i32>} : memref<160x256xf32, #tpu.memory_space<vmem>>, vector<16xf32>,
      %mul3A_1489 = arith.mulf %get3A_1488, %broadcast_in_dim3A_1453 : vector<16xf32>
      %swap3A_1490 = arith.index_cast %add3A_1457 : i32 to index
      %swap3A_1491 = arith.constant 64 : index
      %swap3A_1492 = tpu.vector_load %arg9[%swap3A_1490, %swap3A_1491] {strides = array<i32>} : memref<160x256xf32, #tpu.memory_space<vmem>>, vector<16xf32>,
      tpu.vector_store %arg9[%swap3A_1490, %swap3A_1491], %mul3A_1489 {strides = array<i32>} : memref<160x256xf32, #tpu.memory_space<vmem>>, vector<16xf32>,
      %get3A_1493 = arith.index_cast %add3A_1457 : i32 to index
      %get3A_1494 = arith.constant 80 : index
      %get3A_1495 = tpu.vector_load %arg9[%get3A_1493, %get3A_1494] {strides = array<i32>} : memref<160x256xf32, #tpu.memory_space<vmem>>, vector<16xf32>,
      %mul3A_1496 = arith.mulf %get3A_1495, %broadcast_in_dim3A_1453 : vector<16xf32>
      %swap3A_1497 = arith.index_cast %add3A_1457 : i32 to index
      %swap3A_1498 = arith.constant 80 : index
      %swap3A_1499 = tpu.vector_load %arg9[%swap3A_1497, %swap3A_1498] {strides = array<i32>} : memref<160x256xf32, #tpu.memory_space<vmem>>, vector<16xf32>,
      tpu.vector_store %arg9[%swap3A_1497, %swap3A_1498], %mul3A_1496 {strides = array<i32>} : memref<160x256xf32, #tpu.memory_space<vmem>>, vector<16xf32>,
      %get3A_1500 = arith.index_cast %add3A_1457 : i32 to index
      %get3A_1501 = arith.constant 96 : index
      %get3A_1502 = tpu.vector_load %arg9[%get3A_1500, %get3A_1501] {strides = array<i32>} : memref<160x256xf32, #tpu.memory_space<vmem>>, vector<16xf32>,
      %mul3A_1503 = arith.mulf %get3A_1502, %broadcast_in_dim3A_1453 : vector<16xf32>
      %swap3A_1504 = arith.index_cast %add3A_1457 : i32 to index
      %swap3A_1505 = arith.constant 96 : index
      %swap3A_1506 = tpu.vector_load %arg9[%swap3A_1504, %swap3A_1505] {strides = array<i32>} : memref<160x256xf32, #tpu.memory_space<vmem>>, vector<16xf32>,
      tpu.vector_store %arg9[%swap3A_1504, %swap3A_1505], %mul3A_1503 {strides = array<i32>} : memref<160x256xf32, #tpu.memory_space<vmem>>, vector<16xf32>,
      %get3A_1507 = arith.index_cast %add3A_1457 : i32 to index
      %get3A_1508 = arith.constant 112 : index
      %get3A_1509 = tpu.vector_load %arg9[%get3A_1507, %get3A_1508] {strides = array<i32>} : memref<160x256xf32, #tpu.memory_space<vmem>>, vector<16xf32>,
      %mul3A_1510 = arith.mulf %get3A_1509, %broadcast_in_dim3A_1453 : vector<16xf32>
      %swap3A_1511 = arith.index_cast %add3A_1457 : i32 to index
      %swap3A_1512 = arith.constant 112 : index
      %swap3A_1513 = tpu.vector_load %arg9[%swap3A_1511, %swap3A_1512] {strides = array<i32>} : memref<160x256xf32, #tpu.memory_space<vmem>>, vector<16xf32>,
      tpu.vector_store %arg9[%swap3A_1511, %swap3A_1512], %mul3A_1510 {strides = array<i32>} : memref<160x256xf32, #tpu.memory_space<vmem>>, vector<16xf32>,
      %get3A_1514 = arith.index_cast %add3A_1457 : i32 to index
      %get3A_1515 = arith.constant 128 : index
      %get3A_1516 = tpu.vector_load %arg9[%get3A_1514, %get3A_1515] {strides = array<i32>} : memref<160x256xf32, #tpu.memory_space<vmem>>, vector<16xf32>,
      %mul3A_1517 = arith.mulf %get3A_1516, %broadcast_in_dim3A_1453 : vector<16xf32>
      %swap3A_1518 = arith.index_cast %add3A_1457 : i32 to index
      %swap3A_1519 = arith.constant 128 : index
      %swap3A_1520 = tpu.vector_load %arg9[%swap3A_1518, %swap3A_1519] {strides = array<i32>} : memref<160x256xf32, #tpu.memory_space<vmem>>, vector<16xf32>,
      tpu.vector_store %arg9[%swap3A_1518, %swap3A_1519], %mul3A_1517 {strides = array<i32>} : memref<160x256xf32, #tpu.memory_space<vmem>>, vector<16xf32>,
      %get3A_1521 = arith.index_cast %add3A_1457 : i32 to index
      %get3A_1522 = arith.constant 144 : index
      %get3A_1523 = tpu.vector_load %arg9[%get3A_1521, %get3A_1522] {strides = array<i32>} : memref<160x256xf32, #tpu.memory_space<vmem>>, vector<16xf32>,
      %mul3A_1524 = arith.mulf %get3A_1523, %broadcast_in_dim3A_1453 : vector<16xf32>
      %swap3A_1525 = arith.index_cast %add3A_1457 : i32 to index
      %swap3A_1526 = arith.constant 144 : index
      %swap3A_1527 = tpu.vector_load %arg9[%swap3A_1525, %swap3A_1526] {strides = array<i32>} : memref<160x256xf32, #tpu.memory_space<vmem>>, vector<16xf32>,
      tpu.vector_store %arg9[%swap3A_1525, %swap3A_1526], %mul3A_1524 {strides = array<i32>} : memref<160x256xf32, #tpu.memory_space<vmem>>, vector<16xf32>,
      %get3A_1528 = arith.index_cast %add3A_1457 : i32 to index
      %get3A_1529 = arith.constant 160 : index
      %get3A_1530 = tpu.vector_load %arg9[%get3A_1528, %get3A_1529] {strides = array<i32>} : memref<160x256xf32, #tpu.memory_space<vmem>>, vector<16xf32>,
      %mul3A_1531 = arith.mulf %get3A_1530, %broadcast_in_dim3A_1453 : vector<16xf32>
      %swap3A_1532 = arith.index_cast %add3A_1457 : i32 to index
      %swap3A_1533 = arith.constant 160 : index
      %swap3A_1534 = tpu.vector_load %arg9[%swap3A_1532, %swap3A_1533] {strides = array<i32>} : memref<160x256xf32, #tpu.memory_space<vmem>>, vector<16xf32>,
      tpu.vector_store %arg9[%swap3A_1532, %swap3A_1533], %mul3A_1531 {strides = array<i32>} : memref<160x256xf32, #tpu.memory_space<vmem>>, vector<16xf32>,
      %get3A_1535 = arith.index_cast %add3A_1457 : i32 to index
      %get3A_1536 = arith.constant 176 : index
      %get3A_1537 = tpu.vector_load %arg9[%get3A_1535, %get3A_1536] {strides = array<i32>} : memref<160x256xf32, #tpu.memory_space<vmem>>, vector<16xf32>,
      %mul3A_1538 = arith.mulf %get3A_1537, %broadcast_in_dim3A_1453 : vector<16xf32>
      %swap3A_1539 = arith.index_cast %add3A_1457 : i32 to index
      %swap3A_1540 = arith.constant 176 : index
      %swap3A_1541 = tpu.vector_load %arg9[%swap3A_1539, %swap3A_1540] {strides = array<i32>} : memref<160x256xf32, #tpu.memory_space<vmem>>, vector<16xf32>,
      tpu.vector_store %arg9[%swap3A_1539, %swap3A_1540], %mul3A_1538 {strides = array<i32>} : memref<160x256xf32, #tpu.memory_space<vmem>>, vector<16xf32>,
      %get3A_1542 = arith.index_cast %add3A_1457 : i32 to index
      %get3A_1543 = arith.constant 192 : index
      %get3A_1544 = tpu.vector_load %arg9[%get3A_1542, %get3A_1543] {strides = array<i32>} : memref<160x256xf32, #tpu.memory_space<vmem>>, vector<16xf32>,
      %mul3A_1545 = arith.mulf %get3A_1544, %broadcast_in_dim3A_1453 : vector<16xf32>
      %swap3A_1546 = arith.index_cast %add3A_1457 : i32 to index
      %swap3A_1547 = arith.constant 192 : index
      %swap3A_1548 = tpu.vector_load %arg9[%swap3A_1546, %swap3A_1547] {strides = array<i32>} : memref<160x256xf32, #tpu.memory_space<vmem>>, vector<16xf32>,
      tpu.vector_store %arg9[%swap3A_1546, %swap3A_1547], %mul3A_1545 {strides = array<i32>} : memref<160x256xf32, #tpu.memory_space<vmem>>, vector<16xf32>,
      %get3A_1549 = arith.index_cast %add3A_1457 : i32 to index
      %get3A_1550 = arith.constant 208 : index
      %get3A_1551 = tpu.vector_load %arg9[%get3A_1549, %get3A_1550] {strides = array<i32>} : memref<160x256xf32, #tpu.memory_space<vmem>>, vector<16xf32>,
      %mul3A_1552 = arith.mulf %get3A_1551, %broadcast_in_dim3A_1453 : vector<16xf32>
      %swap3A_1553 = arith.index_cast %add3A_1457 : i32 to index
      %swap3A_1554 = arith.constant 208 : index
      %swap3A_1555 = tpu.vector_load %arg9[%swap3A_1553, %swap3A_1554] {strides = array<i32>} : memref<160x256xf32, #tpu.memory_space<vmem>>, vector<16xf32>,
      tpu.vector_store %arg9[%swap3A_1553, %swap3A_1554], %mul3A_1552 {strides = array<i32>} : memref<160x256xf32, #tpu.memory_space<vmem>>, vector<16xf32>,
      %get3A_1556 = arith.index_cast %add3A_1457 : i32 to index
      %get3A_1557 = arith.constant 224 : index
      %get3A_1558 = tpu.vector_load %arg9[%get3A_1556, %get3A_1557] {strides = array<i32>} : memref<160x256xf32, #tpu.memory_space<vmem>>, vector<16xf32>,
      %mul3A_1559 = arith.mulf %get3A_1558, %broadcast_in_dim3A_1453 : vector<16xf32>
      %swap3A_1560 = arith.index_cast %add3A_1457 : i32 to index
      %swap3A_1561 = arith.constant 224 : index
      %swap3A_1562 = tpu.vector_load %arg9[%swap3A_1560, %swap3A_1561] {strides = array<i32>} : memref<160x256xf32, #tpu.memory_space<vmem>>, vector<16xf32>,
      tpu.vector_store %arg9[%swap3A_1560, %swap3A_1561], %mul3A_1559 {strides = array<i32>} : memref<160x256xf32, #tpu.memory_space<vmem>>, vector<16xf32>,
      %get3A_1563 = arith.index_cast %add3A_1457 : i32 to index
      %get3A_1564 = arith.constant 240 : index
      %get3A_1565 = tpu.vector_load %arg9[%get3A_1563, %get3A_1564] {strides = array<i32>} : memref<160x256xf32, #tpu.memory_space<vmem>>, vector<16xf32>,
      %mul3A_1566 = arith.mulf %get3A_1565, %broadcast_in_dim3A_1453 : vector<16xf32>
      %swap3A_1567 = arith.index_cast %add3A_1457 : i32 to index
      %swap3A_1568 = arith.constant 240 : index
      %swap3A_1569 = tpu.vector_load %arg9[%swap3A_1567, %swap3A_1568] {strides = array<i32>} : memref<160x256xf32, #tpu.memory_space<vmem>>, vector<16xf32>,
      tpu.vector_store %arg9[%swap3A_1567, %swap3A_1568], %mul3A_1566 {strides = array<i32>} : memref<160x256xf32, #tpu.memory_space<vmem>>, vector<16xf32>,
      %slice3A_1570 = vector.extract_strided_slice %gather3A_617 {offsets = [8], sizes = [1], strides = [1]} : vector<16xf32> to vector<1xf32>
      %squeeze3A_1571 = vector.extract %slice3A_1570[0] : f32 from vector<1xf32>
      %broadcast_in_dim3A_1572 = vector.broadcast %squeeze3A_1571 : f32 to vector<16xf32>
      %mul3A_1573 = arith.constant 16 : i32
      %mul3A_1574 = arith.muli %scan3A_612, %mul3A_1573 : i32
      %add3A_1575 = arith.constant 8 : i32
      %add3A_1576 = arith.addi %mul3A_1574, %add3A_1575 : i32
      %get3A_1577 = arith.index_cast %add3A_1576 : i32 to index
      %get3A_1578 = arith.constant 0 : index
      %get3A_1579 = tpu.vector_load %arg9[%get3A_1577, %get3A_1578] {strides = array<i32>} : memref<160x256xf32, #tpu.memory_space<vmem>>, vector<16xf32>,
      %mul3A_1580 = arith.mulf %get3A_1579, %broadcast_in_dim3A_1572 : vector<16xf32>
      %swap3A_1581 = arith.index_cast %add3A_1576 : i32 to index
      %swap3A_1582 = arith.constant 0 : index
      %swap3A_1583 = tpu.vector_load %arg9[%swap3A_1581, %swap3A_1582] {strides = array<i32>} : memref<160x256xf32, #tpu.memory_space<vmem>>, vector<16xf32>,
      tpu.vector_store %arg9[%swap3A_1581, %swap3A_1582], %mul3A_1580 {strides = array<i32>} : memref<160x256xf32, #tpu.memory_space<vmem>>, vector<16xf32>,
      %get3A_1584 = arith.index_cast %add3A_1576 : i32 to index
      %get3A_1585 = arith.constant 16 : index
      %get3A_1586 = tpu.vector_load %arg9[%get3A_1584, %get3A_1585] {strides = array<i32>} : memref<160x256xf32, #tpu.memory_space<vmem>>, vector<16xf32>,
      %mul3A_1587 = arith.mulf %get3A_1586, %broadcast_in_dim3A_1572 : vector<16xf32>
      %swap3A_1588 = arith.index_cast %add3A_1576 : i32 to index
      %swap3A_1589 = arith.constant 16 : index
      %swap3A_1590 = tpu.vector_load %arg9[%swap3A_1588, %swap3A_1589] {strides = array<i32>} : memref<160x256xf32, #tpu.memory_space<vmem>>, vector<16xf32>,
      tpu.vector_store %arg9[%swap3A_1588, %swap3A_1589], %mul3A_1587 {strides = array<i32>} : memref<160x256xf32, #tpu.memory_space<vmem>>, vector<16xf32>,
      %get3A_1591 = arith.index_cast %add3A_1576 : i32 to index
      %get3A_1592 = arith.constant 32 : index
      %get3A_1593 = tpu.vector_load %arg9[%get3A_1591, %get3A_1592] {strides = array<i32>} : memref<160x256xf32, #tpu.memory_space<vmem>>, vector<16xf32>,
      %mul3A_1594 = arith.mulf %get3A_1593, %broadcast_in_dim3A_1572 : vector<16xf32>
      %swap3A_1595 = arith.index_cast %add3A_1576 : i32 to index
      %swap3A_1596 = arith.constant 32 : index
      %swap3A_1597 = tpu.vector_load %arg9[%swap3A_1595, %swap3A_1596] {strides = array<i32>} : memref<160x256xf32, #tpu.memory_space<vmem>>, vector<16xf32>,
      tpu.vector_store %arg9[%swap3A_1595, %swap3A_1596], %mul3A_1594 {strides = array<i32>} : memref<160x256xf32, #tpu.memory_space<vmem>>, vector<16xf32>,
      %get3A_1598 = arith.index_cast %add3A_1576 : i32 to index
      %get3A_1599 = arith.constant 48 : index
      %get3A_1600 = tpu.vector_load %arg9[%get3A_1598, %get3A_1599] {strides = array<i32>} : memref<160x256xf32, #tpu.memory_space<vmem>>, vector<16xf32>,
      %mul3A_1601 = arith.mulf %get3A_1600, %broadcast_in_dim3A_1572 : vector<16xf32>
      %swap3A_1602 = arith.index_cast %add3A_1576 : i32 to index
      %swap3A_1603 = arith.constant 48 : index
      %swap3A_1604 = tpu.vector_load %arg9[%swap3A_1602, %swap3A_1603] {strides = array<i32>} : memref<160x256xf32, #tpu.memory_space<vmem>>, vector<16xf32>,
      tpu.vector_store %arg9[%swap3A_1602, %swap3A_1603], %mul3A_1601 {strides = array<i32>} : memref<160x256xf32, #tpu.memory_space<vmem>>, vector<16xf32>,
      %get3A_1605 = arith.index_cast %add3A_1576 : i32 to index
      %get3A_1606 = arith.constant 64 : index
      %get3A_1607 = tpu.vector_load %arg9[%get3A_1605, %get3A_1606] {strides = array<i32>} : memref<160x256xf32, #tpu.memory_space<vmem>>, vector<16xf32>,
      %mul3A_1608 = arith.mulf %get3A_1607, %broadcast_in_dim3A_1572 : vector<16xf32>
      %swap3A_1609 = arith.index_cast %add3A_1576 : i32 to index
      %swap3A_1610 = arith.constant 64 : index
      %swap3A_1611 = tpu.vector_load %arg9[%swap3A_1609, %swap3A_1610] {strides = array<i32>} : memref<160x256xf32, #tpu.memory_space<vmem>>, vector<16xf32>,
      tpu.vector_store %arg9[%swap3A_1609, %swap3A_1610], %mul3A_1608 {strides = array<i32>} : memref<160x256xf32, #tpu.memory_space<vmem>>, vector<16xf32>,
      %get3A_1612 = arith.index_cast %add3A_1576 : i32 to index
      %get3A_1613 = arith.constant 80 : index
      %get3A_1614 = tpu.vector_load %arg9[%get3A_1612, %get3A_1613] {strides = array<i32>} : memref<160x256xf32, #tpu.memory_space<vmem>>, vector<16xf32>,
      %mul3A_1615 = arith.mulf %get3A_1614, %broadcast_in_dim3A_1572 : vector<16xf32>
      %swap3A_1616 = arith.index_cast %add3A_1576 : i32 to index
      %swap3A_1617 = arith.constant 80 : index
      %swap3A_1618 = tpu.vector_load %arg9[%swap3A_1616, %swap3A_1617] {strides = array<i32>} : memref<160x256xf32, #tpu.memory_space<vmem>>, vector<16xf32>,
      tpu.vector_store %arg9[%swap3A_1616, %swap3A_1617], %mul3A_1615 {strides = array<i32>} : memref<160x256xf32, #tpu.memory_space<vmem>>, vector<16xf32>,
      %get3A_1619 = arith.index_cast %add3A_1576 : i32 to index
      %get3A_1620 = arith.constant 96 : index
      %get3A_1621 = tpu.vector_load %arg9[%get3A_1619, %get3A_1620] {strides = array<i32>} : memref<160x256xf32, #tpu.memory_space<vmem>>, vector<16xf32>,
      %mul3A_1622 = arith.mulf %get3A_1621, %broadcast_in_dim3A_1572 : vector<16xf32>
      %swap3A_1623 = arith.index_cast %add3A_1576 : i32 to index
      %swap3A_1624 = arith.constant 96 : index
      %swap3A_1625 = tpu.vector_load %arg9[%swap3A_1623, %swap3A_1624] {strides = array<i32>} : memref<160x256xf32, #tpu.memory_space<vmem>>, vector<16xf32>,
      tpu.vector_store %arg9[%swap3A_1623, %swap3A_1624], %mul3A_1622 {strides = array<i32>} : memref<160x256xf32, #tpu.memory_space<vmem>>, vector<16xf32>,
      %get3A_1626 = arith.index_cast %add3A_1576 : i32 to index
      %get3A_1627 = arith.constant 112 : index
      %get3A_1628 = tpu.vector_load %arg9[%get3A_1626, %get3A_1627] {strides = array<i32>} : memref<160x256xf32, #tpu.memory_space<vmem>>, vector<16xf32>,
      %mul3A_1629 = arith.mulf %get3A_1628, %broadcast_in_dim3A_1572 : vector<16xf32>
      %swap3A_1630 = arith.index_cast %add3A_1576 : i32 to index
      %swap3A_1631 = arith.constant 112 : index
      %swap3A_1632 = tpu.vector_load %arg9[%swap3A_1630, %swap3A_1631] {strides = array<i32>} : memref<160x256xf32, #tpu.memory_space<vmem>>, vector<16xf32>,
      tpu.vector_store %arg9[%swap3A_1630, %swap3A_1631], %mul3A_1629 {strides = array<i32>} : memref<160x256xf32, #tpu.memory_space<vmem>>, vector<16xf32>,
      %get3A_1633 = arith.index_cast %add3A_1576 : i32 to index
      %get3A_1634 = arith.constant 128 : index
      %get3A_1635 = tpu.vector_load %arg9[%get3A_1633, %get3A_1634] {strides = array<i32>} : memref<160x256xf32, #tpu.memory_space<vmem>>, vector<16xf32>,
      %mul3A_1636 = arith.mulf %get3A_1635, %broadcast_in_dim3A_1572 : vector<16xf32>
      %swap3A_1637 = arith.index_cast %add3A_1576 : i32 to index
      %swap3A_1638 = arith.constant 128 : index
      %swap3A_1639 = tpu.vector_load %arg9[%swap3A_1637, %swap3A_1638] {strides = array<i32>} : memref<160x256xf32, #tpu.memory_space<vmem>>, vector<16xf32>,
      tpu.vector_store %arg9[%swap3A_1637, %swap3A_1638], %mul3A_1636 {strides = array<i32>} : memref<160x256xf32, #tpu.memory_space<vmem>>, vector<16xf32>,
      %get3A_1640 = arith.index_cast %add3A_1576 : i32 to index
      %get3A_1641 = arith.constant 144 : index
      %get3A_1642 = tpu.vector_load %arg9[%get3A_1640, %get3A_1641] {strides = array<i32>} : memref<160x256xf32, #tpu.memory_space<vmem>>, vector<16xf32>,
      %mul3A_1643 = arith.mulf %get3A_1642, %broadcast_in_dim3A_1572 : vector<16xf32>
      %swap3A_1644 = arith.index_cast %add3A_1576 : i32 to index
      %swap3A_1645 = arith.constant 144 : index
      %swap3A_1646 = tpu.vector_load %arg9[%swap3A_1644, %swap3A_1645] {strides = array<i32>} : memref<160x256xf32, #tpu.memory_space<vmem>>, vector<16xf32>,
      tpu.vector_store %arg9[%swap3A_1644, %swap3A_1645], %mul3A_1643 {strides = array<i32>} : memref<160x256xf32, #tpu.memory_space<vmem>>, vector<16xf32>,
      %get3A_1647 = arith.index_cast %add3A_1576 : i32 to index
      %get3A_1648 = arith.constant 160 : index
      %get3A_1649 = tpu.vector_load %arg9[%get3A_1647, %get3A_1648] {strides = array<i32>} : memref<160x256xf32, #tpu.memory_space<vmem>>, vector<16xf32>,
      %mul3A_1650 = arith.mulf %get3A_1649, %broadcast_in_dim3A_1572 : vector<16xf32>
      %swap3A_1651 = arith.index_cast %add3A_1576 : i32 to index
      %swap3A_1652 = arith.constant 160 : index
      %swap3A_1653 = tpu.vector_load %arg9[%swap3A_1651, %swap3A_1652] {strides = array<i32>} : memref<160x256xf32, #tpu.memory_space<vmem>>, vector<16xf32>,
      tpu.vector_store %arg9[%swap3A_1651, %swap3A_1652], %mul3A_1650 {strides = array<i32>} : memref<160x256xf32, #tpu.memory_space<vmem>>, vector<16xf32>,
      %get3A_1654 = arith.index_cast %add3A_1576 : i32 to index
      %get3A_1655 = arith.constant 176 : index
      %get3A_1656 = tpu.vector_load %arg9[%get3A_1654, %get3A_1655] {strides = array<i32>} : memref<160x256xf32, #tpu.memory_space<vmem>>, vector<16xf32>,
      %mul3A_1657 = arith.mulf %get3A_1656, %broadcast_in_dim3A_1572 : vector<16xf32>
      %swap3A_1658 = arith.index_cast %add3A_1576 : i32 to index
      %swap3A_1659 = arith.constant 176 : index
      %swap3A_1660 = tpu.vector_load %arg9[%swap3A_1658, %swap3A_1659] {strides = array<i32>} : memref<160x256xf32, #tpu.memory_space<vmem>>, vector<16xf32>,
      tpu.vector_store %arg9[%swap3A_1658, %swap3A_1659], %mul3A_1657 {strides = array<i32>} : memref<160x256xf32, #tpu.memory_space<vmem>>, vector<16xf32>,
      %get3A_1661 = arith.index_cast %add3A_1576 : i32 to index
      %get3A_1662 = arith.constant 192 : index
      %get3A_1663 = tpu.vector_load %arg9[%get3A_1661, %get3A_1662] {strides = array<i32>} : memref<160x256xf32, #tpu.memory_space<vmem>>, vector<16xf32>,
      %mul3A_1664 = arith.mulf %get3A_1663, %broadcast_in_dim3A_1572 : vector<16xf32>
      %swap3A_1665 = arith.index_cast %add3A_1576 : i32 to index
      %swap3A_1666 = arith.constant 192 : index
      %swap3A_1667 = tpu.vector_load %arg9[%swap3A_1665, %swap3A_1666] {strides = array<i32>} : memref<160x256xf32, #tpu.memory_space<vmem>>, vector<16xf32>,
      tpu.vector_store %arg9[%swap3A_1665, %swap3A_1666], %mul3A_1664 {strides = array<i32>} : memref<160x256xf32, #tpu.memory_space<vmem>>, vector<16xf32>,
      %get3A_1668 = arith.index_cast %add3A_1576 : i32 to index
      %get3A_1669 = arith.constant 208 : index
      %get3A_1670 = tpu.vector_load %arg9[%get3A_1668, %get3A_1669] {strides = array<i32>} : memref<160x256xf32, #tpu.memory_space<vmem>>, vector<16xf32>,
      %mul3A_1671 = arith.mulf %get3A_1670, %broadcast_in_dim3A_1572 : vector<16xf32>
      %swap3A_1672 = arith.index_cast %add3A_1576 : i32 to index
      %swap3A_1673 = arith.constant 208 : index
      %swap3A_1674 = tpu.vector_load %arg9[%swap3A_1672, %swap3A_1673] {strides = array<i32>} : memref<160x256xf32, #tpu.memory_space<vmem>>, vector<16xf32>,
      tpu.vector_store %arg9[%swap3A_1672, %swap3A_1673], %mul3A_1671 {strides = array<i32>} : memref<160x256xf32, #tpu.memory_space<vmem>>, vector<16xf32>,
      %get3A_1675 = arith.index_cast %add3A_1576 : i32 to index
      %get3A_1676 = arith.constant 224 : index
      %get3A_1677 = tpu.vector_load %arg9[%get3A_1675, %get3A_1676] {strides = array<i32>} : memref<160x256xf32, #tpu.memory_space<vmem>>, vector<16xf32>,
      %mul3A_1678 = arith.mulf %get3A_1677, %broadcast_in_dim3A_1572 : vector<16xf32>
      %swap3A_1679 = arith.index_cast %add3A_1576 : i32 to index
      %swap3A_1680 = arith.constant 224 : index
      %swap3A_1681 = tpu.vector_load %arg9[%swap3A_1679, %swap3A_1680] {strides = array<i32>} : memref<160x256xf32, #tpu.memory_space<vmem>>, vector<16xf32>,
      tpu.vector_store %arg9[%swap3A_1679, %swap3A_1680], %mul3A_1678 {strides = array<i32>} : memref<160x256xf32, #tpu.memory_space<vmem>>, vector<16xf32>,
      %get3A_1682 = arith.index_cast %add3A_1576 : i32 to index
      %get3A_1683 = arith.constant 240 : index
      %get3A_1684 = tpu.vector_load %arg9[%get3A_1682, %get3A_1683] {strides = array<i32>} : memref<160x256xf32, #tpu.memory_space<vmem>>, vector<16xf32>,
      %mul3A_1685 = arith.mulf %get3A_1684, %broadcast_in_dim3A_1572 : vector<16xf32>
      %swap3A_1686 = arith.index_cast %add3A_1576 : i32 to index
      %swap3A_1687 = arith.constant 240 : index
      %swap3A_1688 = tpu.vector_load %arg9[%swap3A_1686, %swap3A_1687] {strides = array<i32>} : memref<160x256xf32, #tpu.memory_space<vmem>>, vector<16xf32>,
      tpu.vector_store %arg9[%swap3A_1686, %swap3A_1687], %mul3A_1685 {strides = array<i32>} : memref<160x256xf32, #tpu.memory_space<vmem>>, vector<16xf32>,
      %slice3A_1689 = vector.extract_strided_slice %gather3A_617 {offsets = [9], sizes = [1], strides = [1]} : vector<16xf32> to vector<1xf32>
      %squeeze3A_1690 = vector.extract %slice3A_1689[0] : f32 from vector<1xf32>
      %broadcast_in_dim3A_1691 = vector.broadcast %squeeze3A_1690 : f32 to vector<16xf32>
      %mul3A_1692 = arith.constant 16 : i32
      %mul3A_1693 = arith.muli %scan3A_612, %mul3A_1692 : i32
      %add3A_1694 = arith.constant 9 : i32
      %add3A_1695 = arith.addi %mul3A_1693, %add3A_1694 : i32
      %get3A_1696 = arith.index_cast %add3A_1695 : i32 to index
      %get3A_1697 = arith.constant 0 : index
      %get3A_1698 = tpu.vector_load %arg9[%get3A_1696, %get3A_1697] {strides = array<i32>} : memref<160x256xf32, #tpu.memory_space<vmem>>, vector<16xf32>,
      %mul3A_1699 = arith.mulf %get3A_1698, %broadcast_in_dim3A_1691 : vector<16xf32>
      %swap3A_1700 = arith.index_cast %add3A_1695 : i32 to index
      %swap3A_1701 = arith.constant 0 : index
      %swap3A_1702 = tpu.vector_load %arg9[%swap3A_1700, %swap3A_1701] {strides = array<i32>} : memref<160x256xf32, #tpu.memory_space<vmem>>, vector<16xf32>,
      tpu.vector_store %arg9[%swap3A_1700, %swap3A_1701], %mul3A_1699 {strides = array<i32>} : memref<160x256xf32, #tpu.memory_space<vmem>>, vector<16xf32>,
      %get3A_1703 = arith.index_cast %add3A_1695 : i32 to index
      %get3A_1704 = arith.constant 16 : index
      %get3A_1705 = tpu.vector_load %arg9[%get3A_1703, %get3A_1704] {strides = array<i32>} : memref<160x256xf32, #tpu.memory_space<vmem>>, vector<16xf32>,
      %mul3A_1706 = arith.mulf %get3A_1705, %broadcast_in_dim3A_1691 : vector<16xf32>
      %swap3A_1707 = arith.index_cast %add3A_1695 : i32 to index
      %swap3A_1708 = arith.constant 16 : index
      %swap3A_1709 = tpu.vector_load %arg9[%swap3A_1707, %swap3A_1708] {strides = array<i32>} : memref<160x256xf32, #tpu.memory_space<vmem>>, vector<16xf32>,
      tpu.vector_store %arg9[%swap3A_1707, %swap3A_1708], %mul3A_1706 {strides = array<i32>} : memref<160x256xf32, #tpu.memory_space<vmem>>, vector<16xf32>,
      %get3A_1710 = arith.index_cast %add3A_1695 : i32 to index
      %get3A_1711 = arith.constant 32 : index
      %get3A_1712 = tpu.vector_load %arg9[%get3A_1710, %get3A_1711] {strides = array<i32>} : memref<160x256xf32, #tpu.memory_space<vmem>>, vector<16xf32>,
      %mul3A_1713 = arith.mulf %get3A_1712, %broadcast_in_dim3A_1691 : vector<16xf32>
      %swap3A_1714 = arith.index_cast %add3A_1695 : i32 to index
      %swap3A_1715 = arith.constant 32 : index
      %swap3A_1716 = tpu.vector_load %arg9[%swap3A_1714, %swap3A_1715] {strides = array<i32>} : memref<160x256xf32, #tpu.memory_space<vmem>>, vector<16xf32>,
      tpu.vector_store %arg9[%swap3A_1714, %swap3A_1715], %mul3A_1713 {strides = array<i32>} : memref<160x256xf32, #tpu.memory_space<vmem>>, vector<16xf32>,
      %get3A_1717 = arith.index_cast %add3A_1695 : i32 to index
      %get3A_1718 = arith.constant 48 : index
      %get3A_1719 = tpu.vector_load %arg9[%get3A_1717, %get3A_1718] {strides = array<i32>} : memref<160x256xf32, #tpu.memory_space<vmem>>, vector<16xf32>,
      %mul3A_1720 = arith.mulf %get3A_1719, %broadcast_in_dim3A_1691 : vector<16xf32>
      %swap3A_1721 = arith.index_cast %add3A_1695 : i32 to index
      %swap3A_1722 = arith.constant 48 : index
      %swap3A_1723 = tpu.vector_load %arg9[%swap3A_1721, %swap3A_1722] {strides = array<i32>} : memref<160x256xf32, #tpu.memory_space<vmem>>, vector<16xf32>,
      tpu.vector_store %arg9[%swap3A_1721, %swap3A_1722], %mul3A_1720 {strides = array<i32>} : memref<160x256xf32, #tpu.memory_space<vmem>>, vector<16xf32>,
      %get3A_1724 = arith.index_cast %add3A_1695 : i32 to index
      %get3A_1725 = arith.constant 64 : index
      %get3A_1726 = tpu.vector_load %arg9[%get3A_1724, %get3A_1725] {strides = array<i32>} : memref<160x256xf32, #tpu.memory_space<vmem>>, vector<16xf32>,
      %mul3A_1727 = arith.mulf %get3A_1726, %broadcast_in_dim3A_1691 : vector<16xf32>
      %swap3A_1728 = arith.index_cast %add3A_1695 : i32 to index
      %swap3A_1729 = arith.constant 64 : index
      %swap3A_1730 = tpu.vector_load %arg9[%swap3A_1728, %swap3A_1729] {strides = array<i32>} : memref<160x256xf32, #tpu.memory_space<vmem>>, vector<16xf32>,
      tpu.vector_store %arg9[%swap3A_1728, %swap3A_1729], %mul3A_1727 {strides = array<i32>} : memref<160x256xf32, #tpu.memory_space<vmem>>, vector<16xf32>,
      %get3A_1731 = arith.index_cast %add3A_1695 : i32 to index
      %get3A_1732 = arith.constant 80 : index
      %get3A_1733 = tpu.vector_load %arg9[%get3A_1731, %get3A_1732] {strides = array<i32>} : memref<160x256xf32, #tpu.memory_space<vmem>>, vector<16xf32>,
      %mul3A_1734 = arith.mulf %get3A_1733, %broadcast_in_dim3A_1691 : vector<16xf32>
      %swap3A_1735 = arith.index_cast %add3A_1695 : i32 to index
      %swap3A_1736 = arith.constant 80 : index
      %swap3A_1737 = tpu.vector_load %arg9[%swap3A_1735, %swap3A_1736] {strides = array<i32>} : memref<160x256xf32, #tpu.memory_space<vmem>>, vector<16xf32>,
      tpu.vector_store %arg9[%swap3A_1735, %swap3A_1736], %mul3A_1734 {strides = array<i32>} : memref<160x256xf32, #tpu.memory_space<vmem>>, vector<16xf32>,
      %get3A_1738 = arith.index_cast %add3A_1695 : i32 to index
      %get3A_1739 = arith.constant 96 : index
      %get3A_1740 = tpu.vector_load %arg9[%get3A_1738, %get3A_1739] {strides = array<i32>} : memref<160x256xf32, #tpu.memory_space<vmem>>, vector<16xf32>,
      %mul3A_1741 = arith.mulf %get3A_1740, %broadcast_in_dim3A_1691 : vector<16xf32>
      %swap3A_1742 = arith.index_cast %add3A_1695 : i32 to index
      %swap3A_1743 = arith.constant 96 : index
      %swap3A_1744 = tpu.vector_load %arg9[%swap3A_1742, %swap3A_1743] {strides = array<i32>} : memref<160x256xf32, #tpu.memory_space<vmem>>, vector<16xf32>,
      tpu.vector_store %arg9[%swap3A_1742, %swap3A_1743], %mul3A_1741 {strides = array<i32>} : memref<160x256xf32, #tpu.memory_space<vmem>>, vector<16xf32>,
      %get3A_1745 = arith.index_cast %add3A_1695 : i32 to index
      %get3A_1746 = arith.constant 112 : index
      %get3A_1747 = tpu.vector_load %arg9[%get3A_1745, %get3A_1746] {strides = array<i32>} : memref<160x256xf32, #tpu.memory_space<vmem>>, vector<16xf32>,
      %mul3A_1748 = arith.mulf %get3A_1747, %broadcast_in_dim3A_1691 : vector<16xf32>
      %swap3A_1749 = arith.index_cast %add3A_1695 : i32 to index
      %swap3A_1750 = arith.constant 112 : index
      %swap3A_1751 = tpu.vector_load %arg9[%swap3A_1749, %swap3A_1750] {strides = array<i32>} : memref<160x256xf32, #tpu.memory_space<vmem>>, vector<16xf32>,
      tpu.vector_store %arg9[%swap3A_1749, %swap3A_1750], %mul3A_1748 {strides = array<i32>} : memref<160x256xf32, #tpu.memory_space<vmem>>, vector<16xf32>,
      %get3A_1752 = arith.index_cast %add3A_1695 : i32 to index
      %get3A_1753 = arith.constant 128 : index
      %get3A_1754 = tpu.vector_load %arg9[%get3A_1752, %get3A_1753] {strides = array<i32>} : memref<160x256xf32, #tpu.memory_space<vmem>>, vector<16xf32>,
      %mul3A_1755 = arith.mulf %get3A_1754, %broadcast_in_dim3A_1691 : vector<16xf32>
      %swap3A_1756 = arith.index_cast %add3A_1695 : i32 to index
      %swap3A_1757 = arith.constant 128 : index
      %swap3A_1758 = tpu.vector_load %arg9[%swap3A_1756, %swap3A_1757] {strides = array<i32>} : memref<160x256xf32, #tpu.memory_space<vmem>>, vector<16xf32>,
      tpu.vector_store %arg9[%swap3A_1756, %swap3A_1757], %mul3A_1755 {strides = array<i32>} : memref<160x256xf32, #tpu.memory_space<vmem>>, vector<16xf32>,
      %get3A_1759 = arith.index_cast %add3A_1695 : i32 to index
      %get3A_1760 = arith.constant 144 : index
      %get3A_1761 = tpu.vector_load %arg9[%get3A_1759, %get3A_1760] {strides = array<i32>} : memref<160x256xf32, #tpu.memory_space<vmem>>, vector<16xf32>,
      %mul3A_1762 = arith.mulf %get3A_1761, %broadcast_in_dim3A_1691 : vector<16xf32>
      %swap3A_1763 = arith.index_cast %add3A_1695 : i32 to index
      %swap3A_1764 = arith.constant 144 : index
      %swap3A_1765 = tpu.vector_load %arg9[%swap3A_1763, %swap3A_1764] {strides = array<i32>} : memref<160x256xf32, #tpu.memory_space<vmem>>, vector<16xf32>,
      tpu.vector_store %arg9[%swap3A_1763, %swap3A_1764], %mul3A_1762 {strides = array<i32>} : memref<160x256xf32, #tpu.memory_space<vmem>>, vector<16xf32>,
      %get3A_1766 = arith.index_cast %add3A_1695 : i32 to index
      %get3A_1767 = arith.constant 160 : index
      %get3A_1768 = tpu.vector_load %arg9[%get3A_1766, %get3A_1767] {strides = array<i32>} : memref<160x256xf32, #tpu.memory_space<vmem>>, vector<16xf32>,
      %mul3A_1769 = arith.mulf %get3A_1768, %broadcast_in_dim3A_1691 : vector<16xf32>
      %swap3A_1770 = arith.index_cast %add3A_1695 : i32 to index
      %swap3A_1771 = arith.constant 160 : index
      %swap3A_1772 = tpu.vector_load %arg9[%swap3A_1770, %swap3A_1771] {strides = array<i32>} : memref<160x256xf32, #tpu.memory_space<vmem>>, vector<16xf32>,
      tpu.vector_store %arg9[%swap3A_1770, %swap3A_1771], %mul3A_1769 {strides = array<i32>} : memref<160x256xf32, #tpu.memory_space<vmem>>, vector<16xf32>,
      %get3A_1773 = arith.index_cast %add3A_1695 : i32 to index
      %get3A_1774 = arith.constant 176 : index
      %get3A_1775 = tpu.vector_load %arg9[%get3A_1773, %get3A_1774] {strides = array<i32>} : memref<160x256xf32, #tpu.memory_space<vmem>>, vector<16xf32>,
      %mul3A_1776 = arith.mulf %get3A_1775, %broadcast_in_dim3A_1691 : vector<16xf32>
      %swap3A_1777 = arith.index_cast %add3A_1695 : i32 to index
      %swap3A_1778 = arith.constant 176 : index
      %swap3A_1779 = tpu.vector_load %arg9[%swap3A_1777, %swap3A_1778] {strides = array<i32>} : memref<160x256xf32, #tpu.memory_space<vmem>>, vector<16xf32>,
      tpu.vector_store %arg9[%swap3A_1777, %swap3A_1778], %mul3A_1776 {strides = array<i32>} : memref<160x256xf32, #tpu.memory_space<vmem>>, vector<16xf32>,
      %get3A_1780 = arith.index_cast %add3A_1695 : i32 to index
      %get3A_1781 = arith.constant 192 : index
      %get3A_1782 = tpu.vector_load %arg9[%get3A_1780, %get3A_1781] {strides = array<i32>} : memref<160x256xf32, #tpu.memory_space<vmem>>, vector<16xf32>,
      %mul3A_1783 = arith.mulf %get3A_1782, %broadcast_in_dim3A_1691 : vector<16xf32>
      %swap3A_1784 = arith.index_cast %add3A_1695 : i32 to index
      %swap3A_1785 = arith.constant 192 : index
      %swap3A_1786 = tpu.vector_load %arg9[%swap3A_1784, %swap3A_1785] {strides = array<i32>} : memref<160x256xf32, #tpu.memory_space<vmem>>, vector<16xf32>,
      tpu.vector_store %arg9[%swap3A_1784, %swap3A_1785], %mul3A_1783 {strides = array<i32>} : memref<160x256xf32, #tpu.memory_space<vmem>>, vector<16xf32>,
      %get3A_1787 = arith.index_cast %add3A_1695 : i32 to index
      %get3A_1788 = arith.constant 208 : index
      %get3A_1789 = tpu.vector_load %arg9[%get3A_1787, %get3A_1788] {strides = array<i32>} : memref<160x256xf32, #tpu.memory_space<vmem>>, vector<16xf32>,
      %mul3A_1790 = arith.mulf %get3A_1789, %broadcast_in_dim3A_1691 : vector<16xf32>
      %swap3A_1791 = arith.index_cast %add3A_1695 : i32 to index
      %swap3A_1792 = arith.constant 208 : index
      %swap3A_1793 = tpu.vector_load %arg9[%swap3A_1791, %swap3A_1792] {strides = array<i32>} : memref<160x256xf32, #tpu.memory_space<vmem>>, vector<16xf32>,
      tpu.vector_store %arg9[%swap3A_1791, %swap3A_1792], %mul3A_1790 {strides = array<i32>} : memref<160x256xf32, #tpu.memory_space<vmem>>, vector<16xf32>,
      %get3A_1794 = arith.index_cast %add3A_1695 : i32 to index
      %get3A_1795 = arith.constant 224 : index
      %get3A_1796 = tpu.vector_load %arg9[%get3A_1794, %get3A_1795] {strides = array<i32>} : memref<160x256xf32, #tpu.memory_space<vmem>>, vector<16xf32>,
      %mul3A_1797 = arith.mulf %get3A_1796, %broadcast_in_dim3A_1691 : vector<16xf32>
      %swap3A_1798 = arith.index_cast %add3A_1695 : i32 to index
      %swap3A_1799 = arith.constant 224 : index
      %swap3A_1800 = tpu.vector_load %arg9[%swap3A_1798, %swap3A_1799] {strides = array<i32>} : memref<160x256xf32, #tpu.memory_space<vmem>>, vector<16xf32>,
      tpu.vector_store %arg9[%swap3A_1798, %swap3A_1799], %mul3A_1797 {strides = array<i32>} : memref<160x256xf32, #tpu.memory_space<vmem>>, vector<16xf32>,
      %get3A_1801 = arith.index_cast %add3A_1695 : i32 to index
      %get3A_1802 = arith.constant 240 : index
      %get3A_1803 = tpu.vector_load %arg9[%get3A_1801, %get3A_1802] {strides = array<i32>} : memref<160x256xf32, #tpu.memory_space<vmem>>, vector<16xf32>,
      %mul3A_1804 = arith.mulf %get3A_1803, %broadcast_in_dim3A_1691 : vector<16xf32>
      %swap3A_1805 = arith.index_cast %add3A_1695 : i32 to index
      %swap3A_1806 = arith.constant 240 : index
      %swap3A_1807 = tpu.vector_load %arg9[%swap3A_1805, %swap3A_1806] {strides = array<i32>} : memref<160x256xf32, #tpu.memory_space<vmem>>, vector<16xf32>,
      tpu.vector_store %arg9[%swap3A_1805, %swap3A_1806], %mul3A_1804 {strides = array<i32>} : memref<160x256xf32, #tpu.memory_space<vmem>>, vector<16xf32>,
      %slice3A_1808 = vector.extract_strided_slice %gather3A_617 {offsets = [10], sizes = [1], strides = [1]} : vector<16xf32> to vector<1xf32>
      %squeeze3A_1809 = vector.extract %slice3A_1808[0] : f32 from vector<1xf32>
      %broadcast_in_dim3A_1810 = vector.broadcast %squeeze3A_1809 : f32 to vector<16xf32>
      %mul3A_1811 = arith.constant 16 : i32
      %mul3A_1812 = arith.muli %scan3A_612, %mul3A_1811 : i32
      %add3A_1813 = arith.constant 10 : i32
      %add3A_1814 = arith.addi %mul3A_1812, %add3A_1813 : i32
      %get3A_1815 = arith.index_cast %add3A_1814 : i32 to index
      %get3A_1816 = arith.constant 0 : index
      %get3A_1817 = tpu.vector_load %arg9[%get3A_1815, %get3A_1816] {strides = array<i32>} : memref<160x256xf32, #tpu.memory_space<vmem>>, vector<16xf32>,
      %mul3A_1818 = arith.mulf %get3A_1817, %broadcast_in_dim3A_1810 : vector<16xf32>
      %swap3A_1819 = arith.index_cast %add3A_1814 : i32 to index
      %swap3A_1820 = arith.constant 0 : index
      %swap3A_1821 = tpu.vector_load %arg9[%swap3A_1819, %swap3A_1820] {strides = array<i32>} : memref<160x256xf32, #tpu.memory_space<vmem>>, vector<16xf32>,
      tpu.vector_store %arg9[%swap3A_1819, %swap3A_1820], %mul3A_1818 {strides = array<i32>} : memref<160x256xf32, #tpu.memory_space<vmem>>, vector<16xf32>,
      %get3A_1822 = arith.index_cast %add3A_1814 : i32 to index
      %get3A_1823 = arith.constant 16 : index
      %get3A_1824 = tpu.vector_load %arg9[%get3A_1822, %get3A_1823] {strides = array<i32>} : memref<160x256xf32, #tpu.memory_space<vmem>>, vector<16xf32>,
      %mul3A_1825 = arith.mulf %get3A_1824, %broadcast_in_dim3A_1810 : vector<16xf32>
      %swap3A_1826 = arith.index_cast %add3A_1814 : i32 to index
      %swap3A_1827 = arith.constant 16 : index
      %swap3A_1828 = tpu.vector_load %arg9[%swap3A_1826, %swap3A_1827] {strides = array<i32>} : memref<160x256xf32, #tpu.memory_space<vmem>>, vector<16xf32>,
      tpu.vector_store %arg9[%swap3A_1826, %swap3A_1827], %mul3A_1825 {strides = array<i32>} : memref<160x256xf32, #tpu.memory_space<vmem>>, vector<16xf32>,
      %get3A_1829 = arith.index_cast %add3A_1814 : i32 to index
      %get3A_1830 = arith.constant 32 : index
      %get3A_1831 = tpu.vector_load %arg9[%get3A_1829, %get3A_1830] {strides = array<i32>} : memref<160x256xf32, #tpu.memory_space<vmem>>, vector<16xf32>,
      %mul3A_1832 = arith.mulf %get3A_1831, %broadcast_in_dim3A_1810 : vector<16xf32>
      %swap3A_1833 = arith.index_cast %add3A_1814 : i32 to index
      %swap3A_1834 = arith.constant 32 : index
      %swap3A_1835 = tpu.vector_load %arg9[%swap3A_1833, %swap3A_1834] {strides = array<i32>} : memref<160x256xf32, #tpu.memory_space<vmem>>, vector<16xf32>,
      tpu.vector_store %arg9[%swap3A_1833, %swap3A_1834], %mul3A_1832 {strides = array<i32>} : memref<160x256xf32, #tpu.memory_space<vmem>>, vector<16xf32>,
      %get3A_1836 = arith.index_cast %add3A_1814 : i32 to index
      %get3A_1837 = arith.constant 48 : index
      %get3A_1838 = tpu.vector_load %arg9[%get3A_1836, %get3A_1837] {strides = array<i32>} : memref<160x256xf32, #tpu.memory_space<vmem>>, vector<16xf32>,
      %mul3A_1839 = arith.mulf %get3A_1838, %broadcast_in_dim3A_1810 : vector<16xf32>
      %swap3A_1840 = arith.index_cast %add3A_1814 : i32 to index
      %swap3A_1841 = arith.constant 48 : index
      %swap3A_1842 = tpu.vector_load %arg9[%swap3A_1840, %swap3A_1841] {strides = array<i32>} : memref<160x256xf32, #tpu.memory_space<vmem>>, vector<16xf32>,
      tpu.vector_store %arg9[%swap3A_1840, %swap3A_1841], %mul3A_1839 {strides = array<i32>} : memref<160x256xf32, #tpu.memory_space<vmem>>, vector<16xf32>,
      %get3A_1843 = arith.index_cast %add3A_1814 : i32 to index
      %get3A_1844 = arith.constant 64 : index
      %get3A_1845 = tpu.vector_load %arg9[%get3A_1843, %get3A_1844] {strides = array<i32>} : memref<160x256xf32, #tpu.memory_space<vmem>>, vector<16xf32>,
      %mul3A_1846 = arith.mulf %get3A_1845, %broadcast_in_dim3A_1810 : vector<16xf32>
      %swap3A_1847 = arith.index_cast %add3A_1814 : i32 to index
      %swap3A_1848 = arith.constant 64 : index
      %swap3A_1849 = tpu.vector_load %arg9[%swap3A_1847, %swap3A_1848] {strides = array<i32>} : memref<160x256xf32, #tpu.memory_space<vmem>>, vector<16xf32>,
      tpu.vector_store %arg9[%swap3A_1847, %swap3A_1848], %mul3A_1846 {strides = array<i32>} : memref<160x256xf32, #tpu.memory_space<vmem>>, vector<16xf32>,
      %get3A_1850 = arith.index_cast %add3A_1814 : i32 to index
      %get3A_1851 = arith.constant 80 : index
      %get3A_1852 = tpu.vector_load %arg9[%get3A_1850, %get3A_1851] {strides = array<i32>} : memref<160x256xf32, #tpu.memory_space<vmem>>, vector<16xf32>,
      %mul3A_1853 = arith.mulf %get3A_1852, %broadcast_in_dim3A_1810 : vector<16xf32>
      %swap3A_1854 = arith.index_cast %add3A_1814 : i32 to index
      %swap3A_1855 = arith.constant 80 : index
      %swap3A_1856 = tpu.vector_load %arg9[%swap3A_1854, %swap3A_1855] {strides = array<i32>} : memref<160x256xf32, #tpu.memory_space<vmem>>, vector<16xf32>,
      tpu.vector_store %arg9[%swap3A_1854, %swap3A_1855], %mul3A_1853 {strides = array<i32>} : memref<160x256xf32, #tpu.memory_space<vmem>>, vector<16xf32>,
      %get3A_1857 = arith.index_cast %add3A_1814 : i32 to index
      %get3A_1858 = arith.constant 96 : index
      %get3A_1859 = tpu.vector_load %arg9[%get3A_1857, %get3A_1858] {strides = array<i32>} : memref<160x256xf32, #tpu.memory_space<vmem>>, vector<16xf32>,
      %mul3A_1860 = arith.mulf %get3A_1859, %broadcast_in_dim3A_1810 : vector<16xf32>
      %swap3A_1861 = arith.index_cast %add3A_1814 : i32 to index
      %swap3A_1862 = arith.constant 96 : index
      %swap3A_1863 = tpu.vector_load %arg9[%swap3A_1861, %swap3A_1862] {strides = array<i32>} : memref<160x256xf32, #tpu.memory_space<vmem>>, vector<16xf32>,
      tpu.vector_store %arg9[%swap3A_1861, %swap3A_1862], %mul3A_1860 {strides = array<i32>} : memref<160x256xf32, #tpu.memory_space<vmem>>, vector<16xf32>,
      %get3A_1864 = arith.index_cast %add3A_1814 : i32 to index
      %get3A_1865 = arith.constant 112 : index
      %get3A_1866 = tpu.vector_load %arg9[%get3A_1864, %get3A_1865] {strides = array<i32>} : memref<160x256xf32, #tpu.memory_space<vmem>>, vector<16xf32>,
      %mul3A_1867 = arith.mulf %get3A_1866, %broadcast_in_dim3A_1810 : vector<16xf32>
      %swap3A_1868 = arith.index_cast %add3A_1814 : i32 to index
      %swap3A_1869 = arith.constant 112 : index
      %swap3A_1870 = tpu.vector_load %arg9[%swap3A_1868, %swap3A_1869] {strides = array<i32>} : memref<160x256xf32, #tpu.memory_space<vmem>>, vector<16xf32>,
      tpu.vector_store %arg9[%swap3A_1868, %swap3A_1869], %mul3A_1867 {strides = array<i32>} : memref<160x256xf32, #tpu.memory_space<vmem>>, vector<16xf32>,
      %get3A_1871 = arith.index_cast %add3A_1814 : i32 to index
      %get3A_1872 = arith.constant 128 : index
      %get3A_1873 = tpu.vector_load %arg9[%get3A_1871, %get3A_1872] {strides = array<i32>} : memref<160x256xf32, #tpu.memory_space<vmem>>, vector<16xf32>,
      %mul3A_1874 = arith.mulf %get3A_1873, %broadcast_in_dim3A_1810 : vector<16xf32>
      %swap3A_1875 = arith.index_cast %add3A_1814 : i32 to index
      %swap3A_1876 = arith.constant 128 : index
      %swap3A_1877 = tpu.vector_load %arg9[%swap3A_1875, %swap3A_1876] {strides = array<i32>} : memref<160x256xf32, #tpu.memory_space<vmem>>, vector<16xf32>,
      tpu.vector_store %arg9[%swap3A_1875, %swap3A_1876], %mul3A_1874 {strides = array<i32>} : memref<160x256xf32, #tpu.memory_space<vmem>>, vector<16xf32>,
      %get3A_1878 = arith.index_cast %add3A_1814 : i32 to index
      %get3A_1879 = arith.constant 144 : index
      %get3A_1880 = tpu.vector_load %arg9[%get3A_1878, %get3A_1879] {strides = array<i32>} : memref<160x256xf32, #tpu.memory_space<vmem>>, vector<16xf32>,
      %mul3A_1881 = arith.mulf %get3A_1880, %broadcast_in_dim3A_1810 : vector<16xf32>
      %swap3A_1882 = arith.index_cast %add3A_1814 : i32 to index
      %swap3A_1883 = arith.constant 144 : index
      %swap3A_1884 = tpu.vector_load %arg9[%swap3A_1882, %swap3A_1883] {strides = array<i32>} : memref<160x256xf32, #tpu.memory_space<vmem>>, vector<16xf32>,
      tpu.vector_store %arg9[%swap3A_1882, %swap3A_1883], %mul3A_1881 {strides = array<i32>} : memref<160x256xf32, #tpu.memory_space<vmem>>, vector<16xf32>,
      %get3A_1885 = arith.index_cast %add3A_1814 : i32 to index
      %get3A_1886 = arith.constant 160 : index
      %get3A_1887 = tpu.vector_load %arg9[%get3A_1885, %get3A_1886] {strides = array<i32>} : memref<160x256xf32, #tpu.memory_space<vmem>>, vector<16xf32>,
      %mul3A_1888 = arith.mulf %get3A_1887, %broadcast_in_dim3A_1810 : vector<16xf32>
      %swap3A_1889 = arith.index_cast %add3A_1814 : i32 to index
      %swap3A_1890 = arith.constant 160 : index
      %swap3A_1891 = tpu.vector_load %arg9[%swap3A_1889, %swap3A_1890] {strides = array<i32>} : memref<160x256xf32, #tpu.memory_space<vmem>>, vector<16xf32>,
      tpu.vector_store %arg9[%swap3A_1889, %swap3A_1890], %mul3A_1888 {strides = array<i32>} : memref<160x256xf32, #tpu.memory_space<vmem>>, vector<16xf32>,
      %get3A_1892 = arith.index_cast %add3A_1814 : i32 to index
      %get3A_1893 = arith.constant 176 : index
      %get3A_1894 = tpu.vector_load %arg9[%get3A_1892, %get3A_1893] {strides = array<i32>} : memref<160x256xf32, #tpu.memory_space<vmem>>, vector<16xf32>,
      %mul3A_1895 = arith.mulf %get3A_1894, %broadcast_in_dim3A_1810 : vector<16xf32>
      %swap3A_1896 = arith.index_cast %add3A_1814 : i32 to index
      %swap3A_1897 = arith.constant 176 : index
      %swap3A_1898 = tpu.vector_load %arg9[%swap3A_1896, %swap3A_1897] {strides = array<i32>} : memref<160x256xf32, #tpu.memory_space<vmem>>, vector<16xf32>,
      tpu.vector_store %arg9[%swap3A_1896, %swap3A_1897], %mul3A_1895 {strides = array<i32>} : memref<160x256xf32, #tpu.memory_space<vmem>>, vector<16xf32>,
      %get3A_1899 = arith.index_cast %add3A_1814 : i32 to index
      %get3A_1900 = arith.constant 192 : index
      %get3A_1901 = tpu.vector_load %arg9[%get3A_1899, %get3A_1900] {strides = array<i32>} : memref<160x256xf32, #tpu.memory_space<vmem>>, vector<16xf32>,
      %mul3A_1902 = arith.mulf %get3A_1901, %broadcast_in_dim3A_1810 : vector<16xf32>
      %swap3A_1903 = arith.index_cast %add3A_1814 : i32 to index
      %swap3A_1904 = arith.constant 192 : index
      %swap3A_1905 = tpu.vector_load %arg9[%swap3A_1903, %swap3A_1904] {strides = array<i32>} : memref<160x256xf32, #tpu.memory_space<vmem>>, vector<16xf32>,
      tpu.vector_store %arg9[%swap3A_1903, %swap3A_1904], %mul3A_1902 {strides = array<i32>} : memref<160x256xf32, #tpu.memory_space<vmem>>, vector<16xf32>,
      %get3A_1906 = arith.index_cast %add3A_1814 : i32 to index
      %get3A_1907 = arith.constant 208 : index
      %get3A_1908 = tpu.vector_load %arg9[%get3A_1906, %get3A_1907] {strides = array<i32>} : memref<160x256xf32, #tpu.memory_space<vmem>>, vector<16xf32>,
      %mul3A_1909 = arith.mulf %get3A_1908, %broadcast_in_dim3A_1810 : vector<16xf32>
      %swap3A_1910 = arith.index_cast %add3A_1814 : i32 to index
      %swap3A_1911 = arith.constant 208 : index
      %swap3A_1912 = tpu.vector_load %arg9[%swap3A_1910, %swap3A_1911] {strides = array<i32>} : memref<160x256xf32, #tpu.memory_space<vmem>>, vector<16xf32>,
      tpu.vector_store %arg9[%swap3A_1910, %swap3A_1911], %mul3A_1909 {strides = array<i32>} : memref<160x256xf32, #tpu.memory_space<vmem>>, vector<16xf32>,
      %get3A_1913 = arith.index_cast %add3A_1814 : i32 to index
      %get3A_1914 = arith.constant 224 : index
      %get3A_1915 = tpu.vector_load %arg9[%get3A_1913, %get3A_1914] {strides = array<i32>} : memref<160x256xf32, #tpu.memory_space<vmem>>, vector<16xf32>,
      %mul3A_1916 = arith.mulf %get3A_1915, %broadcast_in_dim3A_1810 : vector<16xf32>
      %swap3A_1917 = arith.index_cast %add3A_1814 : i32 to index
      %swap3A_1918 = arith.constant 224 : index
      %swap3A_1919 = tpu.vector_load %arg9[%swap3A_1917, %swap3A_1918] {strides = array<i32>} : memref<160x256xf32, #tpu.memory_space<vmem>>, vector<16xf32>,
      tpu.vector_store %arg9[%swap3A_1917, %swap3A_1918], %mul3A_1916 {strides = array<i32>} : memref<160x256xf32, #tpu.memory_space<vmem>>, vector<16xf32>,
      %get3A_1920 = arith.index_cast %add3A_1814 : i32 to index
      %get3A_1921 = arith.constant 240 : index
      %get3A_1922 = tpu.vector_load %arg9[%get3A_1920, %get3A_1921] {strides = array<i32>} : memref<160x256xf32, #tpu.memory_space<vmem>>, vector<16xf32>,
      %mul3A_1923 = arith.mulf %get3A_1922, %broadcast_in_dim3A_1810 : vector<16xf32>
      %swap3A_1924 = arith.index_cast %add3A_1814 : i32 to index
      %swap3A_1925 = arith.constant 240 : index
      %swap3A_1926 = tpu.vector_load %arg9[%swap3A_1924, %swap3A_1925] {strides = array<i32>} : memref<160x256xf32, #tpu.memory_space<vmem>>, vector<16xf32>,
      tpu.vector_store %arg9[%swap3A_1924, %swap3A_1925], %mul3A_1923 {strides = array<i32>} : memref<160x256xf32, #tpu.memory_space<vmem>>, vector<16xf32>,
      %slice3A_1927 = vector.extract_strided_slice %gather3A_617 {offsets = [11], sizes = [1], strides = [1]} : vector<16xf32> to vector<1xf32>
      %squeeze3A_1928 = vector.extract %slice3A_1927[0] : f32 from vector<1xf32>
      %broadcast_in_dim3A_1929 = vector.broadcast %squeeze3A_1928 : f32 to vector<16xf32>
      %mul3A_1930 = arith.constant 16 : i32
      %mul3A_1931 = arith.muli %scan3A_612, %mul3A_1930 : i32
      %add3A_1932 = arith.constant 11 : i32
      %add3A_1933 = arith.addi %mul3A_1931, %add3A_1932 : i32
      %get3A_1934 = arith.index_cast %add3A_1933 : i32 to index
      %get3A_1935 = arith.constant 0 : index
      %get3A_1936 = tpu.vector_load %arg9[%get3A_1934, %get3A_1935] {strides = array<i32>} : memref<160x256xf32, #tpu.memory_space<vmem>>, vector<16xf32>,
      %mul3A_1937 = arith.mulf %get3A_1936, %broadcast_in_dim3A_1929 : vector<16xf32>
      %swap3A_1938 = arith.index_cast %add3A_1933 : i32 to index
      %swap3A_1939 = arith.constant 0 : index
      %swap3A_1940 = tpu.vector_load %arg9[%swap3A_1938, %swap3A_1939] {strides = array<i32>} : memref<160x256xf32, #tpu.memory_space<vmem>>, vector<16xf32>,
      tpu.vector_store %arg9[%swap3A_1938, %swap3A_1939], %mul3A_1937 {strides = array<i32>} : memref<160x256xf32, #tpu.memory_space<vmem>>, vector<16xf32>,
      %get3A_1941 = arith.index_cast %add3A_1933 : i32 to index
      %get3A_1942 = arith.constant 16 : index
      %get3A_1943 = tpu.vector_load %arg9[%get3A_1941, %get3A_1942] {strides = array<i32>} : memref<160x256xf32, #tpu.memory_space<vmem>>, vector<16xf32>,
      %mul3A_1944 = arith.mulf %get3A_1943, %broadcast_in_dim3A_1929 : vector<16xf32>
      %swap3A_1945 = arith.index_cast %add3A_1933 : i32 to index
      %swap3A_1946 = arith.constant 16 : index
      %swap3A_1947 = tpu.vector_load %arg9[%swap3A_1945, %swap3A_1946] {strides = array<i32>} : memref<160x256xf32, #tpu.memory_space<vmem>>, vector<16xf32>,
      tpu.vector_store %arg9[%swap3A_1945, %swap3A_1946], %mul3A_1944 {strides = array<i32>} : memref<160x256xf32, #tpu.memory_space<vmem>>, vector<16xf32>,
      %get3A_1948 = arith.index_cast %add3A_1933 : i32 to index
      %get3A_1949 = arith.constant 32 : index
      %get3A_1950 = tpu.vector_load %arg9[%get3A_1948, %get3A_1949] {strides = array<i32>} : memref<160x256xf32, #tpu.memory_space<vmem>>, vector<16xf32>,
      %mul3A_1951 = arith.mulf %get3A_1950, %broadcast_in_dim3A_1929 : vector<16xf32>
      %swap3A_1952 = arith.index_cast %add3A_1933 : i32 to index
      %swap3A_1953 = arith.constant 32 : index
      %swap3A_1954 = tpu.vector_load %arg9[%swap3A_1952, %swap3A_1953] {strides = array<i32>} : memref<160x256xf32, #tpu.memory_space<vmem>>, vector<16xf32>,
      tpu.vector_store %arg9[%swap3A_1952, %swap3A_1953], %mul3A_1951 {strides = array<i32>} : memref<160x256xf32, #tpu.memory_space<vmem>>, vector<16xf32>,
      %get3A_1955 = arith.index_cast %add3A_1933 : i32 to index
      %get3A_1956 = arith.constant 48 : index
      %get3A_1957 = tpu.vector_load %arg9[%get3A_1955, %get3A_1956] {strides = array<i32>} : memref<160x256xf32, #tpu.memory_space<vmem>>, vector<16xf32>,
      %mul3A_1958 = arith.mulf %get3A_1957, %broadcast_in_dim3A_1929 : vector<16xf32>
      %swap3A_1959 = arith.index_cast %add3A_1933 : i32 to index
      %swap3A_1960 = arith.constant 48 : index
      %swap3A_1961 = tpu.vector_load %arg9[%swap3A_1959, %swap3A_1960] {strides = array<i32>} : memref<160x256xf32, #tpu.memory_space<vmem>>, vector<16xf32>,
      tpu.vector_store %arg9[%swap3A_1959, %swap3A_1960], %mul3A_1958 {strides = array<i32>} : memref<160x256xf32, #tpu.memory_space<vmem>>, vector<16xf32>,
      %get3A_1962 = arith.index_cast %add3A_1933 : i32 to index
      %get3A_1963 = arith.constant 64 : index
      %get3A_1964 = tpu.vector_load %arg9[%get3A_1962, %get3A_1963] {strides = array<i32>} : memref<160x256xf32, #tpu.memory_space<vmem>>, vector<16xf32>,
      %mul3A_1965 = arith.mulf %get3A_1964, %broadcast_in_dim3A_1929 : vector<16xf32>
      %swap3A_1966 = arith.index_cast %add3A_1933 : i32 to index
      %swap3A_1967 = arith.constant 64 : index
      %swap3A_1968 = tpu.vector_load %arg9[%swap3A_1966, %swap3A_1967] {strides = array<i32>} : memref<160x256xf32, #tpu.memory_space<vmem>>, vector<16xf32>,
      tpu.vector_store %arg9[%swap3A_1966, %swap3A_1967], %mul3A_1965 {strides = array<i32>} : memref<160x256xf32, #tpu.memory_space<vmem>>, vector<16xf32>,
      %get3A_1969 = arith.index_cast %add3A_1933 : i32 to index
      %get3A_1970 = arith.constant 80 : index
      %get3A_1971 = tpu.vector_load %arg9[%get3A_1969, %get3A_1970] {strides = array<i32>} : memref<160x256xf32, #tpu.memory_space<vmem>>, vector<16xf32>,
      %mul3A_1972 = arith.mulf %get3A_1971, %broadcast_in_dim3A_1929 : vector<16xf32>
      %swap3A_1973 = arith.index_cast %add3A_1933 : i32 to index
      %swap3A_1974 = arith.constant 80 : index
      %swap3A_1975 = tpu.vector_load %arg9[%swap3A_1973, %swap3A_1974] {strides = array<i32>} : memref<160x256xf32, #tpu.memory_space<vmem>>, vector<16xf32>,
      tpu.vector_store %arg9[%swap3A_1973, %swap3A_1974], %mul3A_1972 {strides = array<i32>} : memref<160x256xf32, #tpu.memory_space<vmem>>, vector<16xf32>,
      %get3A_1976 = arith.index_cast %add3A_1933 : i32 to index
      %get3A_1977 = arith.constant 96 : index
      %get3A_1978 = tpu.vector_load %arg9[%get3A_1976, %get3A_1977] {strides = array<i32>} : memref<160x256xf32, #tpu.memory_space<vmem>>, vector<16xf32>,
      %mul3A_1979 = arith.mulf %get3A_1978, %broadcast_in_dim3A_1929 : vector<16xf32>
      %swap3A_1980 = arith.index_cast %add3A_1933 : i32 to index
      %swap3A_1981 = arith.constant 96 : index
      %swap3A_1982 = tpu.vector_load %arg9[%swap3A_1980, %swap3A_1981] {strides = array<i32>} : memref<160x256xf32, #tpu.memory_space<vmem>>, vector<16xf32>,
      tpu.vector_store %arg9[%swap3A_1980, %swap3A_1981], %mul3A_1979 {strides = array<i32>} : memref<160x256xf32, #tpu.memory_space<vmem>>, vector<16xf32>,
      %get3A_1983 = arith.index_cast %add3A_1933 : i32 to index
      %get3A_1984 = arith.constant 112 : index
      %get3A_1985 = tpu.vector_load %arg9[%get3A_1983, %get3A_1984] {strides = array<i32>} : memref<160x256xf32, #tpu.memory_space<vmem>>, vector<16xf32>,
      %mul3A_1986 = arith.mulf %get3A_1985, %broadcast_in_dim3A_1929 : vector<16xf32>
      %swap3A_1987 = arith.index_cast %add3A_1933 : i32 to index
      %swap3A_1988 = arith.constant 112 : index
      %swap3A_1989 = tpu.vector_load %arg9[%swap3A_1987, %swap3A_1988] {strides = array<i32>} : memref<160x256xf32, #tpu.memory_space<vmem>>, vector<16xf32>,
      tpu.vector_store %arg9[%swap3A_1987, %swap3A_1988], %mul3A_1986 {strides = array<i32>} : memref<160x256xf32, #tpu.memory_space<vmem>>, vector<16xf32>,
      %get3A_1990 = arith.index_cast %add3A_1933 : i32 to index
      %get3A_1991 = arith.constant 128 : index
      %get3A_1992 = tpu.vector_load %arg9[%get3A_1990, %get3A_1991] {strides = array<i32>} : memref<160x256xf32, #tpu.memory_space<vmem>>, vector<16xf32>,
      %mul3A_1993 = arith.mulf %get3A_1992, %broadcast_in_dim3A_1929 : vector<16xf32>
      %swap3A_1994 = arith.index_cast %add3A_1933 : i32 to index
      %swap3A_1995 = arith.constant 128 : index
      %swap3A_1996 = tpu.vector_load %arg9[%swap3A_1994, %swap3A_1995] {strides = array<i32>} : memref<160x256xf32, #tpu.memory_space<vmem>>, vector<16xf32>,
      tpu.vector_store %arg9[%swap3A_1994, %swap3A_1995], %mul3A_1993 {strides = array<i32>} : memref<160x256xf32, #tpu.memory_space<vmem>>, vector<16xf32>,
      %get3A_1997 = arith.index_cast %add3A_1933 : i32 to index
      %get3A_1998 = arith.constant 144 : index
      %get3A_1999 = tpu.vector_load %arg9[%get3A_1997, %get3A_1998] {strides = array<i32>} : memref<160x256xf32, #tpu.memory_space<vmem>>, vector<16xf32>,
      %mul3A_2000 = arith.mulf %get3A_1999, %broadcast_in_dim3A_1929 : vector<16xf32>
      %swap3A_2001 = arith.index_cast %add3A_1933 : i32 to index
      %swap3A_2002 = arith.constant 144 : index
      %swap3A_2003 = tpu.vector_load %arg9[%swap3A_2001, %swap3A_2002] {strides = array<i32>} : memref<160x256xf32, #tpu.memory_space<vmem>>, vector<16xf32>,
      tpu.vector_store %arg9[%swap3A_2001, %swap3A_2002], %mul3A_2000 {strides = array<i32>} : memref<160x256xf32, #tpu.memory_space<vmem>>, vector<16xf32>,
      %get3A_2004 = arith.index_cast %add3A_1933 : i32 to index
      %get3A_2005 = arith.constant 160 : index
      %get3A_2006 = tpu.vector_load %arg9[%get3A_2004, %get3A_2005] {strides = array<i32>} : memref<160x256xf32, #tpu.memory_space<vmem>>, vector<16xf32>,
      %mul3A_2007 = arith.mulf %get3A_2006, %broadcast_in_dim3A_1929 : vector<16xf32>
      %swap3A_2008 = arith.index_cast %add3A_1933 : i32 to index
      %swap3A_2009 = arith.constant 160 : index
      %swap3A_2010 = tpu.vector_load %arg9[%swap3A_2008, %swap3A_2009] {strides = array<i32>} : memref<160x256xf32, #tpu.memory_space<vmem>>, vector<16xf32>,
      tpu.vector_store %arg9[%swap3A_2008, %swap3A_2009], %mul3A_2007 {strides = array<i32>} : memref<160x256xf32, #tpu.memory_space<vmem>>, vector<16xf32>,
      %get3A_2011 = arith.index_cast %add3A_1933 : i32 to index
      %get3A_2012 = arith.constant 176 : index
      %get3A_2013 = tpu.vector_load %arg9[%get3A_2011, %get3A_2012] {strides = array<i32>} : memref<160x256xf32, #tpu.memory_space<vmem>>, vector<16xf32>,
      %mul3A_2014 = arith.mulf %get3A_2013, %broadcast_in_dim3A_1929 : vector<16xf32>
      %swap3A_2015 = arith.index_cast %add3A_1933 : i32 to index
      %swap3A_2016 = arith.constant 176 : index
      %swap3A_2017 = tpu.vector_load %arg9[%swap3A_2015, %swap3A_2016] {strides = array<i32>} : memref<160x256xf32, #tpu.memory_space<vmem>>, vector<16xf32>,
      tpu.vector_store %arg9[%swap3A_2015, %swap3A_2016], %mul3A_2014 {strides = array<i32>} : memref<160x256xf32, #tpu.memory_space<vmem>>, vector<16xf32>,
      %get3A_2018 = arith.index_cast %add3A_1933 : i32 to index
      %get3A_2019 = arith.constant 192 : index
      %get3A_2020 = tpu.vector_load %arg9[%get3A_2018, %get3A_2019] {strides = array<i32>} : memref<160x256xf32, #tpu.memory_space<vmem>>, vector<16xf32>,
      %mul3A_2021 = arith.mulf %get3A_2020, %broadcast_in_dim3A_1929 : vector<16xf32>
      %swap3A_2022 = arith.index_cast %add3A_1933 : i32 to index
      %swap3A_2023 = arith.constant 192 : index
      %swap3A_2024 = tpu.vector_load %arg9[%swap3A_2022, %swap3A_2023] {strides = array<i32>} : memref<160x256xf32, #tpu.memory_space<vmem>>, vector<16xf32>,
      tpu.vector_store %arg9[%swap3A_2022, %swap3A_2023], %mul3A_2021 {strides = array<i32>} : memref<160x256xf32, #tpu.memory_space<vmem>>, vector<16xf32>,
      %get3A_2025 = arith.index_cast %add3A_1933 : i32 to index
      %get3A_2026 = arith.constant 208 : index
      %get3A_2027 = tpu.vector_load %arg9[%get3A_2025, %get3A_2026] {strides = array<i32>} : memref<160x256xf32, #tpu.memory_space<vmem>>, vector<16xf32>,
      %mul3A_2028 = arith.mulf %get3A_2027, %broadcast_in_dim3A_1929 : vector<16xf32>
      %swap3A_2029 = arith.index_cast %add3A_1933 : i32 to index
      %swap3A_2030 = arith.constant 208 : index
      %swap3A_2031 = tpu.vector_load %arg9[%swap3A_2029, %swap3A_2030] {strides = array<i32>} : memref<160x256xf32, #tpu.memory_space<vmem>>, vector<16xf32>,
      tpu.vector_store %arg9[%swap3A_2029, %swap3A_2030], %mul3A_2028 {strides = array<i32>} : memref<160x256xf32, #tpu.memory_space<vmem>>, vector<16xf32>,
      %get3A_2032 = arith.index_cast %add3A_1933 : i32 to index
      %get3A_2033 = arith.constant 224 : index
      %get3A_2034 = tpu.vector_load %arg9[%get3A_2032, %get3A_2033] {strides = array<i32>} : memref<160x256xf32, #tpu.memory_space<vmem>>, vector<16xf32>,
      %mul3A_2035 = arith.mulf %get3A_2034, %broadcast_in_dim3A_1929 : vector<16xf32>
      %swap3A_2036 = arith.index_cast %add3A_1933 : i32 to index
      %swap3A_2037 = arith.constant 224 : index
      %swap3A_2038 = tpu.vector_load %arg9[%swap3A_2036, %swap3A_2037] {strides = array<i32>} : memref<160x256xf32, #tpu.memory_space<vmem>>, vector<16xf32>,
      tpu.vector_store %arg9[%swap3A_2036, %swap3A_2037], %mul3A_2035 {strides = array<i32>} : memref<160x256xf32, #tpu.memory_space<vmem>>, vector<16xf32>,
      %get3A_2039 = arith.index_cast %add3A_1933 : i32 to index
      %get3A_2040 = arith.constant 240 : index
      %get3A_2041 = tpu.vector_load %arg9[%get3A_2039, %get3A_2040] {strides = array<i32>} : memref<160x256xf32, #tpu.memory_space<vmem>>, vector<16xf32>,
      %mul3A_2042 = arith.mulf %get3A_2041, %broadcast_in_dim3A_1929 : vector<16xf32>
      %swap3A_2043 = arith.index_cast %add3A_1933 : i32 to index
      %swap3A_2044 = arith.constant 240 : index
      %swap3A_2045 = tpu.vector_load %arg9[%swap3A_2043, %swap3A_2044] {strides = array<i32>} : memref<160x256xf32, #tpu.memory_space<vmem>>, vector<16xf32>,
      tpu.vector_store %arg9[%swap3A_2043, %swap3A_2044], %mul3A_2042 {strides = array<i32>} : memref<160x256xf32, #tpu.memory_space<vmem>>, vector<16xf32>,
      %slice3A_2046 = vector.extract_strided_slice %gather3A_617 {offsets = [12], sizes = [1], strides = [1]} : vector<16xf32> to vector<1xf32>
      %squeeze3A_2047 = vector.extract %slice3A_2046[0] : f32 from vector<1xf32>
      %broadcast_in_dim3A_2048 = vector.broadcast %squeeze3A_2047 : f32 to vector<16xf32>
      %mul3A_2049 = arith.constant 16 : i32
      %mul3A_2050 = arith.muli %scan3A_612, %mul3A_2049 : i32
      %add3A_2051 = arith.constant 12 : i32
      %add3A_2052 = arith.addi %mul3A_2050, %add3A_2051 : i32
      %get3A_2053 = arith.index_cast %add3A_2052 : i32 to index
      %get3A_2054 = arith.constant 0 : index
      %get3A_2055 = tpu.vector_load %arg9[%get3A_2053, %get3A_2054] {strides = array<i32>} : memref<160x256xf32, #tpu.memory_space<vmem>>, vector<16xf32>,
      %mul3A_2056 = arith.mulf %get3A_2055, %broadcast_in_dim3A_2048 : vector<16xf32>
      %swap3A_2057 = arith.index_cast %add3A_2052 : i32 to index
      %swap3A_2058 = arith.constant 0 : index
      %swap3A_2059 = tpu.vector_load %arg9[%swap3A_2057, %swap3A_2058] {strides = array<i32>} : memref<160x256xf32, #tpu.memory_space<vmem>>, vector<16xf32>,
      tpu.vector_store %arg9[%swap3A_2057, %swap3A_2058], %mul3A_2056 {strides = array<i32>} : memref<160x256xf32, #tpu.memory_space<vmem>>, vector<16xf32>,
      %get3A_2060 = arith.index_cast %add3A_2052 : i32 to index
      %get3A_2061 = arith.constant 16 : index
      %get3A_2062 = tpu.vector_load %arg9[%get3A_2060, %get3A_2061] {strides = array<i32>} : memref<160x256xf32, #tpu.memory_space<vmem>>, vector<16xf32>,
      %mul3A_2063 = arith.mulf %get3A_2062, %broadcast_in_dim3A_2048 : vector<16xf32>
      %swap3A_2064 = arith.index_cast %add3A_2052 : i32 to index
      %swap3A_2065 = arith.constant 16 : index
      %swap3A_2066 = tpu.vector_load %arg9[%swap3A_2064, %swap3A_2065] {strides = array<i32>} : memref<160x256xf32, #tpu.memory_space<vmem>>, vector<16xf32>,
      tpu.vector_store %arg9[%swap3A_2064, %swap3A_2065], %mul3A_2063 {strides = array<i32>} : memref<160x256xf32, #tpu.memory_space<vmem>>, vector<16xf32>,
      %get3A_2067 = arith.index_cast %add3A_2052 : i32 to index
      %get3A_2068 = arith.constant 32 : index
      %get3A_2069 = tpu.vector_load %arg9[%get3A_2067, %get3A_2068] {strides = array<i32>} : memref<160x256xf32, #tpu.memory_space<vmem>>, vector<16xf32>,
      %mul3A_2070 = arith.mulf %get3A_2069, %broadcast_in_dim3A_2048 : vector<16xf32>
      %swap3A_2071 = arith.index_cast %add3A_2052 : i32 to index
      %swap3A_2072 = arith.constant 32 : index
      %swap3A_2073 = tpu.vector_load %arg9[%swap3A_2071, %swap3A_2072] {strides = array<i32>} : memref<160x256xf32, #tpu.memory_space<vmem>>, vector<16xf32>,
      tpu.vector_store %arg9[%swap3A_2071, %swap3A_2072], %mul3A_2070 {strides = array<i32>} : memref<160x256xf32, #tpu.memory_space<vmem>>, vector<16xf32>,
      %get3A_2074 = arith.index_cast %add3A_2052 : i32 to index
      %get3A_2075 = arith.constant 48 : index
      %get3A_2076 = tpu.vector_load %arg9[%get3A_2074, %get3A_2075] {strides = array<i32>} : memref<160x256xf32, #tpu.memory_space<vmem>>, vector<16xf32>,
      %mul3A_2077 = arith.mulf %get3A_2076, %broadcast_in_dim3A_2048 : vector<16xf32>
      %swap3A_2078 = arith.index_cast %add3A_2052 : i32 to index
      %swap3A_2079 = arith.constant 48 : index
      %swap3A_2080 = tpu.vector_load %arg9[%swap3A_2078, %swap3A_2079] {strides = array<i32>} : memref<160x256xf32, #tpu.memory_space<vmem>>, vector<16xf32>,
      tpu.vector_store %arg9[%swap3A_2078, %swap3A_2079], %mul3A_2077 {strides = array<i32>} : memref<160x256xf32, #tpu.memory_space<vmem>>, vector<16xf32>,
      %get3A_2081 = arith.index_cast %add3A_2052 : i32 to index
      %get3A_2082 = arith.constant 64 : index
      %get3A_2083 = tpu.vector_load %arg9[%get3A_2081, %get3A_2082] {strides = array<i32>} : memref<160x256xf32, #tpu.memory_space<vmem>>, vector<16xf32>,
      %mul3A_2084 = arith.mulf %get3A_2083, %broadcast_in_dim3A_2048 : vector<16xf32>
      %swap3A_2085 = arith.index_cast %add3A_2052 : i32 to index
      %swap3A_2086 = arith.constant 64 : index
      %swap3A_2087 = tpu.vector_load %arg9[%swap3A_2085, %swap3A_2086] {strides = array<i32>} : memref<160x256xf32, #tpu.memory_space<vmem>>, vector<16xf32>,
      tpu.vector_store %arg9[%swap3A_2085, %swap3A_2086], %mul3A_2084 {strides = array<i32>} : memref<160x256xf32, #tpu.memory_space<vmem>>, vector<16xf32>,
      %get3A_2088 = arith.index_cast %add3A_2052 : i32 to index
      %get3A_2089 = arith.constant 80 : index
      %get3A_2090 = tpu.vector_load %arg9[%get3A_2088, %get3A_2089] {strides = array<i32>} : memref<160x256xf32, #tpu.memory_space<vmem>>, vector<16xf32>,
      %mul3A_2091 = arith.mulf %get3A_2090, %broadcast_in_dim3A_2048 : vector<16xf32>
      %swap3A_2092 = arith.index_cast %add3A_2052 : i32 to index
      %swap3A_2093 = arith.constant 80 : index
      %swap3A_2094 = tpu.vector_load %arg9[%swap3A_2092, %swap3A_2093] {strides = array<i32>} : memref<160x256xf32, #tpu.memory_space<vmem>>, vector<16xf32>,
      tpu.vector_store %arg9[%swap3A_2092, %swap3A_2093], %mul3A_2091 {strides = array<i32>} : memref<160x256xf32, #tpu.memory_space<vmem>>, vector<16xf32>,
      %get3A_2095 = arith.index_cast %add3A_2052 : i32 to index
      %get3A_2096 = arith.constant 96 : index
      %get3A_2097 = tpu.vector_load %arg9[%get3A_2095, %get3A_2096] {strides = array<i32>} : memref<160x256xf32, #tpu.memory_space<vmem>>, vector<16xf32>,
      %mul3A_2098 = arith.mulf %get3A_2097, %broadcast_in_dim3A_2048 : vector<16xf32>
      %swap3A_2099 = arith.index_cast %add3A_2052 : i32 to index
      %swap3A_2100 = arith.constant 96 : index
      %swap3A_2101 = tpu.vector_load %arg9[%swap3A_2099, %swap3A_2100] {strides = array<i32>} : memref<160x256xf32, #tpu.memory_space<vmem>>, vector<16xf32>,
      tpu.vector_store %arg9[%swap3A_2099, %swap3A_2100], %mul3A_2098 {strides = array<i32>} : memref<160x256xf32, #tpu.memory_space<vmem>>, vector<16xf32>,
      %get3A_2102 = arith.index_cast %add3A_2052 : i32 to index
      %get3A_2103 = arith.constant 112 : index
      %get3A_2104 = tpu.vector_load %arg9[%get3A_2102, %get3A_2103] {strides = array<i32>} : memref<160x256xf32, #tpu.memory_space<vmem>>, vector<16xf32>,
      %mul3A_2105 = arith.mulf %get3A_2104, %broadcast_in_dim3A_2048 : vector<16xf32>
      %swap3A_2106 = arith.index_cast %add3A_2052 : i32 to index
      %swap3A_2107 = arith.constant 112 : index
      %swap3A_2108 = tpu.vector_load %arg9[%swap3A_2106, %swap3A_2107] {strides = array<i32>} : memref<160x256xf32, #tpu.memory_space<vmem>>, vector<16xf32>,
      tpu.vector_store %arg9[%swap3A_2106, %swap3A_2107], %mul3A_2105 {strides = array<i32>} : memref<160x256xf32, #tpu.memory_space<vmem>>, vector<16xf32>,
      %get3A_2109 = arith.index_cast %add3A_2052 : i32 to index
      %get3A_2110 = arith.constant 128 : index
      %get3A_2111 = tpu.vector_load %arg9[%get3A_2109, %get3A_2110] {strides = array<i32>} : memref<160x256xf32, #tpu.memory_space<vmem>>, vector<16xf32>,
      %mul3A_2112 = arith.mulf %get3A_2111, %broadcast_in_dim3A_2048 : vector<16xf32>
      %swap3A_2113 = arith.index_cast %add3A_2052 : i32 to index
      %swap3A_2114 = arith.constant 128 : index
      %swap3A_2115 = tpu.vector_load %arg9[%swap3A_2113, %swap3A_2114] {strides = array<i32>} : memref<160x256xf32, #tpu.memory_space<vmem>>, vector<16xf32>,
      tpu.vector_store %arg9[%swap3A_2113, %swap3A_2114], %mul3A_2112 {strides = array<i32>} : memref<160x256xf32, #tpu.memory_space<vmem>>, vector<16xf32>,
      %get3A_2116 = arith.index_cast %add3A_2052 : i32 to index
      %get3A_2117 = arith.constant 144 : index
      %get3A_2118 = tpu.vector_load %arg9[%get3A_2116, %get3A_2117] {strides = array<i32>} : memref<160x256xf32, #tpu.memory_space<vmem>>, vector<16xf32>,
      %mul3A_2119 = arith.mulf %get3A_2118, %broadcast_in_dim3A_2048 : vector<16xf32>
      %swap3A_2120 = arith.index_cast %add3A_2052 : i32 to index
      %swap3A_2121 = arith.constant 144 : index
      %swap3A_2122 = tpu.vector_load %arg9[%swap3A_2120, %swap3A_2121] {strides = array<i32>} : memref<160x256xf32, #tpu.memory_space<vmem>>, vector<16xf32>,
      tpu.vector_store %arg9[%swap3A_2120, %swap3A_2121], %mul3A_2119 {strides = array<i32>} : memref<160x256xf32, #tpu.memory_space<vmem>>, vector<16xf32>,
      %get3A_2123 = arith.index_cast %add3A_2052 : i32 to index
      %get3A_2124 = arith.constant 160 : index
      %get3A_2125 = tpu.vector_load %arg9[%get3A_2123, %get3A_2124] {strides = array<i32>} : memref<160x256xf32, #tpu.memory_space<vmem>>, vector<16xf32>,
      %mul3A_2126 = arith.mulf %get3A_2125, %broadcast_in_dim3A_2048 : vector<16xf32>
      %swap3A_2127 = arith.index_cast %add3A_2052 : i32 to index
      %swap3A_2128 = arith.constant 160 : index
      %swap3A_2129 = tpu.vector_load %arg9[%swap3A_2127, %swap3A_2128] {strides = array<i32>} : memref<160x256xf32, #tpu.memory_space<vmem>>, vector<16xf32>,
      tpu.vector_store %arg9[%swap3A_2127, %swap3A_2128], %mul3A_2126 {strides = array<i32>} : memref<160x256xf32, #tpu.memory_space<vmem>>, vector<16xf32>,
      %get3A_2130 = arith.index_cast %add3A_2052 : i32 to index
      %get3A_2131 = arith.constant 176 : index
      %get3A_2132 = tpu.vector_load %arg9[%get3A_2130, %get3A_2131] {strides = array<i32>} : memref<160x256xf32, #tpu.memory_space<vmem>>, vector<16xf32>,
      %mul3A_2133 = arith.mulf %get3A_2132, %broadcast_in_dim3A_2048 : vector<16xf32>
      %swap3A_2134 = arith.index_cast %add3A_2052 : i32 to index
      %swap3A_2135 = arith.constant 176 : index
      %swap3A_2136 = tpu.vector_load %arg9[%swap3A_2134, %swap3A_2135] {strides = array<i32>} : memref<160x256xf32, #tpu.memory_space<vmem>>, vector<16xf32>,
      tpu.vector_store %arg9[%swap3A_2134, %swap3A_2135], %mul3A_2133 {strides = array<i32>} : memref<160x256xf32, #tpu.memory_space<vmem>>, vector<16xf32>,
      %get3A_2137 = arith.index_cast %add3A_2052 : i32 to index
      %get3A_2138 = arith.constant 192 : index
      %get3A_2139 = tpu.vector_load %arg9[%get3A_2137, %get3A_2138] {strides = array<i32>} : memref<160x256xf32, #tpu.memory_space<vmem>>, vector<16xf32>,
      %mul3A_2140 = arith.mulf %get3A_2139, %broadcast_in_dim3A_2048 : vector<16xf32>
      %swap3A_2141 = arith.index_cast %add3A_2052 : i32 to index
      %swap3A_2142 = arith.constant 192 : index
      %swap3A_2143 = tpu.vector_load %arg9[%swap3A_2141, %swap3A_2142] {strides = array<i32>} : memref<160x256xf32, #tpu.memory_space<vmem>>, vector<16xf32>,
      tpu.vector_store %arg9[%swap3A_2141, %swap3A_2142], %mul3A_2140 {strides = array<i32>} : memref<160x256xf32, #tpu.memory_space<vmem>>, vector<16xf32>,
      %get3A_2144 = arith.index_cast %add3A_2052 : i32 to index
      %get3A_2145 = arith.constant 208 : index
      %get3A_2146 = tpu.vector_load %arg9[%get3A_2144, %get3A_2145] {strides = array<i32>} : memref<160x256xf32, #tpu.memory_space<vmem>>, vector<16xf32>,
      %mul3A_2147 = arith.mulf %get3A_2146, %broadcast_in_dim3A_2048 : vector<16xf32>
      %swap3A_2148 = arith.index_cast %add3A_2052 : i32 to index
      %swap3A_2149 = arith.constant 208 : index
      %swap3A_2150 = tpu.vector_load %arg9[%swap3A_2148, %swap3A_2149] {strides = array<i32>} : memref<160x256xf32, #tpu.memory_space<vmem>>, vector<16xf32>,
      tpu.vector_store %arg9[%swap3A_2148, %swap3A_2149], %mul3A_2147 {strides = array<i32>} : memref<160x256xf32, #tpu.memory_space<vmem>>, vector<16xf32>,
      %get3A_2151 = arith.index_cast %add3A_2052 : i32 to index
      %get3A_2152 = arith.constant 224 : index
      %get3A_2153 = tpu.vector_load %arg9[%get3A_2151, %get3A_2152] {strides = array<i32>} : memref<160x256xf32, #tpu.memory_space<vmem>>, vector<16xf32>,
      %mul3A_2154 = arith.mulf %get3A_2153, %broadcast_in_dim3A_2048 : vector<16xf32>
      %swap3A_2155 = arith.index_cast %add3A_2052 : i32 to index
      %swap3A_2156 = arith.constant 224 : index
      %swap3A_2157 = tpu.vector_load %arg9[%swap3A_2155, %swap3A_2156] {strides = array<i32>} : memref<160x256xf32, #tpu.memory_space<vmem>>, vector<16xf32>,
      tpu.vector_store %arg9[%swap3A_2155, %swap3A_2156], %mul3A_2154 {strides = array<i32>} : memref<160x256xf32, #tpu.memory_space<vmem>>, vector<16xf32>,
      %get3A_2158 = arith.index_cast %add3A_2052 : i32 to index
      %get3A_2159 = arith.constant 240 : index
      %get3A_2160 = tpu.vector_load %arg9[%get3A_2158, %get3A_2159] {strides = array<i32>} : memref<160x256xf32, #tpu.memory_space<vmem>>, vector<16xf32>,
      %mul3A_2161 = arith.mulf %get3A_2160, %broadcast_in_dim3A_2048 : vector<16xf32>
      %swap3A_2162 = arith.index_cast %add3A_2052 : i32 to index
      %swap3A_2163 = arith.constant 240 : index
      %swap3A_2164 = tpu.vector_load %arg9[%swap3A_2162, %swap3A_2163] {strides = array<i32>} : memref<160x256xf32, #tpu.memory_space<vmem>>, vector<16xf32>,
      tpu.vector_store %arg9[%swap3A_2162, %swap3A_2163], %mul3A_2161 {strides = array<i32>} : memref<160x256xf32, #tpu.memory_space<vmem>>, vector<16xf32>,
      %slice3A_2165 = vector.extract_strided_slice %gather3A_617 {offsets = [13], sizes = [1], strides = [1]} : vector<16xf32> to vector<1xf32>
      %squeeze3A_2166 = vector.extract %slice3A_2165[0] : f32 from vector<1xf32>
      %broadcast_in_dim3A_2167 = vector.broadcast %squeeze3A_2166 : f32 to vector<16xf32>
      %mul3A_2168 = arith.constant 16 : i32
      %mul3A_2169 = arith.muli %scan3A_612, %mul3A_2168 : i32
      %add3A_2170 = arith.constant 13 : i32
      %add3A_2171 = arith.addi %mul3A_2169, %add3A_2170 : i32
      %get3A_2172 = arith.index_cast %add3A_2171 : i32 to index
      %get3A_2173 = arith.constant 0 : index
      %get3A_2174 = tpu.vector_load %arg9[%get3A_2172, %get3A_2173] {strides = array<i32>} : memref<160x256xf32, #tpu.memory_space<vmem>>, vector<16xf32>,
      %mul3A_2175 = arith.mulf %get3A_2174, %broadcast_in_dim3A_2167 : vector<16xf32>
      %swap3A_2176 = arith.index_cast %add3A_2171 : i32 to index
      %swap3A_2177 = arith.constant 0 : index
      %swap3A_2178 = tpu.vector_load %arg9[%swap3A_2176, %swap3A_2177] {strides = array<i32>} : memref<160x256xf32, #tpu.memory_space<vmem>>, vector<16xf32>,
      tpu.vector_store %arg9[%swap3A_2176, %swap3A_2177], %mul3A_2175 {strides = array<i32>} : memref<160x256xf32, #tpu.memory_space<vmem>>, vector<16xf32>,
      %get3A_2179 = arith.index_cast %add3A_2171 : i32 to index
      %get3A_2180 = arith.constant 16 : index
      %get3A_2181 = tpu.vector_load %arg9[%get3A_2179, %get3A_2180] {strides = array<i32>} : memref<160x256xf32, #tpu.memory_space<vmem>>, vector<16xf32>,
      %mul3A_2182 = arith.mulf %get3A_2181, %broadcast_in_dim3A_2167 : vector<16xf32>
      %swap3A_2183 = arith.index_cast %add3A_2171 : i32 to index
      %swap3A_2184 = arith.constant 16 : index
      %swap3A_2185 = tpu.vector_load %arg9[%swap3A_2183, %swap3A_2184] {strides = array<i32>} : memref<160x256xf32, #tpu.memory_space<vmem>>, vector<16xf32>,
      tpu.vector_store %arg9[%swap3A_2183, %swap3A_2184], %mul3A_2182 {strides = array<i32>} : memref<160x256xf32, #tpu.memory_space<vmem>>, vector<16xf32>,
      %get3A_2186 = arith.index_cast %add3A_2171 : i32 to index
      %get3A_2187 = arith.constant 32 : index
      %get3A_2188 = tpu.vector_load %arg9[%get3A_2186, %get3A_2187] {strides = array<i32>} : memref<160x256xf32, #tpu.memory_space<vmem>>, vector<16xf32>,
      %mul3A_2189 = arith.mulf %get3A_2188, %broadcast_in_dim3A_2167 : vector<16xf32>
      %swap3A_2190 = arith.index_cast %add3A_2171 : i32 to index
      %swap3A_2191 = arith.constant 32 : index
      %swap3A_2192 = tpu.vector_load %arg9[%swap3A_2190, %swap3A_2191] {strides = array<i32>} : memref<160x256xf32, #tpu.memory_space<vmem>>, vector<16xf32>,
      tpu.vector_store %arg9[%swap3A_2190, %swap3A_2191], %mul3A_2189 {strides = array<i32>} : memref<160x256xf32, #tpu.memory_space<vmem>>, vector<16xf32>,
      %get3A_2193 = arith.index_cast %add3A_2171 : i32 to index
      %get3A_2194 = arith.constant 48 : index
      %get3A_2195 = tpu.vector_load %arg9[%get3A_2193, %get3A_2194] {strides = array<i32>} : memref<160x256xf32, #tpu.memory_space<vmem>>, vector<16xf32>,
      %mul3A_2196 = arith.mulf %get3A_2195, %broadcast_in_dim3A_2167 : vector<16xf32>
      %swap3A_2197 = arith.index_cast %add3A_2171 : i32 to index
      %swap3A_2198 = arith.constant 48 : index
      %swap3A_2199 = tpu.vector_load %arg9[%swap3A_2197, %swap3A_2198] {strides = array<i32>} : memref<160x256xf32, #tpu.memory_space<vmem>>, vector<16xf32>,
      tpu.vector_store %arg9[%swap3A_2197, %swap3A_2198], %mul3A_2196 {strides = array<i32>} : memref<160x256xf32, #tpu.memory_space<vmem>>, vector<16xf32>,
      %get3A_2200 = arith.index_cast %add3A_2171 : i32 to index
      %get3A_2201 = arith.constant 64 : index
      %get3A_2202 = tpu.vector_load %arg9[%get3A_2200, %get3A_2201] {strides = array<i32>} : memref<160x256xf32, #tpu.memory_space<vmem>>, vector<16xf32>,
      %mul3A_2203 = arith.mulf %get3A_2202, %broadcast_in_dim3A_2167 : vector<16xf32>
      %swap3A_2204 = arith.index_cast %add3A_2171 : i32 to index
      %swap3A_2205 = arith.constant 64 : index
      %swap3A_2206 = tpu.vector_load %arg9[%swap3A_2204, %swap3A_2205] {strides = array<i32>} : memref<160x256xf32, #tpu.memory_space<vmem>>, vector<16xf32>,
      tpu.vector_store %arg9[%swap3A_2204, %swap3A_2205], %mul3A_2203 {strides = array<i32>} : memref<160x256xf32, #tpu.memory_space<vmem>>, vector<16xf32>,
      %get3A_2207 = arith.index_cast %add3A_2171 : i32 to index
      %get3A_2208 = arith.constant 80 : index
      %get3A_2209 = tpu.vector_load %arg9[%get3A_2207, %get3A_2208] {strides = array<i32>} : memref<160x256xf32, #tpu.memory_space<vmem>>, vector<16xf32>,
      %mul3A_2210 = arith.mulf %get3A_2209, %broadcast_in_dim3A_2167 : vector<16xf32>
      %swap3A_2211 = arith.index_cast %add3A_2171 : i32 to index
      %swap3A_2212 = arith.constant 80 : index
      %swap3A_2213 = tpu.vector_load %arg9[%swap3A_2211, %swap3A_2212] {strides = array<i32>} : memref<160x256xf32, #tpu.memory_space<vmem>>, vector<16xf32>,
      tpu.vector_store %arg9[%swap3A_2211, %swap3A_2212], %mul3A_2210 {strides = array<i32>} : memref<160x256xf32, #tpu.memory_space<vmem>>, vector<16xf32>,
      %get3A_2214 = arith.index_cast %add3A_2171 : i32 to index
      %get3A_2215 = arith.constant 96 : index
      %get3A_2216 = tpu.vector_load %arg9[%get3A_2214, %get3A_2215] {strides = array<i32>} : memref<160x256xf32, #tpu.memory_space<vmem>>, vector<16xf32>,
      %mul3A_2217 = arith.mulf %get3A_2216, %broadcast_in_dim3A_2167 : vector<16xf32>
      %swap3A_2218 = arith.index_cast %add3A_2171 : i32 to index
      %swap3A_2219 = arith.constant 96 : index
      %swap3A_2220 = tpu.vector_load %arg9[%swap3A_2218, %swap3A_2219] {strides = array<i32>} : memref<160x256xf32, #tpu.memory_space<vmem>>, vector<16xf32>,
      tpu.vector_store %arg9[%swap3A_2218, %swap3A_2219], %mul3A_2217 {strides = array<i32>} : memref<160x256xf32, #tpu.memory_space<vmem>>, vector<16xf32>,
      %get3A_2221 = arith.index_cast %add3A_2171 : i32 to index
      %get3A_2222 = arith.constant 112 : index
      %get3A_2223 = tpu.vector_load %arg9[%get3A_2221, %get3A_2222] {strides = array<i32>} : memref<160x256xf32, #tpu.memory_space<vmem>>, vector<16xf32>,
      %mul3A_2224 = arith.mulf %get3A_2223, %broadcast_in_dim3A_2167 : vector<16xf32>
      %swap3A_2225 = arith.index_cast %add3A_2171 : i32 to index
      %swap3A_2226 = arith.constant 112 : index
      %swap3A_2227 = tpu.vector_load %arg9[%swap3A_2225, %swap3A_2226] {strides = array<i32>} : memref<160x256xf32, #tpu.memory_space<vmem>>, vector<16xf32>,
      tpu.vector_store %arg9[%swap3A_2225, %swap3A_2226], %mul3A_2224 {strides = array<i32>} : memref<160x256xf32, #tpu.memory_space<vmem>>, vector<16xf32>,
      %get3A_2228 = arith.index_cast %add3A_2171 : i32 to index
      %get3A_2229 = arith.constant 128 : index
      %get3A_2230 = tpu.vector_load %arg9[%get3A_2228, %get3A_2229] {strides = array<i32>} : memref<160x256xf32, #tpu.memory_space<vmem>>, vector<16xf32>,
      %mul3A_2231 = arith.mulf %get3A_2230, %broadcast_in_dim3A_2167 : vector<16xf32>
      %swap3A_2232 = arith.index_cast %add3A_2171 : i32 to index
      %swap3A_2233 = arith.constant 128 : index
      %swap3A_2234 = tpu.vector_load %arg9[%swap3A_2232, %swap3A_2233] {strides = array<i32>} : memref<160x256xf32, #tpu.memory_space<vmem>>, vector<16xf32>,
      tpu.vector_store %arg9[%swap3A_2232, %swap3A_2233], %mul3A_2231 {strides = array<i32>} : memref<160x256xf32, #tpu.memory_space<vmem>>, vector<16xf32>,
      %get3A_2235 = arith.index_cast %add3A_2171 : i32 to index
      %get3A_2236 = arith.constant 144 : index
      %get3A_2237 = tpu.vector_load %arg9[%get3A_2235, %get3A_2236] {strides = array<i32>} : memref<160x256xf32, #tpu.memory_space<vmem>>, vector<16xf32>,
      %mul3A_2238 = arith.mulf %get3A_2237, %broadcast_in_dim3A_2167 : vector<16xf32>
      %swap3A_2239 = arith.index_cast %add3A_2171 : i32 to index
      %swap3A_2240 = arith.constant 144 : index
      %swap3A_2241 = tpu.vector_load %arg9[%swap3A_2239, %swap3A_2240] {strides = array<i32>} : memref<160x256xf32, #tpu.memory_space<vmem>>, vector<16xf32>,
      tpu.vector_store %arg9[%swap3A_2239, %swap3A_2240], %mul3A_2238 {strides = array<i32>} : memref<160x256xf32, #tpu.memory_space<vmem>>, vector<16xf32>,
      %get3A_2242 = arith.index_cast %add3A_2171 : i32 to index
      %get3A_2243 = arith.constant 160 : index
      %get3A_2244 = tpu.vector_load %arg9[%get3A_2242, %get3A_2243] {strides = array<i32>} : memref<160x256xf32, #tpu.memory_space<vmem>>, vector<16xf32>,
      %mul3A_2245 = arith.mulf %get3A_2244, %broadcast_in_dim3A_2167 : vector<16xf32>
      %swap3A_2246 = arith.index_cast %add3A_2171 : i32 to index
      %swap3A_2247 = arith.constant 160 : index
      %swap3A_2248 = tpu.vector_load %arg9[%swap3A_2246, %swap3A_2247] {strides = array<i32>} : memref<160x256xf32, #tpu.memory_space<vmem>>, vector<16xf32>,
      tpu.vector_store %arg9[%swap3A_2246, %swap3A_2247], %mul3A_2245 {strides = array<i32>} : memref<160x256xf32, #tpu.memory_space<vmem>>, vector<16xf32>,
      %get3A_2249 = arith.index_cast %add3A_2171 : i32 to index
      %get3A_2250 = arith.constant 176 : index
      %get3A_2251 = tpu.vector_load %arg9[%get3A_2249, %get3A_2250] {strides = array<i32>} : memref<160x256xf32, #tpu.memory_space<vmem>>, vector<16xf32>,
      %mul3A_2252 = arith.mulf %get3A_2251, %broadcast_in_dim3A_2167 : vector<16xf32>
      %swap3A_2253 = arith.index_cast %add3A_2171 : i32 to index
      %swap3A_2254 = arith.constant 176 : index
      %swap3A_2255 = tpu.vector_load %arg9[%swap3A_2253, %swap3A_2254] {strides = array<i32>} : memref<160x256xf32, #tpu.memory_space<vmem>>, vector<16xf32>,
      tpu.vector_store %arg9[%swap3A_2253, %swap3A_2254], %mul3A_2252 {strides = array<i32>} : memref<160x256xf32, #tpu.memory_space<vmem>>, vector<16xf32>,
      %get3A_2256 = arith.index_cast %add3A_2171 : i32 to index
      %get3A_2257 = arith.constant 192 : index
      %get3A_2258 = tpu.vector_load %arg9[%get3A_2256, %get3A_2257] {strides = array<i32>} : memref<160x256xf32, #tpu.memory_space<vmem>>, vector<16xf32>,
      %mul3A_2259 = arith.mulf %get3A_2258, %broadcast_in_dim3A_2167 : vector<16xf32>
      %swap3A_2260 = arith.index_cast %add3A_2171 : i32 to index
      %swap3A_2261 = arith.constant 192 : index
      %swap3A_2262 = tpu.vector_load %arg9[%swap3A_2260, %swap3A_2261] {strides = array<i32>} : memref<160x256xf32, #tpu.memory_space<vmem>>, vector<16xf32>,
      tpu.vector_store %arg9[%swap3A_2260, %swap3A_2261], %mul3A_2259 {strides = array<i32>} : memref<160x256xf32, #tpu.memory_space<vmem>>, vector<16xf32>,
      %get3A_2263 = arith.index_cast %add3A_2171 : i32 to index
      %get3A_2264 = arith.constant 208 : index
      %get3A_2265 = tpu.vector_load %arg9[%get3A_2263, %get3A_2264] {strides = array<i32>} : memref<160x256xf32, #tpu.memory_space<vmem>>, vector<16xf32>,
      %mul3A_2266 = arith.mulf %get3A_2265, %broadcast_in_dim3A_2167 : vector<16xf32>
      %swap3A_2267 = arith.index_cast %add3A_2171 : i32 to index
      %swap3A_2268 = arith.constant 208 : index
      %swap3A_2269 = tpu.vector_load %arg9[%swap3A_2267, %swap3A_2268] {strides = array<i32>} : memref<160x256xf32, #tpu.memory_space<vmem>>, vector<16xf32>,
      tpu.vector_store %arg9[%swap3A_2267, %swap3A_2268], %mul3A_2266 {strides = array<i32>} : memref<160x256xf32, #tpu.memory_space<vmem>>, vector<16xf32>,
      %get3A_2270 = arith.index_cast %add3A_2171 : i32 to index
      %get3A_2271 = arith.constant 224 : index
      %get3A_2272 = tpu.vector_load %arg9[%get3A_2270, %get3A_2271] {strides = array<i32>} : memref<160x256xf32, #tpu.memory_space<vmem>>, vector<16xf32>,
      %mul3A_2273 = arith.mulf %get3A_2272, %broadcast_in_dim3A_2167 : vector<16xf32>
      %swap3A_2274 = arith.index_cast %add3A_2171 : i32 to index
      %swap3A_2275 = arith.constant 224 : index
      %swap3A_2276 = tpu.vector_load %arg9[%swap3A_2274, %swap3A_2275] {strides = array<i32>} : memref<160x256xf32, #tpu.memory_space<vmem>>, vector<16xf32>,
      tpu.vector_store %arg9[%swap3A_2274, %swap3A_2275], %mul3A_2273 {strides = array<i32>} : memref<160x256xf32, #tpu.memory_space<vmem>>, vector<16xf32>,
      %get3A_2277 = arith.index_cast %add3A_2171 : i32 to index
      %get3A_2278 = arith.constant 240 : index
      %get3A_2279 = tpu.vector_load %arg9[%get3A_2277, %get3A_2278] {strides = array<i32>} : memref<160x256xf32, #tpu.memory_space<vmem>>, vector<16xf32>,
      %mul3A_2280 = arith.mulf %get3A_2279, %broadcast_in_dim3A_2167 : vector<16xf32>
      %swap3A_2281 = arith.index_cast %add3A_2171 : i32 to index
      %swap3A_2282 = arith.constant 240 : index
      %swap3A_2283 = tpu.vector_load %arg9[%swap3A_2281, %swap3A_2282] {strides = array<i32>} : memref<160x256xf32, #tpu.memory_space<vmem>>, vector<16xf32>,
      tpu.vector_store %arg9[%swap3A_2281, %swap3A_2282], %mul3A_2280 {strides = array<i32>} : memref<160x256xf32, #tpu.memory_space<vmem>>, vector<16xf32>,
      %slice3A_2284 = vector.extract_strided_slice %gather3A_617 {offsets = [14], sizes = [1], strides = [1]} : vector<16xf32> to vector<1xf32>
      %squeeze3A_2285 = vector.extract %slice3A_2284[0] : f32 from vector<1xf32>
      %broadcast_in_dim3A_2286 = vector.broadcast %squeeze3A_2285 : f32 to vector<16xf32>
      %mul3A_2287 = arith.constant 16 : i32
      %mul3A_2288 = arith.muli %scan3A_612, %mul3A_2287 : i32
      %add3A_2289 = arith.constant 14 : i32
      %add3A_2290 = arith.addi %mul3A_2288, %add3A_2289 : i32
      %get3A_2291 = arith.index_cast %add3A_2290 : i32 to index
      %get3A_2292 = arith.constant 0 : index
      %get3A_2293 = tpu.vector_load %arg9[%get3A_2291, %get3A_2292] {strides = array<i32>} : memref<160x256xf32, #tpu.memory_space<vmem>>, vector<16xf32>,
      %mul3A_2294 = arith.mulf %get3A_2293, %broadcast_in_dim3A_2286 : vector<16xf32>
      %swap3A_2295 = arith.index_cast %add3A_2290 : i32 to index
      %swap3A_2296 = arith.constant 0 : index
      %swap3A_2297 = tpu.vector_load %arg9[%swap3A_2295, %swap3A_2296] {strides = array<i32>} : memref<160x256xf32, #tpu.memory_space<vmem>>, vector<16xf32>,
      tpu.vector_store %arg9[%swap3A_2295, %swap3A_2296], %mul3A_2294 {strides = array<i32>} : memref<160x256xf32, #tpu.memory_space<vmem>>, vector<16xf32>,
      %get3A_2298 = arith.index_cast %add3A_2290 : i32 to index
      %get3A_2299 = arith.constant 16 : index
      %get3A_2300 = tpu.vector_load %arg9[%get3A_2298, %get3A_2299] {strides = array<i32>} : memref<160x256xf32, #tpu.memory_space<vmem>>, vector<16xf32>,
      %mul3A_2301 = arith.mulf %get3A_2300, %broadcast_in_dim3A_2286 : vector<16xf32>
      %swap3A_2302 = arith.index_cast %add3A_2290 : i32 to index
      %swap3A_2303 = arith.constant 16 : index
      %swap3A_2304 = tpu.vector_load %arg9[%swap3A_2302, %swap3A_2303] {strides = array<i32>} : memref<160x256xf32, #tpu.memory_space<vmem>>, vector<16xf32>,
      tpu.vector_store %arg9[%swap3A_2302, %swap3A_2303], %mul3A_2301 {strides = array<i32>} : memref<160x256xf32, #tpu.memory_space<vmem>>, vector<16xf32>,
      %get3A_2305 = arith.index_cast %add3A_2290 : i32 to index
      %get3A_2306 = arith.constant 32 : index
      %get3A_2307 = tpu.vector_load %arg9[%get3A_2305, %get3A_2306] {strides = array<i32>} : memref<160x256xf32, #tpu.memory_space<vmem>>, vector<16xf32>,
      %mul3A_2308 = arith.mulf %get3A_2307, %broadcast_in_dim3A_2286 : vector<16xf32>
      %swap3A_2309 = arith.index_cast %add3A_2290 : i32 to index
      %swap3A_2310 = arith.constant 32 : index
      %swap3A_2311 = tpu.vector_load %arg9[%swap3A_2309, %swap3A_2310] {strides = array<i32>} : memref<160x256xf32, #tpu.memory_space<vmem>>, vector<16xf32>,
      tpu.vector_store %arg9[%swap3A_2309, %swap3A_2310], %mul3A_2308 {strides = array<i32>} : memref<160x256xf32, #tpu.memory_space<vmem>>, vector<16xf32>,
      %get3A_2312 = arith.index_cast %add3A_2290 : i32 to index
      %get3A_2313 = arith.constant 48 : index
      %get3A_2314 = tpu.vector_load %arg9[%get3A_2312, %get3A_2313] {strides = array<i32>} : memref<160x256xf32, #tpu.memory_space<vmem>>, vector<16xf32>,
      %mul3A_2315 = arith.mulf %get3A_2314, %broadcast_in_dim3A_2286 : vector<16xf32>
      %swap3A_2316 = arith.index_cast %add3A_2290 : i32 to index
      %swap3A_2317 = arith.constant 48 : index
      %swap3A_2318 = tpu.vector_load %arg9[%swap3A_2316, %swap3A_2317] {strides = array<i32>} : memref<160x256xf32, #tpu.memory_space<vmem>>, vector<16xf32>,
      tpu.vector_store %arg9[%swap3A_2316, %swap3A_2317], %mul3A_2315 {strides = array<i32>} : memref<160x256xf32, #tpu.memory_space<vmem>>, vector<16xf32>,
      %get3A_2319 = arith.index_cast %add3A_2290 : i32 to index
      %get3A_2320 = arith.constant 64 : index
      %get3A_2321 = tpu.vector_load %arg9[%get3A_2319, %get3A_2320] {strides = array<i32>} : memref<160x256xf32, #tpu.memory_space<vmem>>, vector<16xf32>,
      %mul3A_2322 = arith.mulf %get3A_2321, %broadcast_in_dim3A_2286 : vector<16xf32>
      %swap3A_2323 = arith.index_cast %add3A_2290 : i32 to index
      %swap3A_2324 = arith.constant 64 : index
      %swap3A_2325 = tpu.vector_load %arg9[%swap3A_2323, %swap3A_2324] {strides = array<i32>} : memref<160x256xf32, #tpu.memory_space<vmem>>, vector<16xf32>,
      tpu.vector_store %arg9[%swap3A_2323, %swap3A_2324], %mul3A_2322 {strides = array<i32>} : memref<160x256xf32, #tpu.memory_space<vmem>>, vector<16xf32>,
      %get3A_2326 = arith.index_cast %add3A_2290 : i32 to index
      %get3A_2327 = arith.constant 80 : index
      %get3A_2328 = tpu.vector_load %arg9[%get3A_2326, %get3A_2327] {strides = array<i32>} : memref<160x256xf32, #tpu.memory_space<vmem>>, vector<16xf32>,
      %mul3A_2329 = arith.mulf %get3A_2328, %broadcast_in_dim3A_2286 : vector<16xf32>
      %swap3A_2330 = arith.index_cast %add3A_2290 : i32 to index
      %swap3A_2331 = arith.constant 80 : index
      %swap3A_2332 = tpu.vector_load %arg9[%swap3A_2330, %swap3A_2331] {strides = array<i32>} : memref<160x256xf32, #tpu.memory_space<vmem>>, vector<16xf32>,
      tpu.vector_store %arg9[%swap3A_2330, %swap3A_2331], %mul3A_2329 {strides = array<i32>} : memref<160x256xf32, #tpu.memory_space<vmem>>, vector<16xf32>,
      %get3A_2333 = arith.index_cast %add3A_2290 : i32 to index
      %get3A_2334 = arith.constant 96 : index
      %get3A_2335 = tpu.vector_load %arg9[%get3A_2333, %get3A_2334] {strides = array<i32>} : memref<160x256xf32, #tpu.memory_space<vmem>>, vector<16xf32>,
      %mul3A_2336 = arith.mulf %get3A_2335, %broadcast_in_dim3A_2286 : vector<16xf32>
      %swap3A_2337 = arith.index_cast %add3A_2290 : i32 to index
      %swap3A_2338 = arith.constant 96 : index
      %swap3A_2339 = tpu.vector_load %arg9[%swap3A_2337, %swap3A_2338] {strides = array<i32>} : memref<160x256xf32, #tpu.memory_space<vmem>>, vector<16xf32>,
      tpu.vector_store %arg9[%swap3A_2337, %swap3A_2338], %mul3A_2336 {strides = array<i32>} : memref<160x256xf32, #tpu.memory_space<vmem>>, vector<16xf32>,
      %get3A_2340 = arith.index_cast %add3A_2290 : i32 to index
      %get3A_2341 = arith.constant 112 : index
      %get3A_2342 = tpu.vector_load %arg9[%get3A_2340, %get3A_2341] {strides = array<i32>} : memref<160x256xf32, #tpu.memory_space<vmem>>, vector<16xf32>,
      %mul3A_2343 = arith.mulf %get3A_2342, %broadcast_in_dim3A_2286 : vector<16xf32>
      %swap3A_2344 = arith.index_cast %add3A_2290 : i32 to index
      %swap3A_2345 = arith.constant 112 : index
      %swap3A_2346 = tpu.vector_load %arg9[%swap3A_2344, %swap3A_2345] {strides = array<i32>} : memref<160x256xf32, #tpu.memory_space<vmem>>, vector<16xf32>,
      tpu.vector_store %arg9[%swap3A_2344, %swap3A_2345], %mul3A_2343 {strides = array<i32>} : memref<160x256xf32, #tpu.memory_space<vmem>>, vector<16xf32>,
      %get3A_2347 = arith.index_cast %add3A_2290 : i32 to index
      %get3A_2348 = arith.constant 128 : index
      %get3A_2349 = tpu.vector_load %arg9[%get3A_2347, %get3A_2348] {strides = array<i32>} : memref<160x256xf32, #tpu.memory_space<vmem>>, vector<16xf32>,
      %mul3A_2350 = arith.mulf %get3A_2349, %broadcast_in_dim3A_2286 : vector<16xf32>
      %swap3A_2351 = arith.index_cast %add3A_2290 : i32 to index
      %swap3A_2352 = arith.constant 128 : index
      %swap3A_2353 = tpu.vector_load %arg9[%swap3A_2351, %swap3A_2352] {strides = array<i32>} : memref<160x256xf32, #tpu.memory_space<vmem>>, vector<16xf32>,
      tpu.vector_store %arg9[%swap3A_2351, %swap3A_2352], %mul3A_2350 {strides = array<i32>} : memref<160x256xf32, #tpu.memory_space<vmem>>, vector<16xf32>,
      %get3A_2354 = arith.index_cast %add3A_2290 : i32 to index
      %get3A_2355 = arith.constant 144 : index
      %get3A_2356 = tpu.vector_load %arg9[%get3A_2354, %get3A_2355] {strides = array<i32>} : memref<160x256xf32, #tpu.memory_space<vmem>>, vector<16xf32>,
      %mul3A_2357 = arith.mulf %get3A_2356, %broadcast_in_dim3A_2286 : vector<16xf32>
      %swap3A_2358 = arith.index_cast %add3A_2290 : i32 to index
      %swap3A_2359 = arith.constant 144 : index
      %swap3A_2360 = tpu.vector_load %arg9[%swap3A_2358, %swap3A_2359] {strides = array<i32>} : memref<160x256xf32, #tpu.memory_space<vmem>>, vector<16xf32>,
      tpu.vector_store %arg9[%swap3A_2358, %swap3A_2359], %mul3A_2357 {strides = array<i32>} : memref<160x256xf32, #tpu.memory_space<vmem>>, vector<16xf32>,
      %get3A_2361 = arith.index_cast %add3A_2290 : i32 to index
      %get3A_2362 = arith.constant 160 : index
      %get3A_2363 = tpu.vector_load %arg9[%get3A_2361, %get3A_2362] {strides = array<i32>} : memref<160x256xf32, #tpu.memory_space<vmem>>, vector<16xf32>,
      %mul3A_2364 = arith.mulf %get3A_2363, %broadcast_in_dim3A_2286 : vector<16xf32>
      %swap3A_2365 = arith.index_cast %add3A_2290 : i32 to index
      %swap3A_2366 = arith.constant 160 : index
      %swap3A_2367 = tpu.vector_load %arg9[%swap3A_2365, %swap3A_2366] {strides = array<i32>} : memref<160x256xf32, #tpu.memory_space<vmem>>, vector<16xf32>,
      tpu.vector_store %arg9[%swap3A_2365, %swap3A_2366], %mul3A_2364 {strides = array<i32>} : memref<160x256xf32, #tpu.memory_space<vmem>>, vector<16xf32>,
      %get3A_2368 = arith.index_cast %add3A_2290 : i32 to index
      %get3A_2369 = arith.constant 176 : index
      %get3A_2370 = tpu.vector_load %arg9[%get3A_2368, %get3A_2369] {strides = array<i32>} : memref<160x256xf32, #tpu.memory_space<vmem>>, vector<16xf32>,
      %mul3A_2371 = arith.mulf %get3A_2370, %broadcast_in_dim3A_2286 : vector<16xf32>
      %swap3A_2372 = arith.index_cast %add3A_2290 : i32 to index
      %swap3A_2373 = arith.constant 176 : index
      %swap3A_2374 = tpu.vector_load %arg9[%swap3A_2372, %swap3A_2373] {strides = array<i32>} : memref<160x256xf32, #tpu.memory_space<vmem>>, vector<16xf32>,
      tpu.vector_store %arg9[%swap3A_2372, %swap3A_2373], %mul3A_2371 {strides = array<i32>} : memref<160x256xf32, #tpu.memory_space<vmem>>, vector<16xf32>,
      %get3A_2375 = arith.index_cast %add3A_2290 : i32 to index
      %get3A_2376 = arith.constant 192 : index
      %get3A_2377 = tpu.vector_load %arg9[%get3A_2375, %get3A_2376] {strides = array<i32>} : memref<160x256xf32, #tpu.memory_space<vmem>>, vector<16xf32>,
      %mul3A_2378 = arith.mulf %get3A_2377, %broadcast_in_dim3A_2286 : vector<16xf32>
      %swap3A_2379 = arith.index_cast %add3A_2290 : i32 to index
      %swap3A_2380 = arith.constant 192 : index
      %swap3A_2381 = tpu.vector_load %arg9[%swap3A_2379, %swap3A_2380] {strides = array<i32>} : memref<160x256xf32, #tpu.memory_space<vmem>>, vector<16xf32>,
      tpu.vector_store %arg9[%swap3A_2379, %swap3A_2380], %mul3A_2378 {strides = array<i32>} : memref<160x256xf32, #tpu.memory_space<vmem>>, vector<16xf32>,
      %get3A_2382 = arith.index_cast %add3A_2290 : i32 to index
      %get3A_2383 = arith.constant 208 : index
      %get3A_2384 = tpu.vector_load %arg9[%get3A_2382, %get3A_2383] {strides = array<i32>} : memref<160x256xf32, #tpu.memory_space<vmem>>, vector<16xf32>,
      %mul3A_2385 = arith.mulf %get3A_2384, %broadcast_in_dim3A_2286 : vector<16xf32>
      %swap3A_2386 = arith.index_cast %add3A_2290 : i32 to index
      %swap3A_2387 = arith.constant 208 : index
      %swap3A_2388 = tpu.vector_load %arg9[%swap3A_2386, %swap3A_2387] {strides = array<i32>} : memref<160x256xf32, #tpu.memory_space<vmem>>, vector<16xf32>,
      tpu.vector_store %arg9[%swap3A_2386, %swap3A_2387], %mul3A_2385 {strides = array<i32>} : memref<160x256xf32, #tpu.memory_space<vmem>>, vector<16xf32>,
      %get3A_2389 = arith.index_cast %add3A_2290 : i32 to index
      %get3A_2390 = arith.constant 224 : index
      %get3A_2391 = tpu.vector_load %arg9[%get3A_2389, %get3A_2390] {strides = array<i32>} : memref<160x256xf32, #tpu.memory_space<vmem>>, vector<16xf32>,
      %mul3A_2392 = arith.mulf %get3A_2391, %broadcast_in_dim3A_2286 : vector<16xf32>
      %swap3A_2393 = arith.index_cast %add3A_2290 : i32 to index
      %swap3A_2394 = arith.constant 224 : index
      %swap3A_2395 = tpu.vector_load %arg9[%swap3A_2393, %swap3A_2394] {strides = array<i32>} : memref<160x256xf32, #tpu.memory_space<vmem>>, vector<16xf32>,
      tpu.vector_store %arg9[%swap3A_2393, %swap3A_2394], %mul3A_2392 {strides = array<i32>} : memref<160x256xf32, #tpu.memory_space<vmem>>, vector<16xf32>,
      %get3A_2396 = arith.index_cast %add3A_2290 : i32 to index
      %get3A_2397 = arith.constant 240 : index
      %get3A_2398 = tpu.vector_load %arg9[%get3A_2396, %get3A_2397] {strides = array<i32>} : memref<160x256xf32, #tpu.memory_space<vmem>>, vector<16xf32>,
      %mul3A_2399 = arith.mulf %get3A_2398, %broadcast_in_dim3A_2286 : vector<16xf32>
      %swap3A_2400 = arith.index_cast %add3A_2290 : i32 to index
      %swap3A_2401 = arith.constant 240 : index
      %swap3A_2402 = tpu.vector_load %arg9[%swap3A_2400, %swap3A_2401] {strides = array<i32>} : memref<160x256xf32, #tpu.memory_space<vmem>>, vector<16xf32>,
      tpu.vector_store %arg9[%swap3A_2400, %swap3A_2401], %mul3A_2399 {strides = array<i32>} : memref<160x256xf32, #tpu.memory_space<vmem>>, vector<16xf32>,
      %slice3A_2403 = vector.extract_strided_slice %gather3A_617 {offsets = [15], sizes = [1], strides = [1]} : vector<16xf32> to vector<1xf32>
      %squeeze3A_2404 = vector.extract %slice3A_2403[0] : f32 from vector<1xf32>
      %broadcast_in_dim3A_2405 = vector.broadcast %squeeze3A_2404 : f32 to vector<16xf32>
      %mul3A_2406 = arith.constant 16 : i32
      %mul3A_2407 = arith.muli %scan3A_612, %mul3A_2406 : i32
      %add3A_2408 = arith.constant 15 : i32
      %add3A_2409 = arith.addi %mul3A_2407, %add3A_2408 : i32
      %get3A_2410 = arith.index_cast %add3A_2409 : i32 to index
      %get3A_2411 = arith.constant 0 : index
      %get3A_2412 = tpu.vector_load %arg9[%get3A_2410, %get3A_2411] {strides = array<i32>} : memref<160x256xf32, #tpu.memory_space<vmem>>, vector<16xf32>,
      %mul3A_2413 = arith.mulf %get3A_2412, %broadcast_in_dim3A_2405 : vector<16xf32>
      %swap3A_2414 = arith.index_cast %add3A_2409 : i32 to index
      %swap3A_2415 = arith.constant 0 : index
      %swap3A_2416 = tpu.vector_load %arg9[%swap3A_2414, %swap3A_2415] {strides = array<i32>} : memref<160x256xf32, #tpu.memory_space<vmem>>, vector<16xf32>,
      tpu.vector_store %arg9[%swap3A_2414, %swap3A_2415], %mul3A_2413 {strides = array<i32>} : memref<160x256xf32, #tpu.memory_space<vmem>>, vector<16xf32>,
      %get3A_2417 = arith.index_cast %add3A_2409 : i32 to index
      %get3A_2418 = arith.constant 16 : index
      %get3A_2419 = tpu.vector_load %arg9[%get3A_2417, %get3A_2418] {strides = array<i32>} : memref<160x256xf32, #tpu.memory_space<vmem>>, vector<16xf32>,
      %mul3A_2420 = arith.mulf %get3A_2419, %broadcast_in_dim3A_2405 : vector<16xf32>
      %swap3A_2421 = arith.index_cast %add3A_2409 : i32 to index
      %swap3A_2422 = arith.constant 16 : index
      %swap3A_2423 = tpu.vector_load %arg9[%swap3A_2421, %swap3A_2422] {strides = array<i32>} : memref<160x256xf32, #tpu.memory_space<vmem>>, vector<16xf32>,
      tpu.vector_store %arg9[%swap3A_2421, %swap3A_2422], %mul3A_2420 {strides = array<i32>} : memref<160x256xf32, #tpu.memory_space<vmem>>, vector<16xf32>,
      %get3A_2424 = arith.index_cast %add3A_2409 : i32 to index
      %get3A_2425 = arith.constant 32 : index
      %get3A_2426 = tpu.vector_load %arg9[%get3A_2424, %get3A_2425] {strides = array<i32>} : memref<160x256xf32, #tpu.memory_space<vmem>>, vector<16xf32>,
      %mul3A_2427 = arith.mulf %get3A_2426, %broadcast_in_dim3A_2405 : vector<16xf32>
      %swap3A_2428 = arith.index_cast %add3A_2409 : i32 to index
      %swap3A_2429 = arith.constant 32 : index
      %swap3A_2430 = tpu.vector_load %arg9[%swap3A_2428, %swap3A_2429] {strides = array<i32>} : memref<160x256xf32, #tpu.memory_space<vmem>>, vector<16xf32>,
      tpu.vector_store %arg9[%swap3A_2428, %swap3A_2429], %mul3A_2427 {strides = array<i32>} : memref<160x256xf32, #tpu.memory_space<vmem>>, vector<16xf32>,
      %get3A_2431 = arith.index_cast %add3A_2409 : i32 to index
      %get3A_2432 = arith.constant 48 : index
      %get3A_2433 = tpu.vector_load %arg9[%get3A_2431, %get3A_2432] {strides = array<i32>} : memref<160x256xf32, #tpu.memory_space<vmem>>, vector<16xf32>,
      %mul3A_2434 = arith.mulf %get3A_2433, %broadcast_in_dim3A_2405 : vector<16xf32>
      %swap3A_2435 = arith.index_cast %add3A_2409 : i32 to index
      %swap3A_2436 = arith.constant 48 : index
      %swap3A_2437 = tpu.vector_load %arg9[%swap3A_2435, %swap3A_2436] {strides = array<i32>} : memref<160x256xf32, #tpu.memory_space<vmem>>, vector<16xf32>,
      tpu.vector_store %arg9[%swap3A_2435, %swap3A_2436], %mul3A_2434 {strides = array<i32>} : memref<160x256xf32, #tpu.memory_space<vmem>>, vector<16xf32>,
      %get3A_2438 = arith.index_cast %add3A_2409 : i32 to index
      %get3A_2439 = arith.constant 64 : index
      %get3A_2440 = tpu.vector_load %arg9[%get3A_2438, %get3A_2439] {strides = array<i32>} : memref<160x256xf32, #tpu.memory_space<vmem>>, vector<16xf32>,
      %mul3A_2441 = arith.mulf %get3A_2440, %broadcast_in_dim3A_2405 : vector<16xf32>
      %swap3A_2442 = arith.index_cast %add3A_2409 : i32 to index
      %swap3A_2443 = arith.constant 64 : index
      %swap3A_2444 = tpu.vector_load %arg9[%swap3A_2442, %swap3A_2443] {strides = array<i32>} : memref<160x256xf32, #tpu.memory_space<vmem>>, vector<16xf32>,
      tpu.vector_store %arg9[%swap3A_2442, %swap3A_2443], %mul3A_2441 {strides = array<i32>} : memref<160x256xf32, #tpu.memory_space<vmem>>, vector<16xf32>,
      %get3A_2445 = arith.index_cast %add3A_2409 : i32 to index
      %get3A_2446 = arith.constant 80 : index
      %get3A_2447 = tpu.vector_load %arg9[%get3A_2445, %get3A_2446] {strides = array<i32>} : memref<160x256xf32, #tpu.memory_space<vmem>>, vector<16xf32>,
      %mul3A_2448 = arith.mulf %get3A_2447, %broadcast_in_dim3A_2405 : vector<16xf32>
      %swap3A_2449 = arith.index_cast %add3A_2409 : i32 to index
      %swap3A_2450 = arith.constant 80 : index
      %swap3A_2451 = tpu.vector_load %arg9[%swap3A_2449, %swap3A_2450] {strides = array<i32>} : memref<160x256xf32, #tpu.memory_space<vmem>>, vector<16xf32>,
      tpu.vector_store %arg9[%swap3A_2449, %swap3A_2450], %mul3A_2448 {strides = array<i32>} : memref<160x256xf32, #tpu.memory_space<vmem>>, vector<16xf32>,
      %get3A_2452 = arith.index_cast %add3A_2409 : i32 to index
      %get3A_2453 = arith.constant 96 : index
      %get3A_2454 = tpu.vector_load %arg9[%get3A_2452, %get3A_2453] {strides = array<i32>} : memref<160x256xf32, #tpu.memory_space<vmem>>, vector<16xf32>,
      %mul3A_2455 = arith.mulf %get3A_2454, %broadcast_in_dim3A_2405 : vector<16xf32>
      %swap3A_2456 = arith.index_cast %add3A_2409 : i32 to index
      %swap3A_2457 = arith.constant 96 : index
      %swap3A_2458 = tpu.vector_load %arg9[%swap3A_2456, %swap3A_2457] {strides = array<i32>} : memref<160x256xf32, #tpu.memory_space<vmem>>, vector<16xf32>,
      tpu.vector_store %arg9[%swap3A_2456, %swap3A_2457], %mul3A_2455 {strides = array<i32>} : memref<160x256xf32, #tpu.memory_space<vmem>>, vector<16xf32>,
      %get3A_2459 = arith.index_cast %add3A_2409 : i32 to index
      %get3A_2460 = arith.constant 112 : index
      %get3A_2461 = tpu.vector_load %arg9[%get3A_2459, %get3A_2460] {strides = array<i32>} : memref<160x256xf32, #tpu.memory_space<vmem>>, vector<16xf32>,
      %mul3A_2462 = arith.mulf %get3A_2461, %broadcast_in_dim3A_2405 : vector<16xf32>
      %swap3A_2463 = arith.index_cast %add3A_2409 : i32 to index
      %swap3A_2464 = arith.constant 112 : index
      %swap3A_2465 = tpu.vector_load %arg9[%swap3A_2463, %swap3A_2464] {strides = array<i32>} : memref<160x256xf32, #tpu.memory_space<vmem>>, vector<16xf32>,
      tpu.vector_store %arg9[%swap3A_2463, %swap3A_2464], %mul3A_2462 {strides = array<i32>} : memref<160x256xf32, #tpu.memory_space<vmem>>, vector<16xf32>,
      %get3A_2466 = arith.index_cast %add3A_2409 : i32 to index
      %get3A_2467 = arith.constant 128 : index
      %get3A_2468 = tpu.vector_load %arg9[%get3A_2466, %get3A_2467] {strides = array<i32>} : memref<160x256xf32, #tpu.memory_space<vmem>>, vector<16xf32>,
      %mul3A_2469 = arith.mulf %get3A_2468, %broadcast_in_dim3A_2405 : vector<16xf32>
      %swap3A_2470 = arith.index_cast %add3A_2409 : i32 to index
      %swap3A_2471 = arith.constant 128 : index
      %swap3A_2472 = tpu.vector_load %arg9[%swap3A_2470, %swap3A_2471] {strides = array<i32>} : memref<160x256xf32, #tpu.memory_space<vmem>>, vector<16xf32>,
      tpu.vector_store %arg9[%swap3A_2470, %swap3A_2471], %mul3A_2469 {strides = array<i32>} : memref<160x256xf32, #tpu.memory_space<vmem>>, vector<16xf32>,
      %get3A_2473 = arith.index_cast %add3A_2409 : i32 to index
      %get3A_2474 = arith.constant 144 : index
      %get3A_2475 = tpu.vector_load %arg9[%get3A_2473, %get3A_2474] {strides = array<i32>} : memref<160x256xf32, #tpu.memory_space<vmem>>, vector<16xf32>,
      %mul3A_2476 = arith.mulf %get3A_2475, %broadcast_in_dim3A_2405 : vector<16xf32>
      %swap3A_2477 = arith.index_cast %add3A_2409 : i32 to index
      %swap3A_2478 = arith.constant 144 : index
      %swap3A_2479 = tpu.vector_load %arg9[%swap3A_2477, %swap3A_2478] {strides = array<i32>} : memref<160x256xf32, #tpu.memory_space<vmem>>, vector<16xf32>,
      tpu.vector_store %arg9[%swap3A_2477, %swap3A_2478], %mul3A_2476 {strides = array<i32>} : memref<160x256xf32, #tpu.memory_space<vmem>>, vector<16xf32>,
      %get3A_2480 = arith.index_cast %add3A_2409 : i32 to index
      %get3A_2481 = arith.constant 160 : index
      %get3A_2482 = tpu.vector_load %arg9[%get3A_2480, %get3A_2481] {strides = array<i32>} : memref<160x256xf32, #tpu.memory_space<vmem>>, vector<16xf32>,
      %mul3A_2483 = arith.mulf %get3A_2482, %broadcast_in_dim3A_2405 : vector<16xf32>
      %swap3A_2484 = arith.index_cast %add3A_2409 : i32 to index
      %swap3A_2485 = arith.constant 160 : index
      %swap3A_2486 = tpu.vector_load %arg9[%swap3A_2484, %swap3A_2485] {strides = array<i32>} : memref<160x256xf32, #tpu.memory_space<vmem>>, vector<16xf32>,
      tpu.vector_store %arg9[%swap3A_2484, %swap3A_2485], %mul3A_2483 {strides = array<i32>} : memref<160x256xf32, #tpu.memory_space<vmem>>, vector<16xf32>,
      %get3A_2487 = arith.index_cast %add3A_2409 : i32 to index
      %get3A_2488 = arith.constant 176 : index
      %get3A_2489 = tpu.vector_load %arg9[%get3A_2487, %get3A_2488] {strides = array<i32>} : memref<160x256xf32, #tpu.memory_space<vmem>>, vector<16xf32>,
      %mul3A_2490 = arith.mulf %get3A_2489, %broadcast_in_dim3A_2405 : vector<16xf32>
      %swap3A_2491 = arith.index_cast %add3A_2409 : i32 to index
      %swap3A_2492 = arith.constant 176 : index
      %swap3A_2493 = tpu.vector_load %arg9[%swap3A_2491, %swap3A_2492] {strides = array<i32>} : memref<160x256xf32, #tpu.memory_space<vmem>>, vector<16xf32>,
      tpu.vector_store %arg9[%swap3A_2491, %swap3A_2492], %mul3A_2490 {strides = array<i32>} : memref<160x256xf32, #tpu.memory_space<vmem>>, vector<16xf32>,
      %get3A_2494 = arith.index_cast %add3A_2409 : i32 to index
      %get3A_2495 = arith.constant 192 : index
      %get3A_2496 = tpu.vector_load %arg9[%get3A_2494, %get3A_2495] {strides = array<i32>} : memref<160x256xf32, #tpu.memory_space<vmem>>, vector<16xf32>,
      %mul3A_2497 = arith.mulf %get3A_2496, %broadcast_in_dim3A_2405 : vector<16xf32>
      %swap3A_2498 = arith.index_cast %add3A_2409 : i32 to index
      %swap3A_2499 = arith.constant 192 : index
      %swap3A_2500 = tpu.vector_load %arg9[%swap3A_2498, %swap3A_2499] {strides = array<i32>} : memref<160x256xf32, #tpu.memory_space<vmem>>, vector<16xf32>,
      tpu.vector_store %arg9[%swap3A_2498, %swap3A_2499], %mul3A_2497 {strides = array<i32>} : memref<160x256xf32, #tpu.memory_space<vmem>>, vector<16xf32>,
      %get3A_2501 = arith.index_cast %add3A_2409 : i32 to index
      %get3A_2502 = arith.constant 208 : index
      %get3A_2503 = tpu.vector_load %arg9[%get3A_2501, %get3A_2502] {strides = array<i32>} : memref<160x256xf32, #tpu.memory_space<vmem>>, vector<16xf32>,
      %mul3A_2504 = arith.mulf %get3A_2503, %broadcast_in_dim3A_2405 : vector<16xf32>
      %swap3A_2505 = arith.index_cast %add3A_2409 : i32 to index
      %swap3A_2506 = arith.constant 208 : index
      %swap3A_2507 = tpu.vector_load %arg9[%swap3A_2505, %swap3A_2506] {strides = array<i32>} : memref<160x256xf32, #tpu.memory_space<vmem>>, vector<16xf32>,
      tpu.vector_store %arg9[%swap3A_2505, %swap3A_2506], %mul3A_2504 {strides = array<i32>} : memref<160x256xf32, #tpu.memory_space<vmem>>, vector<16xf32>,
      %get3A_2508 = arith.index_cast %add3A_2409 : i32 to index
      %get3A_2509 = arith.constant 224 : index
      %get3A_2510 = tpu.vector_load %arg9[%get3A_2508, %get3A_2509] {strides = array<i32>} : memref<160x256xf32, #tpu.memory_space<vmem>>, vector<16xf32>,
      %mul3A_2511 = arith.mulf %get3A_2510, %broadcast_in_dim3A_2405 : vector<16xf32>
      %swap3A_2512 = arith.index_cast %add3A_2409 : i32 to index
      %swap3A_2513 = arith.constant 224 : index
      %swap3A_2514 = tpu.vector_load %arg9[%swap3A_2512, %swap3A_2513] {strides = array<i32>} : memref<160x256xf32, #tpu.memory_space<vmem>>, vector<16xf32>,
      tpu.vector_store %arg9[%swap3A_2512, %swap3A_2513], %mul3A_2511 {strides = array<i32>} : memref<160x256xf32, #tpu.memory_space<vmem>>, vector<16xf32>,
      %get3A_2515 = arith.index_cast %add3A_2409 : i32 to index
      %get3A_2516 = arith.constant 240 : index
      %get3A_2517 = tpu.vector_load %arg9[%get3A_2515, %get3A_2516] {strides = array<i32>} : memref<160x256xf32, #tpu.memory_space<vmem>>, vector<16xf32>,
      %mul3A_2518 = arith.mulf %get3A_2517, %broadcast_in_dim3A_2405 : vector<16xf32>
      %swap3A_2519 = arith.index_cast %add3A_2409 : i32 to index
      %swap3A_2520 = arith.constant 240 : index
      %swap3A_2521 = tpu.vector_load %arg9[%swap3A_2519, %swap3A_2520] {strides = array<i32>} : memref<160x256xf32, #tpu.memory_space<vmem>>, vector<16xf32>,
      tpu.vector_store %arg9[%swap3A_2519, %swap3A_2520], %mul3A_2518 {strides = array<i32>} : memref<160x256xf32, #tpu.memory_space<vmem>>, vector<16xf32>,
    }
    %scan3A_601 = arith.constant 10 : i32
    "tpu.region"() ({
      %run_scoped3A = tpu.sem_alloc : memref<!tpu.dma_semaphore, #tpu.memory_space<semaphore_mem>>
      %dma_start3A_612 = arith.constant 0 : i32
      %dma_start3A_613 = tpu.memref_slice %arg7[%mul3A_20, %dma_start3A_612] : memref<5000x256xf32, #tpu.memory_space<hbm>> -> memref<160x256xf32, #tpu.memory_space<hbm>>
      %dma_start3A_614 = arith.constant 0 : i32
      %dma_start3A_615 = tpu.memref_slice %arg7[%mul3A_20, %dma_start3A_614] : memref<5000x256xf32, #tpu.memory_space<hbm>> -> memref<160x256xf32, #tpu.memory_space<hbm>>
      tpu.enqueue_dma source(%arg9 : memref<160x256xf32, #tpu.memory_space<vmem>>) target(%dma_start3A_615 : memref<160x256xf32, #tpu.memory_space<hbm>>) target_semaphore(%run_scoped3A : memref<!tpu.dma_semaphore, #tpu.memory_space<semaphore_mem>>)
      %dma_wait3A_616 = arith.constant 0 : i32
      %dma_wait3A_617 = tpu.memref_slice %arg7[%mul3A_20, %dma_wait3A_616] : memref<5000x256xf32, #tpu.memory_space<hbm>> -> memref<160x256xf32, #tpu.memory_space<hbm>>
      %dma_wait3A_618 = arith.constant 0 : i32
      %dma_wait3A_619 = tpu.memref_slice %arg7[%mul3A_20, %dma_wait3A_618] : memref<5000x256xf32, #tpu.memory_space<hbm>> -> memref<160x256xf32, #tpu.memory_space<hbm>>
      tpu.wait_dma2 semaphore(%run_scoped3A : memref<!tpu.dma_semaphore, #tpu.memory_space<semaphore_mem>>) src(%arg9 : memref<160x256xf32, #tpu.memory_space<vmem>>) dst(%dma_wait3A_619 : memref<160x256xf32, #tpu.memory_space<hbm>>)
      tpu.yield
    }) : () -> ()
    %lt3A_602 = arith.constant 2 : i32
    %lt3A_603 = arith.cmpi slt, %add3A, %lt3A_602 : i32
    %convert_element_type3A_604 = arith.extui %lt3A_603 : i1 to i32
    %cond3A_605 = arith.constant 0 : i32
    %cond3A_606 = arith.cmpi ne, %convert_element_type3A_604, %cond3A_605 : i32
    scf.if %cond3A_606 {
      %dma_wait3A_612 = arith.constant 0 : i32
      %dma_wait3A_613 = tpu.memref_slice %arg8[%dma_wait3A_612, %select_n3A_30] : memref<2x160000xi32, #tpu.memory_space<hbm>> -> memref<2x5120xi32, #tpu.memory_space<hbm>>
      %dma_wait3A_614 = arith.constant 0 : i32
      %dma_wait3A_615 = tpu.memref_slice %arg8[%dma_wait3A_614, %select_n3A_30] : memref<2x160000xi32, #tpu.memory_space<hbm>> -> memref<2x5120xi32, #tpu.memory_space<hbm>>
      tpu.wait_dma2 semaphore(%arg22 : memref<!tpu.dma_semaphore, #tpu.memory_space<semaphore_mem>>) src(%arg16 : memref<2x5120xi32, #tpu.memory_space<vmem>>) dst(%dma_wait3A_615 : memref<2x5120xi32, #tpu.memory_space<hbm>>)
    } else {
    }
    %ge3A_607 = arith.constant 2 : i32
    %ge3A_608 = arith.cmpi sge, %add3A, %ge3A_607 : i32
    %convert_element_type3A_609 = arith.extui %ge3A_608 : i1 to i32
    %cond3A_610 = arith.constant 0 : i32
    %cond3A_611 = arith.cmpi ne, %convert_element_type3A_609, %cond3A_610 : i32
    scf.if %cond3A_611 {
      %dma_wait3A_612 = arith.constant 0 : i32
      %dma_wait3A_613 = arith.constant 0 : i32
      %dma_wait3A_614 = tpu.memref_slice %arg16[%dma_wait3A_612, %dma_wait3A_613] : memref<2x5120xi32, #tpu.memory_space<vmem>> -> memref<2x4992xi32, #tpu.memory_space<vmem>>
      %dma_wait3A_615 = arith.constant 0 : i32
      %dma_wait3A_616 = tpu.memref_slice %arg8[%dma_wait3A_615, %select_n3A_30] : memref<2x160000xi32, #tpu.memory_space<hbm>> -> memref<2x4992xi32, #tpu.memory_space<hbm>>
      %dma_wait3A_617 = arith.constant 0 : i32
      %dma_wait3A_618 = tpu.memref_slice %arg8[%dma_wait3A_617, %select_n3A_30] : memref<2x160000xi32, #tpu.memory_space<hbm>> -> memref<2x4992xi32, #tpu.memory_space<hbm>>
      %dma_wait3A_619 = arith.constant 0 : i32
      %dma_wait3A_620 = arith.constant 0 : i32
      %dma_wait3A_621 = tpu.memref_slice %arg16[%dma_wait3A_619, %dma_wait3A_620] : memref<2x5120xi32, #tpu.memory_space<vmem>> -> memref<2x4992xi32, #tpu.memory_space<vmem>>
      tpu.wait_dma2 semaphore(%arg22 : memref<!tpu.dma_semaphore, #tpu.memory_space<semaphore_mem>>) src(%dma_wait3A_621 : memref<2x4992xi32, #tpu.memory_space<vmem>>) dst(%dma_wait3A_618 : memref<2x4992xi32, #tpu.memory_space<hbm>>)
    } else {
    }
    return
  }
}

module attributes {stable_mosaic.version = 14 : i64} {
  func.func @_mv_sel_body(%arg0: i32, %arg1: memref<5120x256xf32, #tpu.memory_space<vmem>>, %arg2: memref<1x256xf32, #tpu.memory_space<vmem>>, %arg3: memref<1x1xf32, #tpu.memory_space<vmem>>, %arg4: memref<40x128xf32, #tpu.memory_space<vmem>>, %arg5: memref<80x128xi32, #tpu.memory_space<vmem>>, %arg6: memref<80x128xi32, #tpu.memory_space<vmem>>, %arg7: memref<80x128xf32, #tpu.memory_space<vmem>>) attributes {dimension_semantics = [#tpu.dimension_semantics<arbitrary>], iteration_bounds = array<i64: 2>, scalar_prefetch = 0 : i64, scratch_operands = 1 : i64, tpu.core_type = #tpu.core_type<tc>, window_params = [{transform_indices = @transform_0, window_bounds = array<i64: 5120, 256>}, {pipeline_mode = #tpu.pipeline_mode<synchronous>, transform_indices = @transform_1, window_bounds = array<i64: 1, 256>}, {pipeline_mode = #tpu.pipeline_mode<synchronous>, transform_indices = @transform_2, window_bounds = array<i64: 1, 1>}, {transform_indices = @transform_3, window_bounds = array<i64: 40, 128>}, {pipeline_mode = #tpu.pipeline_mode<synchronous>, transform_indices = @transform_4, window_bounds = array<i64: 80, 128>}, {pipeline_mode = #tpu.pipeline_mode<synchronous>, transform_indices = @transform_5, window_bounds = array<i64: 80, 128>}]} {
    %get3A = arith.constant 0 : index
    %get3A_0 = arith.constant 0 : index
    %get3A_1 = vector.load %arg2[%get3A, %get3A_0] : memref<1x256xf32, #tpu.memory_space<vmem>>, vector<1x256xf32>
    %get3A_2 = arith.constant 0 : index
    %get3A_3 = arith.constant 0 : index
    %get3A_4 = vector.load %arg1[%get3A_2, %get3A_3] : memref<5120x256xf32, #tpu.memory_space<vmem>>, vector<128x256xf32>
    %dot_general3A = arith.constant dense<0.000000e+00> : vector<1x128xf32>
    %dot_general3A_5 = tpu.matmul %get3A_1, %get3A_4, %dot_general3A {dimension_numbers = #tpu.dot_dimension_numbers<[1], [1], [0], [0], [0, 0, 1, 0], [], []>, transpose_lhs_hint = false} : vector<1x256xf32>, vector<128x256xf32>, vector<1x128xf32> -> vector<1x128xf32>
    %get3A_6 = arith.constant 0 : index
    %get3A_7 = arith.constant 0 : index
    %get3A_8 = vector.load %arg3[%get3A_6, %get3A_7] : memref<1x1xf32, #tpu.memory_space<vmem>>, vector<1x1xf32>
    %get3A_9 = vector.extract %get3A_8[0, 0] : f32 from vector<1x1xf32>
    %add3A = vector.broadcast %get3A_9 : f32 to vector<1x128xf32>
    %add3A_10 = arith.addf %dot_general3A_5, %add3A : vector<1x128xf32>
    %swap3A = arith.constant 0 : index
    %swap3A_11 = arith.constant 0 : index
    %swap3A_12 = vector.load %arg4[%swap3A, %swap3A_11] : memref<40x128xf32, #tpu.memory_space<vmem>>, vector<1x128xf32>
    tpu.vector_store %arg4[%swap3A, %swap3A_11], %add3A_10 {strides = array<i32>} : memref<40x128xf32, #tpu.memory_space<vmem>>, vector<1x128xf32>,
    %mul3A = arith.constant 40 : i32
    %mul3A_13 = arith.muli %arg0, %mul3A : i32
    %add3A_14 = arith.constant 0 : i32
    %add3A_15 = arith.addi %mul3A_13, %add3A_14 : i32
    %swap3A_16 = arith.index_cast %add3A_15 : i32 to index
    %swap3A_17 = arith.constant 0 : index
    %swap3A_18 = vector.load %arg7[%swap3A_16, %swap3A_17] : memref<80x128xf32, #tpu.memory_space<vmem>>, vector<1x128xf32>
    tpu.vector_store %arg7[%swap3A_16, %swap3A_17], %add3A_10 {strides = array<i32>} : memref<80x128xf32, #tpu.memory_space<vmem>>, vector<1x128xf32>,
    %get3A_19 = arith.constant 128 : index
    %get3A_20 = arith.constant 0 : index
    %get3A_21 = vector.load %arg1[%get3A_19, %get3A_20] : memref<5120x256xf32, #tpu.memory_space<vmem>>, vector<128x256xf32>
    %dot_general3A_22 = arith.constant dense<0.000000e+00> : vector<1x128xf32>
    %dot_general3A_23 = tpu.matmul %get3A_1, %get3A_21, %dot_general3A_22 {dimension_numbers = #tpu.dot_dimension_numbers<[1], [1], [0], [0], [0, 0, 1, 0], [], []>, transpose_lhs_hint = false} : vector<1x256xf32>, vector<128x256xf32>, vector<1x128xf32> -> vector<1x128xf32>
    %get3A_24 = arith.constant 0 : index
    %get3A_25 = arith.constant 0 : index
    %get3A_26 = vector.load %arg3[%get3A_24, %get3A_25] : memref<1x1xf32, #tpu.memory_space<vmem>>, vector<1x1xf32>
    %get3A_27 = vector.extract %get3A_26[0, 0] : f32 from vector<1x1xf32>
    %add3A_28 = vector.broadcast %get3A_27 : f32 to vector<1x128xf32>
    %add3A_29 = arith.addf %dot_general3A_23, %add3A_28 : vector<1x128xf32>
    %swap3A_30 = arith.constant 1 : index
    %swap3A_31 = arith.constant 0 : index
    %swap3A_32 = vector.load %arg4[%swap3A_30, %swap3A_31] : memref<40x128xf32, #tpu.memory_space<vmem>>, vector<1x128xf32>
    tpu.vector_store %arg4[%swap3A_30, %swap3A_31], %add3A_29 {strides = array<i32>} : memref<40x128xf32, #tpu.memory_space<vmem>>, vector<1x128xf32>,
    %mul3A_33 = arith.constant 40 : i32
    %mul3A_34 = arith.muli %arg0, %mul3A_33 : i32
    %add3A_35 = arith.constant 1 : i32
    %add3A_36 = arith.addi %mul3A_34, %add3A_35 : i32
    %swap3A_37 = arith.index_cast %add3A_36 : i32 to index
    %swap3A_38 = arith.constant 0 : index
    %swap3A_39 = vector.load %arg7[%swap3A_37, %swap3A_38] : memref<80x128xf32, #tpu.memory_space<vmem>>, vector<1x128xf32>
    tpu.vector_store %arg7[%swap3A_37, %swap3A_38], %add3A_29 {strides = array<i32>} : memref<80x128xf32, #tpu.memory_space<vmem>>, vector<1x128xf32>,
    %get3A_40 = arith.constant 256 : index
    %get3A_41 = arith.constant 0 : index
    %get3A_42 = vector.load %arg1[%get3A_40, %get3A_41] : memref<5120x256xf32, #tpu.memory_space<vmem>>, vector<128x256xf32>
    %dot_general3A_43 = arith.constant dense<0.000000e+00> : vector<1x128xf32>
    %dot_general3A_44 = tpu.matmul %get3A_1, %get3A_42, %dot_general3A_43 {dimension_numbers = #tpu.dot_dimension_numbers<[1], [1], [0], [0], [0, 0, 1, 0], [], []>, transpose_lhs_hint = false} : vector<1x256xf32>, vector<128x256xf32>, vector<1x128xf32> -> vector<1x128xf32>
    %get3A_45 = arith.constant 0 : index
    %get3A_46 = arith.constant 0 : index
    %get3A_47 = vector.load %arg3[%get3A_45, %get3A_46] : memref<1x1xf32, #tpu.memory_space<vmem>>, vector<1x1xf32>
    %get3A_48 = vector.extract %get3A_47[0, 0] : f32 from vector<1x1xf32>
    %add3A_49 = vector.broadcast %get3A_48 : f32 to vector<1x128xf32>
    %add3A_50 = arith.addf %dot_general3A_44, %add3A_49 : vector<1x128xf32>
    %swap3A_51 = arith.constant 2 : index
    %swap3A_52 = arith.constant 0 : index
    %swap3A_53 = vector.load %arg4[%swap3A_51, %swap3A_52] : memref<40x128xf32, #tpu.memory_space<vmem>>, vector<1x128xf32>
    tpu.vector_store %arg4[%swap3A_51, %swap3A_52], %add3A_50 {strides = array<i32>} : memref<40x128xf32, #tpu.memory_space<vmem>>, vector<1x128xf32>,
    %mul3A_54 = arith.constant 40 : i32
    %mul3A_55 = arith.muli %arg0, %mul3A_54 : i32
    %add3A_56 = arith.constant 2 : i32
    %add3A_57 = arith.addi %mul3A_55, %add3A_56 : i32
    %swap3A_58 = arith.index_cast %add3A_57 : i32 to index
    %swap3A_59 = arith.constant 0 : index
    %swap3A_60 = vector.load %arg7[%swap3A_58, %swap3A_59] : memref<80x128xf32, #tpu.memory_space<vmem>>, vector<1x128xf32>
    tpu.vector_store %arg7[%swap3A_58, %swap3A_59], %add3A_50 {strides = array<i32>} : memref<80x128xf32, #tpu.memory_space<vmem>>, vector<1x128xf32>,
    %get3A_61 = arith.constant 384 : index
    %get3A_62 = arith.constant 0 : index
    %get3A_63 = vector.load %arg1[%get3A_61, %get3A_62] : memref<5120x256xf32, #tpu.memory_space<vmem>>, vector<128x256xf32>
    %dot_general3A_64 = arith.constant dense<0.000000e+00> : vector<1x128xf32>
    %dot_general3A_65 = tpu.matmul %get3A_1, %get3A_63, %dot_general3A_64 {dimension_numbers = #tpu.dot_dimension_numbers<[1], [1], [0], [0], [0, 0, 1, 0], [], []>, transpose_lhs_hint = false} : vector<1x256xf32>, vector<128x256xf32>, vector<1x128xf32> -> vector<1x128xf32>
    %get3A_66 = arith.constant 0 : index
    %get3A_67 = arith.constant 0 : index
    %get3A_68 = vector.load %arg3[%get3A_66, %get3A_67] : memref<1x1xf32, #tpu.memory_space<vmem>>, vector<1x1xf32>
    %get3A_69 = vector.extract %get3A_68[0, 0] : f32 from vector<1x1xf32>
    %add3A_70 = vector.broadcast %get3A_69 : f32 to vector<1x128xf32>
    %add3A_71 = arith.addf %dot_general3A_65, %add3A_70 : vector<1x128xf32>
    %swap3A_72 = arith.constant 3 : index
    %swap3A_73 = arith.constant 0 : index
    %swap3A_74 = vector.load %arg4[%swap3A_72, %swap3A_73] : memref<40x128xf32, #tpu.memory_space<vmem>>, vector<1x128xf32>
    tpu.vector_store %arg4[%swap3A_72, %swap3A_73], %add3A_71 {strides = array<i32>} : memref<40x128xf32, #tpu.memory_space<vmem>>, vector<1x128xf32>,
    %mul3A_75 = arith.constant 40 : i32
    %mul3A_76 = arith.muli %arg0, %mul3A_75 : i32
    %add3A_77 = arith.constant 3 : i32
    %add3A_78 = arith.addi %mul3A_76, %add3A_77 : i32
    %swap3A_79 = arith.index_cast %add3A_78 : i32 to index
    %swap3A_80 = arith.constant 0 : index
    %swap3A_81 = vector.load %arg7[%swap3A_79, %swap3A_80] : memref<80x128xf32, #tpu.memory_space<vmem>>, vector<1x128xf32>
    tpu.vector_store %arg7[%swap3A_79, %swap3A_80], %add3A_71 {strides = array<i32>} : memref<80x128xf32, #tpu.memory_space<vmem>>, vector<1x128xf32>,
    %get3A_82 = arith.constant 512 : index
    %get3A_83 = arith.constant 0 : index
    %get3A_84 = vector.load %arg1[%get3A_82, %get3A_83] : memref<5120x256xf32, #tpu.memory_space<vmem>>, vector<128x256xf32>
    %dot_general3A_85 = arith.constant dense<0.000000e+00> : vector<1x128xf32>
    %dot_general3A_86 = tpu.matmul %get3A_1, %get3A_84, %dot_general3A_85 {dimension_numbers = #tpu.dot_dimension_numbers<[1], [1], [0], [0], [0, 0, 1, 0], [], []>, transpose_lhs_hint = false} : vector<1x256xf32>, vector<128x256xf32>, vector<1x128xf32> -> vector<1x128xf32>
    %get3A_87 = arith.constant 0 : index
    %get3A_88 = arith.constant 0 : index
    %get3A_89 = vector.load %arg3[%get3A_87, %get3A_88] : memref<1x1xf32, #tpu.memory_space<vmem>>, vector<1x1xf32>
    %get3A_90 = vector.extract %get3A_89[0, 0] : f32 from vector<1x1xf32>
    %add3A_91 = vector.broadcast %get3A_90 : f32 to vector<1x128xf32>
    %add3A_92 = arith.addf %dot_general3A_86, %add3A_91 : vector<1x128xf32>
    %swap3A_93 = arith.constant 4 : index
    %swap3A_94 = arith.constant 0 : index
    %swap3A_95 = vector.load %arg4[%swap3A_93, %swap3A_94] : memref<40x128xf32, #tpu.memory_space<vmem>>, vector<1x128xf32>
    tpu.vector_store %arg4[%swap3A_93, %swap3A_94], %add3A_92 {strides = array<i32>} : memref<40x128xf32, #tpu.memory_space<vmem>>, vector<1x128xf32>,
    %mul3A_96 = arith.constant 40 : i32
    %mul3A_97 = arith.muli %arg0, %mul3A_96 : i32
    %add3A_98 = arith.constant 4 : i32
    %add3A_99 = arith.addi %mul3A_97, %add3A_98 : i32
    %swap3A_100 = arith.index_cast %add3A_99 : i32 to index
    %swap3A_101 = arith.constant 0 : index
    %swap3A_102 = vector.load %arg7[%swap3A_100, %swap3A_101] : memref<80x128xf32, #tpu.memory_space<vmem>>, vector<1x128xf32>
    tpu.vector_store %arg7[%swap3A_100, %swap3A_101], %add3A_92 {strides = array<i32>} : memref<80x128xf32, #tpu.memory_space<vmem>>, vector<1x128xf32>,
    %get3A_103 = arith.constant 640 : index
    %get3A_104 = arith.constant 0 : index
    %get3A_105 = vector.load %arg1[%get3A_103, %get3A_104] : memref<5120x256xf32, #tpu.memory_space<vmem>>, vector<128x256xf32>
    %dot_general3A_106 = arith.constant dense<0.000000e+00> : vector<1x128xf32>
    %dot_general3A_107 = tpu.matmul %get3A_1, %get3A_105, %dot_general3A_106 {dimension_numbers = #tpu.dot_dimension_numbers<[1], [1], [0], [0], [0, 0, 1, 0], [], []>, transpose_lhs_hint = false} : vector<1x256xf32>, vector<128x256xf32>, vector<1x128xf32> -> vector<1x128xf32>
    %get3A_108 = arith.constant 0 : index
    %get3A_109 = arith.constant 0 : index
    %get3A_110 = vector.load %arg3[%get3A_108, %get3A_109] : memref<1x1xf32, #tpu.memory_space<vmem>>, vector<1x1xf32>
    %get3A_111 = vector.extract %get3A_110[0, 0] : f32 from vector<1x1xf32>
    %add3A_112 = vector.broadcast %get3A_111 : f32 to vector<1x128xf32>
    %add3A_113 = arith.addf %dot_general3A_107, %add3A_112 : vector<1x128xf32>
    %swap3A_114 = arith.constant 5 : index
    %swap3A_115 = arith.constant 0 : index
    %swap3A_116 = vector.load %arg4[%swap3A_114, %swap3A_115] : memref<40x128xf32, #tpu.memory_space<vmem>>, vector<1x128xf32>
    tpu.vector_store %arg4[%swap3A_114, %swap3A_115], %add3A_113 {strides = array<i32>} : memref<40x128xf32, #tpu.memory_space<vmem>>, vector<1x128xf32>,
    %mul3A_117 = arith.constant 40 : i32
    %mul3A_118 = arith.muli %arg0, %mul3A_117 : i32
    %add3A_119 = arith.constant 5 : i32
    %add3A_120 = arith.addi %mul3A_118, %add3A_119 : i32
    %swap3A_121 = arith.index_cast %add3A_120 : i32 to index
    %swap3A_122 = arith.constant 0 : index
    %swap3A_123 = vector.load %arg7[%swap3A_121, %swap3A_122] : memref<80x128xf32, #tpu.memory_space<vmem>>, vector<1x128xf32>
    tpu.vector_store %arg7[%swap3A_121, %swap3A_122], %add3A_113 {strides = array<i32>} : memref<80x128xf32, #tpu.memory_space<vmem>>, vector<1x128xf32>,
    %get3A_124 = arith.constant 768 : index
    %get3A_125 = arith.constant 0 : index
    %get3A_126 = vector.load %arg1[%get3A_124, %get3A_125] : memref<5120x256xf32, #tpu.memory_space<vmem>>, vector<128x256xf32>
    %dot_general3A_127 = arith.constant dense<0.000000e+00> : vector<1x128xf32>
    %dot_general3A_128 = tpu.matmul %get3A_1, %get3A_126, %dot_general3A_127 {dimension_numbers = #tpu.dot_dimension_numbers<[1], [1], [0], [0], [0, 0, 1, 0], [], []>, transpose_lhs_hint = false} : vector<1x256xf32>, vector<128x256xf32>, vector<1x128xf32> -> vector<1x128xf32>
    %get3A_129 = arith.constant 0 : index
    %get3A_130 = arith.constant 0 : index
    %get3A_131 = vector.load %arg3[%get3A_129, %get3A_130] : memref<1x1xf32, #tpu.memory_space<vmem>>, vector<1x1xf32>
    %get3A_132 = vector.extract %get3A_131[0, 0] : f32 from vector<1x1xf32>
    %add3A_133 = vector.broadcast %get3A_132 : f32 to vector<1x128xf32>
    %add3A_134 = arith.addf %dot_general3A_128, %add3A_133 : vector<1x128xf32>
    %swap3A_135 = arith.constant 6 : index
    %swap3A_136 = arith.constant 0 : index
    %swap3A_137 = vector.load %arg4[%swap3A_135, %swap3A_136] : memref<40x128xf32, #tpu.memory_space<vmem>>, vector<1x128xf32>
    tpu.vector_store %arg4[%swap3A_135, %swap3A_136], %add3A_134 {strides = array<i32>} : memref<40x128xf32, #tpu.memory_space<vmem>>, vector<1x128xf32>,
    %mul3A_138 = arith.constant 40 : i32
    %mul3A_139 = arith.muli %arg0, %mul3A_138 : i32
    %add3A_140 = arith.constant 6 : i32
    %add3A_141 = arith.addi %mul3A_139, %add3A_140 : i32
    %swap3A_142 = arith.index_cast %add3A_141 : i32 to index
    %swap3A_143 = arith.constant 0 : index
    %swap3A_144 = vector.load %arg7[%swap3A_142, %swap3A_143] : memref<80x128xf32, #tpu.memory_space<vmem>>, vector<1x128xf32>
    tpu.vector_store %arg7[%swap3A_142, %swap3A_143], %add3A_134 {strides = array<i32>} : memref<80x128xf32, #tpu.memory_space<vmem>>, vector<1x128xf32>,
    %get3A_145 = arith.constant 896 : index
    %get3A_146 = arith.constant 0 : index
    %get3A_147 = vector.load %arg1[%get3A_145, %get3A_146] : memref<5120x256xf32, #tpu.memory_space<vmem>>, vector<128x256xf32>
    %dot_general3A_148 = arith.constant dense<0.000000e+00> : vector<1x128xf32>
    %dot_general3A_149 = tpu.matmul %get3A_1, %get3A_147, %dot_general3A_148 {dimension_numbers = #tpu.dot_dimension_numbers<[1], [1], [0], [0], [0, 0, 1, 0], [], []>, transpose_lhs_hint = false} : vector<1x256xf32>, vector<128x256xf32>, vector<1x128xf32> -> vector<1x128xf32>
    %get3A_150 = arith.constant 0 : index
    %get3A_151 = arith.constant 0 : index
    %get3A_152 = vector.load %arg3[%get3A_150, %get3A_151] : memref<1x1xf32, #tpu.memory_space<vmem>>, vector<1x1xf32>
    %get3A_153 = vector.extract %get3A_152[0, 0] : f32 from vector<1x1xf32>
    %add3A_154 = vector.broadcast %get3A_153 : f32 to vector<1x128xf32>
    %add3A_155 = arith.addf %dot_general3A_149, %add3A_154 : vector<1x128xf32>
    %swap3A_156 = arith.constant 7 : index
    %swap3A_157 = arith.constant 0 : index
    %swap3A_158 = vector.load %arg4[%swap3A_156, %swap3A_157] : memref<40x128xf32, #tpu.memory_space<vmem>>, vector<1x128xf32>
    tpu.vector_store %arg4[%swap3A_156, %swap3A_157], %add3A_155 {strides = array<i32>} : memref<40x128xf32, #tpu.memory_space<vmem>>, vector<1x128xf32>,
    %mul3A_159 = arith.constant 40 : i32
    %mul3A_160 = arith.muli %arg0, %mul3A_159 : i32
    %add3A_161 = arith.constant 7 : i32
    %add3A_162 = arith.addi %mul3A_160, %add3A_161 : i32
    %swap3A_163 = arith.index_cast %add3A_162 : i32 to index
    %swap3A_164 = arith.constant 0 : index
    %swap3A_165 = vector.load %arg7[%swap3A_163, %swap3A_164] : memref<80x128xf32, #tpu.memory_space<vmem>>, vector<1x128xf32>
    tpu.vector_store %arg7[%swap3A_163, %swap3A_164], %add3A_155 {strides = array<i32>} : memref<80x128xf32, #tpu.memory_space<vmem>>, vector<1x128xf32>,
    %get3A_166 = arith.constant 1024 : index
    %get3A_167 = arith.constant 0 : index
    %get3A_168 = vector.load %arg1[%get3A_166, %get3A_167] : memref<5120x256xf32, #tpu.memory_space<vmem>>, vector<128x256xf32>
    %dot_general3A_169 = arith.constant dense<0.000000e+00> : vector<1x128xf32>
    %dot_general3A_170 = tpu.matmul %get3A_1, %get3A_168, %dot_general3A_169 {dimension_numbers = #tpu.dot_dimension_numbers<[1], [1], [0], [0], [0, 0, 1, 0], [], []>, transpose_lhs_hint = false} : vector<1x256xf32>, vector<128x256xf32>, vector<1x128xf32> -> vector<1x128xf32>
    %get3A_171 = arith.constant 0 : index
    %get3A_172 = arith.constant 0 : index
    %get3A_173 = vector.load %arg3[%get3A_171, %get3A_172] : memref<1x1xf32, #tpu.memory_space<vmem>>, vector<1x1xf32>
    %get3A_174 = vector.extract %get3A_173[0, 0] : f32 from vector<1x1xf32>
    %add3A_175 = vector.broadcast %get3A_174 : f32 to vector<1x128xf32>
    %add3A_176 = arith.addf %dot_general3A_170, %add3A_175 : vector<1x128xf32>
    %swap3A_177 = arith.constant 8 : index
    %swap3A_178 = arith.constant 0 : index
    %swap3A_179 = vector.load %arg4[%swap3A_177, %swap3A_178] : memref<40x128xf32, #tpu.memory_space<vmem>>, vector<1x128xf32>
    tpu.vector_store %arg4[%swap3A_177, %swap3A_178], %add3A_176 {strides = array<i32>} : memref<40x128xf32, #tpu.memory_space<vmem>>, vector<1x128xf32>,
    %mul3A_180 = arith.constant 40 : i32
    %mul3A_181 = arith.muli %arg0, %mul3A_180 : i32
    %add3A_182 = arith.constant 8 : i32
    %add3A_183 = arith.addi %mul3A_181, %add3A_182 : i32
    %swap3A_184 = arith.index_cast %add3A_183 : i32 to index
    %swap3A_185 = arith.constant 0 : index
    %swap3A_186 = vector.load %arg7[%swap3A_184, %swap3A_185] : memref<80x128xf32, #tpu.memory_space<vmem>>, vector<1x128xf32>
    tpu.vector_store %arg7[%swap3A_184, %swap3A_185], %add3A_176 {strides = array<i32>} : memref<80x128xf32, #tpu.memory_space<vmem>>, vector<1x128xf32>,
    %get3A_187 = arith.constant 1152 : index
    %get3A_188 = arith.constant 0 : index
    %get3A_189 = vector.load %arg1[%get3A_187, %get3A_188] : memref<5120x256xf32, #tpu.memory_space<vmem>>, vector<128x256xf32>
    %dot_general3A_190 = arith.constant dense<0.000000e+00> : vector<1x128xf32>
    %dot_general3A_191 = tpu.matmul %get3A_1, %get3A_189, %dot_general3A_190 {dimension_numbers = #tpu.dot_dimension_numbers<[1], [1], [0], [0], [0, 0, 1, 0], [], []>, transpose_lhs_hint = false} : vector<1x256xf32>, vector<128x256xf32>, vector<1x128xf32> -> vector<1x128xf32>
    %get3A_192 = arith.constant 0 : index
    %get3A_193 = arith.constant 0 : index
    %get3A_194 = vector.load %arg3[%get3A_192, %get3A_193] : memref<1x1xf32, #tpu.memory_space<vmem>>, vector<1x1xf32>
    %get3A_195 = vector.extract %get3A_194[0, 0] : f32 from vector<1x1xf32>
    %add3A_196 = vector.broadcast %get3A_195 : f32 to vector<1x128xf32>
    %add3A_197 = arith.addf %dot_general3A_191, %add3A_196 : vector<1x128xf32>
    %swap3A_198 = arith.constant 9 : index
    %swap3A_199 = arith.constant 0 : index
    %swap3A_200 = vector.load %arg4[%swap3A_198, %swap3A_199] : memref<40x128xf32, #tpu.memory_space<vmem>>, vector<1x128xf32>
    tpu.vector_store %arg4[%swap3A_198, %swap3A_199], %add3A_197 {strides = array<i32>} : memref<40x128xf32, #tpu.memory_space<vmem>>, vector<1x128xf32>,
    %mul3A_201 = arith.constant 40 : i32
    %mul3A_202 = arith.muli %arg0, %mul3A_201 : i32
    %add3A_203 = arith.constant 9 : i32
    %add3A_204 = arith.addi %mul3A_202, %add3A_203 : i32
    %swap3A_205 = arith.index_cast %add3A_204 : i32 to index
    %swap3A_206 = arith.constant 0 : index
    %swap3A_207 = vector.load %arg7[%swap3A_205, %swap3A_206] : memref<80x128xf32, #tpu.memory_space<vmem>>, vector<1x128xf32>
    tpu.vector_store %arg7[%swap3A_205, %swap3A_206], %add3A_197 {strides = array<i32>} : memref<80x128xf32, #tpu.memory_space<vmem>>, vector<1x128xf32>,
    %get3A_208 = arith.constant 1280 : index
    %get3A_209 = arith.constant 0 : index
    %get3A_210 = vector.load %arg1[%get3A_208, %get3A_209] : memref<5120x256xf32, #tpu.memory_space<vmem>>, vector<128x256xf32>
    %dot_general3A_211 = arith.constant dense<0.000000e+00> : vector<1x128xf32>
    %dot_general3A_212 = tpu.matmul %get3A_1, %get3A_210, %dot_general3A_211 {dimension_numbers = #tpu.dot_dimension_numbers<[1], [1], [0], [0], [0, 0, 1, 0], [], []>, transpose_lhs_hint = false} : vector<1x256xf32>, vector<128x256xf32>, vector<1x128xf32> -> vector<1x128xf32>
    %get3A_213 = arith.constant 0 : index
    %get3A_214 = arith.constant 0 : index
    %get3A_215 = vector.load %arg3[%get3A_213, %get3A_214] : memref<1x1xf32, #tpu.memory_space<vmem>>, vector<1x1xf32>
    %get3A_216 = vector.extract %get3A_215[0, 0] : f32 from vector<1x1xf32>
    %add3A_217 = vector.broadcast %get3A_216 : f32 to vector<1x128xf32>
    %add3A_218 = arith.addf %dot_general3A_212, %add3A_217 : vector<1x128xf32>
    %swap3A_219 = arith.constant 10 : index
    %swap3A_220 = arith.constant 0 : index
    %swap3A_221 = vector.load %arg4[%swap3A_219, %swap3A_220] : memref<40x128xf32, #tpu.memory_space<vmem>>, vector<1x128xf32>
    tpu.vector_store %arg4[%swap3A_219, %swap3A_220], %add3A_218 {strides = array<i32>} : memref<40x128xf32, #tpu.memory_space<vmem>>, vector<1x128xf32>,
    %mul3A_222 = arith.constant 40 : i32
    %mul3A_223 = arith.muli %arg0, %mul3A_222 : i32
    %add3A_224 = arith.constant 10 : i32
    %add3A_225 = arith.addi %mul3A_223, %add3A_224 : i32
    %swap3A_226 = arith.index_cast %add3A_225 : i32 to index
    %swap3A_227 = arith.constant 0 : index
    %swap3A_228 = vector.load %arg7[%swap3A_226, %swap3A_227] : memref<80x128xf32, #tpu.memory_space<vmem>>, vector<1x128xf32>
    tpu.vector_store %arg7[%swap3A_226, %swap3A_227], %add3A_218 {strides = array<i32>} : memref<80x128xf32, #tpu.memory_space<vmem>>, vector<1x128xf32>,
    %get3A_229 = arith.constant 1408 : index
    %get3A_230 = arith.constant 0 : index
    %get3A_231 = vector.load %arg1[%get3A_229, %get3A_230] : memref<5120x256xf32, #tpu.memory_space<vmem>>, vector<128x256xf32>
    %dot_general3A_232 = arith.constant dense<0.000000e+00> : vector<1x128xf32>
    %dot_general3A_233 = tpu.matmul %get3A_1, %get3A_231, %dot_general3A_232 {dimension_numbers = #tpu.dot_dimension_numbers<[1], [1], [0], [0], [0, 0, 1, 0], [], []>, transpose_lhs_hint = false} : vector<1x256xf32>, vector<128x256xf32>, vector<1x128xf32> -> vector<1x128xf32>
    %get3A_234 = arith.constant 0 : index
    %get3A_235 = arith.constant 0 : index
    %get3A_236 = vector.load %arg3[%get3A_234, %get3A_235] : memref<1x1xf32, #tpu.memory_space<vmem>>, vector<1x1xf32>
    %get3A_237 = vector.extract %get3A_236[0, 0] : f32 from vector<1x1xf32>
    %add3A_238 = vector.broadcast %get3A_237 : f32 to vector<1x128xf32>
    %add3A_239 = arith.addf %dot_general3A_233, %add3A_238 : vector<1x128xf32>
    %swap3A_240 = arith.constant 11 : index
    %swap3A_241 = arith.constant 0 : index
    %swap3A_242 = vector.load %arg4[%swap3A_240, %swap3A_241] : memref<40x128xf32, #tpu.memory_space<vmem>>, vector<1x128xf32>
    tpu.vector_store %arg4[%swap3A_240, %swap3A_241], %add3A_239 {strides = array<i32>} : memref<40x128xf32, #tpu.memory_space<vmem>>, vector<1x128xf32>,
    %mul3A_243 = arith.constant 40 : i32
    %mul3A_244 = arith.muli %arg0, %mul3A_243 : i32
    %add3A_245 = arith.constant 11 : i32
    %add3A_246 = arith.addi %mul3A_244, %add3A_245 : i32
    %swap3A_247 = arith.index_cast %add3A_246 : i32 to index
    %swap3A_248 = arith.constant 0 : index
    %swap3A_249 = vector.load %arg7[%swap3A_247, %swap3A_248] : memref<80x128xf32, #tpu.memory_space<vmem>>, vector<1x128xf32>
    tpu.vector_store %arg7[%swap3A_247, %swap3A_248], %add3A_239 {strides = array<i32>} : memref<80x128xf32, #tpu.memory_space<vmem>>, vector<1x128xf32>,
    %get3A_250 = arith.constant 1536 : index
    %get3A_251 = arith.constant 0 : index
    %get3A_252 = vector.load %arg1[%get3A_250, %get3A_251] : memref<5120x256xf32, #tpu.memory_space<vmem>>, vector<128x256xf32>
    %dot_general3A_253 = arith.constant dense<0.000000e+00> : vector<1x128xf32>
    %dot_general3A_254 = tpu.matmul %get3A_1, %get3A_252, %dot_general3A_253 {dimension_numbers = #tpu.dot_dimension_numbers<[1], [1], [0], [0], [0, 0, 1, 0], [], []>, transpose_lhs_hint = false} : vector<1x256xf32>, vector<128x256xf32>, vector<1x128xf32> -> vector<1x128xf32>
    %get3A_255 = arith.constant 0 : index
    %get3A_256 = arith.constant 0 : index
    %get3A_257 = vector.load %arg3[%get3A_255, %get3A_256] : memref<1x1xf32, #tpu.memory_space<vmem>>, vector<1x1xf32>
    %get3A_258 = vector.extract %get3A_257[0, 0] : f32 from vector<1x1xf32>
    %add3A_259 = vector.broadcast %get3A_258 : f32 to vector<1x128xf32>
    %add3A_260 = arith.addf %dot_general3A_254, %add3A_259 : vector<1x128xf32>
    %swap3A_261 = arith.constant 12 : index
    %swap3A_262 = arith.constant 0 : index
    %swap3A_263 = vector.load %arg4[%swap3A_261, %swap3A_262] : memref<40x128xf32, #tpu.memory_space<vmem>>, vector<1x128xf32>
    tpu.vector_store %arg4[%swap3A_261, %swap3A_262], %add3A_260 {strides = array<i32>} : memref<40x128xf32, #tpu.memory_space<vmem>>, vector<1x128xf32>,
    %mul3A_264 = arith.constant 40 : i32
    %mul3A_265 = arith.muli %arg0, %mul3A_264 : i32
    %add3A_266 = arith.constant 12 : i32
    %add3A_267 = arith.addi %mul3A_265, %add3A_266 : i32
    %swap3A_268 = arith.index_cast %add3A_267 : i32 to index
    %swap3A_269 = arith.constant 0 : index
    %swap3A_270 = vector.load %arg7[%swap3A_268, %swap3A_269] : memref<80x128xf32, #tpu.memory_space<vmem>>, vector<1x128xf32>
    tpu.vector_store %arg7[%swap3A_268, %swap3A_269], %add3A_260 {strides = array<i32>} : memref<80x128xf32, #tpu.memory_space<vmem>>, vector<1x128xf32>,
    %get3A_271 = arith.constant 1664 : index
    %get3A_272 = arith.constant 0 : index
    %get3A_273 = vector.load %arg1[%get3A_271, %get3A_272] : memref<5120x256xf32, #tpu.memory_space<vmem>>, vector<128x256xf32>
    %dot_general3A_274 = arith.constant dense<0.000000e+00> : vector<1x128xf32>
    %dot_general3A_275 = tpu.matmul %get3A_1, %get3A_273, %dot_general3A_274 {dimension_numbers = #tpu.dot_dimension_numbers<[1], [1], [0], [0], [0, 0, 1, 0], [], []>, transpose_lhs_hint = false} : vector<1x256xf32>, vector<128x256xf32>, vector<1x128xf32> -> vector<1x128xf32>
    %get3A_276 = arith.constant 0 : index
    %get3A_277 = arith.constant 0 : index
    %get3A_278 = vector.load %arg3[%get3A_276, %get3A_277] : memref<1x1xf32, #tpu.memory_space<vmem>>, vector<1x1xf32>
    %get3A_279 = vector.extract %get3A_278[0, 0] : f32 from vector<1x1xf32>
    %add3A_280 = vector.broadcast %get3A_279 : f32 to vector<1x128xf32>
    %add3A_281 = arith.addf %dot_general3A_275, %add3A_280 : vector<1x128xf32>
    %swap3A_282 = arith.constant 13 : index
    %swap3A_283 = arith.constant 0 : index
    %swap3A_284 = vector.load %arg4[%swap3A_282, %swap3A_283] : memref<40x128xf32, #tpu.memory_space<vmem>>, vector<1x128xf32>
    tpu.vector_store %arg4[%swap3A_282, %swap3A_283], %add3A_281 {strides = array<i32>} : memref<40x128xf32, #tpu.memory_space<vmem>>, vector<1x128xf32>,
    %mul3A_285 = arith.constant 40 : i32
    %mul3A_286 = arith.muli %arg0, %mul3A_285 : i32
    %add3A_287 = arith.constant 13 : i32
    %add3A_288 = arith.addi %mul3A_286, %add3A_287 : i32
    %swap3A_289 = arith.index_cast %add3A_288 : i32 to index
    %swap3A_290 = arith.constant 0 : index
    %swap3A_291 = vector.load %arg7[%swap3A_289, %swap3A_290] : memref<80x128xf32, #tpu.memory_space<vmem>>, vector<1x128xf32>
    tpu.vector_store %arg7[%swap3A_289, %swap3A_290], %add3A_281 {strides = array<i32>} : memref<80x128xf32, #tpu.memory_space<vmem>>, vector<1x128xf32>,
    %get3A_292 = arith.constant 1792 : index
    %get3A_293 = arith.constant 0 : index
    %get3A_294 = vector.load %arg1[%get3A_292, %get3A_293] : memref<5120x256xf32, #tpu.memory_space<vmem>>, vector<128x256xf32>
    %dot_general3A_295 = arith.constant dense<0.000000e+00> : vector<1x128xf32>
    %dot_general3A_296 = tpu.matmul %get3A_1, %get3A_294, %dot_general3A_295 {dimension_numbers = #tpu.dot_dimension_numbers<[1], [1], [0], [0], [0, 0, 1, 0], [], []>, transpose_lhs_hint = false} : vector<1x256xf32>, vector<128x256xf32>, vector<1x128xf32> -> vector<1x128xf32>
    %get3A_297 = arith.constant 0 : index
    %get3A_298 = arith.constant 0 : index
    %get3A_299 = vector.load %arg3[%get3A_297, %get3A_298] : memref<1x1xf32, #tpu.memory_space<vmem>>, vector<1x1xf32>
    %get3A_300 = vector.extract %get3A_299[0, 0] : f32 from vector<1x1xf32>
    %add3A_301 = vector.broadcast %get3A_300 : f32 to vector<1x128xf32>
    %add3A_302 = arith.addf %dot_general3A_296, %add3A_301 : vector<1x128xf32>
    %swap3A_303 = arith.constant 14 : index
    %swap3A_304 = arith.constant 0 : index
    %swap3A_305 = vector.load %arg4[%swap3A_303, %swap3A_304] : memref<40x128xf32, #tpu.memory_space<vmem>>, vector<1x128xf32>
    tpu.vector_store %arg4[%swap3A_303, %swap3A_304], %add3A_302 {strides = array<i32>} : memref<40x128xf32, #tpu.memory_space<vmem>>, vector<1x128xf32>,
    %mul3A_306 = arith.constant 40 : i32
    %mul3A_307 = arith.muli %arg0, %mul3A_306 : i32
    %add3A_308 = arith.constant 14 : i32
    %add3A_309 = arith.addi %mul3A_307, %add3A_308 : i32
    %swap3A_310 = arith.index_cast %add3A_309 : i32 to index
    %swap3A_311 = arith.constant 0 : index
    %swap3A_312 = vector.load %arg7[%swap3A_310, %swap3A_311] : memref<80x128xf32, #tpu.memory_space<vmem>>, vector<1x128xf32>
    tpu.vector_store %arg7[%swap3A_310, %swap3A_311], %add3A_302 {strides = array<i32>} : memref<80x128xf32, #tpu.memory_space<vmem>>, vector<1x128xf32>,
    %get3A_313 = arith.constant 1920 : index
    %get3A_314 = arith.constant 0 : index
    %get3A_315 = vector.load %arg1[%get3A_313, %get3A_314] : memref<5120x256xf32, #tpu.memory_space<vmem>>, vector<128x256xf32>
    %dot_general3A_316 = arith.constant dense<0.000000e+00> : vector<1x128xf32>
    %dot_general3A_317 = tpu.matmul %get3A_1, %get3A_315, %dot_general3A_316 {dimension_numbers = #tpu.dot_dimension_numbers<[1], [1], [0], [0], [0, 0, 1, 0], [], []>, transpose_lhs_hint = false} : vector<1x256xf32>, vector<128x256xf32>, vector<1x128xf32> -> vector<1x128xf32>
    %get3A_318 = arith.constant 0 : index
    %get3A_319 = arith.constant 0 : index
    %get3A_320 = vector.load %arg3[%get3A_318, %get3A_319] : memref<1x1xf32, #tpu.memory_space<vmem>>, vector<1x1xf32>
    %get3A_321 = vector.extract %get3A_320[0, 0] : f32 from vector<1x1xf32>
    %add3A_322 = vector.broadcast %get3A_321 : f32 to vector<1x128xf32>
    %add3A_323 = arith.addf %dot_general3A_317, %add3A_322 : vector<1x128xf32>
    %swap3A_324 = arith.constant 15 : index
    %swap3A_325 = arith.constant 0 : index
    %swap3A_326 = vector.load %arg4[%swap3A_324, %swap3A_325] : memref<40x128xf32, #tpu.memory_space<vmem>>, vector<1x128xf32>
    tpu.vector_store %arg4[%swap3A_324, %swap3A_325], %add3A_323 {strides = array<i32>} : memref<40x128xf32, #tpu.memory_space<vmem>>, vector<1x128xf32>,
    %mul3A_327 = arith.constant 40 : i32
    %mul3A_328 = arith.muli %arg0, %mul3A_327 : i32
    %add3A_329 = arith.constant 15 : i32
    %add3A_330 = arith.addi %mul3A_328, %add3A_329 : i32
    %swap3A_331 = arith.index_cast %add3A_330 : i32 to index
    %swap3A_332 = arith.constant 0 : index
    %swap3A_333 = vector.load %arg7[%swap3A_331, %swap3A_332] : memref<80x128xf32, #tpu.memory_space<vmem>>, vector<1x128xf32>
    tpu.vector_store %arg7[%swap3A_331, %swap3A_332], %add3A_323 {strides = array<i32>} : memref<80x128xf32, #tpu.memory_space<vmem>>, vector<1x128xf32>,
    %get3A_334 = arith.constant 2048 : index
    %get3A_335 = arith.constant 0 : index
    %get3A_336 = vector.load %arg1[%get3A_334, %get3A_335] : memref<5120x256xf32, #tpu.memory_space<vmem>>, vector<128x256xf32>
    %dot_general3A_337 = arith.constant dense<0.000000e+00> : vector<1x128xf32>
    %dot_general3A_338 = tpu.matmul %get3A_1, %get3A_336, %dot_general3A_337 {dimension_numbers = #tpu.dot_dimension_numbers<[1], [1], [0], [0], [0, 0, 1, 0], [], []>, transpose_lhs_hint = false} : vector<1x256xf32>, vector<128x256xf32>, vector<1x128xf32> -> vector<1x128xf32>
    %get3A_339 = arith.constant 0 : index
    %get3A_340 = arith.constant 0 : index
    %get3A_341 = vector.load %arg3[%get3A_339, %get3A_340] : memref<1x1xf32, #tpu.memory_space<vmem>>, vector<1x1xf32>
    %get3A_342 = vector.extract %get3A_341[0, 0] : f32 from vector<1x1xf32>
    %add3A_343 = vector.broadcast %get3A_342 : f32 to vector<1x128xf32>
    %add3A_344 = arith.addf %dot_general3A_338, %add3A_343 : vector<1x128xf32>
    %swap3A_345 = arith.constant 16 : index
    %swap3A_346 = arith.constant 0 : index
    %swap3A_347 = vector.load %arg4[%swap3A_345, %swap3A_346] : memref<40x128xf32, #tpu.memory_space<vmem>>, vector<1x128xf32>
    tpu.vector_store %arg4[%swap3A_345, %swap3A_346], %add3A_344 {strides = array<i32>} : memref<40x128xf32, #tpu.memory_space<vmem>>, vector<1x128xf32>,
    %mul3A_348 = arith.constant 40 : i32
    %mul3A_349 = arith.muli %arg0, %mul3A_348 : i32
    %add3A_350 = arith.constant 16 : i32
    %add3A_351 = arith.addi %mul3A_349, %add3A_350 : i32
    %swap3A_352 = arith.index_cast %add3A_351 : i32 to index
    %swap3A_353 = arith.constant 0 : index
    %swap3A_354 = vector.load %arg7[%swap3A_352, %swap3A_353] : memref<80x128xf32, #tpu.memory_space<vmem>>, vector<1x128xf32>
    tpu.vector_store %arg7[%swap3A_352, %swap3A_353], %add3A_344 {strides = array<i32>} : memref<80x128xf32, #tpu.memory_space<vmem>>, vector<1x128xf32>,
    %get3A_355 = arith.constant 2176 : index
    %get3A_356 = arith.constant 0 : index
    %get3A_357 = vector.load %arg1[%get3A_355, %get3A_356] : memref<5120x256xf32, #tpu.memory_space<vmem>>, vector<128x256xf32>
    %dot_general3A_358 = arith.constant dense<0.000000e+00> : vector<1x128xf32>
    %dot_general3A_359 = tpu.matmul %get3A_1, %get3A_357, %dot_general3A_358 {dimension_numbers = #tpu.dot_dimension_numbers<[1], [1], [0], [0], [0, 0, 1, 0], [], []>, transpose_lhs_hint = false} : vector<1x256xf32>, vector<128x256xf32>, vector<1x128xf32> -> vector<1x128xf32>
    %get3A_360 = arith.constant 0 : index
    %get3A_361 = arith.constant 0 : index
    %get3A_362 = vector.load %arg3[%get3A_360, %get3A_361] : memref<1x1xf32, #tpu.memory_space<vmem>>, vector<1x1xf32>
    %get3A_363 = vector.extract %get3A_362[0, 0] : f32 from vector<1x1xf32>
    %add3A_364 = vector.broadcast %get3A_363 : f32 to vector<1x128xf32>
    %add3A_365 = arith.addf %dot_general3A_359, %add3A_364 : vector<1x128xf32>
    %swap3A_366 = arith.constant 17 : index
    %swap3A_367 = arith.constant 0 : index
    %swap3A_368 = vector.load %arg4[%swap3A_366, %swap3A_367] : memref<40x128xf32, #tpu.memory_space<vmem>>, vector<1x128xf32>
    tpu.vector_store %arg4[%swap3A_366, %swap3A_367], %add3A_365 {strides = array<i32>} : memref<40x128xf32, #tpu.memory_space<vmem>>, vector<1x128xf32>,
    %mul3A_369 = arith.constant 40 : i32
    %mul3A_370 = arith.muli %arg0, %mul3A_369 : i32
    %add3A_371 = arith.constant 17 : i32
    %add3A_372 = arith.addi %mul3A_370, %add3A_371 : i32
    %swap3A_373 = arith.index_cast %add3A_372 : i32 to index
    %swap3A_374 = arith.constant 0 : index
    %swap3A_375 = vector.load %arg7[%swap3A_373, %swap3A_374] : memref<80x128xf32, #tpu.memory_space<vmem>>, vector<1x128xf32>
    tpu.vector_store %arg7[%swap3A_373, %swap3A_374], %add3A_365 {strides = array<i32>} : memref<80x128xf32, #tpu.memory_space<vmem>>, vector<1x128xf32>,
    %get3A_376 = arith.constant 2304 : index
    %get3A_377 = arith.constant 0 : index
    %get3A_378 = vector.load %arg1[%get3A_376, %get3A_377] : memref<5120x256xf32, #tpu.memory_space<vmem>>, vector<128x256xf32>
    %dot_general3A_379 = arith.constant dense<0.000000e+00> : vector<1x128xf32>
    %dot_general3A_380 = tpu.matmul %get3A_1, %get3A_378, %dot_general3A_379 {dimension_numbers = #tpu.dot_dimension_numbers<[1], [1], [0], [0], [0, 0, 1, 0], [], []>, transpose_lhs_hint = false} : vector<1x256xf32>, vector<128x256xf32>, vector<1x128xf32> -> vector<1x128xf32>
    %get3A_381 = arith.constant 0 : index
    %get3A_382 = arith.constant 0 : index
    %get3A_383 = vector.load %arg3[%get3A_381, %get3A_382] : memref<1x1xf32, #tpu.memory_space<vmem>>, vector<1x1xf32>
    %get3A_384 = vector.extract %get3A_383[0, 0] : f32 from vector<1x1xf32>
    %add3A_385 = vector.broadcast %get3A_384 : f32 to vector<1x128xf32>
    %add3A_386 = arith.addf %dot_general3A_380, %add3A_385 : vector<1x128xf32>
    %swap3A_387 = arith.constant 18 : index
    %swap3A_388 = arith.constant 0 : index
    %swap3A_389 = vector.load %arg4[%swap3A_387, %swap3A_388] : memref<40x128xf32, #tpu.memory_space<vmem>>, vector<1x128xf32>
    tpu.vector_store %arg4[%swap3A_387, %swap3A_388], %add3A_386 {strides = array<i32>} : memref<40x128xf32, #tpu.memory_space<vmem>>, vector<1x128xf32>,
    %mul3A_390 = arith.constant 40 : i32
    %mul3A_391 = arith.muli %arg0, %mul3A_390 : i32
    %add3A_392 = arith.constant 18 : i32
    %add3A_393 = arith.addi %mul3A_391, %add3A_392 : i32
    %swap3A_394 = arith.index_cast %add3A_393 : i32 to index
    %swap3A_395 = arith.constant 0 : index
    %swap3A_396 = vector.load %arg7[%swap3A_394, %swap3A_395] : memref<80x128xf32, #tpu.memory_space<vmem>>, vector<1x128xf32>
    tpu.vector_store %arg7[%swap3A_394, %swap3A_395], %add3A_386 {strides = array<i32>} : memref<80x128xf32, #tpu.memory_space<vmem>>, vector<1x128xf32>,
    %get3A_397 = arith.constant 2432 : index
    %get3A_398 = arith.constant 0 : index
    %get3A_399 = vector.load %arg1[%get3A_397, %get3A_398] : memref<5120x256xf32, #tpu.memory_space<vmem>>, vector<128x256xf32>
    %dot_general3A_400 = arith.constant dense<0.000000e+00> : vector<1x128xf32>
    %dot_general3A_401 = tpu.matmul %get3A_1, %get3A_399, %dot_general3A_400 {dimension_numbers = #tpu.dot_dimension_numbers<[1], [1], [0], [0], [0, 0, 1, 0], [], []>, transpose_lhs_hint = false} : vector<1x256xf32>, vector<128x256xf32>, vector<1x128xf32> -> vector<1x128xf32>
    %get3A_402 = arith.constant 0 : index
    %get3A_403 = arith.constant 0 : index
    %get3A_404 = vector.load %arg3[%get3A_402, %get3A_403] : memref<1x1xf32, #tpu.memory_space<vmem>>, vector<1x1xf32>
    %get3A_405 = vector.extract %get3A_404[0, 0] : f32 from vector<1x1xf32>
    %add3A_406 = vector.broadcast %get3A_405 : f32 to vector<1x128xf32>
    %add3A_407 = arith.addf %dot_general3A_401, %add3A_406 : vector<1x128xf32>
    %swap3A_408 = arith.constant 19 : index
    %swap3A_409 = arith.constant 0 : index
    %swap3A_410 = vector.load %arg4[%swap3A_408, %swap3A_409] : memref<40x128xf32, #tpu.memory_space<vmem>>, vector<1x128xf32>
    tpu.vector_store %arg4[%swap3A_408, %swap3A_409], %add3A_407 {strides = array<i32>} : memref<40x128xf32, #tpu.memory_space<vmem>>, vector<1x128xf32>,
    %mul3A_411 = arith.constant 40 : i32
    %mul3A_412 = arith.muli %arg0, %mul3A_411 : i32
    %add3A_413 = arith.constant 19 : i32
    %add3A_414 = arith.addi %mul3A_412, %add3A_413 : i32
    %swap3A_415 = arith.index_cast %add3A_414 : i32 to index
    %swap3A_416 = arith.constant 0 : index
    %swap3A_417 = vector.load %arg7[%swap3A_415, %swap3A_416] : memref<80x128xf32, #tpu.memory_space<vmem>>, vector<1x128xf32>
    tpu.vector_store %arg7[%swap3A_415, %swap3A_416], %add3A_407 {strides = array<i32>} : memref<80x128xf32, #tpu.memory_space<vmem>>, vector<1x128xf32>,
    %get3A_418 = arith.constant 2560 : index
    %get3A_419 = arith.constant 0 : index
    %get3A_420 = vector.load %arg1[%get3A_418, %get3A_419] : memref<5120x256xf32, #tpu.memory_space<vmem>>, vector<128x256xf32>
    %dot_general3A_421 = arith.constant dense<0.000000e+00> : vector<1x128xf32>
    %dot_general3A_422 = tpu.matmul %get3A_1, %get3A_420, %dot_general3A_421 {dimension_numbers = #tpu.dot_dimension_numbers<[1], [1], [0], [0], [0, 0, 1, 0], [], []>, transpose_lhs_hint = false} : vector<1x256xf32>, vector<128x256xf32>, vector<1x128xf32> -> vector<1x128xf32>
    %get3A_423 = arith.constant 0 : index
    %get3A_424 = arith.constant 0 : index
    %get3A_425 = vector.load %arg3[%get3A_423, %get3A_424] : memref<1x1xf32, #tpu.memory_space<vmem>>, vector<1x1xf32>
    %get3A_426 = vector.extract %get3A_425[0, 0] : f32 from vector<1x1xf32>
    %add3A_427 = vector.broadcast %get3A_426 : f32 to vector<1x128xf32>
    %add3A_428 = arith.addf %dot_general3A_422, %add3A_427 : vector<1x128xf32>
    %swap3A_429 = arith.constant 20 : index
    %swap3A_430 = arith.constant 0 : index
    %swap3A_431 = vector.load %arg4[%swap3A_429, %swap3A_430] : memref<40x128xf32, #tpu.memory_space<vmem>>, vector<1x128xf32>
    tpu.vector_store %arg4[%swap3A_429, %swap3A_430], %add3A_428 {strides = array<i32>} : memref<40x128xf32, #tpu.memory_space<vmem>>, vector<1x128xf32>,
    %mul3A_432 = arith.constant 40 : i32
    %mul3A_433 = arith.muli %arg0, %mul3A_432 : i32
    %add3A_434 = arith.constant 20 : i32
    %add3A_435 = arith.addi %mul3A_433, %add3A_434 : i32
    %swap3A_436 = arith.index_cast %add3A_435 : i32 to index
    %swap3A_437 = arith.constant 0 : index
    %swap3A_438 = vector.load %arg7[%swap3A_436, %swap3A_437] : memref<80x128xf32, #tpu.memory_space<vmem>>, vector<1x128xf32>
    tpu.vector_store %arg7[%swap3A_436, %swap3A_437], %add3A_428 {strides = array<i32>} : memref<80x128xf32, #tpu.memory_space<vmem>>, vector<1x128xf32>,
    %get3A_439 = arith.constant 2688 : index
    %get3A_440 = arith.constant 0 : index
    %get3A_441 = vector.load %arg1[%get3A_439, %get3A_440] : memref<5120x256xf32, #tpu.memory_space<vmem>>, vector<128x256xf32>
    %dot_general3A_442 = arith.constant dense<0.000000e+00> : vector<1x128xf32>
    %dot_general3A_443 = tpu.matmul %get3A_1, %get3A_441, %dot_general3A_442 {dimension_numbers = #tpu.dot_dimension_numbers<[1], [1], [0], [0], [0, 0, 1, 0], [], []>, transpose_lhs_hint = false} : vector<1x256xf32>, vector<128x256xf32>, vector<1x128xf32> -> vector<1x128xf32>
    %get3A_444 = arith.constant 0 : index
    %get3A_445 = arith.constant 0 : index
    %get3A_446 = vector.load %arg3[%get3A_444, %get3A_445] : memref<1x1xf32, #tpu.memory_space<vmem>>, vector<1x1xf32>
    %get3A_447 = vector.extract %get3A_446[0, 0] : f32 from vector<1x1xf32>
    %add3A_448 = vector.broadcast %get3A_447 : f32 to vector<1x128xf32>
    %add3A_449 = arith.addf %dot_general3A_443, %add3A_448 : vector<1x128xf32>
    %swap3A_450 = arith.constant 21 : index
    %swap3A_451 = arith.constant 0 : index
    %swap3A_452 = vector.load %arg4[%swap3A_450, %swap3A_451] : memref<40x128xf32, #tpu.memory_space<vmem>>, vector<1x128xf32>
    tpu.vector_store %arg4[%swap3A_450, %swap3A_451], %add3A_449 {strides = array<i32>} : memref<40x128xf32, #tpu.memory_space<vmem>>, vector<1x128xf32>,
    %mul3A_453 = arith.constant 40 : i32
    %mul3A_454 = arith.muli %arg0, %mul3A_453 : i32
    %add3A_455 = arith.constant 21 : i32
    %add3A_456 = arith.addi %mul3A_454, %add3A_455 : i32
    %swap3A_457 = arith.index_cast %add3A_456 : i32 to index
    %swap3A_458 = arith.constant 0 : index
    %swap3A_459 = vector.load %arg7[%swap3A_457, %swap3A_458] : memref<80x128xf32, #tpu.memory_space<vmem>>, vector<1x128xf32>
    tpu.vector_store %arg7[%swap3A_457, %swap3A_458], %add3A_449 {strides = array<i32>} : memref<80x128xf32, #tpu.memory_space<vmem>>, vector<1x128xf32>,
    %get3A_460 = arith.constant 2816 : index
    %get3A_461 = arith.constant 0 : index
    %get3A_462 = vector.load %arg1[%get3A_460, %get3A_461] : memref<5120x256xf32, #tpu.memory_space<vmem>>, vector<128x256xf32>
    %dot_general3A_463 = arith.constant dense<0.000000e+00> : vector<1x128xf32>
    %dot_general3A_464 = tpu.matmul %get3A_1, %get3A_462, %dot_general3A_463 {dimension_numbers = #tpu.dot_dimension_numbers<[1], [1], [0], [0], [0, 0, 1, 0], [], []>, transpose_lhs_hint = false} : vector<1x256xf32>, vector<128x256xf32>, vector<1x128xf32> -> vector<1x128xf32>
    %get3A_465 = arith.constant 0 : index
    %get3A_466 = arith.constant 0 : index
    %get3A_467 = vector.load %arg3[%get3A_465, %get3A_466] : memref<1x1xf32, #tpu.memory_space<vmem>>, vector<1x1xf32>
    %get3A_468 = vector.extract %get3A_467[0, 0] : f32 from vector<1x1xf32>
    %add3A_469 = vector.broadcast %get3A_468 : f32 to vector<1x128xf32>
    %add3A_470 = arith.addf %dot_general3A_464, %add3A_469 : vector<1x128xf32>
    %swap3A_471 = arith.constant 22 : index
    %swap3A_472 = arith.constant 0 : index
    %swap3A_473 = vector.load %arg4[%swap3A_471, %swap3A_472] : memref<40x128xf32, #tpu.memory_space<vmem>>, vector<1x128xf32>
    tpu.vector_store %arg4[%swap3A_471, %swap3A_472], %add3A_470 {strides = array<i32>} : memref<40x128xf32, #tpu.memory_space<vmem>>, vector<1x128xf32>,
    %mul3A_474 = arith.constant 40 : i32
    %mul3A_475 = arith.muli %arg0, %mul3A_474 : i32
    %add3A_476 = arith.constant 22 : i32
    %add3A_477 = arith.addi %mul3A_475, %add3A_476 : i32
    %swap3A_478 = arith.index_cast %add3A_477 : i32 to index
    %swap3A_479 = arith.constant 0 : index
    %swap3A_480 = vector.load %arg7[%swap3A_478, %swap3A_479] : memref<80x128xf32, #tpu.memory_space<vmem>>, vector<1x128xf32>
    tpu.vector_store %arg7[%swap3A_478, %swap3A_479], %add3A_470 {strides = array<i32>} : memref<80x128xf32, #tpu.memory_space<vmem>>, vector<1x128xf32>,
    %get3A_481 = arith.constant 2944 : index
    %get3A_482 = arith.constant 0 : index
    %get3A_483 = vector.load %arg1[%get3A_481, %get3A_482] : memref<5120x256xf32, #tpu.memory_space<vmem>>, vector<128x256xf32>
    %dot_general3A_484 = arith.constant dense<0.000000e+00> : vector<1x128xf32>
    %dot_general3A_485 = tpu.matmul %get3A_1, %get3A_483, %dot_general3A_484 {dimension_numbers = #tpu.dot_dimension_numbers<[1], [1], [0], [0], [0, 0, 1, 0], [], []>, transpose_lhs_hint = false} : vector<1x256xf32>, vector<128x256xf32>, vector<1x128xf32> -> vector<1x128xf32>
    %get3A_486 = arith.constant 0 : index
    %get3A_487 = arith.constant 0 : index
    %get3A_488 = vector.load %arg3[%get3A_486, %get3A_487] : memref<1x1xf32, #tpu.memory_space<vmem>>, vector<1x1xf32>
    %get3A_489 = vector.extract %get3A_488[0, 0] : f32 from vector<1x1xf32>
    %add3A_490 = vector.broadcast %get3A_489 : f32 to vector<1x128xf32>
    %add3A_491 = arith.addf %dot_general3A_485, %add3A_490 : vector<1x128xf32>
    %swap3A_492 = arith.constant 23 : index
    %swap3A_493 = arith.constant 0 : index
    %swap3A_494 = vector.load %arg4[%swap3A_492, %swap3A_493] : memref<40x128xf32, #tpu.memory_space<vmem>>, vector<1x128xf32>
    tpu.vector_store %arg4[%swap3A_492, %swap3A_493], %add3A_491 {strides = array<i32>} : memref<40x128xf32, #tpu.memory_space<vmem>>, vector<1x128xf32>,
    %mul3A_495 = arith.constant 40 : i32
    %mul3A_496 = arith.muli %arg0, %mul3A_495 : i32
    %add3A_497 = arith.constant 23 : i32
    %add3A_498 = arith.addi %mul3A_496, %add3A_497 : i32
    %swap3A_499 = arith.index_cast %add3A_498 : i32 to index
    %swap3A_500 = arith.constant 0 : index
    %swap3A_501 = vector.load %arg7[%swap3A_499, %swap3A_500] : memref<80x128xf32, #tpu.memory_space<vmem>>, vector<1x128xf32>
    tpu.vector_store %arg7[%swap3A_499, %swap3A_500], %add3A_491 {strides = array<i32>} : memref<80x128xf32, #tpu.memory_space<vmem>>, vector<1x128xf32>,
    %get3A_502 = arith.constant 3072 : index
    %get3A_503 = arith.constant 0 : index
    %get3A_504 = vector.load %arg1[%get3A_502, %get3A_503] : memref<5120x256xf32, #tpu.memory_space<vmem>>, vector<128x256xf32>
    %dot_general3A_505 = arith.constant dense<0.000000e+00> : vector<1x128xf32>
    %dot_general3A_506 = tpu.matmul %get3A_1, %get3A_504, %dot_general3A_505 {dimension_numbers = #tpu.dot_dimension_numbers<[1], [1], [0], [0], [0, 0, 1, 0], [], []>, transpose_lhs_hint = false} : vector<1x256xf32>, vector<128x256xf32>, vector<1x128xf32> -> vector<1x128xf32>
    %get3A_507 = arith.constant 0 : index
    %get3A_508 = arith.constant 0 : index
    %get3A_509 = vector.load %arg3[%get3A_507, %get3A_508] : memref<1x1xf32, #tpu.memory_space<vmem>>, vector<1x1xf32>
    %get3A_510 = vector.extract %get3A_509[0, 0] : f32 from vector<1x1xf32>
    %add3A_511 = vector.broadcast %get3A_510 : f32 to vector<1x128xf32>
    %add3A_512 = arith.addf %dot_general3A_506, %add3A_511 : vector<1x128xf32>
    %swap3A_513 = arith.constant 24 : index
    %swap3A_514 = arith.constant 0 : index
    %swap3A_515 = vector.load %arg4[%swap3A_513, %swap3A_514] : memref<40x128xf32, #tpu.memory_space<vmem>>, vector<1x128xf32>
    tpu.vector_store %arg4[%swap3A_513, %swap3A_514], %add3A_512 {strides = array<i32>} : memref<40x128xf32, #tpu.memory_space<vmem>>, vector<1x128xf32>,
    %mul3A_516 = arith.constant 40 : i32
    %mul3A_517 = arith.muli %arg0, %mul3A_516 : i32
    %add3A_518 = arith.constant 24 : i32
    %add3A_519 = arith.addi %mul3A_517, %add3A_518 : i32
    %swap3A_520 = arith.index_cast %add3A_519 : i32 to index
    %swap3A_521 = arith.constant 0 : index
    %swap3A_522 = vector.load %arg7[%swap3A_520, %swap3A_521] : memref<80x128xf32, #tpu.memory_space<vmem>>, vector<1x128xf32>
    tpu.vector_store %arg7[%swap3A_520, %swap3A_521], %add3A_512 {strides = array<i32>} : memref<80x128xf32, #tpu.memory_space<vmem>>, vector<1x128xf32>,
    %get3A_523 = arith.constant 3200 : index
    %get3A_524 = arith.constant 0 : index
    %get3A_525 = vector.load %arg1[%get3A_523, %get3A_524] : memref<5120x256xf32, #tpu.memory_space<vmem>>, vector<128x256xf32>
    %dot_general3A_526 = arith.constant dense<0.000000e+00> : vector<1x128xf32>
    %dot_general3A_527 = tpu.matmul %get3A_1, %get3A_525, %dot_general3A_526 {dimension_numbers = #tpu.dot_dimension_numbers<[1], [1], [0], [0], [0, 0, 1, 0], [], []>, transpose_lhs_hint = false} : vector<1x256xf32>, vector<128x256xf32>, vector<1x128xf32> -> vector<1x128xf32>
    %get3A_528 = arith.constant 0 : index
    %get3A_529 = arith.constant 0 : index
    %get3A_530 = vector.load %arg3[%get3A_528, %get3A_529] : memref<1x1xf32, #tpu.memory_space<vmem>>, vector<1x1xf32>
    %get3A_531 = vector.extract %get3A_530[0, 0] : f32 from vector<1x1xf32>
    %add3A_532 = vector.broadcast %get3A_531 : f32 to vector<1x128xf32>
    %add3A_533 = arith.addf %dot_general3A_527, %add3A_532 : vector<1x128xf32>
    %swap3A_534 = arith.constant 25 : index
    %swap3A_535 = arith.constant 0 : index
    %swap3A_536 = vector.load %arg4[%swap3A_534, %swap3A_535] : memref<40x128xf32, #tpu.memory_space<vmem>>, vector<1x128xf32>
    tpu.vector_store %arg4[%swap3A_534, %swap3A_535], %add3A_533 {strides = array<i32>} : memref<40x128xf32, #tpu.memory_space<vmem>>, vector<1x128xf32>,
    %mul3A_537 = arith.constant 40 : i32
    %mul3A_538 = arith.muli %arg0, %mul3A_537 : i32
    %add3A_539 = arith.constant 25 : i32
    %add3A_540 = arith.addi %mul3A_538, %add3A_539 : i32
    %swap3A_541 = arith.index_cast %add3A_540 : i32 to index
    %swap3A_542 = arith.constant 0 : index
    %swap3A_543 = vector.load %arg7[%swap3A_541, %swap3A_542] : memref<80x128xf32, #tpu.memory_space<vmem>>, vector<1x128xf32>
    tpu.vector_store %arg7[%swap3A_541, %swap3A_542], %add3A_533 {strides = array<i32>} : memref<80x128xf32, #tpu.memory_space<vmem>>, vector<1x128xf32>,
    %get3A_544 = arith.constant 3328 : index
    %get3A_545 = arith.constant 0 : index
    %get3A_546 = vector.load %arg1[%get3A_544, %get3A_545] : memref<5120x256xf32, #tpu.memory_space<vmem>>, vector<128x256xf32>
    %dot_general3A_547 = arith.constant dense<0.000000e+00> : vector<1x128xf32>
    %dot_general3A_548 = tpu.matmul %get3A_1, %get3A_546, %dot_general3A_547 {dimension_numbers = #tpu.dot_dimension_numbers<[1], [1], [0], [0], [0, 0, 1, 0], [], []>, transpose_lhs_hint = false} : vector<1x256xf32>, vector<128x256xf32>, vector<1x128xf32> -> vector<1x128xf32>
    %get3A_549 = arith.constant 0 : index
    %get3A_550 = arith.constant 0 : index
    %get3A_551 = vector.load %arg3[%get3A_549, %get3A_550] : memref<1x1xf32, #tpu.memory_space<vmem>>, vector<1x1xf32>
    %get3A_552 = vector.extract %get3A_551[0, 0] : f32 from vector<1x1xf32>
    %add3A_553 = vector.broadcast %get3A_552 : f32 to vector<1x128xf32>
    %add3A_554 = arith.addf %dot_general3A_548, %add3A_553 : vector<1x128xf32>
    %swap3A_555 = arith.constant 26 : index
    %swap3A_556 = arith.constant 0 : index
    %swap3A_557 = vector.load %arg4[%swap3A_555, %swap3A_556] : memref<40x128xf32, #tpu.memory_space<vmem>>, vector<1x128xf32>
    tpu.vector_store %arg4[%swap3A_555, %swap3A_556], %add3A_554 {strides = array<i32>} : memref<40x128xf32, #tpu.memory_space<vmem>>, vector<1x128xf32>,
    %mul3A_558 = arith.constant 40 : i32
    %mul3A_559 = arith.muli %arg0, %mul3A_558 : i32
    %add3A_560 = arith.constant 26 : i32
    %add3A_561 = arith.addi %mul3A_559, %add3A_560 : i32
    %swap3A_562 = arith.index_cast %add3A_561 : i32 to index
    %swap3A_563 = arith.constant 0 : index
    %swap3A_564 = vector.load %arg7[%swap3A_562, %swap3A_563] : memref<80x128xf32, #tpu.memory_space<vmem>>, vector<1x128xf32>
    tpu.vector_store %arg7[%swap3A_562, %swap3A_563], %add3A_554 {strides = array<i32>} : memref<80x128xf32, #tpu.memory_space<vmem>>, vector<1x128xf32>,
    %get3A_565 = arith.constant 3456 : index
    %get3A_566 = arith.constant 0 : index
    %get3A_567 = vector.load %arg1[%get3A_565, %get3A_566] : memref<5120x256xf32, #tpu.memory_space<vmem>>, vector<128x256xf32>
    %dot_general3A_568 = arith.constant dense<0.000000e+00> : vector<1x128xf32>
    %dot_general3A_569 = tpu.matmul %get3A_1, %get3A_567, %dot_general3A_568 {dimension_numbers = #tpu.dot_dimension_numbers<[1], [1], [0], [0], [0, 0, 1, 0], [], []>, transpose_lhs_hint = false} : vector<1x256xf32>, vector<128x256xf32>, vector<1x128xf32> -> vector<1x128xf32>
    %get3A_570 = arith.constant 0 : index
    %get3A_571 = arith.constant 0 : index
    %get3A_572 = vector.load %arg3[%get3A_570, %get3A_571] : memref<1x1xf32, #tpu.memory_space<vmem>>, vector<1x1xf32>
    %get3A_573 = vector.extract %get3A_572[0, 0] : f32 from vector<1x1xf32>
    %add3A_574 = vector.broadcast %get3A_573 : f32 to vector<1x128xf32>
    %add3A_575 = arith.addf %dot_general3A_569, %add3A_574 : vector<1x128xf32>
    %swap3A_576 = arith.constant 27 : index
    %swap3A_577 = arith.constant 0 : index
    %swap3A_578 = vector.load %arg4[%swap3A_576, %swap3A_577] : memref<40x128xf32, #tpu.memory_space<vmem>>, vector<1x128xf32>
    tpu.vector_store %arg4[%swap3A_576, %swap3A_577], %add3A_575 {strides = array<i32>} : memref<40x128xf32, #tpu.memory_space<vmem>>, vector<1x128xf32>,
    %mul3A_579 = arith.constant 40 : i32
    %mul3A_580 = arith.muli %arg0, %mul3A_579 : i32
    %add3A_581 = arith.constant 27 : i32
    %add3A_582 = arith.addi %mul3A_580, %add3A_581 : i32
    %swap3A_583 = arith.index_cast %add3A_582 : i32 to index
    %swap3A_584 = arith.constant 0 : index
    %swap3A_585 = vector.load %arg7[%swap3A_583, %swap3A_584] : memref<80x128xf32, #tpu.memory_space<vmem>>, vector<1x128xf32>
    tpu.vector_store %arg7[%swap3A_583, %swap3A_584], %add3A_575 {strides = array<i32>} : memref<80x128xf32, #tpu.memory_space<vmem>>, vector<1x128xf32>,
    %get3A_586 = arith.constant 3584 : index
    %get3A_587 = arith.constant 0 : index
    %get3A_588 = vector.load %arg1[%get3A_586, %get3A_587] : memref<5120x256xf32, #tpu.memory_space<vmem>>, vector<128x256xf32>
    %dot_general3A_589 = arith.constant dense<0.000000e+00> : vector<1x128xf32>
    %dot_general3A_590 = tpu.matmul %get3A_1, %get3A_588, %dot_general3A_589 {dimension_numbers = #tpu.dot_dimension_numbers<[1], [1], [0], [0], [0, 0, 1, 0], [], []>, transpose_lhs_hint = false} : vector<1x256xf32>, vector<128x256xf32>, vector<1x128xf32> -> vector<1x128xf32>
    %get3A_591 = arith.constant 0 : index
    %get3A_592 = arith.constant 0 : index
    %get3A_593 = vector.load %arg3[%get3A_591, %get3A_592] : memref<1x1xf32, #tpu.memory_space<vmem>>, vector<1x1xf32>
    %get3A_594 = vector.extract %get3A_593[0, 0] : f32 from vector<1x1xf32>
    %add3A_595 = vector.broadcast %get3A_594 : f32 to vector<1x128xf32>
    %add3A_596 = arith.addf %dot_general3A_590, %add3A_595 : vector<1x128xf32>
    %swap3A_597 = arith.constant 28 : index
    %swap3A_598 = arith.constant 0 : index
    %swap3A_599 = vector.load %arg4[%swap3A_597, %swap3A_598] : memref<40x128xf32, #tpu.memory_space<vmem>>, vector<1x128xf32>
    tpu.vector_store %arg4[%swap3A_597, %swap3A_598], %add3A_596 {strides = array<i32>} : memref<40x128xf32, #tpu.memory_space<vmem>>, vector<1x128xf32>,
    %mul3A_600 = arith.constant 40 : i32
    %mul3A_601 = arith.muli %arg0, %mul3A_600 : i32
    %add3A_602 = arith.constant 28 : i32
    %add3A_603 = arith.addi %mul3A_601, %add3A_602 : i32
    %swap3A_604 = arith.index_cast %add3A_603 : i32 to index
    %swap3A_605 = arith.constant 0 : index
    %swap3A_606 = vector.load %arg7[%swap3A_604, %swap3A_605] : memref<80x128xf32, #tpu.memory_space<vmem>>, vector<1x128xf32>
    tpu.vector_store %arg7[%swap3A_604, %swap3A_605], %add3A_596 {strides = array<i32>} : memref<80x128xf32, #tpu.memory_space<vmem>>, vector<1x128xf32>,
    %get3A_607 = arith.constant 3712 : index
    %get3A_608 = arith.constant 0 : index
    %get3A_609 = vector.load %arg1[%get3A_607, %get3A_608] : memref<5120x256xf32, #tpu.memory_space<vmem>>, vector<128x256xf32>
    %dot_general3A_610 = arith.constant dense<0.000000e+00> : vector<1x128xf32>
    %dot_general3A_611 = tpu.matmul %get3A_1, %get3A_609, %dot_general3A_610 {dimension_numbers = #tpu.dot_dimension_numbers<[1], [1], [0], [0], [0, 0, 1, 0], [], []>, transpose_lhs_hint = false} : vector<1x256xf32>, vector<128x256xf32>, vector<1x128xf32> -> vector<1x128xf32>
    %get3A_612 = arith.constant 0 : index
    %get3A_613 = arith.constant 0 : index
    %get3A_614 = vector.load %arg3[%get3A_612, %get3A_613] : memref<1x1xf32, #tpu.memory_space<vmem>>, vector<1x1xf32>
    %get3A_615 = vector.extract %get3A_614[0, 0] : f32 from vector<1x1xf32>
    %add3A_616 = vector.broadcast %get3A_615 : f32 to vector<1x128xf32>
    %add3A_617 = arith.addf %dot_general3A_611, %add3A_616 : vector<1x128xf32>
    %swap3A_618 = arith.constant 29 : index
    %swap3A_619 = arith.constant 0 : index
    %swap3A_620 = vector.load %arg4[%swap3A_618, %swap3A_619] : memref<40x128xf32, #tpu.memory_space<vmem>>, vector<1x128xf32>
    tpu.vector_store %arg4[%swap3A_618, %swap3A_619], %add3A_617 {strides = array<i32>} : memref<40x128xf32, #tpu.memory_space<vmem>>, vector<1x128xf32>,
    %mul3A_621 = arith.constant 40 : i32
    %mul3A_622 = arith.muli %arg0, %mul3A_621 : i32
    %add3A_623 = arith.constant 29 : i32
    %add3A_624 = arith.addi %mul3A_622, %add3A_623 : i32
    %swap3A_625 = arith.index_cast %add3A_624 : i32 to index
    %swap3A_626 = arith.constant 0 : index
    %swap3A_627 = vector.load %arg7[%swap3A_625, %swap3A_626] : memref<80x128xf32, #tpu.memory_space<vmem>>, vector<1x128xf32>
    tpu.vector_store %arg7[%swap3A_625, %swap3A_626], %add3A_617 {strides = array<i32>} : memref<80x128xf32, #tpu.memory_space<vmem>>, vector<1x128xf32>,
    %get3A_628 = arith.constant 3840 : index
    %get3A_629 = arith.constant 0 : index
    %get3A_630 = vector.load %arg1[%get3A_628, %get3A_629] : memref<5120x256xf32, #tpu.memory_space<vmem>>, vector<128x256xf32>
    %dot_general3A_631 = arith.constant dense<0.000000e+00> : vector<1x128xf32>
    %dot_general3A_632 = tpu.matmul %get3A_1, %get3A_630, %dot_general3A_631 {dimension_numbers = #tpu.dot_dimension_numbers<[1], [1], [0], [0], [0, 0, 1, 0], [], []>, transpose_lhs_hint = false} : vector<1x256xf32>, vector<128x256xf32>, vector<1x128xf32> -> vector<1x128xf32>
    %get3A_633 = arith.constant 0 : index
    %get3A_634 = arith.constant 0 : index
    %get3A_635 = vector.load %arg3[%get3A_633, %get3A_634] : memref<1x1xf32, #tpu.memory_space<vmem>>, vector<1x1xf32>
    %get3A_636 = vector.extract %get3A_635[0, 0] : f32 from vector<1x1xf32>
    %add3A_637 = vector.broadcast %get3A_636 : f32 to vector<1x128xf32>
    %add3A_638 = arith.addf %dot_general3A_632, %add3A_637 : vector<1x128xf32>
    %swap3A_639 = arith.constant 30 : index
    %swap3A_640 = arith.constant 0 : index
    %swap3A_641 = vector.load %arg4[%swap3A_639, %swap3A_640] : memref<40x128xf32, #tpu.memory_space<vmem>>, vector<1x128xf32>
    tpu.vector_store %arg4[%swap3A_639, %swap3A_640], %add3A_638 {strides = array<i32>} : memref<40x128xf32, #tpu.memory_space<vmem>>, vector<1x128xf32>,
    %mul3A_642 = arith.constant 40 : i32
    %mul3A_643 = arith.muli %arg0, %mul3A_642 : i32
    %add3A_644 = arith.constant 30 : i32
    %add3A_645 = arith.addi %mul3A_643, %add3A_644 : i32
    %swap3A_646 = arith.index_cast %add3A_645 : i32 to index
    %swap3A_647 = arith.constant 0 : index
    %swap3A_648 = vector.load %arg7[%swap3A_646, %swap3A_647] : memref<80x128xf32, #tpu.memory_space<vmem>>, vector<1x128xf32>
    tpu.vector_store %arg7[%swap3A_646, %swap3A_647], %add3A_638 {strides = array<i32>} : memref<80x128xf32, #tpu.memory_space<vmem>>, vector<1x128xf32>,
    %get3A_649 = arith.constant 3968 : index
    %get3A_650 = arith.constant 0 : index
    %get3A_651 = vector.load %arg1[%get3A_649, %get3A_650] : memref<5120x256xf32, #tpu.memory_space<vmem>>, vector<128x256xf32>
    %dot_general3A_652 = arith.constant dense<0.000000e+00> : vector<1x128xf32>
    %dot_general3A_653 = tpu.matmul %get3A_1, %get3A_651, %dot_general3A_652 {dimension_numbers = #tpu.dot_dimension_numbers<[1], [1], [0], [0], [0, 0, 1, 0], [], []>, transpose_lhs_hint = false} : vector<1x256xf32>, vector<128x256xf32>, vector<1x128xf32> -> vector<1x128xf32>
    %get3A_654 = arith.constant 0 : index
    %get3A_655 = arith.constant 0 : index
    %get3A_656 = vector.load %arg3[%get3A_654, %get3A_655] : memref<1x1xf32, #tpu.memory_space<vmem>>, vector<1x1xf32>
    %get3A_657 = vector.extract %get3A_656[0, 0] : f32 from vector<1x1xf32>
    %add3A_658 = vector.broadcast %get3A_657 : f32 to vector<1x128xf32>
    %add3A_659 = arith.addf %dot_general3A_653, %add3A_658 : vector<1x128xf32>
    %swap3A_660 = arith.constant 31 : index
    %swap3A_661 = arith.constant 0 : index
    %swap3A_662 = vector.load %arg4[%swap3A_660, %swap3A_661] : memref<40x128xf32, #tpu.memory_space<vmem>>, vector<1x128xf32>
    tpu.vector_store %arg4[%swap3A_660, %swap3A_661], %add3A_659 {strides = array<i32>} : memref<40x128xf32, #tpu.memory_space<vmem>>, vector<1x128xf32>,
    %mul3A_663 = arith.constant 40 : i32
    %mul3A_664 = arith.muli %arg0, %mul3A_663 : i32
    %add3A_665 = arith.constant 31 : i32
    %add3A_666 = arith.addi %mul3A_664, %add3A_665 : i32
    %swap3A_667 = arith.index_cast %add3A_666 : i32 to index
    %swap3A_668 = arith.constant 0 : index
    %swap3A_669 = vector.load %arg7[%swap3A_667, %swap3A_668] : memref<80x128xf32, #tpu.memory_space<vmem>>, vector<1x128xf32>
    tpu.vector_store %arg7[%swap3A_667, %swap3A_668], %add3A_659 {strides = array<i32>} : memref<80x128xf32, #tpu.memory_space<vmem>>, vector<1x128xf32>,
    %get3A_670 = arith.constant 4096 : index
    %get3A_671 = arith.constant 0 : index
    %get3A_672 = vector.load %arg1[%get3A_670, %get3A_671] : memref<5120x256xf32, #tpu.memory_space<vmem>>, vector<128x256xf32>
    %dot_general3A_673 = arith.constant dense<0.000000e+00> : vector<1x128xf32>
    %dot_general3A_674 = tpu.matmul %get3A_1, %get3A_672, %dot_general3A_673 {dimension_numbers = #tpu.dot_dimension_numbers<[1], [1], [0], [0], [0, 0, 1, 0], [], []>, transpose_lhs_hint = false} : vector<1x256xf32>, vector<128x256xf32>, vector<1x128xf32> -> vector<1x128xf32>
    %get3A_675 = arith.constant 0 : index
    %get3A_676 = arith.constant 0 : index
    %get3A_677 = vector.load %arg3[%get3A_675, %get3A_676] : memref<1x1xf32, #tpu.memory_space<vmem>>, vector<1x1xf32>
    %get3A_678 = vector.extract %get3A_677[0, 0] : f32 from vector<1x1xf32>
    %add3A_679 = vector.broadcast %get3A_678 : f32 to vector<1x128xf32>
    %add3A_680 = arith.addf %dot_general3A_674, %add3A_679 : vector<1x128xf32>
    %swap3A_681 = arith.constant 32 : index
    %swap3A_682 = arith.constant 0 : index
    %swap3A_683 = vector.load %arg4[%swap3A_681, %swap3A_682] : memref<40x128xf32, #tpu.memory_space<vmem>>, vector<1x128xf32>
    tpu.vector_store %arg4[%swap3A_681, %swap3A_682], %add3A_680 {strides = array<i32>} : memref<40x128xf32, #tpu.memory_space<vmem>>, vector<1x128xf32>,
    %mul3A_684 = arith.constant 40 : i32
    %mul3A_685 = arith.muli %arg0, %mul3A_684 : i32
    %add3A_686 = arith.constant 32 : i32
    %add3A_687 = arith.addi %mul3A_685, %add3A_686 : i32
    %swap3A_688 = arith.index_cast %add3A_687 : i32 to index
    %swap3A_689 = arith.constant 0 : index
    %swap3A_690 = vector.load %arg7[%swap3A_688, %swap3A_689] : memref<80x128xf32, #tpu.memory_space<vmem>>, vector<1x128xf32>
    tpu.vector_store %arg7[%swap3A_688, %swap3A_689], %add3A_680 {strides = array<i32>} : memref<80x128xf32, #tpu.memory_space<vmem>>, vector<1x128xf32>,
    %get3A_691 = arith.constant 4224 : index
    %get3A_692 = arith.constant 0 : index
    %get3A_693 = vector.load %arg1[%get3A_691, %get3A_692] : memref<5120x256xf32, #tpu.memory_space<vmem>>, vector<128x256xf32>
    %dot_general3A_694 = arith.constant dense<0.000000e+00> : vector<1x128xf32>
    %dot_general3A_695 = tpu.matmul %get3A_1, %get3A_693, %dot_general3A_694 {dimension_numbers = #tpu.dot_dimension_numbers<[1], [1], [0], [0], [0, 0, 1, 0], [], []>, transpose_lhs_hint = false} : vector<1x256xf32>, vector<128x256xf32>, vector<1x128xf32> -> vector<1x128xf32>
    %get3A_696 = arith.constant 0 : index
    %get3A_697 = arith.constant 0 : index
    %get3A_698 = vector.load %arg3[%get3A_696, %get3A_697] : memref<1x1xf32, #tpu.memory_space<vmem>>, vector<1x1xf32>
    %get3A_699 = vector.extract %get3A_698[0, 0] : f32 from vector<1x1xf32>
    %add3A_700 = vector.broadcast %get3A_699 : f32 to vector<1x128xf32>
    %add3A_701 = arith.addf %dot_general3A_695, %add3A_700 : vector<1x128xf32>
    %swap3A_702 = arith.constant 33 : index
    %swap3A_703 = arith.constant 0 : index
    %swap3A_704 = vector.load %arg4[%swap3A_702, %swap3A_703] : memref<40x128xf32, #tpu.memory_space<vmem>>, vector<1x128xf32>
    tpu.vector_store %arg4[%swap3A_702, %swap3A_703], %add3A_701 {strides = array<i32>} : memref<40x128xf32, #tpu.memory_space<vmem>>, vector<1x128xf32>,
    %mul3A_705 = arith.constant 40 : i32
    %mul3A_706 = arith.muli %arg0, %mul3A_705 : i32
    %add3A_707 = arith.constant 33 : i32
    %add3A_708 = arith.addi %mul3A_706, %add3A_707 : i32
    %swap3A_709 = arith.index_cast %add3A_708 : i32 to index
    %swap3A_710 = arith.constant 0 : index
    %swap3A_711 = vector.load %arg7[%swap3A_709, %swap3A_710] : memref<80x128xf32, #tpu.memory_space<vmem>>, vector<1x128xf32>
    tpu.vector_store %arg7[%swap3A_709, %swap3A_710], %add3A_701 {strides = array<i32>} : memref<80x128xf32, #tpu.memory_space<vmem>>, vector<1x128xf32>,
    %get3A_712 = arith.constant 4352 : index
    %get3A_713 = arith.constant 0 : index
    %get3A_714 = vector.load %arg1[%get3A_712, %get3A_713] : memref<5120x256xf32, #tpu.memory_space<vmem>>, vector<128x256xf32>
    %dot_general3A_715 = arith.constant dense<0.000000e+00> : vector<1x128xf32>
    %dot_general3A_716 = tpu.matmul %get3A_1, %get3A_714, %dot_general3A_715 {dimension_numbers = #tpu.dot_dimension_numbers<[1], [1], [0], [0], [0, 0, 1, 0], [], []>, transpose_lhs_hint = false} : vector<1x256xf32>, vector<128x256xf32>, vector<1x128xf32> -> vector<1x128xf32>
    %get3A_717 = arith.constant 0 : index
    %get3A_718 = arith.constant 0 : index
    %get3A_719 = vector.load %arg3[%get3A_717, %get3A_718] : memref<1x1xf32, #tpu.memory_space<vmem>>, vector<1x1xf32>
    %get3A_720 = vector.extract %get3A_719[0, 0] : f32 from vector<1x1xf32>
    %add3A_721 = vector.broadcast %get3A_720 : f32 to vector<1x128xf32>
    %add3A_722 = arith.addf %dot_general3A_716, %add3A_721 : vector<1x128xf32>
    %swap3A_723 = arith.constant 34 : index
    %swap3A_724 = arith.constant 0 : index
    %swap3A_725 = vector.load %arg4[%swap3A_723, %swap3A_724] : memref<40x128xf32, #tpu.memory_space<vmem>>, vector<1x128xf32>
    tpu.vector_store %arg4[%swap3A_723, %swap3A_724], %add3A_722 {strides = array<i32>} : memref<40x128xf32, #tpu.memory_space<vmem>>, vector<1x128xf32>,
    %mul3A_726 = arith.constant 40 : i32
    %mul3A_727 = arith.muli %arg0, %mul3A_726 : i32
    %add3A_728 = arith.constant 34 : i32
    %add3A_729 = arith.addi %mul3A_727, %add3A_728 : i32
    %swap3A_730 = arith.index_cast %add3A_729 : i32 to index
    %swap3A_731 = arith.constant 0 : index
    %swap3A_732 = vector.load %arg7[%swap3A_730, %swap3A_731] : memref<80x128xf32, #tpu.memory_space<vmem>>, vector<1x128xf32>
    tpu.vector_store %arg7[%swap3A_730, %swap3A_731], %add3A_722 {strides = array<i32>} : memref<80x128xf32, #tpu.memory_space<vmem>>, vector<1x128xf32>,
    %get3A_733 = arith.constant 4480 : index
    %get3A_734 = arith.constant 0 : index
    %get3A_735 = vector.load %arg1[%get3A_733, %get3A_734] : memref<5120x256xf32, #tpu.memory_space<vmem>>, vector<128x256xf32>
    %dot_general3A_736 = arith.constant dense<0.000000e+00> : vector<1x128xf32>
    %dot_general3A_737 = tpu.matmul %get3A_1, %get3A_735, %dot_general3A_736 {dimension_numbers = #tpu.dot_dimension_numbers<[1], [1], [0], [0], [0, 0, 1, 0], [], []>, transpose_lhs_hint = false} : vector<1x256xf32>, vector<128x256xf32>, vector<1x128xf32> -> vector<1x128xf32>
    %get3A_738 = arith.constant 0 : index
    %get3A_739 = arith.constant 0 : index
    %get3A_740 = vector.load %arg3[%get3A_738, %get3A_739] : memref<1x1xf32, #tpu.memory_space<vmem>>, vector<1x1xf32>
    %get3A_741 = vector.extract %get3A_740[0, 0] : f32 from vector<1x1xf32>
    %add3A_742 = vector.broadcast %get3A_741 : f32 to vector<1x128xf32>
    %add3A_743 = arith.addf %dot_general3A_737, %add3A_742 : vector<1x128xf32>
    %swap3A_744 = arith.constant 35 : index
    %swap3A_745 = arith.constant 0 : index
    %swap3A_746 = vector.load %arg4[%swap3A_744, %swap3A_745] : memref<40x128xf32, #tpu.memory_space<vmem>>, vector<1x128xf32>
    tpu.vector_store %arg4[%swap3A_744, %swap3A_745], %add3A_743 {strides = array<i32>} : memref<40x128xf32, #tpu.memory_space<vmem>>, vector<1x128xf32>,
    %mul3A_747 = arith.constant 40 : i32
    %mul3A_748 = arith.muli %arg0, %mul3A_747 : i32
    %add3A_749 = arith.constant 35 : i32
    %add3A_750 = arith.addi %mul3A_748, %add3A_749 : i32
    %swap3A_751 = arith.index_cast %add3A_750 : i32 to index
    %swap3A_752 = arith.constant 0 : index
    %swap3A_753 = vector.load %arg7[%swap3A_751, %swap3A_752] : memref<80x128xf32, #tpu.memory_space<vmem>>, vector<1x128xf32>
    tpu.vector_store %arg7[%swap3A_751, %swap3A_752], %add3A_743 {strides = array<i32>} : memref<80x128xf32, #tpu.memory_space<vmem>>, vector<1x128xf32>,
    %get3A_754 = arith.constant 4608 : index
    %get3A_755 = arith.constant 0 : index
    %get3A_756 = vector.load %arg1[%get3A_754, %get3A_755] : memref<5120x256xf32, #tpu.memory_space<vmem>>, vector<128x256xf32>
    %dot_general3A_757 = arith.constant dense<0.000000e+00> : vector<1x128xf32>
    %dot_general3A_758 = tpu.matmul %get3A_1, %get3A_756, %dot_general3A_757 {dimension_numbers = #tpu.dot_dimension_numbers<[1], [1], [0], [0], [0, 0, 1, 0], [], []>, transpose_lhs_hint = false} : vector<1x256xf32>, vector<128x256xf32>, vector<1x128xf32> -> vector<1x128xf32>
    %get3A_759 = arith.constant 0 : index
    %get3A_760 = arith.constant 0 : index
    %get3A_761 = vector.load %arg3[%get3A_759, %get3A_760] : memref<1x1xf32, #tpu.memory_space<vmem>>, vector<1x1xf32>
    %get3A_762 = vector.extract %get3A_761[0, 0] : f32 from vector<1x1xf32>
    %add3A_763 = vector.broadcast %get3A_762 : f32 to vector<1x128xf32>
    %add3A_764 = arith.addf %dot_general3A_758, %add3A_763 : vector<1x128xf32>
    %swap3A_765 = arith.constant 36 : index
    %swap3A_766 = arith.constant 0 : index
    %swap3A_767 = vector.load %arg4[%swap3A_765, %swap3A_766] : memref<40x128xf32, #tpu.memory_space<vmem>>, vector<1x128xf32>
    tpu.vector_store %arg4[%swap3A_765, %swap3A_766], %add3A_764 {strides = array<i32>} : memref<40x128xf32, #tpu.memory_space<vmem>>, vector<1x128xf32>,
    %mul3A_768 = arith.constant 40 : i32
    %mul3A_769 = arith.muli %arg0, %mul3A_768 : i32
    %add3A_770 = arith.constant 36 : i32
    %add3A_771 = arith.addi %mul3A_769, %add3A_770 : i32
    %swap3A_772 = arith.index_cast %add3A_771 : i32 to index
    %swap3A_773 = arith.constant 0 : index
    %swap3A_774 = vector.load %arg7[%swap3A_772, %swap3A_773] : memref<80x128xf32, #tpu.memory_space<vmem>>, vector<1x128xf32>
    tpu.vector_store %arg7[%swap3A_772, %swap3A_773], %add3A_764 {strides = array<i32>} : memref<80x128xf32, #tpu.memory_space<vmem>>, vector<1x128xf32>,
    %get3A_775 = arith.constant 4736 : index
    %get3A_776 = arith.constant 0 : index
    %get3A_777 = vector.load %arg1[%get3A_775, %get3A_776] : memref<5120x256xf32, #tpu.memory_space<vmem>>, vector<128x256xf32>
    %dot_general3A_778 = arith.constant dense<0.000000e+00> : vector<1x128xf32>
    %dot_general3A_779 = tpu.matmul %get3A_1, %get3A_777, %dot_general3A_778 {dimension_numbers = #tpu.dot_dimension_numbers<[1], [1], [0], [0], [0, 0, 1, 0], [], []>, transpose_lhs_hint = false} : vector<1x256xf32>, vector<128x256xf32>, vector<1x128xf32> -> vector<1x128xf32>
    %get3A_780 = arith.constant 0 : index
    %get3A_781 = arith.constant 0 : index
    %get3A_782 = vector.load %arg3[%get3A_780, %get3A_781] : memref<1x1xf32, #tpu.memory_space<vmem>>, vector<1x1xf32>
    %get3A_783 = vector.extract %get3A_782[0, 0] : f32 from vector<1x1xf32>
    %add3A_784 = vector.broadcast %get3A_783 : f32 to vector<1x128xf32>
    %add3A_785 = arith.addf %dot_general3A_779, %add3A_784 : vector<1x128xf32>
    %swap3A_786 = arith.constant 37 : index
    %swap3A_787 = arith.constant 0 : index
    %swap3A_788 = vector.load %arg4[%swap3A_786, %swap3A_787] : memref<40x128xf32, #tpu.memory_space<vmem>>, vector<1x128xf32>
    tpu.vector_store %arg4[%swap3A_786, %swap3A_787], %add3A_785 {strides = array<i32>} : memref<40x128xf32, #tpu.memory_space<vmem>>, vector<1x128xf32>,
    %mul3A_789 = arith.constant 40 : i32
    %mul3A_790 = arith.muli %arg0, %mul3A_789 : i32
    %add3A_791 = arith.constant 37 : i32
    %add3A_792 = arith.addi %mul3A_790, %add3A_791 : i32
    %swap3A_793 = arith.index_cast %add3A_792 : i32 to index
    %swap3A_794 = arith.constant 0 : index
    %swap3A_795 = vector.load %arg7[%swap3A_793, %swap3A_794] : memref<80x128xf32, #tpu.memory_space<vmem>>, vector<1x128xf32>
    tpu.vector_store %arg7[%swap3A_793, %swap3A_794], %add3A_785 {strides = array<i32>} : memref<80x128xf32, #tpu.memory_space<vmem>>, vector<1x128xf32>,
    %get3A_796 = arith.constant 4864 : index
    %get3A_797 = arith.constant 0 : index
    %get3A_798 = vector.load %arg1[%get3A_796, %get3A_797] : memref<5120x256xf32, #tpu.memory_space<vmem>>, vector<128x256xf32>
    %dot_general3A_799 = arith.constant dense<0.000000e+00> : vector<1x128xf32>
    %dot_general3A_800 = tpu.matmul %get3A_1, %get3A_798, %dot_general3A_799 {dimension_numbers = #tpu.dot_dimension_numbers<[1], [1], [0], [0], [0, 0, 1, 0], [], []>, transpose_lhs_hint = false} : vector<1x256xf32>, vector<128x256xf32>, vector<1x128xf32> -> vector<1x128xf32>
    %get3A_801 = arith.constant 0 : index
    %get3A_802 = arith.constant 0 : index
    %get3A_803 = vector.load %arg3[%get3A_801, %get3A_802] : memref<1x1xf32, #tpu.memory_space<vmem>>, vector<1x1xf32>
    %get3A_804 = vector.extract %get3A_803[0, 0] : f32 from vector<1x1xf32>
    %add3A_805 = vector.broadcast %get3A_804 : f32 to vector<1x128xf32>
    %add3A_806 = arith.addf %dot_general3A_800, %add3A_805 : vector<1x128xf32>
    %swap3A_807 = arith.constant 38 : index
    %swap3A_808 = arith.constant 0 : index
    %swap3A_809 = vector.load %arg4[%swap3A_807, %swap3A_808] : memref<40x128xf32, #tpu.memory_space<vmem>>, vector<1x128xf32>
    tpu.vector_store %arg4[%swap3A_807, %swap3A_808], %add3A_806 {strides = array<i32>} : memref<40x128xf32, #tpu.memory_space<vmem>>, vector<1x128xf32>,
    %mul3A_810 = arith.constant 40 : i32
    %mul3A_811 = arith.muli %arg0, %mul3A_810 : i32
    %add3A_812 = arith.constant 38 : i32
    %add3A_813 = arith.addi %mul3A_811, %add3A_812 : i32
    %swap3A_814 = arith.index_cast %add3A_813 : i32 to index
    %swap3A_815 = arith.constant 0 : index
    %swap3A_816 = vector.load %arg7[%swap3A_814, %swap3A_815] : memref<80x128xf32, #tpu.memory_space<vmem>>, vector<1x128xf32>
    tpu.vector_store %arg7[%swap3A_814, %swap3A_815], %add3A_806 {strides = array<i32>} : memref<80x128xf32, #tpu.memory_space<vmem>>, vector<1x128xf32>,
    %get3A_817 = arith.constant 4992 : index
    %get3A_818 = arith.constant 0 : index
    %get3A_819 = vector.load %arg1[%get3A_817, %get3A_818] : memref<5120x256xf32, #tpu.memory_space<vmem>>, vector<128x256xf32>
    %dot_general3A_820 = arith.constant dense<0.000000e+00> : vector<1x128xf32>
    %dot_general3A_821 = tpu.matmul %get3A_1, %get3A_819, %dot_general3A_820 {dimension_numbers = #tpu.dot_dimension_numbers<[1], [1], [0], [0], [0, 0, 1, 0], [], []>, transpose_lhs_hint = false} : vector<1x256xf32>, vector<128x256xf32>, vector<1x128xf32> -> vector<1x128xf32>
    %get3A_822 = arith.constant 0 : index
    %get3A_823 = arith.constant 0 : index
    %get3A_824 = vector.load %arg3[%get3A_822, %get3A_823] : memref<1x1xf32, #tpu.memory_space<vmem>>, vector<1x1xf32>
    %get3A_825 = vector.extract %get3A_824[0, 0] : f32 from vector<1x1xf32>
    %add3A_826 = vector.broadcast %get3A_825 : f32 to vector<1x128xf32>
    %add3A_827 = arith.addf %dot_general3A_821, %add3A_826 : vector<1x128xf32>
    %swap3A_828 = arith.constant 39 : index
    %swap3A_829 = arith.constant 0 : index
    %swap3A_830 = vector.load %arg4[%swap3A_828, %swap3A_829] : memref<40x128xf32, #tpu.memory_space<vmem>>, vector<1x128xf32>
    tpu.vector_store %arg4[%swap3A_828, %swap3A_829], %add3A_827 {strides = array<i32>} : memref<40x128xf32, #tpu.memory_space<vmem>>, vector<1x128xf32>,
    %mul3A_831 = arith.constant 40 : i32
    %mul3A_832 = arith.muli %arg0, %mul3A_831 : i32
    %add3A_833 = arith.constant 39 : i32
    %add3A_834 = arith.addi %mul3A_832, %add3A_833 : i32
    %swap3A_835 = arith.index_cast %add3A_834 : i32 to index
    %swap3A_836 = arith.constant 0 : index
    %swap3A_837 = vector.load %arg7[%swap3A_835, %swap3A_836] : memref<80x128xf32, #tpu.memory_space<vmem>>, vector<1x128xf32>
    tpu.vector_store %arg7[%swap3A_835, %swap3A_836], %add3A_827 {strides = array<i32>} : memref<80x128xf32, #tpu.memory_space<vmem>>, vector<1x128xf32>,
    %eq3A = arith.constant 1 : i32
    %eq3A_838 = arith.cmpi eq, %arg0, %eq3A : i32
    %convert_element_type3A = arith.extui %eq3A_838 : i1 to i32
    %cond3A = arith.constant 0 : i32
    %cond3A_839 = arith.cmpi ne, %convert_element_type3A, %cond3A : i32
    scf.if %cond3A_839 {
      %get3A_840 = arith.constant 0 : index
      %get3A_841 = arith.constant 0 : index
      %get3A_842 = vector.load %arg7[%get3A_840, %get3A_841] : memref<80x128xf32, #tpu.memory_space<vmem>>, vector<80x128xf32>
      %bitcast_convert_type3A = tpu.bitcast %get3A_842 : vector<80x128xf32> -> vector<80x128xi32>
      %ge3A = arith.constant -2147483648 : i32
      %ge3A_843 = vector.broadcast %ge3A : i32 to vector<80x128xi32>
      %ge3A_844 = arith.cmpi uge, %bitcast_convert_type3A, %ge3A_843 : vector<80x128xi32>
      %not3A = arith.constant dense<-1> : vector<80x128xi32>
      %not3A_845 = arith.xori %bitcast_convert_type3A, %not3A : vector<80x128xi32>
      %or3A = arith.constant -2147483648 : i32
      %or3A_846 = vector.broadcast %or3A : i32 to vector<80x128xi32>
      %or3A_847 = arith.ori %bitcast_convert_type3A, %or3A_846 : vector<80x128xi32>
      %select_n3A = arith.select %ge3A_844, %not3A_845, %or3A_847 : vector<80x128xi1>, vector<80x128xi32>
      %iota3A = tpu.iota {dimensions = array<i32: 0>} : vector<80x128xi32>
      %iota3A_848 = tpu.iota {dimensions = array<i32: 1>} : vector<80x128xi32>
      %mul3A_849 = arith.constant 128 : i32
      %mul3A_850 = vector.broadcast %mul3A_849 : i32 to vector<80x128xi32>
      %mul3A_851 = arith.muli %iota3A, %mul3A_850 : vector<80x128xi32>
      %add3A_852 = arith.addi %mul3A_851, %iota3A_848 : vector<80x128xi32>
      %lt3A = arith.constant 10000 : i32
      %lt3A_853 = vector.broadcast %lt3A : i32 to vector<80x128xi32>
      %lt3A_854 = arith.cmpi slt, %add3A_852, %lt3A_853 : vector<80x128xi32>
      %jit3A = arith.constant 0 : i32
      %broadcast_in_dim3A = vector.broadcast %jit3A : i32 to vector<80x128xi32>
      %select_n3A_855 = arith.select %lt3A_854, %select_n3A, %broadcast_in_dim3A : vector<80x128xi1>, vector<80x128xi32>
      %scan3A = arith.constant 0 : i32
      %scan3A_856 = arith.constant 0 : i32
      %scan3A_857 = arith.constant 32 : i32
      %scan3A_858 = arith.addi %scan3A_856, %scan3A_857 : i32
      %scan3A_859 = arith.constant 1 : i32
      %scan3A_860 = scf.for %scan3A_917 = %scan3A_856 to %scan3A_858 step %scan3A_859 iter_args(%scan3A_918 = %scan3A) -> (i32)  : i32 {
        %sub3A_919 = arith.constant 31 : i32
        %sub3A_920 = arith.subi %sub3A_919, %scan3A_917 : i32
        %shift_left3A = arith.constant 1 : i32
        %shift_left3A_921 = arith.shli %shift_left3A, %sub3A_920 : i32
        %or3A_922 = arith.ori %scan3A_918, %shift_left3A_921 : i32
        %ge3A_923 = vector.broadcast %or3A_922 : i32 to vector<80x128xi32>
        %ge3A_924 = arith.cmpi uge, %select_n3A_855, %ge3A_923 : vector<80x128xi32>
        %convert_element_type3A_925 = arith.extui %ge3A_924 : vector<80x128xi1> to vector<80x128xi32>
        %reduce_sum3A_926 = vector.shape_cast %convert_element_type3A_925 : vector<80x128xi32> to vector<1x80x128xi32>
        %reduce_sum3A_927 = arith.constant dense<0> : vector<1xi32>
        %reduce_sum3A_928 = vector.multi_reduction <add>, %reduce_sum3A_926, %reduce_sum3A_927 [1, 2] : vector<1x80x128xi32> to vector<1xi32>
        %reduce_sum3A_929 = vector.shape_cast %reduce_sum3A_928 : vector<1xi32> to vector<1x1x1xi32>
        %reduce_sum3A_930 = vector.extract %reduce_sum3A_929[0, 0, 0] : i32 from vector<1x1x1xi32>
        %ge3A_931 = arith.constant 5000 : i32
        %ge3A_932 = arith.cmpi sge, %reduce_sum3A_930, %ge3A_931 : i32
        %select_n3A_933 = arith.select %ge3A_932, %or3A_922, %scan3A_918 : i32
        scf.yield %select_n3A_933 : i32
      }
      %scan3A_861 = arith.constant 32 : i32
      %gt3A = vector.broadcast %scan3A_860 : i32 to vector<80x128xi32>
      %gt3A_862 = arith.cmpi ugt, %select_n3A_855, %gt3A : vector<80x128xi32>
      %convert_element_type3A_863 = arith.extui %gt3A_862 : vector<80x128xi1> to vector<80x128xi32>
      %reduce_sum3A = vector.shape_cast %convert_element_type3A_863 : vector<80x128xi32> to vector<1x80x128xi32>
      %reduce_sum3A_864 = arith.constant dense<0> : vector<1xi32>
      %reduce_sum3A_865 = vector.multi_reduction <add>, %reduce_sum3A, %reduce_sum3A_864 [1, 2] : vector<1x80x128xi32> to vector<1xi32>
      %reduce_sum3A_866 = vector.shape_cast %reduce_sum3A_865 : vector<1xi32> to vector<1x1x1xi32>
      %reduce_sum3A_867 = vector.extract %reduce_sum3A_866[0, 0, 0] : i32 from vector<1x1x1xi32>
      %sub3A = arith.constant 5000 : i32
      %sub3A_868 = arith.subi %sub3A, %reduce_sum3A_867 : i32
      %convert_element_type3A_869 = arith.sitofp %sub3A_868 : i32 to f32
      %eq3A_870 = vector.broadcast %scan3A_860 : i32 to vector<80x128xi32>
      %eq3A_871 = arith.cmpi eq, %select_n3A_855, %eq3A_870 : vector<80x128xi32>
      %iota3A_872 = tpu.iota {dimensions = array<i32: 0>} : vector<128x128xi32>
      %iota3A_873 = tpu.iota {dimensions = array<i32: 1>} : vector<128x128xi32>
      %le3A = arith.cmpi sle, %iota3A_872, %iota3A_873 : vector<128x128xi32>
      %convert_element_type3A_874 = arith.extui %le3A : vector<128x128xi1> to vector<128x128xi32>
      %convert_element_type3A_875 = arith.sitofp %convert_element_type3A_874 : vector<128x128xi32> to vector<128x128xf32>
      %iota3A_876 = tpu.iota {dimensions = array<i32: 0>} : vector<80x80xi32>
      %iota3A_877 = tpu.iota {dimensions = array<i32: 1>} : vector<80x80xi32>
      %gt3A_878 = arith.cmpi sgt, %iota3A_876, %iota3A_877 : vector<80x80xi32>
      %convert_element_type3A_879 = arith.extui %gt3A_878 : vector<80x80xi1> to vector<80x80xi32>
      %convert_element_type3A_880 = arith.sitofp %convert_element_type3A_879 : vector<80x80xi32> to vector<80x80xf32>
      %convert_element_type3A_881 = arith.extui %eq3A_871 : vector<80x128xi1> to vector<80x128xi32>
      %convert_element_type3A_882 = arith.sitofp %convert_element_type3A_881 : vector<80x128xi32> to vector<80x128xf32>
      %dot_general3A_883 = arith.constant dense<0.000000e+00> : vector<80x128xf32>
      %dot_general3A_884 = tpu.matmul %convert_element_type3A_882, %convert_element_type3A_875, %dot_general3A_883 {dimension_numbers = #tpu.dot_dimension_numbers<[1], [0], [0], [1], [0, 0, 1, 1], [], []>, transpose_lhs_hint = false} : vector<80x128xf32>, vector<128x128xf32>, vector<80x128xf32> -> vector<80x128xf32>
      %slice3A = vector.extract_strided_slice %dot_general3A_884 {offsets = [0, 127], sizes = [80, 1], strides = [1, 1]} : vector<80x128xf32> to vector<80x1xf32>
      %dot_general3A_885 = arith.constant dense<0.000000e+00> : vector<80x1xf32>
      %dot_general3A_886 = tpu.matmul %convert_element_type3A_880, %slice3A, %dot_general3A_885 {dimension_numbers = #tpu.dot_dimension_numbers<[1], [0], [0], [1], [0, 0, 1, 1], [], []>, transpose_lhs_hint = false} : vector<80x80xf32>, vector<80x1xf32>, vector<80x1xf32> -> vector<80x1xf32>
      %sub3A_887 = arith.subf %dot_general3A_884, %convert_element_type3A_882 : vector<80x128xf32>
      %add3A_888 = vector.broadcast %dot_general3A_886 : vector<80x1xf32> to vector<80x128xf32>
      %add3A_889 = arith.addf %sub3A_887, %add3A_888 : vector<80x128xf32>
      %gt3A_890 = vector.broadcast %scan3A_860 : i32 to vector<80x128xi32>
      %gt3A_891 = arith.cmpi ugt, %select_n3A_855, %gt3A_890 : vector<80x128xi32>
      %lt3A_892 = vector.broadcast %convert_element_type3A_869 : f32 to vector<80x128xf32>
      %lt3A_893 = arith.cmpf olt, %add3A_889, %lt3A_892 : vector<80x128xf32>
      %and3A = arith.andi %eq3A_871, %lt3A_893 : vector<80x128xi1>
      %or3A_894 = arith.ori %gt3A_891, %and3A : vector<80x128xi1>
      %convert_element_type3A_895 = arith.extui %or3A_894 : vector<80x128xi1> to vector<80x128xi32>
      %convert_element_type3A_896 = arith.sitofp %convert_element_type3A_895 : vector<80x128xi32> to vector<80x128xf32>
      %dot_general3A_897 = arith.constant dense<0.000000e+00> : vector<80x128xf32>
      %dot_general3A_898 = tpu.matmul %convert_element_type3A_896, %convert_element_type3A_875, %dot_general3A_897 {dimension_numbers = #tpu.dot_dimension_numbers<[1], [0], [0], [1], [0, 0, 1, 1], [], []>, transpose_lhs_hint = false} : vector<80x128xf32>, vector<128x128xf32>, vector<80x128xf32> -> vector<80x128xf32>
      %slice3A_899 = vector.extract_strided_slice %dot_general3A_898 {offsets = [0, 127], sizes = [80, 1], strides = [1, 1]} : vector<80x128xf32> to vector<80x1xf32>
      %dot_general3A_900 = arith.constant dense<0.000000e+00> : vector<80x1xf32>
      %dot_general3A_901 = tpu.matmul %convert_element_type3A_880, %slice3A_899, %dot_general3A_900 {dimension_numbers = #tpu.dot_dimension_numbers<[1], [0], [0], [1], [0, 0, 1, 1], [], []>, transpose_lhs_hint = false} : vector<80x80xf32>, vector<80x1xf32>, vector<80x1xf32> -> vector<80x1xf32>
      %add3A_902 = vector.broadcast %dot_general3A_901 : vector<80x1xf32> to vector<80x128xf32>
      %add3A_903 = arith.addf %dot_general3A_898, %add3A_902 : vector<80x128xf32>
      %convert_element_type3A_904 = arith.fptosi %add3A_903 : vector<80x128xf32> to vector<80x128xi32>
      %sub3A_905 = arith.constant 1 : i32
      %sub3A_906 = vector.broadcast %sub3A_905 : i32 to vector<80x128xi32>
      %sub3A_907 = arith.subi %convert_element_type3A_904, %sub3A_906 : vector<80x128xi32>
      %jit3A_908 = arith.constant -1 : i32
      %broadcast_in_dim3A_909 = vector.broadcast %jit3A_908 : i32 to vector<80x128xi32>
      %select_n3A_910 = arith.select %or3A_894, %sub3A_907, %broadcast_in_dim3A_909 : vector<80x128xi1>, vector<80x128xi32>
      %swap3A_911 = arith.constant 0 : index
      %swap3A_912 = arith.constant 0 : index
      %swap3A_913 = vector.load %arg5[%swap3A_911, %swap3A_912] : memref<80x128xi32, #tpu.memory_space<vmem>>, vector<80x128xi32>
      tpu.vector_store %arg5[%swap3A_911, %swap3A_912], %select_n3A_910 {strides = array<i32>} : memref<80x128xi32, #tpu.memory_space<vmem>>, vector<80x128xi32>,
      %swap3A_914 = arith.constant 0 : index
      %swap3A_915 = arith.constant 0 : index
      %swap3A_916 = vector.load %arg6[%swap3A_914, %swap3A_915] : memref<80x128xi32, #tpu.memory_space<vmem>>, vector<80x128xi32>
      tpu.vector_store %arg6[%swap3A_914, %swap3A_915], %convert_element_type3A_904 {strides = array<i32>} : memref<80x128xi32, #tpu.memory_space<vmem>>, vector<80x128xi32>,
    } else {
    }
    return
  }
  func.func @transform_0(%arg0: i32) -> (i32, i32) {
    %c0_i32 = arith.constant 0 : i32
    %c0_i32_0 = arith.constant 0 : i32
    return %arg0, %c0_i32 : i32, i32
  }
  func.func @transform_1(%arg0: i32) -> (i32, i32) {
    %c0_i32 = arith.constant 0 : i32
    %c0_i32_0 = arith.constant 0 : i32
    %c0_i32_1 = arith.constant 0 : i32
    return %c0_i32, %c0_i32_0 : i32, i32
  }
  func.func @transform_2(%arg0: i32) -> (i32, i32) {
    %c0_i32 = arith.constant 0 : i32
    %c0_i32_0 = arith.constant 0 : i32
    %c0_i32_1 = arith.constant 0 : i32
    return %c0_i32, %c0_i32_0 : i32, i32
  }
  func.func @transform_3(%arg0: i32) -> (i32, i32) {
    %c0_i32 = arith.constant 0 : i32
    %c0_i32_0 = arith.constant 0 : i32
    return %arg0, %c0_i32 : i32, i32
  }
  func.func @transform_4(%arg0: i32) -> (i32, i32) {
    %c0_i32 = arith.constant 0 : i32
    %c0_i32_0 = arith.constant 0 : i32
    %c0_i32_1 = arith.constant 0 : i32
    return %c0_i32, %c0_i32_0 : i32, i32
  }
  func.func @transform_5(%arg0: i32) -> (i32, i32) {
    %c0_i32 = arith.constant 0 : i32
    %c0_i32_0 = arith.constant 0 : i32
    %c0_i32_1 = arith.constant 0 : i32
    return %c0_i32, %c0_i32_0 : i32, i32
  }
}

</mosaic_0001>

<sc_bundles>
// kernel: kernel.4.cloned.1.call-start
scs
__scs_entry_jumppad:
0x0: {  	(pc) =	sbr.rel $0x88, $3  }
0x1: {  	(tag) =	ssettag $0x0;
	lr =	simm.s32 $0x1  }
0x2: {  	[smem:$0x3F9D] =	sst lr;
	_ =	strace $0xD0000000  }
0x3: {  	_ = 	snop  }
0x4: {  	_ = 	snop  }
0x5: {  	_ = 	snop  }
0x6: {  	_ = 	snop  }
0x7: {  	_ = 	snop  }
__scs_overlays_trampoline_lowered:
0x8: {  	[smem:$0x3FAC] =	sst s0  }
0x9: {  	[smem:$0x3FAD] =	sst s1  }
0xa: {  	[smem:$0x3FAE] =	sst s2  }
0xb: {  	[smem:$0x3FAF] =	sst s3  }
0xc: {  	[smem:$0x3FB0] =	sst s4  }
0xd: {  	[smem:$0x3FB1] =	sst s5  }
0xe: {  	[smem:$0x3FB2] =	sst s6  }
0xf: {  	[smem:$0x3FB3] =	sst s7  }
0x10: {  	[smem:$0x3FB4] =	sst s8  }
0x11: {  	[smem:$0x3FB5] =	sst s9;
	s0 =	simm.s32 @!p0 $0x0  }
0x12: {  	s1 =	sld [smem:$0x3F9B];
	s0 =	simm.s32 @p0 $0x1  }
0x13: {  	[smem:$0x3FB6] =	sst s0;
	s0 =	simm.s32 @!p1 $0x0  }
0x14: {  	s2 =	sld [smem:$0x3F9A];
	s0 =	simm.s32 @p1 $0x1  }
0x15: {  	[smem:$0x3FB7] =	sst s0;
	s0 =	simm.s32 @!p2 $0x0  }
0x16: {  	s3 =	sld [smem:$0x3FDB];
	s0 =	simm.s32 @p2 $0x1  }
0x17: {  	s4 =	simm.s32 $0x1BF5;
	[smem:$0x3FB9] =	sst s0  }
0x18: {  	s0 =	sld [smem:$0x3F9C];
	_ =	swait.ge [sflag:s4], $0x0  }
0x19: {  	s7 =	sld [smem:$0x3F9D]  }
0x1a: {  	s8 =	sadd.s32 $0xFFFFE003, lr  }
0x1b: {  	s9 =	sadd.s32 $0xFFFFFEF7, lr;
	s5 =	simm.s32 $0xFFFFFFFF;
	p2 =	slt.u32 s8, $0xFFFFF086  }
0x1c: {  	p1 =	slt.u32 s9, $0xF7A;
	s5 =	simm.s32 @!p2 $0x0  }
0x1d: {  	s5 =	simm.s32 @p1 $0x1;
	p0 =	seq.s32 s7, s2  }
0x1e: {  	s7 =	smul.u32 @!p0 $0xF7A, s2;
	p2 =	seq.s32 @!p0 s5, $0x0  }
0x1f: {  	s9 =	smul.u32 $0xF7A, s1;
	s8 =	simm.s32 @!p0 $0x1BF5;
	p2 =	por !p2, p0  }
0x20: {  	[sflag:s8] =	ssyncset.s32 @!p0 $0xFFFFF086;
	s6 =	sadd.s32 @!p0 s3, s7;
	s7 =	simm.s32 @!p0 $0x108  }
0x21: {  	s3 =	sadd.s32 s3, s9;
	s6 =	sadd.s32 @!p0 $0x88, s6;
	s7 =	simm.s32 @p2 $0x1082  }
0x22: {  	[simem:s7], [sflag:s8] =	dma.local @!p0 [hbm:s6], $0xF7A  }
0x23: {  	s9 =	sor.u32 $0xD0000000, s2;
	s6 =	simm.s32 $0x108;
	_ =	swait.ge @!p0 [sflag:s8], $0x0  }
0x24: {  	s3 =	sadd.s32 $0x88, s3;
	s6 =	simm.s32 @!p1 $0x1082;
	[sflag:s4] =	ssyncset.s32 $0xFFFFF086  }
0x25: {  	[simem:s6], [sflag:s4] =	dma.local [hbm:s3], $0xF7A  }
0x26: {  	[smem:$0x3F9D] =	sst s1;
	(tag) =	ssettag s2;
	_ =	strace s9  }
0x27: {  	s1 =	sld [smem:$0x3FAD]  }
0x28: {  	s2 =	sld [smem:$0x3FAE]  }
0x29: {  	s4 =	sld [smem:$0x3FB0]  }
0x2a: {  	p0 =	seq.s32 s5, $0x0;
	s5 =	sld [smem:$0x3FB1]  }
0x2b: {  	s6 =	sld [smem:$0x3FB2]  }
0x2c: {  	s7 =	sld [smem:$0x3FB3]  }
0x2d: {  	s3 =	simm.s32 $0x108;
	s8 =	sld [smem:$0x3FB4]  }
0x2e: {  	s3 =	simm.s32 @!p0 $0x1082;
	s9 =	sld [smem:$0x3FB5]  }
0x2f: {  	lr =	sadd.s32 s0, s3;
	s0 =	sld [smem:$0x3FAC]  }
0x30: {  	s3 =	sld [smem:$0x3FAF]  }
0x31: {  	[smem:$0x3FB8] =	sst s10  }
0x32: {  	s10 =	sld [smem:$0x3FB6];
	_ =	sdelay $0x3  }
0x33: {  	p0 =	seq.s32 s10, $0x1;
	s10 =	sld [smem:$0x3FB8];
	_ =	sdelay $0x3  }
0x34: {  	[smem:$0x3FB8] =	sst s10  }
0x35: {  	s10 =	sld [smem:$0x3FB7];
	_ =	sdelay $0x3  }
0x36: {  	p1 =	seq.s32 s10, $0x1;
	s10 =	sld [smem:$0x3FB8];
	_ =	sdelay $0x3  }
0x37: {  	[smem:$0x3FB8] =	sst s10  }
0x38: {  	s10 =	sld [smem:$0x3FB9]  }
0x39: {  	_ = 	snop;
	(pc) =	sbr.ind lr, $3  }
0x3a: {  	_ = 	snop  }
0x3b: {  	_ = 	snop  }
0x3c: {  	p2 =	seq.s32 s10, $0x1;
	s10 =	sld [smem:$0x3FB8]  }
0x3d: {  	_ =	shalt  }
0x3e: {  	_ =	shalt  }
0x3f: {  	_ =	shalt  }
0x40: {  	_ =	shalt  }
0x41: {  	_ =	shalt  }
0x42: {  	_ =	shalt  }
0x43: {  	_ =	shalt  }
0x44: {  	_ =	shalt  }
0x45: {  	_ =	shalt  }
0x46: {  	_ =	shalt  }
0x47: {  	_ =	shalt  }
0x48: {  	_ =	shalt  }
0x49: {  	_ =	shalt  }
0x4a: {  	_ =	shalt  }
0x4b: {  	_ =	shalt  }
0x4c: {  	_ =	shalt  }
0x4d: {  	_ =	shalt  }
0x4e: {  	_ =	shalt  }
0x4f: {  	_ =	shalt  }
0x50: {  	_ =	shalt  }
0x51: {  	_ =	shalt  }
0x52: {  	_ =	shalt  }
0x53: {  	_ =	shalt  }
0x54: {  	_ =	shalt  }
0x55: {  	_ =	shalt  }
0x56: {  	_ =	shalt  }
0x57: {  	_ =	shalt  }
0x58: {  	_ =	shalt  }
0x59: {  	_ =	shalt  }
0x5a: {  	_ =	shalt  }
0x5b: {  	_ =	shalt  }
0x5c: {  	_ =	shalt  }
0x5d: {  	_ =	shalt  }
0x5e: {  	_ =	shalt  }
0x5f: {  	_ =	shalt  }
0x60: {  	_ =	shalt  }
0x61: {  	_ =	shalt  }
0x62: {  	_ =	shalt  }
0x63: {  	_ =	shalt  }
0x64: {  	_ =	shalt  }
0x65: {  	_ =	shalt  }
0x66: {  	_ =	shalt  }
0x67: {  	_ =	shalt  }
0x68: {  	_ =	shalt  }
0x69: {  	_ =	shalt  }
0x6a: {  	_ =	shalt  }
0x6b: {  	_ =	shalt  }
0x6c: {  	_ =	shalt  }
0x6d: {  	_ =	shalt  }
0x6e: {  	_ =	shalt  }
0x6f: {  	_ =	shalt  }
0x70: {  	_ =	shalt  }
0x71: {  	_ =	shalt  }
0x72: {  	_ =	shalt  }
0x73: {  	_ =	shalt  }
0x74: {  	_ =	shalt  }
0x75: {  	_ =	shalt  }
0x76: {  	_ =	shalt  }
0x77: {  	_ =	shalt  }
0x78: {  	_ =	shalt  }
0x79: {  	_ =	shalt  }
0x7a: {  	_ =	shalt  }
0x7b: {  	_ =	shalt  }
0x7c: {  	_ =	shalt  }
0x7d: {  	_ =	shalt  }
0x7e: {  	_ =	shalt  }
0x7f: {  	_ =	shalt  }
0x80: {  	_ =	shalt  }
0x81: {  	_ =	shalt  }
0x82: {  	_ =	shalt  }
0x83: {  	_ =	shalt  }
0x84: {  	_ =	shalt  }
0x85: {  	_ =	shalt  }
0x86: {  	_ =	shalt  }
0x87: {  	_ =	shalt  }
.Lfunc_end0:
.L_simem_size_0:
called_computation_lowered:
.L_overlay_start_0:
0x88: {  	s2 =	sld [smem:$0x3FD9]  }
0x89: {  	s3 =	sld [smem:$0x3FFE];
	_ =	sdelay $0x1  }
0x8a: {  	s1 =	srdreg.scid  }
0x8b: {  	s0 =	sand.u32 $0x1, s1  }
0x8c: {  	s14 =	sshll.u32 s0, $0xA;
	s2 =	sadd.s32 s3, s2  }
0x8d: {  	s2 =	sadd.s32 s2, s14  }
0x8e: {  	[smem:$0x3FC4] =	sst s2  }
0x8f: {  	_ = 	snop  }
0x90: {  	s2 =	sld [smem:$0x3FD0];
	_ =	sdelay $0x1  }
0x91: {  	s15 =	sld [smem:$0x3FC9]  }
0x92: {  	s5 =	simm.s32 $0xA;
	s6 =	simm.s32 $0x10;
	s4 =	sld [smem:$0x3FC8]  }
0x93: {  	[smem:s6], [sflag:s5] =	dma.local [hbm:s2], $0x1  }
0x94: {  	_ =	swait.eq [sflag:s5], $0x1  }
0x95: {  	[sflag:s5] =	ssyncset.done $0x0  }
0x96: {  	s16 =	sld [smem:$0x10];
	[sflag:s5] =	ssyncadd.s32 $0xFFFFFFFF  }
0x97: {  	s17 =	sld [smem:$0x11];
	(tm) =	ssettm $0x1  }
0x98: {  	s18 =	sld [smem:$0x3FFB];
	_ =	sdelay $0x3  }
0x99: {  	_ =	strace s18  }
0x9a: {  	s6 =	sld [smem:$0x3FFC];
	_ =	sdelay $0x3  }
0x9b: {  	_ =	strace s6  }
0x9c: {  	s6 =	sld [smem:$0x3FFD];
	_ =	sdelay $0x3  }
0x9d: {  	_ =	strace s6  }
0x9e: {  	_ =	strace $0x8FFFFFFF  }
0x9f: {  	s19 =	sld [smem:$0x3FDB];
	_ =	sdelay $0x1  }
0xa0: {  	s7 =	simm.s32 $_scs_section_size  }
0xa1: {  	s8 =	simm.s32 $_size__tile_overlayer_lowered;
	s9 =	simm.s32 $_tile_overlayer_lowered  }
0xa2: {  	s22 =	simm.s32 $0x1BFF;
	s21 =	sshll.u32 s9, $0x1;
	s6 =	sadd.s32 s7, s19  }
0xa3: {  	s10 =	simm.s32 $0x0;
	s20 =	sshll.u32 s8, $0x1;
	s8 =	sadd.s32 s21, s6  }
0xa4: {  	[timem:s10], [sflag:s22] =	dma.local [hbm:s8], s20  }
0xa5: {  	_ =	swait.ge [sflag:s22], s20  }
0xa6: {  	s7 =	ssub.s32 $0x0, s20;
	[sflag:s22] =	ssyncset.done $0x0  }
0xa7: {  	[sflag:s22] =	ssyncadd.s32 s7;
	_ =	sdelay $0x1  }
0xa8: {  	s23 =	simm.s32 $0x1B8B  }
0xa9: {  	_ =	swait.ge [sflag:s23], $0x1  }
0xaa: {  	[sflag:s23] =	ssyncset.done $0x0  }
0xab: {  	s25 =	simm.s32 $0x1B8E;
	s24 =	sld [smem:$0x3FFE];
	[sflag:s23] =	ssyncadd.s32 $0xFFFFFFFF  }
0xac: {  	s26 =	simm.s32 $execute0_lowered;
	[smem:$0x3FD2] =	sst s25  }
0xad: {  	s8 =	sshll.u32 s26, $0x1;
	_ =	strace $0x80000046;
	[dreg:$0x1] =	wrdreg $0xFFFFFFFF  }
0xae: {  	s28 =	simm.s32 $_size_execute0_lowered;
	s6 =	sadd.s32 s6, s8;
	[dreg:$0x0] =	wrdreg $0x0  }
0xaf: {  	s8 =	sshll.u32 s28, $0x1;
	[dreg:$0x2] =	wrdreg s6  }
0xb0: {  	[dreg:$0x3] =	wrdreg s8  }
0xb1: {  	[dreg:$0x4] =	wrdreg $0xC0  }
0xb2: {  	_ =	task [dreg:s10], $0x5FFFF  }
0xb3: {  	[dreg:$0x1] =	wrdreg $0xFFFFFFFF  }
0xb4: {  	[dreg:$0x0] =	wrdreg $0x60  }
0xb5: {  	[dreg:$0x2] =	wrdreg s15  }
0xb6: {  	[dreg:$0x3] =	wrdreg s24  }
0xb7: {  	[dreg:$0x4] =	wrdreg s4  }
0xb8: {  	[dreg:$0x5] =	wrdreg s16  }
0xb9: {  	[dreg:$0x6] =	wrdreg s17  }
0xba: {  	[dreg:$0x7] =	wrdreg $0x9  }
0xbb: {  	_ =	task.clear_ibuf [dreg:s10], $0x8FFFF;
	_ =	strace $0x90000046  }
0xbc: {  	s29 =	simm.s32 $0x9;
	_ =	strace $0x80000048  }
0xbd: {  	_ =	swait.ge [sflag:s29], $0x1  }
0xbe: {  	[sflag:s29] =	ssyncadd.s32 $0xFFFFFFFF  }
0xbf: {  	_ =	strace $0x90000048  }
0xc0: {  	_ =	sfence  }
0xc1: {  	s30 =	sld [smem:$0x0];
	_ =	sdelay $0x2  }
0xc2: {  	s31 =	sshll.u32 s1, $0xD;
	s1 =	sshrl.u32 s1, $0x2  }
0xc3: {  	s3 =	sand.u32 $0x4000, s31;
	s1 =	sadd.s32 s1, s30  }
0xc4: {  	s0 =	sor.u32 s3, s0;
	s1 =	sshll.u32 s1, $0x11  }
0xc5: {  	s0 =	sor.u32 s1, s0  }
0xc6: {  	s0 =	sadd.s32 $0x8F2B, s0  }
0xc7: {  	[sflag:s0] =	ssyncadd.remote.s32 $0x1  }
0xc8: {  	_ =	sfence.sel $0xFFFF  }
0xc9: {  	[dreg:$0x0] =	wrdreg $0xFFFFFFFF;
	(pc) =	sbr.abs _section_cstart, $3  }
0xca: {  	[dreg:$0x1] =	wrdreg $0xFFFFFFFF  }
0xcb: {  	_ =	task.clear_ibuf [dreg:s10], $0x2FFFF;
	_ =	strace $0x9FFFFFFF  }
0xcc: {  	(tm) =	ssettm $0x7FFFFFFF  }
0xcd: {  	_ =	shalt  }
tec
execute0_lowered:
.L_overlay_start_1:
0x0: {  	(tag) =	ssettag $0x1  }
0x1: {  	s1 =	rddreg [dreg:$0x0]  }
0x2: {  	s0 =	rddreg [dreg:$0x1]  }
0x3: {  	s8 =	rddreg [dreg:$0x2]  }
0x4: {  	s12 =	rddreg [dreg:$0x3]  }
0x5: {  	s11 =	rddreg [dreg:$0x4]  }
0x6: {  	s2 =	simm.s32 $0x0;
	s3 =	srdreg.scid;
	s14 =	stileid.u32  }
0x7: {  	s16 =	simm.s32 $0xF000;
	s17 =	simm.s32 $0x5;
	s18 =	simm.s32 $0x1  }
0x8: {  	s20 =	simm.s32 $0x3;
	s28 =	simm.s32 $0x4;
	s29 =	simm.s32 $0x7  }
0x9: {  	s30 =	simm.s32 $0x0;
	[smem:$0x7FF] =	sst s2;
	s4 =	sand.u32 $0x1, s3  }
0xa: {  	s23 =	sshll.u32 s14, $0x1;
	s3 =	sadd.s32 $0x1200, s0;
	s5 =	sadd.s32 $0x1E00, s0  }
0xb: {  	p0 =	sne.s32 s14, $0x0;
	s14 =	simm.s32 $0xA000;
	s6 =	sor.u32 s4, s23  }
0xc: {  	_ =	strace $0x80000047;
	s7 =	ssub.s32 $0x2, s4;
	s9 =	smul.u32 $0x1380, s6  }
0xd: {  	s4 =	sadd.s32 $0x1800, s0;
	s10 =	sshrl.u32 s7, $0x1;
	s13 =	smul.u32 $0x271, s6  }
0xe: {  	s15 =	smul.u32 $0x500, s6;
	s24 =	ssub.s32 s7, s10;
	s25 =	sshrl.u32 s9, $0x2  }
0xf: {  	s26 =	sshrl.u32 s13, $0x2;
	s13 =	sshll.u32 s13, $0x3;
	s31 =	sadd.s32 $0x40, s25  }
0x10: {  	v4 =	vimm.s32 $0x0;
	vm0 =	vcmask $0x300;
	v3 =	vlaneseq.u32;
	s6 =	sand.u32 $0x1FF8, s26;
	s13 =	sand.u32 $0x3FF00, s13;
	s25 =	simm.s32 $0x9000  }
0x11: {  	v2 =	vimm.s32 $0x1FFF;
	v4 =	vsel vm0, $0x7, v4;
	v5 =	vand.u32 $0x7, v3;
	s26 =	simm.s32 $0x9800;
	s7 =	sadd.s32 s8, s31;
	s8 =	sadd.s32 s8, s15  }
0x12: {  	v6 =	vshrl.u32 v3, $0x3;
	vm0 =	vmmov $0xffff;
	v7 =	vor.u32 $0x8, v3;
	s9 =	sadd.s32 $0xA0, s6;
	s10 =	sadd.s32 s11, s31;
	s11 =	sadd.s32 s11, s15  }
0x13: {  	v6 =	vmul.u32 $0x8, v6;
	s12 =	sadd.s32 s12, s13;
	s13 =	smax.u32 s24, $0x1;
	s15 =	simm.s32 $0xC800;
	v0 =	vmov s6;
	v1 =	vmov s9  }
.LBB2_1:
0x14: {  	s0 =	simm.s32 @p0 $0x0;
	s19 =	simm.s32 @p0 $0x11A00  }
0x15: {  	[tilespmem:s19], [sflag:$0x2] =	stream.linear.gather @p0 [hbm4b:s7+s0], $0x2700, $0x38;
	[tilespmem:$0x16A00] =	vst v63  }
0x16: {  	s0 =	simm.s32 @!p0 $0x0;
	s19 =	simm.s32 @!p0 $0x11A00  }
0x17: {  	[tilespmem:s19], [sflag:$0x2] =	stream.linear.gather @!p0 [hbm4b:s8+s0], $0x2800, $0x38;
	[tilespmem:$0x16A00] =	vst v63  }
0x18: {  	_ = 	snop  }
0x19: {  	[tilespmem:s14], [sflag:$0x3] =	stream.linear.gather [hbm4b:s4+s2], $0x2800, $0x38;
	[tilespmem:$0x16A00] =	vst v63  }
0x1a: {  	_ = 	snop  }
0x1b: {  	[tilespmem:s15], [sflag:$0x4] =	stream.linear.gather [hbm4b:s3+s2], $0x2800, $0x38;
	[tilespmem:$0x16A00] =	vst v63  }
0x1c: {  	_ = 	snop  }
0x1d: {  	[tilespmem:s16], [sflag:$0x5] =	stream.linear.gather [hbm4b:s5+s2], $0x2800, $0x38;
	[tilespmem:$0x16A00] =	vst v63  }
0x1e: {  	_ =	swait.ge [sflag:s17], $0x2800  }
0x1f: {  	[sflag:s17] =	ssyncset.done $0x0  }
0x20: {  	[sflag:s17] =	ssyncadd.s32 $0xFFFFD800  }
0x21: {  	v8 =	vld.idx.msk [tilespmem:v2+s16+$0x0], $0xffff;
	_ =	sdelay $0x4  }
0x22: {  	(v2sf) =	vpush v8, $0x0;
	_ =	sdelay $0xe  }
0x23: {  	s19 =	spop (v2sf)  }
0x24: {  	s0 =	simm.s32 $0x0;
	p1 =	sgt.s32 s19, s6  }
0x25: {  	s0 =	simm.s32 @!p1 $0x2000  }
0x26: {  	s21 =	sor.u32 $0xFFF, s0  }
0x27: {  	s21 =	smin.u32 s21, $0x27FF  }
0x28: {  	v8 =	vmov s21  }
0x29: {  	v8 =	vshrl.u32 v8, $0x7  }
0x2a: {  	v8 =	vshll.u32 v8, v4  }
0x2b: {  	v8 =	vadd.s32 $0x7F, v8  }
0x2c: {  	v8 =	vbroadcast v8, $0x0;
	_ =	sdelay $0x5  }
0x2d: {  	v8 =	vld.idx.msk [tilespmem:v8+s16+$0x0], $0xffff;
	_ =	sdelay $0x4  }
0x2e: {  	(v2sf) =	vpush v8, $0x0;
	_ =	sdelay $0xd  }
0x2f: {  	s21 =	sor.u32 $0x1000, s0  }
0x30: {  	s23 =	smov.u32 s0;
	p1 =	slt.u32 s21, $0x2801;
	s22 =	spop (v2sf)  }
0x31: {  	s23 =	smov.u32 @p1 s21;
	p2 =	sle.s32 s22, s6  }
0x32: {  	s0 =	smov.u32 @p2 s23  }
0x33: {  	s24 =	sor.u32 $0x7FF, s0  }
0x34: {  	s21 =	smin.u32 s24, $0x27FF  }
0x35: {  	v8 =	vmov s21  }
0x36: {  	v8 =	vshrl.u32 v8, $0x7  }
0x37: {  	v8 =	vshll.u32 v8, v4  }
0x38: {  	v8 =	vadd.s32 $0x7F, v8  }
0x39: {  	v8 =	vbroadcast v8, $0x0;
	_ =	sdelay $0x5  }
0x3a: {  	v8 =	vld.idx.msk [tilespmem:v8+s16+$0x0], $0xffff;
	_ =	sdelay $0x4  }
0x3b: {  	(v2sf) =	vpush v8, $0x0;
	_ =	sdelay $0xd  }
0x3c: {  	s21 =	sor.u32 $0x800, s0  }
0x3d: {  	s23 =	smov.u32 s0;
	p1 =	slt.u32 s21, $0x2801;
	s31 =	spop (v2sf)  }
0x3e: {  	s23 =	smov.u32 @p1 s21;
	p2 =	sle.s32 s31, s6  }
0x3f: {  	s0 =	smov.u32 @p2 s23  }
0x40: {  	s24 =	sor.u32 $0x3FF, s0  }
0x41: {  	s21 =	smin.u32 s24, $0x27FF  }
0x42: {  	v8 =	vmov s21  }
0x43: {  	v8 =	vshrl.u32 v8, $0x7  }
0x44: {  	v8 =	vshll.u32 v8, v4  }
0x45: {  	v8 =	vadd.s32 $0x7F, v8  }
0x46: {  	v8 =	vbroadcast v8, $0x0;
	_ =	sdelay $0x5  }
0x47: {  	v8 =	vld.idx.msk [tilespmem:v8+s16+$0x0], $0xffff;
	_ =	sdelay $0x4  }
0x48: {  	(v2sf) =	vpush v8, $0x0;
	_ =	sdelay $0xd  }
0x49: {  	s21 =	sor.u32 $0x400, s0  }
0x4a: {  	s23 =	smov.u32 s0;
	p1 =	slt.u32 s21, $0x2801;
	s31 =	spop (v2sf)  }
0x4b: {  	s23 =	smov.u32 @p1 s21;
	p2 =	sle.s32 s31, s6  }
0x4c: {  	s0 =	smov.u32 @p2 s23  }
0x4d: {  	s24 =	smin.u32 s0, $0x2600  }
0x4e: {  	s21 =	sadd.s32 $0x1FF, s24  }
0x4f: {  	v8 =	vmov s21;
	_ =	sdelay $0x4  }
0x50: {  	v8 =	vld.idx.msk [tilespmem:v8+s16+$0x0], $0xffff;
	_ =	sdelay $0x4  }
0x51: {  	(v2sf) =	vpush v8, $0x0;
	_ =	sdelay $0xd  }
0x52: {  	p1 =	slt.u32 s0, $0x2601  }
0x53: {  	s23 =	smov.u32 s0;
	s21 =	sadd.s32 $0x200, s0;
	s31 =	spop (v2sf)  }
0x54: {  	s23 =	smov.u32 @p1 s21;
	p2 =	sle.s32 s31, s6  }
0x55: {  	s0 =	smov.u32 @p2 s23  }
0x56: {  	s24 =	smin.u32 s0, $0x2700  }
0x57: {  	s21 =	sadd.s32 $0xFF, s24  }
0x58: {  	v8 =	vmov s21;
	_ =	sdelay $0x4  }
0x59: {  	v8 =	vld.idx.msk [tilespmem:v8+s16+$0x0], $0xffff;
	_ =	sdelay $0x4  }
0x5a: {  	(v2sf) =	vpush v8, $0x0;
	_ =	sdelay $0xd  }
0x5b: {  	p1 =	slt.u32 s0, $0x2701  }
0x5c: {  	s23 =	smov.u32 s0;
	s21 =	sadd.s32 $0x100, s0;
	s31 =	spop (v2sf)  }
0x5d: {  	s23 =	smov.u32 @p1 s21;
	p2 =	sle.s32 s31, s6  }
0x5e: {  	s0 =	smov.u32 @p2 s23  }
0x5f: {  	s24 =	smin.u32 s0, $0x2780  }
0x60: {  	s21 =	sadd.s32 $0x7F, s24  }
0x61: {  	v8 =	vmov s21;
	_ =	sdelay $0x4  }
0x62: {  	v8 =	vld.idx.msk [tilespmem:v8+s16+$0x0], $0xffff;
	_ =	sdelay $0x4  }
0x63: {  	(v2sf) =	vpush v8, $0x0;
	_ =	sdelay $0xd  }
0x64: {  	p1 =	slt.u32 s0, $0x2781  }
0x65: {  	s23 =	smov.u32 s0;
	s21 =	sadd.s32 $0x80, s0;
	s31 =	spop (v2sf)  }
0x66: {  	s23 =	smov.u32 @p1 s21;
	p2 =	sle.s32 s31, s6  }
0x67: {  	s0 =	smov.u32 @p2 s23  }
0x68: {  	s24 =	smin.u32 s0, $0x27C0  }
0x69: {  	s21 =	sadd.s32 $0x3F, s24  }
0x6a: {  	v8 =	vmov s21;
	_ =	sdelay $0x4  }
0x6b: {  	v8 =	vld.idx.msk [tilespmem:v8+s16+$0x0], $0xffff;
	_ =	sdelay $0x4  }
0x6c: {  	(v2sf) =	vpush v8, $0x0;
	_ =	sdelay $0xd  }
0x6d: {  	p1 =	slt.u32 s0, $0x27C1  }
0x6e: {  	s23 =	smov.u32 s0;
	s21 =	sadd.s32 $0x40, s0;
	s31 =	spop (v2sf)  }
0x6f: {  	s23 =	smov.u32 @p1 s21;
	p2 =	sle.s32 s31, s6  }
0x70: {  	s0 =	smov.u32 @p2 s23  }
0x71: {  	s24 =	smin.u32 s0, $0x27E0  }
0x72: {  	s21 =	sadd.s32 $0x1F, s24  }
0x73: {  	v8 =	vmov s21;
	_ =	sdelay $0x4  }
0x74: {  	v8 =	vld.idx.msk [tilespmem:v8+s16+$0x0], $0xffff;
	_ =	sdelay $0x4  }
0x75: {  	(v2sf) =	vpush v8, $0x0;
	_ =	sdelay $0xd  }
0x76: {  	p1 =	slt.u32 s0, $0x27E1  }
0x77: {  	s23 =	smov.u32 s0;
	s21 =	sadd.s32 $0x20, s0;
	s31 =	spop (v2sf)  }
0x78: {  	s23 =	smov.u32 @p1 s21;
	p2 =	sle.s32 s31, s6  }
0x79: {  	s0 =	smov.u32 @p2 s23  }
0x7a: {  	s24 =	smin.u32 s0, $0x27F0  }
0x7b: {  	s21 =	sadd.s32 $0xF, s24  }
0x7c: {  	v8 =	vmov s21;
	_ =	sdelay $0x4  }
0x7d: {  	v8 =	vld.idx.msk [tilespmem:v8+s16+$0x0], $0xffff;
	_ =	sdelay $0x4  }
0x7e: {  	(v2sf) =	vpush v8, $0x0;
	_ =	sdelay $0xd  }
0x7f: {  	p1 =	slt.u32 s0, $0x27F1  }
0x80: {  	s23 =	smov.u32 s0;
	s21 =	sadd.s32 $0x10, s0;
	s31 =	spop (v2sf)  }
0x81: {  	s23 =	smov.u32 @p1 s21;
	p2 =	sle.s32 s31, s6  }
0x82: {  	s0 =	smov.u32 @p2 s23  }
0x83: {  	s24 =	smin.u32 s0, $0x27F8  }
0x84: {  	s21 =	sadd.s32 $0x7, s24  }
0x85: {  	v8 =	vmov s21;
	_ =	sdelay $0x4  }
0x86: {  	v8 =	vld.idx.msk [tilespmem:v8+s16+$0x0], $0xffff;
	_ =	sdelay $0x4  }
0x87: {  	(v2sf) =	vpush v8, $0x0;
	_ =	sdelay $0xd  }
0x88: {  	p1 =	slt.u32 s0, $0x27F9  }
0x89: {  	s23 =	smov.u32 s0;
	s21 =	sadd.s32 $0x8, s0;
	s31 =	spop (v2sf)  }
0x8a: {  	s23 =	smov.u32 @p1 s21;
	p2 =	sle.s32 s31, s6  }
0x8b: {  	s0 =	smov.u32 @p2 s23  }
0x8c: {  	s24 =	smin.u32 s0, $0x27FC  }
0x8d: {  	s21 =	sadd.s32 $0x3, s24  }
0x8e: {  	v8 =	vmov s21;
	_ =	sdelay $0x4  }
0x8f: {  	v8 =	vld.idx.msk [tilespmem:v8+s16+$0x0], $0xffff;
	_ =	sdelay $0x4  }
0x90: {  	(v2sf) =	vpush v8, $0x0;
	_ =	sdelay $0xd  }
0x91: {  	p1 =	slt.u32 s0, $0x27FD  }
0x92: {  	s23 =	smov.u32 s0;
	s21 =	sadd.s32 $0x4, s0;
	s31 =	spop (v2sf)  }
0x93: {  	s23 =	smov.u32 @p1 s21;
	p2 =	sle.s32 s31, s6  }
0x94: {  	s0 =	smov.u32 @p2 s23  }
0x95: {  	s22 =	smin.u32 s0, $0x27FE  }
0x96: {  	s21 =	sadd.s32 $0x1, s22  }
0x97: {  	v8 =	vmov s21;
	_ =	sdelay $0x4  }
0x98: {  	v8 =	vld.idx.msk [tilespmem:v8+s16+$0x0], $0xffff;
	_ =	sdelay $0x4  }
0x99: {  	(v2sf) =	vpush v8, $0x0;
	_ =	sdelay $0xa  }
0x9a: {  	p1 =	slt.s32 s19, s9;
	s19 =	simm.s32 $0x2000  }
0x9b: {  	s19 =	simm.s32 @!p1 $0x0  }
0x9c: {  	s23 =	sor.u32 $0xFFF, s19  }
0x9d: {  	p1 =	slt.u32 s0, $0x27FF;
	s21 =	smin.u32 s23, $0x27FF  }
0x9e: {  	s31 =	smov.u32 s0;
	s22 =	sadd.s32 $0x2, s0;
	v8 =	vmov s21;
	s24 =	spop (v2sf)  }
0x9f: {  	s31 =	smov.u32 @p1 s22;
	v8 =	vshrl.u32 v8, $0x7;
	p2 =	sle.s32 s24, s6  }
0xa0: {  	v8 =	vshll.u32 v8, v4;
	s0 =	smov.u32 @p2 s31  }
0xa1: {  	v8 =	vadd.s32 $0x7F, v8;
	s22 =	smin.u32 s0, $0x27FF  }
0xa2: {  	v8 =	vbroadcast v8, $0x0;
	v9 =	vmov s22;
	_ =	sdelay $0x4  }
0xa3: {  	v9 =	vld.idx.msk [tilespmem:v9+s16+$0x0], $0xffff  }
0xa4: {  	v8 =	vld.idx.msk [tilespmem:v8+s16+$0x0], $0xffff;
	_ =	sdelay $0x3  }
0xa5: {  	(v2sf) =	vpush v9, $0x0  }
0xa6: {  	(v2sf) =	vpush v8, $0x0;
	_ =	sdelay $0xd  }
0xa7: {  	s31 =	spop (v2sf)  }
0xa8: {  	s23 =	spop (v2sf)  }
0xa9: {  	s21 =	smov.u32 s19;
	s22 =	sor.u32 $0x1000, s19;
	p1 =	slt.s32 s23, s9  }
0xaa: {  	p2 =	slt.u32 s22, $0x2801;
	s21 =	smov.u32 @p1 s22  }
0xab: {  	s19 =	smov.u32 @p2 s21  }
0xac: {  	s21 =	sor.u32 $0x7FF, s19  }
0xad: {  	s21 =	smin.u32 s21, $0x27FF  }
0xae: {  	v8 =	vmov s21  }
0xaf: {  	v8 =	vshrl.u32 v8, $0x7  }
0xb0: {  	v8 =	vshll.u32 v8, v4  }
0xb1: {  	v8 =	vadd.s32 $0x7F, v8  }
0xb2: {  	v8 =	vbroadcast v8, $0x0;
	_ =	sdelay $0x5  }
0xb3: {  	v8 =	vld.idx.msk [tilespmem:v8+s16+$0x0], $0xffff;
	_ =	sdelay $0x4  }
0xb4: {  	(v2sf) =	vpush v8, $0x0;
	_ =	sdelay $0xd  }
0xb5: {  	s21 =	sor.u32 $0x800, s19  }
0xb6: {  	s23 =	smov.u32 s19;
	p1 =	slt.u32 s21, $0x2801;
	s24 =	spop (v2sf)  }
0xb7: {  	s23 =	smov.u32 @p1 s21;
	p2 =	slt.s32 s24, s9  }
0xb8: {  	s19 =	smov.u32 @p2 s23  }
0xb9: {  	s23 =	sor.u32 $0x3FF, s19  }
0xba: {  	s21 =	smin.u32 s23, $0x27FF  }
0xbb: {  	v8 =	vmov s21  }
0xbc: {  	v8 =	vshrl.u32 v8, $0x7  }
0xbd: {  	v8 =	vshll.u32 v8, v4  }
0xbe: {  	v8 =	vadd.s32 $0x7F, v8  }
0xbf: {  	v8 =	vbroadcast v8, $0x0;
	_ =	sdelay $0x5  }
0xc0: {  	v8 =	vld.idx.msk [tilespmem:v8+s16+$0x0], $0xffff;
	_ =	sdelay $0x4  }
0xc1: {  	(v2sf) =	vpush v8, $0x0;
	_ =	sdelay $0xd  }
0xc2: {  	s21 =	sor.u32 $0x400, s19  }
0xc3: {  	s23 =	smov.u32 s19;
	p1 =	slt.u32 s21, $0x2801;
	s24 =	spop (v2sf)  }
0xc4: {  	s23 =	smov.u32 @p1 s21;
	p2 =	slt.s32 s24, s9  }
0xc5: {  	s19 =	smov.u32 @p2 s23  }
0xc6: {  	s23 =	smin.u32 s19, $0x2600  }
0xc7: {  	s21 =	sadd.s32 $0x1FF, s23  }
0xc8: {  	v8 =	vmov s21;
	_ =	sdelay $0x4  }
0xc9: {  	v8 =	vld.idx.msk [tilespmem:v8+s16+$0x0], $0xffff;
	_ =	sdelay $0x4  }
0xca: {  	(v2sf) =	vpush v8, $0x0;
	_ =	sdelay $0xd  }
0xcb: {  	p1 =	slt.u32 s19, $0x2601  }
0xcc: {  	s23 =	smov.u32 s19;
	s21 =	sadd.s32 $0x200, s19;
	s24 =	spop (v2sf)  }
0xcd: {  	s23 =	smov.u32 @p1 s21;
	p2 =	slt.s32 s24, s9  }
0xce: {  	s19 =	smov.u32 @p2 s23  }
0xcf: {  	s23 =	smin.u32 s19, $0x2700  }
0xd0: {  	s21 =	sadd.s32 $0xFF, s23  }
0xd1: {  	v8 =	vmov s21;
	_ =	sdelay $0x4  }
0xd2: {  	v8 =	vld.idx.msk [tilespmem:v8+s16+$0x0], $0xffff;
	_ =	sdelay $0x4  }
0xd3: {  	(v2sf) =	vpush v8, $0x0;
	_ =	sdelay $0xd  }
0xd4: {  	p1 =	slt.u32 s19, $0x2701  }
0xd5: {  	s23 =	smov.u32 s19;
	s21 =	sadd.s32 $0x100, s19;
	s24 =	spop (v2sf)  }
0xd6: {  	s23 =	smov.u32 @p1 s21;
	p2 =	slt.s32 s24, s9  }
0xd7: {  	s19 =	smov.u32 @p2 s23  }
0xd8: {  	s23 =	smin.u32 s19, $0x2780  }
0xd9: {  	s21 =	sadd.s32 $0x7F, s23  }
0xda: {  	v8 =	vmov s21;
	_ =	sdelay $0x4  }
0xdb: {  	v8 =	vld.idx.msk [tilespmem:v8+s16+$0x0], $0xffff;
	_ =	sdelay $0x4  }
0xdc: {  	(v2sf) =	vpush v8, $0x0;
	_ =	sdelay $0xd  }
0xdd: {  	p1 =	slt.u32 s19, $0x2781  }
0xde: {  	s23 =	smov.u32 s19;
	s21 =	sadd.s32 $0x80, s19;
	s24 =	spop (v2sf)  }
0xdf: {  	s23 =	smov.u32 @p1 s21;
	p2 =	slt.s32 s24, s9  }
0xe0: {  	s19 =	smov.u32 @p2 s23  }
0xe1: {  	s23 =	smin.u32 s19, $0x27C0  }
0xe2: {  	s21 =	sadd.s32 $0x3F, s23  }
0xe3: {  	v8 =	vmov s21;
	_ =	sdelay $0x4  }
0xe4: {  	v8 =	vld.idx.msk [tilespmem:v8+s16+$0x0], $0xffff;
	_ =	sdelay $0x4  }
0xe5: {  	(v2sf) =	vpush v8, $0x0;
	_ =	sdelay $0xd  }
0xe6: {  	p1 =	slt.u32 s19, $0x27C1  }
0xe7: {  	s23 =	smov.u32 s19;
	s21 =	sadd.s32 $0x40, s19;
	s24 =	spop (v2sf)  }
0xe8: {  	s23 =	smov.u32 @p1 s21;
	p2 =	slt.s32 s24, s9  }
0xe9: {  	s19 =	smov.u32 @p2 s23  }
0xea: {  	s23 =	smin.u32 s19, $0x27E0  }
0xeb: {  	s21 =	sadd.s32 $0x1F, s23  }
0xec: {  	v8 =	vmov s21;
	_ =	sdelay $0x4  }
0xed: {  	v8 =	vld.idx.msk [tilespmem:v8+s16+$0x0], $0xffff;
	_ =	sdelay $0x4  }
0xee: {  	(v2sf) =	vpush v8, $0x0;
	_ =	sdelay $0xd  }
0xef: {  	p1 =	slt.u32 s19, $0x27E1  }
0xf0: {  	s23 =	smov.u32 s19;
	s21 =	sadd.s32 $0x20, s19;
	s24 =	spop (v2sf)  }
0xf1: {  	s23 =	smov.u32 @p1 s21;
	p2 =	slt.s32 s24, s9  }
0xf2: {  	s19 =	smov.u32 @p2 s23  }
0xf3: {  	s23 =	smin.u32 s19, $0x27F0  }
0xf4: {  	s21 =	sadd.s32 $0xF, s23  }
0xf5: {  	v8 =	vmov s21;
	_ =	sdelay $0x4  }
0xf6: {  	v8 =	vld.idx.msk [tilespmem:v8+s16+$0x0], $0xffff;
	_ =	sdelay $0x4  }
0xf7: {  	(v2sf) =	vpush v8, $0x0;
	_ =	sdelay $0xd  }
0xf8: {  	p1 =	slt.u32 s19, $0x27F1  }
0xf9: {  	s23 =	smov.u32 s19;
	s21 =	sadd.s32 $0x10, s19;
	s24 =	spop (v2sf)  }
0xfa: {  	s23 =	smov.u32 @p1 s21;
	p2 =	slt.s32 s24, s9  }
0xfb: {  	s19 =	smov.u32 @p2 s23  }
0xfc: {  	s23 =	smin.u32 s19, $0x27F8  }
0xfd: {  	s21 =	sadd.s32 $0x7, s23  }
0xfe: {  	v8 =	vmov s21;
	_ =	sdelay $0x4  }
0xff: {  	v8 =	vld.idx.msk [tilespmem:v8+s16+$0x0], $0xffff;
	_ =	sdelay $0x4  }
0x100: {  	(v2sf) =	vpush v8, $0x0;
	_ =	sdelay $0xd  }
0x101: {  	p1 =	slt.u32 s19, $0x27F9  }
0x102: {  	s23 =	smov.u32 s19;
	s21 =	sadd.s32 $0x8, s19;
	s24 =	spop (v2sf)  }
0x103: {  	s23 =	smov.u32 @p1 s21;
	p2 =	slt.s32 s24, s9  }
0x104: {  	s19 =	smov.u32 @p2 s23  }
0x105: {  	s23 =	smin.u32 s19, $0x27FC  }
0x106: {  	s21 =	sadd.s32 $0x3, s23  }
0x107: {  	v8 =	vmov s21;
	_ =	sdelay $0x4  }
0x108: {  	v8 =	vld.idx.msk [tilespmem:v8+s16+$0x0], $0xffff;
	_ =	sdelay $0x4  }
0x109: {  	(v2sf) =	vpush v8, $0x0;
	_ =	sdelay $0xd  }
0x10a: {  	p1 =	slt.u32 s19, $0x27FD  }
0x10b: {  	s23 =	smov.u32 s19;
	s21 =	sadd.s32 $0x4, s19;
	s24 =	spop (v2sf)  }
0x10c: {  	s23 =	smov.u32 @p1 s21;
	p2 =	slt.s32 s24, s9  }
0x10d: {  	s19 =	smov.u32 @p2 s23  }
0x10e: {  	s23 =	smin.u32 s19, $0x27FE  }
0x10f: {  	s21 =	sadd.s32 $0x1, s23  }
0x110: {  	v8 =	vmov s21;
	_ =	sdelay $0x4  }
0x111: {  	v8 =	vld.idx.msk [tilespmem:v8+s16+$0x0], $0xffff;
	_ =	sdelay $0x4  }
0x112: {  	(v2sf) =	vpush v8, $0x0;
	_ =	sdelay $0xd  }
0x113: {  	p1 =	slt.u32 s19, $0x27FF  }
0x114: {  	s23 =	smov.u32 s19;
	s21 =	sadd.s32 $0x2, s19;
	s24 =	spop (v2sf)  }
0x115: {  	s23 =	smov.u32 @p1 s21;
	p2 =	slt.s32 s24, s9  }
0x116: {  	s19 =	smov.u32 @p2 s23  }
0x117: {  	s24 =	smin.u32 s19, $0x27FF  }
0x118: {  	v8 =	vmov s24;
	_ =	sdelay $0x4  }
0x119: {  	v8 =	vld.idx.msk [tilespmem:v8+s16+$0x0], $0xffff;
	_ =	sdelay $0x4  }
0x11a: {  	(v2sf) =	vpush v8, $0x0;
	_ =	sdelay $0xe  }
0x11b: {  	p5 =	sle.s32 s31, s6;
	s31 =	spop (v2sf)  }
0x11c: {  	p4 =	slt.u32 s0, $0x2800;
	p6 =	slt.u32 s19, $0x2800;
	p3 =	slt.s32 s31, s9  }
0x11d: {  	s22 =	simm.s32 $0x1;
	p1 =	por !p5, !p4;
	p2 =	por !p3, !p6  }
0x11e: {  	s21 =	simm.s32 $0x1;
	p1 =	por !p1, !p1;
	p2 =	por !p2, !p2  }
0x11f: {  	s21 =	simm.s32 @!p1 $0x0;
	s22 =	simm.s32 @!p2 $0x0  }
0x120: {  	s0 =	sadd.s32 s21, s0;
	s19 =	sadd.s32 s22, s19  }
0x121: {  	s0 =	sshrl.u32 s0, $0x4;
	s19 =	sshrl.u32 s19, $0x4  }
0x122: {  	p1 =	sgt.u32 s0, s19  }
.Ltmp0:
0x123: {  	_ = 	snop;
	(pc) =	sbr.rel @p1 .LBB2_8-.Ltmp0, $4  }
0x124: {  	_ = 	snop  }
0x125: {  	_ =	swait.ge [sflag:s20], $0x2800  }
0x126: {  	[sflag:s20] =	ssyncset.done $0x0  }
0x127: {  	[sflag:s20] =	ssyncadd.s32 $0xFFFFD800  }
0x128: {  	s19 =	ssub.s32 s19, s0  }
0x129: {  	s22 =	sadd.s32 $0x1, s19  }
0x12a: {  	p2 =	sne.s32 s22, $0x1  }
.Ltmp1:
0x12b: {  	_ = 	snop;
	(pc) =	sbr.rel @!p2 .LBB2_3-.Ltmp1, $4  }
0x12c: {  	s21 =	sshll.u32 s0, $0x6  }
0x12d: {  	s31 =	sshra.s32 s21, $0x2  }
0x12e: {  	s0 =	sshll.u32 s0, $0x4;
	s21 =	sadd.s32 $0xA000, s31  }
0x12f: {  	p1 =	por $0x0, $0x0;
	s19 =	simm.s32 $0x0;
	s23 =	sadd.s32 $0xFFFFFFFF, s22;
	v8 =	vld [tilespmem:s21+$0x0]  }
0x130: {  	_ =	sdelay $0x3  }
0x131: {  	vm1 =	vge.s32 v8, v0;
	vm2 =	vlt.s32 v8, v1  }
0x132: {  	vm1 =	vmand vm1, vm2  }
0x133: {  	v8 =	vmpcnt.ones.xlane vm1;
	_ =	sdelay $0x1  }
0x134: {  	(v2sf) =	vpush v8, $0x0;
	_ =	sdelay $0x1  }
0x135: {  	p2 =	sne.s32 s23, $0x1  }
.Ltmp2:
0x136: {  	_ = 	snop;
	(pc) =	sbr.rel @!p2 .LBB2_5-.Ltmp2, $4  }
0x137: {  	_ = 	snop  }
0x138: {  	v9 =	vor.u32 s0, v3  }
0x139: {  	s22 =	sadd.s32 $0x10, s21;
	s23 =	sadd.s32 $0xFFFFFFFF, s23;
	[tilespmem:s19+$0x11800] =	vst.msk vm1, v9  }
0x13a: {  	p1 =	por $0x1, $0x1;
	s31 =	smov.u32 s0;
	s21 =	simm.s32 $0x0;
	v8 =	vld [tilespmem:s22+$0x0]  }
.LBB2_6:
0x13b: {  	p2 =	sne.s32 s23, $0x1;
	_ =	sdelay $0x3  }
0x13c: {  	vm1 =	vge.s32 v8, v0;
	vm2 =	vlt.s32 v8, v1  }
0x13d: {  	vm1 =	vmand vm1, vm2  }
0x13e: {  	v8 =	vmpcnt.ones.xlane vm1  }
0x13f: {  	s31 =	sadd.s32 $0x10, s31;
	s24 =	spop (v2sf)  }
0x140: {  	v9 =	vor.u32 s31, v3;
	(v2sf) =	vpush v8, $0x0;
	s21 =	sadd.s32 s21, s24  }
0x141: {  	[tilespmem:s21+$0x11800] =	vst.msk vm1, v9;
	_ =	sdelay $0x1  }
.Ltmp3:
0x142: {  	(pc) =	sbr.rel @p2 .LBB2_6-.Ltmp3, $3  }
0x143: {  	_ =	sdelay $0x1  }
0x144: {  	s22 =	sadd.s32 $0x10, s22  }
0x145: {  	s23 =	sadd.s32 $0xFFFFFFFF, s23;
	v8 =	vld [tilespmem:s22+$0x0]  }
.LBB2_7:
0x146: {  	_ =	sdelay $0x3  }
0x147: {  	vm1 =	vge.s32 v8, v0;
	vm2 =	vlt.s32 v8, v1  }
0x148: {  	vm1 =	vmand vm1, vm2  }
0x149: {  	v8 =	vmpcnt.ones.xlane vm1;
	_ =	sdelay $0x1  }
0x14a: {  	(v2sf) =	vpush v8, $0x0;
	_ =	sdelay $0xb  }
0x14b: {  	s22 =	sadd.s32 @p1 $0x10, s31;
	s23 =	spop @p1 (v2sf)  }
0x14c: {  	s0 =	smov.u32 @p1 s22;
	s21 =	sadd.s32 @p1 s21, s23  }
0x14d: {  	v8 =	vor.u32 s0, v3;
	s19 =	smov.u32 @p1 s21  }
0x14e: {  	[tilespmem:s19+$0x11800] =	vst.msk vm1, v8;
	s31 =	spop (v2sf)  }
.LBB2_8:
0x14f: {  	v8 =	vld [tilespmem:$0x11800]  }
0x150: {  	v9 =	vld [tilespmem:$0x11810]  }
0x151: {  	v10 =	vld [tilespmem:$0x11820]  }
0x152: {  	v11 =	vld [tilespmem:$0x11830]  }
0x153: {  	v12 =	vld [tilespmem:$0x11840]  }
0x154: {  	v13 =	vld [tilespmem:$0x11850];
	[tilespmem:$0x11900] =	vst v8;
	v14 =	vshll.u32 v8, $0x1  }
0x155: {  	v62 =	vld [tilespmem:$0x11890];
	[tilespmem:$0x11910] =	vst v9;
	v8 =	vand.u32 $0x7, v8;
	v14 =	vand.u32 $0xFFFFFFF0, v14  }
0x156: {  	v9 =	vld [tilespmem:$0x11860];
	[tilespmem:$0x11920] =	vst v10;
	v8 =	vor.u32 v8, v14  }
0x157: {  	v10 =	vld [tilespmem:$0x11870];
	[tilespmem:$0x11930] =	vst v11;
	v14 =	vperm.xlane v8, v5  }
0x158: {  	v11 =	vld [tilespmem:$0x11880];
	[tilespmem:$0x11940] =	vst v12  }
0x159: {  	[tilespmem:$0x11950] =	vst v13;
	v8 =	vperm.xlane v8, v7;
	v63 =	vadd.s32 v6, v14  }
0x15a: {  	[tilespmem:$0x11990] =	vst v62  }
0x15b: {  	[tilespmem:$0x11960] =	vst v9;
	v8 =	vadd.s32 v6, v8  }
0x15c: {  	[tilespmem:$0x11970] =	vst v10  }
0x15d: {  	[tilespmem:$0x11980] =	vst v11  }
0x15e: {  	[tilespmem:s2], [sflag:$0x1] =	stream.indirect_vreg.gather [hbm4b:s1+s2], $0x80, v63, vm0, $0xb8;
	[tilespmem:$0x16A00] =	vst v63  }
0x15f: {  	s0 =	simm.s32 $0x800  }
0x160: {  	[tilespmem:s0], [sflag:$0x1] =	stream.indirect_vreg.gather [hbm4b:s1+s2], $0x80, v8, vm0, $0xb8;
	[tilespmem:$0x16A00] =	vst v63  }
0x161: {  	v8 =	vld [tilespmem:$0x11910];
	_ =	sdelay $0x4  }
0x162: {  	v9 =	vshll.u32 v8, $0x1  }
0x163: {  	v8 =	vand.u32 $0x7, v8;
	v9 =	vand.u32 $0xFFFFFFF0, v9  }
0x164: {  	v8 =	vor.u32 v8, v9  }
0x165: {  	v9 =	vperm.xlane v8, v5;
	_ =	sdelay $0x1  }
0x166: {  	v8 =	vperm.xlane v8, v7;
	v9 =	vadd.s32 v6, v9;
	_ =	sdelay $0x1  }
0x167: {  	v8 =	vadd.s32 v6, v8;
	_ =	sdelay $0x1  }
0x168: {  	s24 =	simm.s32 $0x1000  }
0x169: {  	[tilespmem:s24], [sflag:$0x1] =	stream.indirect_vreg.gather [hbm4b:s1+s2], $0x80, v9, vm0, $0xb8;
	[tilespmem:$0x16A00] =	vst v63  }
0x16a: {  	s19 =	simm.s32 $0x1800  }
0x16b: {  	[tilespmem:s19], [sflag:$0x1] =	stream.indirect_vreg.gather [hbm4b:s1+s2], $0x80, v8, vm0, $0xb8;
	[tilespmem:$0x16A00] =	vst v63  }
0x16c: {  	v8 =	vld [tilespmem:$0x11920];
	_ =	sdelay $0x4  }
0x16d: {  	v9 =	vshll.u32 v8, $0x1  }
0x16e: {  	v8 =	vand.u32 $0x7, v8;
	v9 =	vand.u32 $0xFFFFFFF0, v9  }
0x16f: {  	v8 =	vor.u32 v8, v9  }
0x170: {  	v9 =	vperm.xlane v8, v5;
	_ =	sdelay $0x1  }
0x171: {  	v8 =	vperm.xlane v8, v7;
	v9 =	vadd.s32 v6, v9;
	_ =	sdelay $0x1  }
0x172: {  	v8 =	vadd.s32 v6, v8;
	_ =	sdelay $0x1  }
0x173: {  	s21 =	simm.s32 $0x2000  }
0x174: {  	[tilespmem:s21], [sflag:$0x1] =	stream.indirect_vreg.gather [hbm4b:s1+s2], $0x80, v9, vm0, $0xb8;
	[tilespmem:$0x16A00] =	vst v63  }
0x175: {  	s22 =	simm.s32 $0x2800  }
0x176: {  	[tilespmem:s22], [sflag:$0x1] =	stream.indirect_vreg.gather [hbm4b:s1+s2], $0x80, v8, vm0, $0xb8;
	[tilespmem:$0x16A00] =	vst v63  }
0x177: {  	v8 =	vld [tilespmem:$0x11930];
	_ =	sdelay $0x4  }
0x178: {  	v9 =	vshll.u32 v8, $0x1  }
0x179: {  	v8 =	vand.u32 $0x7, v8;
	v9 =	vand.u32 $0xFFFFFFF0, v9  }
0x17a: {  	v8 =	vor.u32 v8, v9  }
0x17b: {  	v9 =	vperm.xlane v8, v5;
	_ =	sdelay $0x1  }
0x17c: {  	v8 =	vperm.xlane v8, v7;
	v9 =	vadd.s32 v6, v9;
	_ =	sdelay $0x1  }
0x17d: {  	v8 =	vadd.s32 v6, v8;
	_ =	sdelay $0x1  }
0x17e: {  	s23 =	simm.s32 $0x3000  }
0x17f: {  	[tilespmem:s23], [sflag:$0x1] =	stream.indirect_vreg.gather [hbm4b:s1+s2], $0x80, v9, vm0, $0xb8;
	[tilespmem:$0x16A00] =	vst v63  }
0x180: {  	s24 =	simm.s32 $0x3800  }
0x181: {  	[tilespmem:s24], [sflag:$0x1] =	stream.indirect_vreg.gather [hbm4b:s1+s2], $0x80, v8, vm0, $0xb8;
	[tilespmem:$0x16A00] =	vst v63  }
0x182: {  	v8 =	vld [tilespmem:$0x11940];
	_ =	sdelay $0x4  }
0x183: {  	v9 =	vshll.u32 v8, $0x1  }
0x184: {  	v8 =	vand.u32 $0x7, v8;
	v9 =	vand.u32 $0xFFFFFFF0, v9  }
0x185: {  	v8 =	vor.u32 v8, v9  }
0x186: {  	v9 =	vperm.xlane v8, v5;
	_ =	sdelay $0x1  }
0x187: {  	v8 =	vperm.xlane v8, v7;
	v9 =	vadd.s32 v6, v9;
	_ =	sdelay $0x1  }
0x188: {  	v8 =	vadd.s32 v6, v8;
	_ =	sdelay $0x1  }
0x189: {  	s19 =	simm.s32 $0x4000  }
0x18a: {  	[tilespmem:s19], [sflag:$0x1] =	stream.indirect_vreg.gather [hbm4b:s1+s2], $0x80, v9, vm0, $0xb8;
	[tilespmem:$0x16A00] =	vst v63  }
0x18b: {  	s21 =	simm.s32 $0x4800  }
0x18c: {  	[tilespmem:s21], [sflag:$0x1] =	stream.indirect_vreg.gather [hbm4b:s1+s2], $0x80, v8, vm0, $0xb8;
	[tilespmem:$0x16A00] =	vst v63  }
0x18d: {  	v8 =	vld [tilespmem:$0x11950];
	_ =	sdelay $0x4  }
0x18e: {  	v9 =	vshll.u32 v8, $0x1  }
0x18f: {  	v8 =	vand.u32 $0x7, v8;
	v9 =	vand.u32 $0xFFFFFFF0, v9  }
0x190: {  	v8 =	vor.u32 v8, v9  }
0x191: {  	v9 =	vperm.xlane v8, v5;
	_ =	sdelay $0x1  }
0x192: {  	v8 =	vperm.xlane v8, v7;
	v9 =	vadd.s32 v6, v9;
	_ =	sdelay $0x1  }
0x193: {  	v8 =	vadd.s32 v6, v8;
	_ =	sdelay $0x1  }
0x194: {  	s22 =	simm.s32 $0x5000  }
0x195: {  	[tilespmem:s22], [sflag:$0x1] =	stream.indirect_vreg.gather [hbm4b:s1+s2], $0x80, v9, vm0, $0xb8;
	[tilespmem:$0x16A00] =	vst v63  }
0x196: {  	s23 =	simm.s32 $0x5800  }
0x197: {  	[tilespmem:s23], [sflag:$0x1] =	stream.indirect_vreg.gather [hbm4b:s1+s2], $0x80, v8, vm0, $0xb8;
	[tilespmem:$0x16A00] =	vst v63  }
0x198: {  	v8 =	vld [tilespmem:$0x11960];
	_ =	sdelay $0x4  }
0x199: {  	v9 =	vshll.u32 v8, $0x1  }
0x19a: {  	v8 =	vand.u32 $0x7, v8;
	v9 =	vand.u32 $0xFFFFFFF0, v9  }
0x19b: {  	v8 =	vor.u32 v8, v9  }
0x19c: {  	v9 =	vperm.xlane v8, v5;
	_ =	sdelay $0x1  }
0x19d: {  	v8 =	vperm.xlane v8, v7;
	v9 =	vadd.s32 v6, v9;
	_ =	sdelay $0x1  }
0x19e: {  	v8 =	vadd.s32 v6, v8;
	_ =	sdelay $0x1  }
0x19f: {  	s24 =	simm.s32 $0x6000  }
0x1a0: {  	[tilespmem:s24], [sflag:$0x1] =	stream.indirect_vreg.gather [hbm4b:s1+s2], $0x80, v9, vm0, $0xb8;
	[tilespmem:$0x16A00] =	vst v63  }
0x1a1: {  	s19 =	simm.s32 $0x6800  }
0x1a2: {  	[tilespmem:s19], [sflag:$0x1] =	stream.indirect_vreg.gather [hbm4b:s1+s2], $0x80, v8, vm0, $0xb8;
	[tilespmem:$0x16A00] =	vst v63  }
0x1a3: {  	v8 =	vld [tilespmem:$0x11970];
	_ =	sdelay $0x4  }
0x1a4: {  	v9 =	vshll.u32 v8, $0x1  }
0x1a5: {  	v8 =	vand.u32 $0x7, v8;
	v9 =	vand.u32 $0xFFFFFFF0, v9  }
0x1a6: {  	v8 =	vor.u32 v8, v9  }
0x1a7: {  	v9 =	vperm.xlane v8, v5;
	_ =	sdelay $0x1  }
0x1a8: {  	v8 =	vperm.xlane v8, v7;
	v9 =	vadd.s32 v6, v9;
	_ =	sdelay $0x1  }
0x1a9: {  	v8 =	vadd.s32 v6, v8;
	_ =	sdelay $0x1  }
0x1aa: {  	s21 =	simm.s32 $0x7000  }
0x1ab: {  	[tilespmem:s21], [sflag:$0x1] =	stream.indirect_vreg.gather [hbm4b:s1+s2], $0x80, v9, vm0, $0xb8;
	[tilespmem:$0x16A00] =	vst v63  }
0x1ac: {  	s22 =	simm.s32 $0x7800  }
0x1ad: {  	[tilespmem:s22], [sflag:$0x1] =	stream.indirect_vreg.gather [hbm4b:s1+s2], $0x80, v8, vm0, $0xb8;
	[tilespmem:$0x16A00] =	vst v63  }
0x1ae: {  	v8 =	vld [tilespmem:$0x11980];
	_ =	sdelay $0x4  }
0x1af: {  	v9 =	vshll.u32 v8, $0x1  }
0x1b0: {  	v8 =	vand.u32 $0x7, v8;
	v9 =	vand.u32 $0xFFFFFFF0, v9  }
0x1b1: {  	v8 =	vor.u32 v8, v9  }
0x1b2: {  	v9 =	vperm.xlane v8, v5;
	_ =	sdelay $0x1  }
0x1b3: {  	v8 =	vperm.xlane v8, v7;
	v9 =	vadd.s32 v6, v9;
	_ =	sdelay $0x1  }
0x1b4: {  	v8 =	vadd.s32 v6, v8;
	_ =	sdelay $0x1  }
0x1b5: {  	s23 =	simm.s32 $0x8000  }
0x1b6: {  	[tilespmem:s23], [sflag:$0x1] =	stream.indirect_vreg.gather [hbm4b:s1+s2], $0x80, v9, vm0, $0xb8;
	[tilespmem:$0x16A00] =	vst v63  }
0x1b7: {  	s24 =	simm.s32 $0x8800  }
0x1b8: {  	[tilespmem:s24], [sflag:$0x1] =	stream.indirect_vreg.gather [hbm4b:s1+s2], $0x80, v8, vm0, $0xb8;
	[tilespmem:$0x16A00] =	vst v63  }
0x1b9: {  	v8 =	vld [tilespmem:$0x11990];
	_ =	sdelay $0x4  }
0x1ba: {  	v9 =	vshll.u32 v8, $0x1  }
0x1bb: {  	v8 =	vand.u32 $0x7, v8;
	v9 =	vand.u32 $0xFFFFFFF0, v9  }
0x1bc: {  	v8 =	vor.u32 v8, v9  }
0x1bd: {  	v9 =	vperm.xlane v8, v5;
	_ =	sdelay $0x1  }
0x1be: {  	v8 =	vperm.xlane v8, v7;
	v9 =	vadd.s32 v6, v9;
	_ =	sdelay $0x1  }
0x1bf: {  	v8 =	vadd.s32 v6, v8;
	_ =	sdelay $0x2  }
0x1c0: {  	[tilespmem:s25], [sflag:$0x1] =	stream.indirect_vreg.gather [hbm4b:s1+s2], $0x80, v9, vm0, $0xb8;
	[tilespmem:$0x16A00] =	vst v63  }
0x1c1: {  	s0 =	simm.s32 @p0 $0x2  }
0x1c2: {  	[tilespmem:s26], [sflag:$0x1] =	stream.indirect_vreg.gather [hbm4b:s1+s2], $0x80, v8, vm0, $0xb8;
	[tilespmem:$0x16A00] =	vst v63  }
0x1c3: {  	_ =	swait.ge @p0 [sflag:s0], $0x2700  }
0x1c4: {  	[sflag:s0] =	ssyncset.done @p0 $0x0  }
0x1c5: {  	[sflag:s0] =	ssyncadd.s32 @p0 $0xFFFFD900;
	s0 =	simm.s32 @!p0 $0x2  }
0x1c6: {  	s31 =	simm.s32 $0x0;
	_ =	swait.ge @!p0 [sflag:s0], $0x2800  }
0x1c7: {  	s19 =	sand.u32 $0x70, s31;
	s21 =	sand.u32 $0xFFFFFF00, s31;
	[sflag:s0] =	ssyncset.done @!p0 $0x0  }
0x1c8: {  	[sflag:s0] =	ssyncadd.s32 @!p0 $0xFFFFD800;
	s0 =	sor.u32 s19, s21  }
0x1c9: {  	v8 =	vld [tilespmem:s0+$0x11A80]  }
0x1ca: {  	s19 =	simm.s32 @!p0 $0x140;
	v9 =	vld [tilespmem:s0+$0x11A00]  }
0x1cb: {  	s19 =	simm.s32 @p0 $0x138  }
0x1cc: {  	s19 =	sshll.u32 s19, $0x4  }
0x1cd: {  	p1 =	sne.s32 s19, $0x10  }
.Ltmp4:
0x1ce: {  	_ = 	snop;
	(pc) =	sbr.rel @!p1 .LBB2_10-.Ltmp4, $3  }
0x1cf: {  	_ =	sdelay $0x1  }
0x1d0: {  	v8 =	vld.idx.msk [tilespmem:v8+s14+$0x0], $0xffff  }
0x1d1: {  	s22 =	simm.s32 $0x20;
	s21 =	simm.s32 $0x10;
	v9 =	vld.idx.msk [tilespmem:v9+s14+$0x0], $0xffff  }
.LBB2_9:
0x1d2: {  	s23 =	sand.u32 $0x70, s21;
	s24 =	sand.u32 $0xFFFFFF00, s22  }
0x1d3: {  	s21 =	sadd.s32 $0x10, s21;
	s23 =	sor.u32 s23, s24  }
0x1d4: {  	p1 =	sne.s32 s19, s21;
	v10 =	vld [tilespmem:s23+$0x11A80]  }
0x1d5: {  	v11 =	vld [tilespmem:s23+$0x11A00];
	_ =	sdelay $0x1  }
0x1d6: {  	v12 =	vor.u32 v9, v8  }
0x1d7: {  	vm1 =	vgt.s32 v12, $0xFFFFFFFF  }
.Ltmp5:
0x1d8: {  	v9 =	vnsel vm1, $0xFFFFFFFF, v9;
	v8 =	vnsel vm1, $0xFFFFFFFF, v8;
	(pc) =	sbr.rel @p1 .LBB2_9-.Ltmp5, $4  }
0x1d9: {  	[tilespmem:s0+$0x14200] =	vst v9  }
0x1da: {  	[tilespmem:s0+$0x14280] =	vst v8;
	s0 =	smov.u32 s23  }
0x1db: {  	v8 =	vld.idx.msk [tilespmem:v10+s14+$0x0], $0xffff  }
0x1dc: {  	s22 =	sadd.s32 $0x20, s22;
	v9 =	vld.idx.msk [tilespmem:v11+s14+$0x0], $0xffff  }
.LBB2_10:
0x1dd: {  	_ =	sdelay $0x3  }
0x1de: {  	v10 =	vor.u32 v9, v8  }
0x1df: {  	vm1 =	vgt.s32 v10, $0xFFFFFFFF  }
0x1e0: {  	v9 =	vnsel vm1, $0xFFFFFFFF, v9  }
0x1e1: {  	v8 =	vnsel vm1, $0xFFFFFFFF, v8;
	[tilespmem:s0+$0x14200] =	vst v9  }
0x1e2: {  	s19 =	simm.s32 @p0 $0x14200;
	[tilespmem:s0+$0x14280] =	vst v8;
	s0 =	simm.s32 @p0 $0x0  }
0x1e3: {  	[hbm4b:s10+s0] =	stream.linear.scatter @p0 [tilespmem:s19], [sflag:$0x6], $0x2700, $0x38;
	[tilespmem:$0x16A00] =	vst v63  }
0x1e4: {  	s0 =	simm.s32 @!p0 $0x0;
	s19 =	simm.s32 @!p0 $0x14200  }
0x1e5: {  	[hbm4b:s11+s0] =	stream.linear.scatter @!p0 [tilespmem:s19], [sflag:$0x6], $0x2800, $0x38;
	[tilespmem:$0x16A00] =	vst v63  }
0x1e6: {  	_ =	swait.ge [sflag:s18], $0xA000  }
0x1e7: {  	[sflag:s18] =	ssyncset.done $0x0  }
0x1e8: {  	[sflag:s18] =	ssyncadd.s32 $0xFFFF6000  }
0x1e9: {  	_ =	swait.ge [sflag:s28], $0x2800  }
0x1ea: {  	s24 =	simm.s32 $0x0;
	[sflag:s28] =	ssyncset.done $0x0  }
0x1eb: {  	s0 =	sand.u32 $0x3FFFFFF0, s24;
	[sflag:s28] =	ssyncadd.s32 $0xFFFFD800  }
0x1ec: {  	v8 =	vld [tilespmem:s0+$0x11900];
	_ =	sdelay $0x3  }
0x1ed: {  	s0 =	simm.s32 $0x1  }
.LBB2_11:
0x1ee: {  	p1 =	sne.s32 s0, $0x9;
	_ =	sdelay $0x2  }
0x1ef: {  	v8 =	vld.idx.msk [tilespmem:v8+s15+$0x0], $0xffff  }
0x1f0: {  	s19 =	sshll.u32 s31, $0xC;
	s31 =	smov.u32 s0  }
0x1f1: {  	s19 =	sand.u32 $0x3FFFF000, s19  }
0x1f2: {  	v9 =	vld [tilespmem:s19+$0x0]  }
0x1f3: {  	v10 =	vld [tilespmem:s19+$0x10]  }
0x1f4: {  	v11 =	vld [tilespmem:s19+$0x20]  }
0x1f5: {  	v22 =	vbroadcast v8, $0x0;
	v23 =	vbroadcast v8, $0xF;
	v12 =	vld [tilespmem:s19+$0x30]  }
0x1f6: {  	v21 =	vbroadcast v8, $0x1;
	v20 =	vbroadcast v8, $0x2;
	v13 =	vld [tilespmem:s19+$0x40]  }
0x1f7: {  	v19 =	vbroadcast v8, $0x3;
	v9 =	vmul.f32 v22, v9;
	v14 =	vld [tilespmem:s19+$0x50]  }
0x1f8: {  	v18 =	vbroadcast v8, $0x4;
	v10 =	vmul.f32 v10, v22  }
0x1f9: {  	v17 =	vbroadcast v8, $0x5;
	[tilespmem:s19+$0x0] =	vst v9;
	v9 =	vmul.f32 v11, v22  }
0x1fa: {  	v16 =	vbroadcast v8, $0x6;
	[tilespmem:s19+$0x10] =	vst v10;
	v10 =	vmul.f32 v12, v22  }
0x1fb: {  	v15 =	vbroadcast v8, $0x7;
	[tilespmem:s19+$0x20] =	vst v9;
	v9 =	vmul.f32 v13, v22  }
0x1fc: {  	[tilespmem:s19+$0x30] =	vst v10;
	v10 =	vmul.f32 v14, v22;
	v14 =	vbroadcast v8, $0x8  }
0x1fd: {  	v12 =	vbroadcast v8, $0xA;
	v13 =	vbroadcast v8, $0x9;
	[tilespmem:s19+$0x40] =	vst v9  }
0x1fe: {  	v11 =	vbroadcast v8, $0xB;
	[tilespmem:s19+$0x50] =	vst v10;
	v10 =	vbroadcast v8, $0xC  }
0x1ff: {  	v9 =	vbroadcast v8, $0xD;
	v24 =	vld [tilespmem:s19+$0x60]  }
0x200: {  	v25 =	vld [tilespmem:s19+$0xF50]  }
0x201: {  	v26 =	vld [tilespmem:s19+$0xF60]  }
0x202: {  	v27 =	vld [tilespmem:s19+$0xF70]  }
0x203: {  	v8 =	vbroadcast v8, $0xE;
	v28 =	vld [tilespmem:s19+$0xB80]  }
0x204: {  	v24 =	vmul.f32 v24, v22;
	v29 =	vld [tilespmem:s19+$0xB90]  }
0x205: {  	v25 =	vmul.f32 v25, v8;
	v30 =	vld [tilespmem:s19+$0xBA0]  }
0x206: {  	[tilespmem:s19+$0x60] =	vst v24;
	v24 =	vmul.f32 v26, v8;
	v26 =	vld [tilespmem:s19+$0xBB0]  }
0x207: {  	[tilespmem:s19+$0xF50] =	vst v25;
	v25 =	vmul.f32 v27, v8;
	v27 =	vld [tilespmem:s19+$0xBC0]  }
0x208: {  	[tilespmem:s19+$0xF60] =	vst v24;
	v24 =	vmul.f32 v28, v23;
	v28 =	vld [tilespmem:s19+$0xBD0]  }
0x209: {  	[tilespmem:s19+$0xF70] =	vst v25;
	v25 =	vmul.f32 v29, v23;
	v29 =	vld [tilespmem:s19+$0xBE0]  }
0x20a: {  	[tilespmem:s19+$0xB80] =	vst v24;
	v24 =	vmul.f32 v30, v23;
	v30 =	vld [tilespmem:s19+$0xBF0]  }
0x20b: {  	[tilespmem:s19+$0xB90] =	vst v25;
	v25 =	vmul.f32 v26, v23;
	v26 =	vld [tilespmem:s19+$0xF80]  }
0x20c: {  	[tilespmem:s19+$0xBA0] =	vst v24;
	v24 =	vmul.f32 v27, v23;
	v27 =	vld [tilespmem:s19+$0xF90]  }
0x20d: {  	[tilespmem:s19+$0xBB0] =	vst v25;
	v25 =	vmul.f32 v28, v23;
	v28 =	vld [tilespmem:s19+$0xFA0]  }
0x20e: {  	[tilespmem:s19+$0xBC0] =	vst v24;
	v24 =	vmul.f32 v29, v23;
	v29 =	vld [tilespmem:s19+$0xFB0]  }
0x20f: {  	[tilespmem:s19+$0xBD0] =	vst v25;
	v25 =	vmul.f32 v30, v23;
	v30 =	vld [tilespmem:s19+$0xFC0]  }
0x210: {  	[tilespmem:s19+$0xBE0] =	vst v24;
	v24 =	vmul.f32 v26, v23;
	v26 =	vld [tilespmem:s19+$0xFD0]  }
0x211: {  	[tilespmem:s19+$0xBF0] =	vst v25;
	v25 =	vmul.f32 v27, v23;
	v27 =	vld [tilespmem:s19+$0xFE0]  }
0x212: {  	[tilespmem:s19+$0xF80] =	vst v24;
	v24 =	vmul.f32 v28, v23;
	v28 =	vld [tilespmem:s19+$0xFF0]  }
0x213: {  	v31 =	vld [tilespmem:s19+$0x70];
	[tilespmem:s19+$0xF90] =	vst v25;
	v25 =	vmul.f32 v29, v23  }
0x214: {  	v29 =	vld [tilespmem:s19+$0x400];
	[tilespmem:s19+$0xFA0] =	vst v24;
	v24 =	vmul.f32 v30, v23  }
0x215: {  	v30 =	vld [tilespmem:s19+$0x410];
	[tilespmem:s19+$0xFB0] =	vst v25;
	v25 =	vmul.f32 v26, v23  }
0x216: {  	v26 =	vld [tilespmem:s19+$0x420];
	[tilespmem:s19+$0xFC0] =	vst v24;
	v24 =	vmul.f32 v27, v23  }
0x217: {  	v27 =	vld [tilespmem:s19+$0x430];
	[tilespmem:s19+$0xFD0] =	vst v25;
	v23 =	vmul.f32 v28, v23  }
0x218: {  	v25 =	vmul.f32 v31, v22;
	v28 =	vld [tilespmem:s19+$0x440];
	[tilespmem:s19+$0xFE0] =	vst v24  }
0x219: {  	v24 =	vmul.f32 v29, v22;
	v29 =	vld [tilespmem:s19+$0x450];
	[tilespmem:s19+$0xFF0] =	vst v23  }
0x21a: {  	[tilespmem:s19+$0x70] =	vst v25;
	v23 =	vmul.f32 v30, v22;
	v25 =	vld [tilespmem:s19+$0x460]  }
0x21b: {  	[tilespmem:s19+$0x400] =	vst v24;
	v24 =	vmul.f32 v26, v22;
	v26 =	vld [tilespmem:s19+$0x470]  }
0x21c: {  	[tilespmem:s19+$0x410] =	vst v23;
	v23 =	vmul.f32 v27, v22;
	v27 =	vld [tilespmem:s19+$0x80]  }
0x21d: {  	[tilespmem:s19+$0x420] =	vst v24;
	v24 =	vmul.f32 v28, v22;
	v28 =	vld [tilespmem:s19+$0x90]  }
0x21e: {  	[tilespmem:s19+$0x430] =	vst v23;
	v23 =	vmul.f32 v29, v22;
	v29 =	vld [tilespmem:s19+$0xA0]  }
0x21f: {  	[tilespmem:s19+$0x440] =	vst v24;
	v24 =	vmul.f32 v25, v22;
	v25 =	vld [tilespmem:s19+$0xB0]  }
0x220: {  	[tilespmem:s19+$0x450] =	vst v23;
	v22 =	vmul.f32 v26, v22;
	v23 =	vld [tilespmem:s19+$0xC0]  }
0x221: {  	[tilespmem:s19+$0x460] =	vst v24;
	v24 =	vmul.f32 v27, v21;
	v26 =	vld [tilespmem:s19+$0xD0]  }
0x222: {  	[tilespmem:s19+$0x470] =	vst v22;
	v22 =	vmul.f32 v28, v21;
	v27 =	vld [tilespmem:s19+$0xE0]  }
0x223: {  	[tilespmem:s19+$0x80] =	vst v24;
	v24 =	vmul.f32 v29, v21;
	v28 =	vld [tilespmem:s19+$0xF0]  }
0x224: {  	[tilespmem:s19+$0x90] =	vst v22;
	v22 =	vmul.f32 v25, v21;
	v25 =	vld [tilespmem:s19+$0x480]  }
0x225: {  	[tilespmem:s19+$0xA0] =	vst v24;
	v23 =	vmul.f32 v23, v21;
	v24 =	vld [tilespmem:s19+$0x490]  }
0x226: {  	[tilespmem:s19+$0xB0] =	vst v22;
	v22 =	vmul.f32 v26, v21;
	v26 =	vld [tilespmem:s19+$0x4A0]  }
0x227: {  	[tilespmem:s19+$0xC0] =	vst v23;
	v23 =	vmul.f32 v27, v21;
	v27 =	vld [tilespmem:s19+$0x4B0]  }
0x228: {  	[tilespmem:s19+$0xD0] =	vst v22;
	v22 =	vmul.f32 v28, v21;
	v28 =	vld [tilespmem:s19+$0x4C0]  }
0x229: {  	[tilespmem:s19+$0xE0] =	vst v23;
	v23 =	vmul.f32 v25, v21;
	v25 =	vld [tilespmem:s19+$0x4D0]  }
0x22a: {  	[tilespmem:s19+$0xF0] =	vst v22;
	v22 =	vmul.f32 v24, v21;
	v24 =	vld [tilespmem:s19+$0x4E0]  }
0x22b: {  	[tilespmem:s19+$0x480] =	vst v23;
	v23 =	vmul.f32 v26, v21;
	v26 =	vld [tilespmem:s19+$0x4F0]  }
0x22c: {  	[tilespmem:s19+$0x490] =	vst v22;
	v22 =	vmul.f32 v27, v21;
	v27 =	vld [tilespmem:s19+$0x100]  }
0x22d: {  	[tilespmem:s19+$0x4A0] =	vst v23;
	v23 =	vmul.f32 v28, v21;
	v28 =	vld [tilespmem:s19+$0x110]  }
0x22e: {  	[tilespmem:s19+$0x4B0] =	vst v22;
	v22 =	vmul.f32 v25, v21;
	v25 =	vld [tilespmem:s19+$0x120]  }
0x22f: {  	[tilespmem:s19+$0x4C0] =	vst v23;
	v23 =	vmul.f32 v24, v21;
	v24 =	vld [tilespmem:s19+$0x130]  }
0x230: {  	[tilespmem:s19+$0x4D0] =	vst v22;
	v21 =	vmul.f32 v26, v21;
	v22 =	vld [tilespmem:s19+$0x140]  }
0x231: {  	[tilespmem:s19+$0x4E0] =	vst v23;
	v23 =	vmul.f32 v27, v20;
	v26 =	vld [tilespmem:s19+$0x150]  }
0x232: {  	[tilespmem:s19+$0x4F0] =	vst v21;
	v21 =	vmul.f32 v28, v20;
	v27 =	vld [tilespmem:s19+$0x160]  }
0x233: {  	[tilespmem:s19+$0x100] =	vst v23;
	v23 =	vmul.f32 v25, v20;
	v25 =	vld [tilespmem:s19+$0x170]  }
0x234: {  	[tilespmem:s19+$0x110] =	vst v21;
	v21 =	vmul.f32 v24, v20;
	v24 =	vld [tilespmem:s19+$0x500]  }
0x235: {  	[tilespmem:s19+$0x120] =	vst v23;
	v22 =	vmul.f32 v22, v20;
	v23 =	vld [tilespmem:s19+$0x510]  }
0x236: {  	[tilespmem:s19+$0x130] =	vst v21;
	v21 =	vmul.f32 v26, v20;
	v26 =	vld [tilespmem:s19+$0x520]  }
0x237: {  	[tilespmem:s19+$0x140] =	vst v22;
	v22 =	vmul.f32 v27, v20;
	v27 =	vld [tilespmem:s19+$0x530]  }
0x238: {  	[tilespmem:s19+$0x150] =	vst v21;
	v21 =	vmul.f32 v25, v20;
	v25 =	vld [tilespmem:s19+$0x540]  }
0x239: {  	[tilespmem:s19+$0x160] =	vst v22;
	v22 =	vmul.f32 v24, v20;
	v24 =	vld [tilespmem:s19+$0x550]  }
0x23a: {  	[tilespmem:s19+$0x170] =	vst v21;
	v21 =	vmul.f32 v23, v20;
	v23 =	vld [tilespmem:s19+$0x560]  }
0x23b: {  	[tilespmem:s19+$0x500] =	vst v22;
	v22 =	vmul.f32 v26, v20;
	v26 =	vld [tilespmem:s19+$0x570]  }
0x23c: {  	[tilespmem:s19+$0x510] =	vst v21;
	v21 =	vmul.f32 v27, v20;
	v27 =	vld [tilespmem:s19+$0x180]  }
0x23d: {  	[tilespmem:s19+$0x520] =	vst v22;
	v22 =	vmul.f32 v25, v20;
	v25 =	vld [tilespmem:s19+$0x190]  }
0x23e: {  	[tilespmem:s19+$0x530] =	vst v21;
	v21 =	vmul.f32 v24, v20;
	v24 =	vld [tilespmem:s19+$0x1A0]  }
0x23f: {  	[tilespmem:s19+$0x540] =	vst v22;
	v22 =	vmul.f32 v23, v20;
	v23 =	vld [tilespmem:s19+$0x1B0]  }
0x240: {  	[tilespmem:s19+$0x550] =	vst v21;
	v20 =	vmul.f32 v26, v20;
	v21 =	vld [tilespmem:s19+$0x1C0]  }
0x241: {  	[tilespmem:s19+$0x560] =	vst v22;
	v22 =	vmul.f32 v27, v19;
	v26 =	vld [tilespmem:s19+$0x1D0]  }
0x242: {  	[tilespmem:s19+$0x570] =	vst v20;
	v20 =	vmul.f32 v25, v19;
	v25 =	vld [tilespmem:s19+$0x1E0]  }
0x243: {  	[tilespmem:s19+$0x180] =	vst v22;
	v22 =	vmul.f32 v24, v19;
	v24 =	vld [tilespmem:s19+$0x1F0]  }
0x244: {  	[tilespmem:s19+$0x190] =	vst v20;
	v20 =	vmul.f32 v23, v19;
	v23 =	vld [tilespmem:s19+$0x580]  }
0x245: {  	[tilespmem:s19+$0x1A0] =	vst v22;
	v21 =	vmul.f32 v21, v19;
	v22 =	vld [tilespmem:s19+$0x590]  }
0x246: {  	[tilespmem:s19+$0x1B0] =	vst v20;
	v20 =	vmul.f32 v26, v19;
	v26 =	vld [tilespmem:s19+$0x5A0]  }
0x247: {  	[tilespmem:s19+$0x1C0] =	vst v21;
	v21 =	vmul.f32 v25, v19;
	v25 =	vld [tilespmem:s19+$0x5B0]  }
0x248: {  	[tilespmem:s19+$0x1D0] =	vst v20;
	v20 =	vmul.f32 v24, v19;
	v24 =	vld [tilespmem:s19+$0x5C0]  }
0x249: {  	[tilespmem:s19+$0x1E0] =	vst v21;
	v21 =	vmul.f32 v23, v19;
	v23 =	vld [tilespmem:s19+$0x5D0]  }
0x24a: {  	[tilespmem:s19+$0x1F0] =	vst v20;
	v20 =	vmul.f32 v22, v19;
	v22 =	vld [tilespmem:s19+$0x5E0]  }
0x24b: {  	[tilespmem:s19+$0x580] =	vst v21;
	v21 =	vmul.f32 v26, v19;
	v26 =	vld [tilespmem:s19+$0x5F0]  }
0x24c: {  	[tilespmem:s19+$0x590] =	vst v20;
	v20 =	vmul.f32 v25, v19;
	v25 =	vld [tilespmem:s19+$0x200]  }
0x24d: {  	[tilespmem:s19+$0x5A0] =	vst v21;
	v21 =	vmul.f32 v24, v19;
	v24 =	vld [tilespmem:s19+$0x210]  }
0x24e: {  	[tilespmem:s19+$0x5B0] =	vst v20;
	v20 =	vmul.f32 v23, v19;
	v23 =	vld [tilespmem:s19+$0x220]  }
0x24f: {  	[tilespmem:s19+$0x5C0] =	vst v21;
	v21 =	vmul.f32 v22, v19;
	v22 =	vld [tilespmem:s19+$0x230]  }
0x250: {  	[tilespmem:s19+$0x5D0] =	vst v20;
	v19 =	vmul.f32 v26, v19;
	v20 =	vld [tilespmem:s19+$0x240]  }
0x251: {  	[tilespmem:s19+$0x5E0] =	vst v21;
	v21 =	vmul.f32 v25, v18;
	v25 =	vld [tilespmem:s19+$0x250]  }
0x252: {  	[tilespmem:s19+$0x5F0] =	vst v19;
	v19 =	vmul.f32 v24, v18;
	v24 =	vld [tilespmem:s19+$0x260]  }
0x253: {  	[tilespmem:s19+$0x200] =	vst v21;
	v21 =	vmul.f32 v23, v18;
	v23 =	vld [tilespmem:s19+$0x270]  }
0x254: {  	[tilespmem:s19+$0x210] =	vst v19;
	v19 =	vmul.f32 v22, v18;
	v22 =	vld [tilespmem:s19+$0x600]  }
0x255: {  	[tilespmem:s19+$0x220] =	vst v21;
	v20 =	vmul.f32 v20, v18;
	v21 =	vld [tilespmem:s19+$0x610]  }
0x256: {  	[tilespmem:s19+$0x230] =	vst v19;
	v19 =	vmul.f32 v25, v18;
	v25 =	vld [tilespmem:s19+$0x620]  }
0x257: {  	[tilespmem:s19+$0x240] =	vst v20;
	v20 =	vmul.f32 v24, v18;
	v24 =	vld [tilespmem:s19+$0x630]  }
0x258: {  	[tilespmem:s19+$0x250] =	vst v19;
	v19 =	vmul.f32 v23, v18;
	v23 =	vld [tilespmem:s19+$0x640]  }
0x259: {  	[tilespmem:s19+$0x260] =	vst v20;
	v20 =	vmul.f32 v22, v18;
	v22 =	vld [tilespmem:s19+$0x650]  }
0x25a: {  	[tilespmem:s19+$0x270] =	vst v19;
	v19 =	vmul.f32 v21, v18;
	v21 =	vld [tilespmem:s19+$0x660]  }
0x25b: {  	[tilespmem:s19+$0x600] =	vst v20;
	v20 =	vmul.f32 v25, v18;
	v25 =	vld [tilespmem:s19+$0x670]  }
0x25c: {  	[tilespmem:s19+$0x610] =	vst v19;
	v19 =	vmul.f32 v24, v18;
	v24 =	vld [tilespmem:s19+$0x280]  }
0x25d: {  	[tilespmem:s19+$0x620] =	vst v20;
	v20 =	vmul.f32 v23, v18;
	v23 =	vld [tilespmem:s19+$0x290]  }
0x25e: {  	[tilespmem:s19+$0x630] =	vst v19;
	v19 =	vmul.f32 v22, v18;
	v22 =	vld [tilespmem:s19+$0x2A0]  }
0x25f: {  	[tilespmem:s19+$0x640] =	vst v20;
	v20 =	vmul.f32 v21, v18;
	v21 =	vld [tilespmem:s19+$0x2B0]  }
0x260: {  	[tilespmem:s19+$0x650] =	vst v19;
	v18 =	vmul.f32 v25, v18;
	v19 =	vld [tilespmem:s19+$0x2C0]  }
0x261: {  	[tilespmem:s19+$0x660] =	vst v20;
	v20 =	vmul.f32 v24, v17;
	v24 =	vld [tilespmem:s19+$0x2D0]  }
0x262: {  	[tilespmem:s19+$0x670] =	vst v18;
	v18 =	vmul.f32 v23, v17;
	v23 =	vld [tilespmem:s19+$0x2E0]  }
0x263: {  	[tilespmem:s19+$0x280] =	vst v20;
	v20 =	vmul.f32 v22, v17;
	v22 =	vld [tilespmem:s19+$0x2F0]  }
0x264: {  	[tilespmem:s19+$0x290] =	vst v18;
	v18 =	vmul.f32 v21, v17;
	v21 =	vld [tilespmem:s19+$0x680]  }
0x265: {  	[tilespmem:s19+$0x2A0] =	vst v20;
	v19 =	vmul.f32 v19, v17;
	v20 =	vld [tilespmem:s19+$0x690]  }
0x266: {  	[tilespmem:s19+$0x2B0] =	vst v18;
	v18 =	vmul.f32 v24, v17;
	v24 =	vld [tilespmem:s19+$0x6A0]  }
0x267: {  	[tilespmem:s19+$0x2C0] =	vst v19;
	v19 =	vmul.f32 v23, v17;
	v23 =	vld [tilespmem:s19+$0x6B0]  }
0x268: {  	[tilespmem:s19+$0x2D0] =	vst v18;
	v18 =	vmul.f32 v22, v17;
	v22 =	vld [tilespmem:s19+$0x6C0]  }
0x269: {  	[tilespmem:s19+$0x2E0] =	vst v19;
	v19 =	vmul.f32 v21, v17;
	v21 =	vld [tilespmem:s19+$0x6D0]  }
0x26a: {  	[tilespmem:s19+$0x2F0] =	vst v18;
	v18 =	vmul.f32 v20, v17;
	v20 =	vld [tilespmem:s19+$0x6E0]  }
0x26b: {  	[tilespmem:s19+$0x680] =	vst v19;
	v19 =	vmul.f32 v24, v17;
	v24 =	vld [tilespmem:s19+$0x6F0]  }
0x26c: {  	[tilespmem:s19+$0x690] =	vst v18;
	v18 =	vmul.f32 v23, v17;
	v23 =	vld [tilespmem:s19+$0x300]  }
0x26d: {  	[tilespmem:s19+$0x6A0] =	vst v19;
	v19 =	vmul.f32 v22, v17;
	v22 =	vld [tilespmem:s19+$0x310]  }
0x26e: {  	[tilespmem:s19+$0x6B0] =	vst v18;
	v18 =	vmul.f32 v21, v17;
	v21 =	vld [tilespmem:s19+$0x320]  }
0x26f: {  	[tilespmem:s19+$0x6C0] =	vst v19;
	v19 =	vmul.f32 v20, v17;
	v20 =	vld [tilespmem:s19+$0x330]  }
0x270: {  	[tilespmem:s19+$0x6D0] =	vst v18;
	v17 =	vmul.f32 v24, v17;
	v18 =	vld [tilespmem:s19+$0x340]  }
0x271: {  	[tilespmem:s19+$0x6E0] =	vst v19;
	v19 =	vmul.f32 v23, v16;
	v23 =	vld [tilespmem:s19+$0x350]  }
0x272: {  	[tilespmem:s19+$0x6F0] =	vst v17;
	v17 =	vmul.f32 v22, v16;
	v22 =	vld [tilespmem:s19+$0x360]  }
0x273: {  	[tilespmem:s19+$0x300] =	vst v19;
	v19 =	vmul.f32 v21, v16;
	v21 =	vld [tilespmem:s19+$0x370]  }
0x274: {  	[tilespmem:s19+$0x310] =	vst v17;
	v17 =	vmul.f32 v20, v16;
	v20 =	vld [tilespmem:s19+$0x700]  }
0x275: {  	[tilespmem:s19+$0x320] =	vst v19;
	v18 =	vmul.f32 v18, v16;
	v19 =	vld [tilespmem:s19+$0x710]  }
0x276: {  	[tilespmem:s19+$0x330] =	vst v17;
	v17 =	vmul.f32 v23, v16;
	v23 =	vld [tilespmem:s19+$0x720]  }
0x277: {  	[tilespmem:s19+$0x340] =	vst v18;
	v18 =	vmul.f32 v22, v16;
	v22 =	vld [tilespmem:s19+$0x730]  }
0x278: {  	[tilespmem:s19+$0x350] =	vst v17;
	v17 =	vmul.f32 v21, v16;
	v21 =	vld [tilespmem:s19+$0x740]  }
0x279: {  	[tilespmem:s19+$0x360] =	vst v18;
	v18 =	vmul.f32 v20, v16;
	v20 =	vld [tilespmem:s19+$0x750]  }
0x27a: {  	[tilespmem:s19+$0x370] =	vst v17;
	v17 =	vmul.f32 v19, v16;
	v19 =	vld [tilespmem:s19+$0x760]  }
0x27b: {  	[tilespmem:s19+$0x700] =	vst v18;
	v18 =	vmul.f32 v23, v16;
	v23 =	vld [tilespmem:s19+$0x770]  }
0x27c: {  	[tilespmem:s19+$0x710] =	vst v17;
	v17 =	vmul.f32 v22, v16;
	v22 =	vld [tilespmem:s19+$0x380]  }
0x27d: {  	[tilespmem:s19+$0x720] =	vst v18;
	v18 =	vmul.f32 v21, v16;
	v21 =	vld [tilespmem:s19+$0x390]  }
0x27e: {  	[tilespmem:s19+$0x730] =	vst v17;
	v17 =	vmul.f32 v20, v16;
	v20 =	vld [tilespmem:s19+$0x3A0]  }
0x27f: {  	[tilespmem:s19+$0x740] =	vst v18;
	v18 =	vmul.f32 v19, v16;
	v19 =	vld [tilespmem:s19+$0x3B0]  }
0x280: {  	[tilespmem:s19+$0x750] =	vst v17;
	v16 =	vmul.f32 v23, v16;
	v17 =	vld [tilespmem:s19+$0x3C0]  }
0x281: {  	[tilespmem:s19+$0x760] =	vst v18;
	v18 =	vmul.f32 v22, v15;
	v22 =	vld [tilespmem:s19+$0x3D0]  }
0x282: {  	[tilespmem:s19+$0x770] =	vst v16;
	v16 =	vmul.f32 v21, v15;
	v21 =	vld [tilespmem:s19+$0x3E0]  }
0x283: {  	[tilespmem:s19+$0x380] =	vst v18;
	v18 =	vmul.f32 v20, v15;
	v20 =	vld [tilespmem:s19+$0x3F0]  }
0x284: {  	[tilespmem:s19+$0x390] =	vst v16;
	v16 =	vmul.f32 v19, v15;
	v19 =	vld [tilespmem:s19+$0x780]  }
0x285: {  	[tilespmem:s19+$0x3A0] =	vst v18;
	v17 =	vmul.f32 v17, v15;
	v18 =	vld [tilespmem:s19+$0x790]  }
0x286: {  	[tilespmem:s19+$0x3B0] =	vst v16;
	v16 =	vmul.f32 v22, v15;
	v22 =	vld [tilespmem:s19+$0x7A0]  }
0x287: {  	[tilespmem:s19+$0x3C0] =	vst v17;
	v17 =	vmul.f32 v21, v15;
	v21 =	vld [tilespmem:s19+$0x7B0]  }
0x288: {  	[tilespmem:s19+$0x3D0] =	vst v16;
	v16 =	vmul.f32 v20, v15;
	v20 =	vld [tilespmem:s19+$0x7C0]  }
0x289: {  	[tilespmem:s19+$0x3E0] =	vst v17;
	v17 =	vmul.f32 v19, v15;
	v19 =	vld [tilespmem:s19+$0x7D0]  }
0x28a: {  	[tilespmem:s19+$0x3F0] =	vst v16;
	v16 =	vmul.f32 v18, v15;
	v18 =	vld [tilespmem:s19+$0x7E0]  }
0x28b: {  	[tilespmem:s19+$0x780] =	vst v17;
	v17 =	vmul.f32 v22, v15;
	v22 =	vld [tilespmem:s19+$0x7F0]  }
0x28c: {  	[tilespmem:s19+$0x790] =	vst v16;
	v16 =	vmul.f32 v21, v15;
	v21 =	vld [tilespmem:s19+$0x800]  }
0x28d: {  	[tilespmem:s19+$0x7A0] =	vst v17;
	v17 =	vmul.f32 v20, v15;
	v20 =	vld [tilespmem:s19+$0x810]  }
0x28e: {  	[tilespmem:s19+$0x7B0] =	vst v16;
	v16 =	vmul.f32 v19, v15;
	v19 =	vld [tilespmem:s19+$0x820]  }
0x28f: {  	[tilespmem:s19+$0x7C0] =	vst v17;
	v17 =	vmul.f32 v18, v15;
	v18 =	vld [tilespmem:s19+$0x830]  }
0x290: {  	[tilespmem:s19+$0x7D0] =	vst v16;
	v15 =	vmul.f32 v22, v15;
	v16 =	vld [tilespmem:s19+$0x840]  }
0x291: {  	[tilespmem:s19+$0x7E0] =	vst v17;
	v17 =	vmul.f32 v21, v14;
	v21 =	vld [tilespmem:s19+$0x850]  }
0x292: {  	[tilespmem:s19+$0x7F0] =	vst v15;
	v15 =	vmul.f32 v20, v14;
	v20 =	vld [tilespmem:s19+$0x860]  }
0x293: {  	[tilespmem:s19+$0x800] =	vst v17;
	v17 =	vmul.f32 v19, v14;
	v19 =	vld [tilespmem:s19+$0x870]  }
0x294: {  	[tilespmem:s19+$0x810] =	vst v15;
	v15 =	vmul.f32 v18, v14;
	v18 =	vld [tilespmem:s19+$0xC00]  }
0x295: {  	[tilespmem:s19+$0x820] =	vst v17;
	v16 =	vmul.f32 v16, v14;
	v17 =	vld [tilespmem:s19+$0xC10]  }
0x296: {  	[tilespmem:s19+$0x830] =	vst v15;
	v15 =	vmul.f32 v21, v14;
	v21 =	vld [tilespmem:s19+$0xC20]  }
0x297: {  	[tilespmem:s19+$0x840] =	vst v16;
	v16 =	vmul.f32 v20, v14;
	v20 =	vld [tilespmem:s19+$0xC30]  }
0x298: {  	[tilespmem:s19+$0x850] =	vst v15;
	v15 =	vmul.f32 v19, v14;
	v19 =	vld [tilespmem:s19+$0xC40]  }
0x299: {  	[tilespmem:s19+$0x860] =	vst v16;
	v16 =	vmul.f32 v18, v14;
	v18 =	vld [tilespmem:s19+$0xC50]  }
0x29a: {  	[tilespmem:s19+$0x870] =	vst v15;
	v15 =	vmul.f32 v17, v14;
	v17 =	vld [tilespmem:s19+$0xC60]  }
0x29b: {  	[tilespmem:s19+$0xC00] =	vst v16;
	v16 =	vmul.f32 v21, v14;
	v21 =	vld [tilespmem:s19+$0xC70]  }
0x29c: {  	[tilespmem:s19+$0xC10] =	vst v15;
	v15 =	vmul.f32 v20, v14;
	v20 =	vld [tilespmem:s19+$0x880]  }
0x29d: {  	[tilespmem:s19+$0xC20] =	vst v16;
	v16 =	vmul.f32 v19, v14;
	v19 =	vld [tilespmem:s19+$0x890]  }
0x29e: {  	[tilespmem:s19+$0xC30] =	vst v15;
	v15 =	vmul.f32 v18, v14;
	v18 =	vld [tilespmem:s19+$0x8A0]  }
0x29f: {  	[tilespmem:s19+$0xC40] =	vst v16;
	v16 =	vmul.f32 v17, v14;
	v17 =	vld [tilespmem:s19+$0x8B0]  }
0x2a0: {  	[tilespmem:s19+$0xC50] =	vst v15;
	v14 =	vmul.f32 v21, v14;
	v15 =	vld [tilespmem:s19+$0x8C0]  }
0x2a1: {  	[tilespmem:s19+$0xC60] =	vst v16;
	v16 =	vmul.f32 v20, v13;
	v20 =	vld [tilespmem:s19+$0x8D0]  }
0x2a2: {  	[tilespmem:s19+$0xC70] =	vst v14;
	v14 =	vmul.f32 v19, v13;
	v19 =	vld [tilespmem:s19+$0x8E0]  }
0x2a3: {  	[tilespmem:s19+$0x880] =	vst v16;
	v16 =	vmul.f32 v18, v13;
	v18 =	vld [tilespmem:s19+$0x8F0]  }
0x2a4: {  	[tilespmem:s19+$0x890] =	vst v14;
	v14 =	vmul.f32 v17, v13;
	v17 =	vld [tilespmem:s19+$0xC80]  }
0x2a5: {  	[tilespmem:s19+$0x8A0] =	vst v16;
	v15 =	vmul.f32 v15, v13;
	v16 =	vld [tilespmem:s19+$0xC90]  }
0x2a6: {  	[tilespmem:s19+$0x8B0] =	vst v14;
	v14 =	vmul.f32 v20, v13;
	v20 =	vld [tilespmem:s19+$0xCA0]  }
0x2a7: {  	[tilespmem:s19+$0x8C0] =	vst v15;
	v15 =	vmul.f32 v19, v13;
	v19 =	vld [tilespmem:s19+$0xCB0]  }
0x2a8: {  	[tilespmem:s19+$0x8D0] =	vst v14;
	v14 =	vmul.f32 v18, v13;
	v18 =	vld [tilespmem:s19+$0xCC0]  }
0x2a9: {  	[tilespmem:s19+$0x8E0] =	vst v15;
	v15 =	vmul.f32 v17, v13;
	v17 =	vld [tilespmem:s19+$0xCD0]  }
0x2aa: {  	[tilespmem:s19+$0x8F0] =	vst v14;
	v14 =	vmul.f32 v16, v13;
	v16 =	vld [tilespmem:s19+$0xCE0]  }
0x2ab: {  	[tilespmem:s19+$0xC80] =	vst v15;
	v15 =	vmul.f32 v20, v13;
	v20 =	vld [tilespmem:s19+$0xCF0]  }
0x2ac: {  	[tilespmem:s19+$0xC90] =	vst v14;
	v14 =	vmul.f32 v19, v13;
	v19 =	vld [tilespmem:s19+$0x900]  }
0x2ad: {  	[tilespmem:s19+$0xCA0] =	vst v15;
	v15 =	vmul.f32 v18, v13;
	v18 =	vld [tilespmem:s19+$0x910]  }
0x2ae: {  	[tilespmem:s19+$0xCB0] =	vst v14;
	v14 =	vmul.f32 v17, v13;
	v17 =	vld [tilespmem:s19+$0x920]  }
0x2af: {  	[tilespmem:s19+$0xCC0] =	vst v15;
	v15 =	vmul.f32 v16, v13;
	v16 =	vld [tilespmem:s19+$0x930]  }
0x2b0: {  	[tilespmem:s19+$0xCD0] =	vst v14;
	v13 =	vmul.f32 v20, v13;
	v14 =	vld [tilespmem:s19+$0x940]  }
0x2b1: {  	[tilespmem:s19+$0xCE0] =	vst v15;
	v15 =	vmul.f32 v19, v12;
	v19 =	vld [tilespmem:s19+$0x950]  }
0x2b2: {  	[tilespmem:s19+$0xCF0] =	vst v13;
	v13 =	vmul.f32 v18, v12;
	v18 =	vld [tilespmem:s19+$0x960]  }
0x2b3: {  	[tilespmem:s19+$0x900] =	vst v15;
	v15 =	vmul.f32 v17, v12;
	v17 =	vld [tilespmem:s19+$0x970]  }
0x2b4: {  	[tilespmem:s19+$0x910] =	vst v13;
	v13 =	vmul.f32 v16, v12;
	v16 =	vld [tilespmem:s19+$0xD00]  }
0x2b5: {  	[tilespmem:s19+$0x920] =	vst v15;
	v14 =	vmul.f32 v14, v12;
	v15 =	vld [tilespmem:s19+$0xD10]  }
0x2b6: {  	[tilespmem:s19+$0x930] =	vst v13;
	v13 =	vmul.f32 v19, v12;
	v19 =	vld [tilespmem:s19+$0xD20]  }
0x2b7: {  	[tilespmem:s19+$0x940] =	vst v14;
	v14 =	vmul.f32 v18, v12;
	v18 =	vld [tilespmem:s19+$0xD30]  }
0x2b8: {  	[tilespmem:s19+$0x950] =	vst v13;
	v13 =	vmul.f32 v17, v12;
	v17 =	vld [tilespmem:s19+$0xD40]  }
0x2b9: {  	[tilespmem:s19+$0x960] =	vst v14;
	v14 =	vmul.f32 v16, v12;
	v16 =	vld [tilespmem:s19+$0xD50]  }
0x2ba: {  	[tilespmem:s19+$0x970] =	vst v13;
	v13 =	vmul.f32 v15, v12;
	v15 =	vld [tilespmem:s19+$0xD60]  }
0x2bb: {  	[tilespmem:s19+$0xD00] =	vst v14;
	v14 =	vmul.f32 v19, v12;
	v19 =	vld [tilespmem:s19+$0xD70]  }
0x2bc: {  	[tilespmem:s19+$0xD10] =	vst v13;
	v13 =	vmul.f32 v18, v12;
	v18 =	vld [tilespmem:s19+$0x980]  }
0x2bd: {  	[tilespmem:s19+$0xD20] =	vst v14;
	v14 =	vmul.f32 v17, v12;
	v17 =	vld [tilespmem:s19+$0x990]  }
0x2be: {  	[tilespmem:s19+$0xD30] =	vst v13;
	v13 =	vmul.f32 v16, v12;
	v16 =	vld [tilespmem:s19+$0x9A0]  }
0x2bf: {  	[tilespmem:s19+$0xD40] =	vst v14;
	v14 =	vmul.f32 v15, v12;
	v15 =	vld [tilespmem:s19+$0x9B0]  }
0x2c0: {  	[tilespmem:s19+$0xD50] =	vst v13;
	v12 =	vmul.f32 v19, v12;
	v13 =	vld [tilespmem:s19+$0x9C0]  }
0x2c1: {  	[tilespmem:s19+$0xD60] =	vst v14;
	v14 =	vmul.f32 v18, v11;
	v18 =	vld [tilespmem:s19+$0x9D0]  }
0x2c2: {  	[tilespmem:s19+$0xD70] =	vst v12;
	v12 =	vmul.f32 v17, v11;
	v17 =	vld [tilespmem:s19+$0x9E0]  }
0x2c3: {  	[tilespmem:s19+$0x980] =	vst v14;
	v14 =	vmul.f32 v16, v11;
	v16 =	vld [tilespmem:s19+$0x9F0]  }
0x2c4: {  	[tilespmem:s19+$0x990] =	vst v12;
	v12 =	vmul.f32 v15, v11;
	v15 =	vld [tilespmem:s19+$0xD80]  }
0x2c5: {  	[tilespmem:s19+$0x9A0] =	vst v14;
	v13 =	vmul.f32 v13, v11;
	v14 =	vld [tilespmem:s19+$0xD90]  }
0x2c6: {  	[tilespmem:s19+$0x9B0] =	vst v12;
	v12 =	vmul.f32 v18, v11;
	v18 =	vld [tilespmem:s19+$0xDA0]  }
0x2c7: {  	[tilespmem:s19+$0x9C0] =	vst v13;
	v13 =	vmul.f32 v17, v11;
	v17 =	vld [tilespmem:s19+$0xDB0]  }
0x2c8: {  	[tilespmem:s19+$0x9D0] =	vst v12;
	v12 =	vmul.f32 v16, v11;
	v16 =	vld [tilespmem:s19+$0xDC0]  }
0x2c9: {  	[tilespmem:s19+$0x9E0] =	vst v13;
	v13 =	vmul.f32 v15, v11;
	v15 =	vld [tilespmem:s19+$0xDD0]  }
0x2ca: {  	[tilespmem:s19+$0x9F0] =	vst v12;
	v12 =	vmul.f32 v14, v11;
	v14 =	vld [tilespmem:s19+$0xDE0]  }
0x2cb: {  	[tilespmem:s19+$0xD80] =	vst v13;
	v13 =	vmul.f32 v18, v11;
	v18 =	vld [tilespmem:s19+$0xDF0]  }
0x2cc: {  	[tilespmem:s19+$0xD90] =	vst v12;
	v12 =	vmul.f32 v17, v11;
	v17 =	vld [tilespmem:s19+$0xA00]  }
0x2cd: {  	[tilespmem:s19+$0xDA0] =	vst v13;
	v13 =	vmul.f32 v16, v11;
	v16 =	vld [tilespmem:s19+$0xA10]  }
0x2ce: {  	[tilespmem:s19+$0xDB0] =	vst v12;
	v12 =	vmul.f32 v15, v11;
	v15 =	vld [tilespmem:s19+$0xA20]  }
0x2cf: {  	[tilespmem:s19+$0xDC0] =	vst v13;
	v13 =	vmul.f32 v14, v11;
	v14 =	vld [tilespmem:s19+$0xA30]  }
0x2d0: {  	[tilespmem:s19+$0xDD0] =	vst v12;
	v11 =	vmul.f32 v18, v11;
	v12 =	vld [tilespmem:s19+$0xA40]  }
0x2d1: {  	[tilespmem:s19+$0xDE0] =	vst v13;
	v13 =	vmul.f32 v17, v10;
	v17 =	vld [tilespmem:s19+$0xA50]  }
0x2d2: {  	[tilespmem:s19+$0xDF0] =	vst v11;
	v11 =	vmul.f32 v16, v10;
	v16 =	vld [tilespmem:s19+$0xA60]  }
0x2d3: {  	[tilespmem:s19+$0xA00] =	vst v13;
	v13 =	vmul.f32 v15, v10;
	v15 =	vld [tilespmem:s19+$0xA70]  }
0x2d4: {  	[tilespmem:s19+$0xA10] =	vst v11;
	v11 =	vmul.f32 v14, v10;
	v14 =	vld [tilespmem:s19+$0xE00]  }
0x2d5: {  	[tilespmem:s19+$0xA20] =	vst v13;
	v12 =	vmul.f32 v12, v10;
	v13 =	vld [tilespmem:s19+$0xE10]  }
0x2d6: {  	[tilespmem:s19+$0xA30] =	vst v11;
	v11 =	vmul.f32 v17, v10;
	v17 =	vld [tilespmem:s19+$0xE20]  }
0x2d7: {  	[tilespmem:s19+$0xA40] =	vst v12;
	v12 =	vmul.f32 v16, v10;
	v16 =	vld [tilespmem:s19+$0xE30]  }
0x2d8: {  	[tilespmem:s19+$0xA50] =	vst v11;
	v11 =	vmul.f32 v15, v10;
	v15 =	vld [tilespmem:s19+$0xE40]  }
0x2d9: {  	[tilespmem:s19+$0xA60] =	vst v12;
	v12 =	vmul.f32 v14, v10;
	v14 =	vld [tilespmem:s19+$0xE50]  }
0x2da: {  	[tilespmem:s19+$0xA70] =	vst v11;
	v11 =	vmul.f32 v13, v10;
	v13 =	vld [tilespmem:s19+$0xE60]  }
0x2db: {  	[tilespmem:s19+$0xE00] =	vst v12;
	v12 =	vmul.f32 v17, v10;
	v17 =	vld [tilespmem:s19+$0xE70]  }
0x2dc: {  	[tilespmem:s19+$0xE10] =	vst v11;
	v11 =	vmul.f32 v16, v10;
	v16 =	vld [tilespmem:s19+$0xA80]  }
0x2dd: {  	[tilespmem:s19+$0xE20] =	vst v12;
	v12 =	vmul.f32 v15, v10;
	v15 =	vld [tilespmem:s19+$0xA90]  }
0x2de: {  	[tilespmem:s19+$0xE30] =	vst v11;
	v11 =	vmul.f32 v14, v10;
	v14 =	vld [tilespmem:s19+$0xAA0]  }
0x2df: {  	[tilespmem:s19+$0xE40] =	vst v12;
	v12 =	vmul.f32 v13, v10;
	v13 =	vld [tilespmem:s19+$0xAB0]  }
0x2e0: {  	[tilespmem:s19+$0xE50] =	vst v11;
	v10 =	vmul.f32 v17, v10;
	v11 =	vld [tilespmem:s19+$0xAC0]  }
0x2e1: {  	[tilespmem:s19+$0xE60] =	vst v12;
	v12 =	vmul.f32 v16, v9;
	v16 =	vld [tilespmem:s19+$0xAD0]  }
0x2e2: {  	[tilespmem:s19+$0xE70] =	vst v10;
	v10 =	vmul.f32 v15, v9;
	v15 =	vld [tilespmem:s19+$0xAE0]  }
0x2e3: {  	[tilespmem:s19+$0xA80] =	vst v12;
	v12 =	vmul.f32 v14, v9;
	v14 =	vld [tilespmem:s19+$0xAF0]  }
0x2e4: {  	[tilespmem:s19+$0xA90] =	vst v10;
	v10 =	vmul.f32 v13, v9;
	v13 =	vld [tilespmem:s19+$0xE80]  }
0x2e5: {  	[tilespmem:s19+$0xAA0] =	vst v12;
	v11 =	vmul.f32 v11, v9;
	v12 =	vld [tilespmem:s19+$0xE90]  }
0x2e6: {  	[tilespmem:s19+$0xAB0] =	vst v10;
	v10 =	vmul.f32 v16, v9;
	v16 =	vld [tilespmem:s19+$0xEA0]  }
0x2e7: {  	[tilespmem:s19+$0xAC0] =	vst v11;
	v11 =	vmul.f32 v15, v9;
	v15 =	vld [tilespmem:s19+$0xEB0]  }
0x2e8: {  	[tilespmem:s19+$0xAD0] =	vst v10;
	v10 =	vmul.f32 v14, v9;
	v14 =	vld [tilespmem:s19+$0xEC0]  }
0x2e9: {  	[tilespmem:s19+$0xAE0] =	vst v11;
	v11 =	vmul.f32 v13, v9;
	v13 =	vld [tilespmem:s19+$0xED0]  }
0x2ea: {  	[tilespmem:s19+$0xAF0] =	vst v10;
	v10 =	vmul.f32 v12, v9;
	v12 =	vld [tilespmem:s19+$0xEE0]  }
0x2eb: {  	[tilespmem:s19+$0xE80] =	vst v11;
	v11 =	vmul.f32 v16, v9;
	v16 =	vld [tilespmem:s19+$0xEF0]  }
0x2ec: {  	[tilespmem:s19+$0xE90] =	vst v10;
	v10 =	vmul.f32 v15, v9;
	v15 =	vld [tilespmem:s19+$0xB00]  }
0x2ed: {  	[tilespmem:s19+$0xEA0] =	vst v11;
	v11 =	vmul.f32 v14, v9;
	v14 =	vld [tilespmem:s19+$0xB10]  }
0x2ee: {  	[tilespmem:s19+$0xEB0] =	vst v10;
	v10 =	vmul.f32 v13, v9;
	v13 =	vld [tilespmem:s19+$0xB20]  }
0x2ef: {  	[tilespmem:s19+$0xEC0] =	vst v11;
	v11 =	vmul.f32 v12, v9;
	v12 =	vld [tilespmem:s19+$0xB30]  }
0x2f0: {  	[tilespmem:s19+$0xED0] =	vst v10;
	v9 =	vmul.f32 v16, v9;
	v10 =	vld [tilespmem:s19+$0xB40]  }
0x2f1: {  	[tilespmem:s19+$0xEE0] =	vst v11;
	v11 =	vmul.f32 v15, v8;
	v15 =	vld [tilespmem:s19+$0xB50]  }
0x2f2: {  	[tilespmem:s19+$0xEF0] =	vst v9;
	v9 =	vmul.f32 v14, v8;
	v14 =	vld [tilespmem:s19+$0xB60]  }
0x2f3: {  	[tilespmem:s19+$0xB00] =	vst v11;
	v11 =	vmul.f32 v13, v8;
	v13 =	vld [tilespmem:s19+$0xB70]  }
0x2f4: {  	[tilespmem:s19+$0xB10] =	vst v9;
	v9 =	vmul.f32 v12, v8;
	v12 =	vld [tilespmem:s19+$0xF00]  }
0x2f5: {  	[tilespmem:s19+$0xB20] =	vst v11;
	v10 =	vmul.f32 v10, v8;
	v11 =	vld [tilespmem:s19+$0xF10]  }
0x2f6: {  	[tilespmem:s19+$0xB30] =	vst v9;
	v9 =	vmul.f32 v15, v8;
	v15 =	vld [tilespmem:s19+$0xF20]  }
0x2f7: {  	[tilespmem:s19+$0xB40] =	vst v10;
	v10 =	vmul.f32 v14, v8;
	v14 =	vld [tilespmem:s19+$0xF30]  }
0x2f8: {  	[tilespmem:s19+$0xB50] =	vst v9;
	v9 =	vmul.f32 v13, v8;
	v13 =	vld [tilespmem:s19+$0xF40]  }
0x2f9: {  	[tilespmem:s19+$0xB60] =	vst v10;
	v10 =	vmul.f32 v12, v8  }
0x2fa: {  	[tilespmem:s19+$0xB70] =	vst v9;
	v9 =	vmul.f32 v11, v8  }
0x2fb: {  	[tilespmem:s19+$0xF00] =	vst v10;
	v10 =	vmul.f32 v15, v8  }
0x2fc: {  	[tilespmem:s19+$0xF10] =	vst v9;
	v9 =	vmul.f32 v14, v8  }
0x2fd: {  	[tilespmem:s19+$0xF20] =	vst v10;
	v8 =	vmul.f32 v13, v8  }
0x2fe: {  	s21 =	sshll.u32 s0, $0x4;
	[tilespmem:s19+$0xF30] =	vst v9  }
0x2ff: {  	s21 =	sand.u32 $0x3FFFFFF0, s21;
	[tilespmem:s19+$0xF40] =	vst v8  }
.Ltmp6:
0x300: {  	v8 =	vld [tilespmem:s21+$0x11900];
	(pc) =	sbr.rel @p1 .LBB2_11-.Ltmp6, $2  }
0x301: {  	_ =	sdelay $0x2  }
0x302: {  	s0 =	sadd.s32 $0x1, s0  }
0x303: {  	_ =	sdelay $0x3  }
0x304: {  	v9 =	vld.idx.msk [tilespmem:v8+s15+$0x0], $0xffff;
	s0 =	sshll.u32 s31, $0xC  }
0x305: {  	s0 =	sand.u32 $0x3FFFF000, s0  }
0x306: {  	v8 =	vld [tilespmem:s0+$0x0]  }
0x307: {  	v10 =	vld [tilespmem:s0+$0x10]  }
0x308: {  	v13 =	vld [tilespmem:s0+$0x30]  }
0x309: {  	v11 =	vld [tilespmem:s0+$0x20];
	v12 =	vbroadcast v9, $0x0  }
0x30a: {  	v15 =	vld [tilespmem:s0+$0x50]  }
0x30b: {  	v14 =	vld [tilespmem:s0+$0x40];
	v8 =	vmul.f32 v12, v8  }
0x30c: {  	v16 =	vld [tilespmem:s0+$0x60];
	v10 =	vmul.f32 v10, v12  }
0x30d: {  	v46 =	vmul.f32 v13, v12;
	[tilespmem:s0+$0x0] =	vst v8  }
0x30e: {  	v50 =	vld [tilespmem:s0+$0xB80];
	v8 =	vmul.f32 v11, v12;
	[tilespmem:s0+$0x10] =	vst v10  }
0x30f: {  	v17 =	vld [tilespmem:s0+$0xB90];
	v49 =	vmul.f32 v15, v12;
	[tilespmem:s0+$0x30] =	vst v46  }
0x310: {  	v51 =	vld [tilespmem:s0+$0xBA0];
	[tilespmem:s0+$0x20] =	vst v8;
	v8 =	vmul.f32 v14, v12  }
0x311: {  	v45 =	vld [tilespmem:s0+$0xF50];
	v52 =	vbroadcast v9, $0xF;
	v16 =	vmul.f32 v16, v12;
	[tilespmem:s0+$0x50] =	vst v49  }
0x312: {  	v47 =	vld [tilespmem:s0+$0xF60];
	[tilespmem:s0+$0x40] =	vst v8  }
0x313: {  	v48 =	vld [tilespmem:s0+$0xF70];
	v55 =	vmul.f32 v50, v52;
	[tilespmem:s0+$0x60] =	vst v16  }
0x314: {  	v57 =	vmul.f32 v17, v52;
	v8 =	vbroadcast v9, $0xE;
	v18 =	vld [tilespmem:s0+$0xBB0]  }
0x315: {  	v10 =	vmul.f32 v51, v52;
	[tilespmem:s0+$0xB80] =	vst v55;
	v54 =	vld [tilespmem:s0+$0xBC0]  }
0x316: {  	[tilespmem:s0+$0xB90] =	vst v57;
	v56 =	vld [tilespmem:s0+$0xBD0];
	v11 =	vmul.f32 v45, v8  }
0x317: {  	[tilespmem:s0+$0xBA0] =	vst v10;
	v58 =	vld [tilespmem:s0+$0xBE0];
	v13 =	vmul.f32 v47, v8  }
0x318: {  	v59 =	vld [tilespmem:s0+$0xBF0];
	v53 =	vmul.f32 v48, v8;
	[tilespmem:s0+$0xF50] =	vst v11  }
0x319: {  	v61 =	vld [tilespmem:s0+$0xF80];
	[tilespmem:s0+$0xF60] =	vst v13;
	v60 =	vmul.f32 v18, v52  }
0x31a: {  	v63 =	vld [tilespmem:s0+$0xF90];
	[tilespmem:s0+$0xF70] =	vst v53;
	v62 =	vmul.f32 v54, v52  }
0x31b: {  	v22 =	vld [tilespmem:s0+$0xFA0];
	v21 =	vmul.f32 v56, v52;
	[tilespmem:s0+$0xBB0] =	vst v60  }
0x31c: {  	v24 =	vld [tilespmem:s0+$0xFB0];
	v23 =	vmul.f32 v58, v52;
	[tilespmem:s0+$0xBC0] =	vst v62  }
0x31d: {  	v26 =	vld [tilespmem:s0+$0xFC0];
	v25 =	vmul.f32 v59, v52;
	[tilespmem:s0+$0xBD0] =	vst v21  }
0x31e: {  	v28 =	vld [tilespmem:s0+$0xFD0];
	v27 =	vmul.f32 v61, v52;
	[tilespmem:s0+$0xBE0] =	vst v23  }
0x31f: {  	v30 =	vld [tilespmem:s0+$0xFE0];
	v29 =	vmul.f32 v63, v52;
	[tilespmem:s0+$0xBF0] =	vst v25  }
0x320: {  	v32 =	vld [tilespmem:s0+$0xFF0];
	v31 =	vmul.f32 v22, v52;
	[tilespmem:s0+$0xF80] =	vst v27  }
0x321: {  	v19 =	vld [tilespmem:s0+$0x70];
	v33 =	vmul.f32 v24, v52;
	[tilespmem:s0+$0xF90] =	vst v29  }
0x322: {  	v34 =	vld [tilespmem:s0+$0x400];
	v35 =	vmul.f32 v26, v52;
	[tilespmem:s0+$0xFA0] =	vst v31  }
0x323: {  	v36 =	vld [tilespmem:s0+$0x410];
	v37 =	vmul.f32 v28, v52;
	[tilespmem:s0+$0xFB0] =	vst v33  }
0x324: {  	v38 =	vld [tilespmem:s0+$0x420];
	v39 =	vmul.f32 v30, v52;
	[tilespmem:s0+$0xFC0] =	vst v35  }
0x325: {  	v40 =	vld [tilespmem:s0+$0x430];
	v41 =	vmul.f32 v32, v52;
	[tilespmem:s0+$0xFD0] =	vst v37  }
0x326: {  	v43 =	vld [tilespmem:s0+$0x440];
	v42 =	vmul.f32 v19, v12;
	[tilespmem:s0+$0xFE0] =	vst v39  }
0x327: {  	v49 =	vld [tilespmem:s0+$0x470];
	v44 =	vmul.f32 v34, v12;
	[tilespmem:s0+$0xFF0] =	vst v41  }
0x328: {  	v45 =	vld [tilespmem:s0+$0x450];
	v46 =	vmul.f32 v36, v12;
	[tilespmem:s0+$0x70] =	vst v42  }
0x329: {  	v47 =	vld [tilespmem:s0+$0x460];
	v48 =	vmul.f32 v38, v12;
	[tilespmem:s0+$0x400] =	vst v44  }
0x32a: {  	v51 =	vld [tilespmem:s0+$0x80];
	v50 =	vmul.f32 v40, v12;
	[tilespmem:s0+$0x410] =	vst v46  }
0x32b: {  	v55 =	vld [tilespmem:s0+$0xA0];
	v52 =	vmul.f32 v43, v12;
	[tilespmem:s0+$0x420] =	vst v48  }
0x32c: {  	v20 =	vld [tilespmem:s0+$0xE0];
	v59 =	vmul.f32 v49, v12;
	[tilespmem:s0+$0x430] =	vst v50  }
0x32d: {  	v53 =	vld [tilespmem:s0+$0x90];
	v56 =	vbroadcast v9, $0x1;
	v54 =	vmul.f32 v45, v12;
	[tilespmem:s0+$0x440] =	vst v52  }
0x32e: {  	v58 =	vld [tilespmem:s0+$0xB0];
	v57 =	vmul.f32 v47, v12;
	[tilespmem:s0+$0x470] =	vst v59  }
0x32f: {  	v22 =	vld [tilespmem:s0+$0xF0];
	v61 =	vmul.f32 v51, v56;
	[tilespmem:s0+$0x450] =	vst v54  }
0x330: {  	v24 =	vld [tilespmem:s0+$0x480];
	v21 =	vmul.f32 v55, v56;
	[tilespmem:s0+$0x460] =	vst v57  }
0x331: {  	v26 =	vld [tilespmem:s0+$0x490];
	v29 =	vmul.f32 v20, v56;
	[tilespmem:s0+$0x80] =	vst v61  }
0x332: {  	v28 =	vld [tilespmem:s0+$0x4A0];
	v63 =	vmul.f32 v53, v56;
	[tilespmem:s0+$0xA0] =	vst v21  }
0x333: {  	v30 =	vld [tilespmem:s0+$0x4B0];
	[tilespmem:s0+$0xE0] =	vst v29;
	v23 =	vmul.f32 v58, v56  }
0x334: {  	v32 =	vld [tilespmem:s0+$0x4C0];
	[tilespmem:s0+$0x90] =	vst v63;
	v31 =	vmul.f32 v22, v56  }
0x335: {  	v34 =	vld [tilespmem:s0+$0x4D0];
	v33 =	vmul.f32 v24, v56;
	[tilespmem:s0+$0xB0] =	vst v23  }
0x336: {  	v36 =	vld [tilespmem:s0+$0x4E0];
	v35 =	vmul.f32 v26, v56;
	[tilespmem:s0+$0xF0] =	vst v31  }
0x337: {  	v38 =	vld [tilespmem:s0+$0x4F0];
	v37 =	vmul.f32 v28, v56;
	[tilespmem:s0+$0x480] =	vst v33  }
0x338: {  	v40 =	vld [tilespmem:s0+$0x100];
	v39 =	vmul.f32 v30, v56;
	[tilespmem:s0+$0x490] =	vst v35  }
0x339: {  	v49 =	vld [tilespmem:s0+$0x140];
	v41 =	vmul.f32 v32, v56;
	[tilespmem:s0+$0x4A0] =	vst v37  }
0x33a: {  	v60 =	vld [tilespmem:s0+$0xC0];
	v43 =	vmul.f32 v34, v56;
	[tilespmem:s0+$0x4B0] =	vst v39  }
0x33b: {  	v45 =	vbroadcast v9, $0x2;
	v62 =	vld [tilespmem:s0+$0xD0];
	v46 =	vmul.f32 v36, v56;
	[tilespmem:s0+$0x4C0] =	vst v41  }
0x33c: {  	v42 =	vld [tilespmem:s0+$0x110];
	v48 =	vmul.f32 v38, v56;
	[tilespmem:s0+$0x4D0] =	vst v43  }
0x33d: {  	v44 =	vld [tilespmem:s0+$0x120];
	v50 =	vmul.f32 v40, v45;
	[tilespmem:s0+$0x4E0] =	vst v46  }
0x33e: {  	v47 =	vld [tilespmem:s0+$0x130];
	v58 =	vmul.f32 v49, v45;
	[tilespmem:s0+$0x4F0] =	vst v48  }
0x33f: {  	v51 =	vld [tilespmem:s0+$0x150];
	v25 =	vmul.f32 v60, v56;
	[tilespmem:s0+$0x100] =	vst v50  }
0x340: {  	v55 =	vld [tilespmem:s0+$0x170];
	v27 =	vmul.f32 v62, v56;
	[tilespmem:s0+$0x140] =	vst v58  }
0x341: {  	v59 =	vld [tilespmem:s0+$0x510];
	v52 =	vmul.f32 v42, v45;
	[tilespmem:s0+$0xC0] =	vst v25  }
0x342: {  	v20 =	vld [tilespmem:s0+$0x540];
	v54 =	vmul.f32 v44, v45;
	[tilespmem:s0+$0xD0] =	vst v27  }
0x343: {  	v53 =	vld [tilespmem:s0+$0x160];
	v56 =	vmul.f32 v47, v45;
	[tilespmem:s0+$0x110] =	vst v52  }
0x344: {  	v57 =	vld [tilespmem:s0+$0x500];
	v60 =	vmul.f32 v51, v45;
	[tilespmem:s0+$0x120] =	vst v54  }
0x345: {  	v61 =	vld [tilespmem:s0+$0x520];
	v19 =	vmul.f32 v55, v45;
	[tilespmem:s0+$0x130] =	vst v56  }
0x346: {  	v63 =	vld [tilespmem:s0+$0x530];
	v23 =	vmul.f32 v59, v45;
	[tilespmem:s0+$0x150] =	vst v60  }
0x347: {  	v22 =	vld [tilespmem:s0+$0x550];
	v29 =	vmul.f32 v20, v45;
	[tilespmem:s0+$0x170] =	vst v19  }
0x348: {  	v24 =	vld [tilespmem:s0+$0x560];
	v62 =	vmul.f32 v53, v45;
	[tilespmem:s0+$0x510] =	vst v23  }
0x349: {  	v26 =	vld [tilespmem:s0+$0x570];
	v21 =	vmul.f32 v57, v45;
	[tilespmem:s0+$0x540] =	vst v29  }
0x34a: {  	v28 =	vld [tilespmem:s0+$0x180];
	v25 =	vmul.f32 v61, v45;
	[tilespmem:s0+$0x160] =	vst v62  }
0x34b: {  	v30 =	vld [tilespmem:s0+$0x190];
	[tilespmem:s0+$0x500] =	vst v21;
	v27 =	vmul.f32 v63, v45  }
0x34c: {  	v32 =	vld [tilespmem:s0+$0x1A0];
	v31 =	vmul.f32 v22, v45;
	[tilespmem:s0+$0x520] =	vst v25  }
0x34d: {  	v49 =	vld [tilespmem:s0+$0x5A0];
	v33 =	vbroadcast v9, $0x3;
	v34 =	vmul.f32 v24, v45;
	[tilespmem:s0+$0x530] =	vst v27  }
0x34e: {  	v35 =	vld [tilespmem:s0+$0x1B0];
	v36 =	vmul.f32 v26, v45;
	[tilespmem:s0+$0x550] =	vst v31  }
0x34f: {  	v37 =	vld [tilespmem:s0+$0x1C0];
	v38 =	vmul.f32 v28, v33;
	[tilespmem:s0+$0x560] =	vst v34  }
0x350: {  	v39 =	vld [tilespmem:s0+$0x1D0];
	v40 =	vmul.f32 v30, v33;
	[tilespmem:s0+$0x570] =	vst v36  }
0x351: {  	v41 =	vld [tilespmem:s0+$0x1E0];
	v42 =	vmul.f32 v32, v33;
	[tilespmem:s0+$0x180] =	vst v38  }
0x352: {  	v43 =	vld [tilespmem:s0+$0x1F0];
	v58 =	vmul.f32 v49, v33;
	[tilespmem:s0+$0x190] =	vst v40  }
0x353: {  	v47 =	vld [tilespmem:s0+$0x590];
	v44 =	vmul.f32 v35, v33;
	[tilespmem:s0+$0x1A0] =	vst v42  }
0x354: {  	v51 =	vld [tilespmem:s0+$0x5B0];
	v46 =	vmul.f32 v37, v33;
	[tilespmem:s0+$0x5A0] =	vst v58  }
0x355: {  	v55 =	vld [tilespmem:s0+$0x5D0];
	v48 =	vmul.f32 v39, v33;
	[tilespmem:s0+$0x1B0] =	vst v44  }
0x356: {  	v59 =	vld [tilespmem:s0+$0x5F0];
	v50 =	vmul.f32 v41, v33;
	[tilespmem:s0+$0x1C0] =	vst v46  }
0x357: {  	v53 =	vld [tilespmem:s0+$0x5C0];
	v52 =	vmul.f32 v43, v33;
	[tilespmem:s0+$0x1D0] =	vst v48  }
0x358: {  	v57 =	vld [tilespmem:s0+$0x5E0];
	v56 =	vmul.f32 v47, v33;
	[tilespmem:s0+$0x1E0] =	vst v50  }
0x359: {  	v61 =	vld [tilespmem:s0+$0x200];
	v60 =	vmul.f32 v51, v33;
	[tilespmem:s0+$0x1F0] =	vst v52  }
0x35a: {  	v45 =	vld [tilespmem:s0+$0x580];
	v20 =	vmul.f32 v55, v33;
	[tilespmem:s0+$0x590] =	vst v56  }
0x35b: {  	v63 =	vld [tilespmem:s0+$0x210];
	v25 =	vmul.f32 v59, v33;
	[tilespmem:s0+$0x5B0] =	vst v60  }
0x35c: {  	v21 =	vld [tilespmem:s0+$0x220];
	v22 =	vbroadcast v9, $0x4;
	v62 =	vmul.f32 v53, v33;
	[tilespmem:s0+$0x5D0] =	vst v20  }
0x35d: {  	v24 =	vld [tilespmem:s0+$0x230];
	v23 =	vmul.f32 v57, v33;
	[tilespmem:s0+$0x5F0] =	vst v25  }
0x35e: {  	v26 =	vld [tilespmem:s0+$0x240];
	v27 =	vmul.f32 v61, v22;
	[tilespmem:s0+$0x5C0] =	vst v62  }
0x35f: {  	v28 =	vld [tilespmem:s0+$0x250];
	v54 =	vmul.f32 v45, v33;
	[tilespmem:s0+$0x5E0] =	vst v23  }
0x360: {  	v30 =	vld [tilespmem:s0+$0x260];
	v29 =	vmul.f32 v63, v22;
	[tilespmem:s0+$0x200] =	vst v27  }
0x361: {  	v32 =	vld [tilespmem:s0+$0x270];
	v31 =	vmul.f32 v21, v22;
	[tilespmem:s0+$0x580] =	vst v54  }
0x362: {  	v34 =	vld [tilespmem:s0+$0x600];
	v33 =	vmul.f32 v24, v22;
	[tilespmem:s0+$0x210] =	vst v29  }
0x363: {  	v36 =	vld [tilespmem:s0+$0x610];
	v35 =	vmul.f32 v26, v22;
	[tilespmem:s0+$0x220] =	vst v31  }
0x364: {  	v38 =	vld [tilespmem:s0+$0x620];
	v37 =	vmul.f32 v28, v22;
	[tilespmem:s0+$0x230] =	vst v33  }
0x365: {  	v40 =	vld [tilespmem:s0+$0x630];
	v39 =	vmul.f32 v30, v22;
	[tilespmem:s0+$0x240] =	vst v35  }
0x366: {  	v42 =	vld [tilespmem:s0+$0x640];
	v41 =	vmul.f32 v32, v22;
	[tilespmem:s0+$0x250] =	vst v37  }
0x367: {  	v59 =	vld [tilespmem:s0+$0x2C0];
	[tilespmem:s0+$0x260] =	vst v39;
	v43 =	vmul.f32 v34, v22  }
0x368: {  	v44 =	vld [tilespmem:s0+$0x650];
	[tilespmem:s0+$0x270] =	vst v41;
	v45 =	vmul.f32 v36, v22  }
0x369: {  	v46 =	vld [tilespmem:s0+$0x660];
	v47 =	vmul.f32 v38, v22;
	[tilespmem:s0+$0x600] =	vst v43  }
0x36a: {  	v55 =	vbroadcast v9, $0x5;
	v48 =	vld [tilespmem:s0+$0x670];
	v49 =	vmul.f32 v40, v22;
	[tilespmem:s0+$0x610] =	vst v45  }
0x36b: {  	v50 =	vld [tilespmem:s0+$0x280];
	v51 =	vmul.f32 v42, v22;
	[tilespmem:s0+$0x620] =	vst v47  }
0x36c: {  	v52 =	vld [tilespmem:s0+$0x290];
	v24 =	vmul.f32 v59, v55;
	[tilespmem:s0+$0x630] =	vst v49  }
0x36d: {  	v57 =	vld [tilespmem:s0+$0x2B0];
	v53 =	vmul.f32 v44, v22;
	[tilespmem:s0+$0x640] =	vst v51  }
0x36e: {  	v61 =	vld [tilespmem:s0+$0x2D0];
	v56 =	vmul.f32 v46, v22;
	[tilespmem:s0+$0x2C0] =	vst v24  }
0x36f: {  	v25 =	vld [tilespmem:s0+$0x690];
	v58 =	vmul.f32 v48, v22;
	[tilespmem:s0+$0x650] =	vst v53  }
0x370: {  	v63 =	vld [tilespmem:s0+$0x2E0];
	v60 =	vmul.f32 v50, v55;
	[tilespmem:s0+$0x660] =	vst v56  }
0x371: {  	v21 =	vld [tilespmem:s0+$0x2F0];
	v62 =	vmul.f32 v52, v55;
	[tilespmem:s0+$0x670] =	vst v58  }
0x372: {  	v23 =	vld [tilespmem:s0+$0x680];
	v22 =	vmul.f32 v57, v55;
	[tilespmem:s0+$0x280] =	vst v60  }
0x373: {  	v27 =	vld [tilespmem:s0+$0x6A0];
	v26 =	vmul.f32 v61, v55;
	[tilespmem:s0+$0x290] =	vst v62  }
0x374: {  	v54 =	vld [tilespmem:s0+$0x2A0];
	v34 =	vmul.f32 v25, v55;
	[tilespmem:s0+$0x2B0] =	vst v22  }
0x375: {  	v29 =	vld [tilespmem:s0+$0x6B0];
	v28 =	vmul.f32 v63, v55;
	[tilespmem:s0+$0x2D0] =	vst v26  }
0x376: {  	v31 =	vld [tilespmem:s0+$0x6C0];
	v30 =	vmul.f32 v21, v55;
	[tilespmem:s0+$0x690] =	vst v34  }
0x377: {  	v33 =	vld [tilespmem:s0+$0x6D0];
	v32 =	vmul.f32 v23, v55;
	[tilespmem:s0+$0x2E0] =	vst v28  }
0x378: {  	v35 =	vld [tilespmem:s0+$0x6E0];
	v36 =	vmul.f32 v27, v55;
	[tilespmem:s0+$0x2F0] =	vst v30  }
0x379: {  	v37 =	vld [tilespmem:s0+$0x6F0];
	v20 =	vmul.f32 v54, v55;
	[tilespmem:s0+$0x680] =	vst v32  }
0x37a: {  	v39 =	vld [tilespmem:s0+$0x300];
	v38 =	vmul.f32 v29, v55;
	[tilespmem:s0+$0x6A0] =	vst v36  }
0x37b: {  	v41 =	vld [tilespmem:s0+$0x310];
	v40 =	vmul.f32 v31, v55;
	[tilespmem:s0+$0x2A0] =	vst v20  }
0x37c: {  	v43 =	vld [tilespmem:s0+$0x320];
	v42 =	vmul.f32 v33, v55;
	[tilespmem:s0+$0x6B0] =	vst v38  }
0x37d: {  	v44 =	vbroadcast v9, $0x6;
	v46 =	vld [tilespmem:s0+$0x330];
	v45 =	vmul.f32 v35, v55;
	[tilespmem:s0+$0x6C0] =	vst v40  }
0x37e: {  	v48 =	vld [tilespmem:s0+$0x340];
	v47 =	vmul.f32 v37, v55;
	[tilespmem:s0+$0x6D0] =	vst v42  }
0x37f: {  	v50 =	vld [tilespmem:s0+$0x350];
	v49 =	vmul.f32 v39, v44;
	[tilespmem:s0+$0x6E0] =	vst v45  }
0x380: {  	v52 =	vld [tilespmem:s0+$0x360];
	v51 =	vmul.f32 v41, v44;
	[tilespmem:s0+$0x6F0] =	vst v47  }
0x381: {  	v24 =	vld [tilespmem:s0+$0x760];
	[tilespmem:s0+$0x300] =	vst v49;
	v53 =	vmul.f32 v43, v44  }
0x382: {  	v56 =	vld [tilespmem:s0+$0x700];
	[tilespmem:s0+$0x310] =	vst v51;
	v55 =	vmul.f32 v46, v44  }
0x383: {  	v58 =	vld [tilespmem:s0+$0x710];
	v57 =	vmul.f32 v48, v44;
	[tilespmem:s0+$0x320] =	vst v53  }
0x384: {  	v60 =	vld [tilespmem:s0+$0x720];
	v59 =	vmul.f32 v50, v44;
	[tilespmem:s0+$0x330] =	vst v55  }
0x385: {  	v62 =	vld [tilespmem:s0+$0x730];
	v61 =	vmul.f32 v52, v44;
	[tilespmem:s0+$0x340] =	vst v57  }
0x386: {  	v22 =	vld [tilespmem:s0+$0x750];
	v34 =	vmul.f32 v24, v44;
	[tilespmem:s0+$0x350] =	vst v59  }
0x387: {  	v26 =	vld [tilespmem:s0+$0x770];
	[tilespmem:s0+$0x360] =	vst v61;
	v21 =	vmul.f32 v56, v44  }
0x388: {  	v54 =	vld [tilespmem:s0+$0x370];
	v23 =	vmul.f32 v58, v44;
	[tilespmem:s0+$0x760] =	vst v34  }
0x389: {  	v28 =	vld [tilespmem:s0+$0x380];
	v25 =	vmul.f32 v60, v44;
	[tilespmem:s0+$0x700] =	vst v21  }
0x38a: {  	v30 =	vld [tilespmem:s0+$0x390];
	v27 =	vmul.f32 v62, v44;
	[tilespmem:s0+$0x710] =	vst v23  }
0x38b: {  	v32 =	vld [tilespmem:s0+$0x3A0];
	v31 =	vmul.f32 v22, v44;
	[tilespmem:s0+$0x720] =	vst v25  }
0x38c: {  	v33 =	vbroadcast v9, $0x7;
	v37 =	vld [tilespmem:s0+$0x3C0];
	v36 =	vmul.f32 v26, v44;
	[tilespmem:s0+$0x730] =	vst v27  }
0x38d: {  	v39 =	vld [tilespmem:s0+$0x3D0];
	v63 =	vmul.f32 v54, v44;
	[tilespmem:s0+$0x750] =	vst v31  }
0x38e: {  	v41 =	vld [tilespmem:s0+$0x3E0];
	v38 =	vmul.f32 v28, v33;
	[tilespmem:s0+$0x770] =	vst v36  }
0x38f: {  	v20 =	vld [tilespmem:s0+$0x740];
	v40 =	vmul.f32 v30, v33;
	[tilespmem:s0+$0x370] =	vst v63  }
0x390: {  	v35 =	vld [tilespmem:s0+$0x3B0];
	v42 =	vmul.f32 v32, v33;
	[tilespmem:s0+$0x380] =	vst v38  }
0x391: {  	v43 =	vld [tilespmem:s0+$0x3F0];
	v46 =	vmul.f32 v37, v33;
	[tilespmem:s0+$0x390] =	vst v40  }
0x392: {  	v45 =	vld [tilespmem:s0+$0x780];
	v48 =	vmul.f32 v39, v33;
	[tilespmem:s0+$0x3A0] =	vst v42  }
0x393: {  	v47 =	vld [tilespmem:s0+$0x790];
	v50 =	vmul.f32 v41, v33;
	[tilespmem:s0+$0x3C0] =	vst v46  }
0x394: {  	v49 =	vld [tilespmem:s0+$0x7A0];
	v29 =	vmul.f32 v20, v44;
	[tilespmem:s0+$0x3D0] =	vst v48  }
0x395: {  	v51 =	vld [tilespmem:s0+$0x7B0];
	v44 =	vmul.f32 v35, v33;
	[tilespmem:s0+$0x3E0] =	vst v50  }
0x396: {  	v53 =	vld [tilespmem:s0+$0x7C0];
	v52 =	vmul.f32 v43, v33;
	[tilespmem:s0+$0x740] =	vst v29  }
0x397: {  	v55 =	vld [tilespmem:s0+$0x7D0];
	v54 =	vmul.f32 v45, v33;
	[tilespmem:s0+$0x3B0] =	vst v44  }
0x398: {  	v57 =	vld [tilespmem:s0+$0x7E0];
	v56 =	vmul.f32 v47, v33;
	[tilespmem:s0+$0x3F0] =	vst v52  }
0x399: {  	v59 =	vld [tilespmem:s0+$0x7F0];
	v58 =	vmul.f32 v49, v33;
	[tilespmem:s0+$0x780] =	vst v54  }
0x39a: {  	v61 =	vld [tilespmem:s0+$0x800];
	v60 =	vmul.f32 v51, v33;
	[tilespmem:s0+$0x790] =	vst v56  }
0x39b: {  	v24 =	vld [tilespmem:s0+$0x830];
	[tilespmem:s0+$0x7A0] =	vst v58;
	v62 =	vmul.f32 v53, v33  }
0x39c: {  	v26 =	vld [tilespmem:s0+$0x840];
	[tilespmem:s0+$0x7B0] =	vst v60;
	v20 =	vmul.f32 v55, v33  }
0x39d: {  	v22 =	vbroadcast v9, $0x8;
	v34 =	vld [tilespmem:s0+$0xC00];
	v23 =	vmul.f32 v57, v33;
	[tilespmem:s0+$0x7C0] =	vst v62  }
0x39e: {  	v28 =	vld [tilespmem:s0+$0x850];
	v25 =	vmul.f32 v59, v33;
	[tilespmem:s0+$0x7D0] =	vst v20  }
0x39f: {  	v30 =	vld [tilespmem:s0+$0x860];
	v27 =	vmul.f32 v61, v22;
	[tilespmem:s0+$0x7E0] =	vst v23  }
0x3a0: {  	v32 =	vld [tilespmem:s0+$0x870];
	v33 =	vmul.f32 v24, v22;
	[tilespmem:s0+$0x7F0] =	vst v25  }
0x3a1: {  	v21 =	vld [tilespmem:s0+$0x820];
	v35 =	vmul.f32 v26, v22;
	[tilespmem:s0+$0x800] =	vst v27  }
0x3a2: {  	v36 =	vld [tilespmem:s0+$0xC10];
	v43 =	vmul.f32 v34, v22;
	[tilespmem:s0+$0x830] =	vst v33  }
0x3a3: {  	v63 =	vld [tilespmem:s0+$0x810];
	v37 =	vmul.f32 v28, v22;
	[tilespmem:s0+$0x840] =	vst v35  }
0x3a4: {  	v38 =	vld [tilespmem:s0+$0xC20];
	v39 =	vmul.f32 v30, v22;
	[tilespmem:s0+$0xC00] =	vst v43  }
0x3a5: {  	v40 =	vld [tilespmem:s0+$0xC30];
	v41 =	vmul.f32 v32, v22;
	[tilespmem:s0+$0x850] =	vst v37  }
0x3a6: {  	v42 =	vld [tilespmem:s0+$0xC40];
	v31 =	vmul.f32 v21, v22;
	[tilespmem:s0+$0x860] =	vst v39  }
0x3a7: {  	v46 =	vld [tilespmem:s0+$0xC60];
	v45 =	vmul.f32 v36, v22;
	[tilespmem:s0+$0x870] =	vst v41  }
0x3a8: {  	v48 =	vld [tilespmem:s0+$0xC70];
	v29 =	vmul.f32 v63, v22;
	[tilespmem:s0+$0x820] =	vst v31  }
0x3a9: {  	v50 =	vld [tilespmem:s0+$0x880];
	v47 =	vmul.f32 v38, v22;
	[tilespmem:s0+$0xC10] =	vst v45  }
0x3aa: {  	v44 =	vld [tilespmem:s0+$0xC50];
	v49 =	vmul.f32 v40, v22;
	[tilespmem:s0+$0x810] =	vst v29  }
0x3ab: {  	v52 =	vld [tilespmem:s0+$0x890];
	v51 =	vmul.f32 v42, v22;
	[tilespmem:s0+$0xC20] =	vst v47  }
0x3ac: {  	v54 =	vld [tilespmem:s0+$0x8A0];
	v55 =	vbroadcast v9, $0x9;
	v56 =	vmul.f32 v46, v22;
	[tilespmem:s0+$0xC30] =	vst v49  }
0x3ad: {  	v57 =	vld [tilespmem:s0+$0x8B0];
	v58 =	vmul.f32 v48, v22;
	[tilespmem:s0+$0xC40] =	vst v51  }
0x3ae: {  	v59 =	vld [tilespmem:s0+$0x8C0];
	v60 =	vmul.f32 v50, v55;
	[tilespmem:s0+$0xC60] =	vst v56  }
0x3af: {  	v61 =	vld [tilespmem:s0+$0x8D0];
	v53 =	vmul.f32 v44, v22;
	[tilespmem:s0+$0xC70] =	vst v58  }
0x3b0: {  	v24 =	vld [tilespmem:s0+$0xC90];
	v62 =	vmul.f32 v52, v55;
	[tilespmem:s0+$0x880] =	vst v60  }
0x3b1: {  	v26 =	vld [tilespmem:s0+$0xCA0];
	v19 =	vmul.f32 v54, v55;
	[tilespmem:s0+$0xC50] =	vst v53  }
0x3b2: {  	v34 =	vld [tilespmem:s0+$0xCE0];
	v21 =	vmul.f32 v57, v55;
	[tilespmem:s0+$0x890] =	vst v62  }
0x3b3: {  	v28 =	vld [tilespmem:s0+$0xCB0];
	v23 =	vmul.f32 v59, v55;
	[tilespmem:s0+$0x8A0] =	vst v19  }
0x3b4: {  	v30 =	vld [tilespmem:s0+$0xCC0];
	v25 =	vmul.f32 v61, v55;
	[tilespmem:s0+$0x8B0] =	vst v21  }
0x3b5: {  	v32 =	vld [tilespmem:s0+$0xCD0];
	v33 =	vmul.f32 v24, v55;
	[tilespmem:s0+$0x8C0] =	vst v23  }
0x3b6: {  	v20 =	vld [tilespmem:s0+$0x8F0];
	v35 =	vmul.f32 v26, v55;
	[tilespmem:s0+$0x8D0] =	vst v25  }
0x3b7: {  	v36 =	vld [tilespmem:s0+$0xCF0];
	v44 =	vmul.f32 v34, v55;
	[tilespmem:s0+$0xC90] =	vst v33  }
0x3b8: {  	v63 =	vld [tilespmem:s0+$0x8E0];
	v37 =	vmul.f32 v28, v55;
	[tilespmem:s0+$0xCA0] =	vst v35  }
0x3b9: {  	v38 =	vld [tilespmem:s0+$0x900];
	v39 =	vmul.f32 v30, v55;
	[tilespmem:s0+$0xCE0] =	vst v44  }
0x3ba: {  	v40 =	vld [tilespmem:s0+$0x910];
	v41 =	vmul.f32 v32, v55;
	[tilespmem:s0+$0xCB0] =	vst v37  }
0x3bb: {  	v42 =	vld [tilespmem:s0+$0x920];
	v29 =	vmul.f32 v20, v55;
	[tilespmem:s0+$0xCC0] =	vst v39  }
0x3bc: {  	v43 =	vbroadcast v9, $0xA;
	v45 =	vld [tilespmem:s0+$0x930];
	v46 =	vmul.f32 v36, v55;
	[tilespmem:s0+$0xCD0] =	vst v41  }
0x3bd: {  	v22 =	vld [tilespmem:s0+$0xC80];
	v27 =	vmul.f32 v63, v55;
	[tilespmem:s0+$0x8F0] =	vst v29  }
0x3be: {  	v47 =	vld [tilespmem:s0+$0x940];
	v48 =	vmul.f32 v38, v43;
	[tilespmem:s0+$0xCF0] =	vst v46  }
0x3bf: {  	v49 =	vld [tilespmem:s0+$0x950];
	v50 =	vmul.f32 v40, v43;
	[tilespmem:s0+$0x8E0] =	vst v27  }
0x3c0: {  	v51 =	vld [tilespmem:s0+$0x960];
	v52 =	vmul.f32 v42, v43;
	[tilespmem:s0+$0x900] =	vst v48  }
0x3c1: {  	v57 =	vld [tilespmem:s0+$0xD10];
	v54 =	vmul.f32 v45, v43;
	[tilespmem:s0+$0x910] =	vst v50  }
0x3c2: {  	v59 =	vld [tilespmem:s0+$0xD20];
	v31 =	vmul.f32 v22, v55;
	[tilespmem:s0+$0x920] =	vst v52  }
0x3c3: {  	v61 =	vld [tilespmem:s0+$0xD30];
	v56 =	vmul.f32 v47, v43;
	[tilespmem:s0+$0x930] =	vst v54  }
0x3c4: {  	v53 =	vld [tilespmem:s0+$0x970];
	v58 =	vmul.f32 v49, v43;
	[tilespmem:s0+$0xC80] =	vst v31  }
0x3c5: {  	v21 =	vld [tilespmem:s0+$0xD50];
	v60 =	vmul.f32 v51, v43;
	[tilespmem:s0+$0x940] =	vst v56  }
0x3c6: {  	v23 =	vld [tilespmem:s0+$0xD60];
	v22 =	vmul.f32 v57, v43;
	[tilespmem:s0+$0x950] =	vst v58  }
0x3c7: {  	v25 =	vld [tilespmem:s0+$0xD70];
	v24 =	vmul.f32 v59, v43;
	[tilespmem:s0+$0x960] =	vst v60  }
0x3c8: {  	v36 =	vld [tilespmem:s0+$0x9C0];
	v26 =	vmul.f32 v61, v43;
	[tilespmem:s0+$0xD10] =	vst v22  }
0x3c9: {  	v44 =	vld [tilespmem:s0+$0xD80];
	v62 =	vmul.f32 v53, v43;
	[tilespmem:s0+$0xD20] =	vst v24  }
0x3ca: {  	v63 =	vld [tilespmem:s0+$0xD40];
	[tilespmem:s0+$0xD30] =	vst v26;
	v30 =	vmul.f32 v21, v43  }
0x3cb: {  	v32 =	vbroadcast v9, $0xB;
	v38 =	vld [tilespmem:s0+$0x9D0];
	v33 =	vmul.f32 v23, v43;
	[tilespmem:s0+$0x970] =	vst v62  }
0x3cc: {  	v40 =	vld [tilespmem:s0+$0x9E0];
	v35 =	vmul.f32 v25, v43;
	[tilespmem:s0+$0xD50] =	vst v30  }
0x3cd: {  	v42 =	vld [tilespmem:s0+$0x9F0];
	v45 =	vmul.f32 v36, v32;
	[tilespmem:s0+$0xD60] =	vst v33  }
0x3ce: {  	v29 =	vld [tilespmem:s0+$0x990];
	v53 =	vmul.f32 v44, v32;
	[tilespmem:s0+$0xD70] =	vst v35  }
0x3cf: {  	v55 =	vld [tilespmem:s0+$0xD00];
	v28 =	vmul.f32 v63, v43;
	[tilespmem:s0+$0x9C0] =	vst v45  }
0x3d0: {  	v27 =	vld [tilespmem:s0+$0x980];
	v47 =	vmul.f32 v38, v32;
	[tilespmem:s0+$0xD80] =	vst v53  }
0x3d1: {  	v34 =	vld [tilespmem:s0+$0x9B0];
	v49 =	vmul.f32 v40, v32;
	[tilespmem:s0+$0xD40] =	vst v28  }
0x3d2: {  	v46 =	vld [tilespmem:s0+$0xD90];
	v51 =	vmul.f32 v42, v32;
	[tilespmem:s0+$0x9D0] =	vst v47  }
0x3d3: {  	v48 =	vld [tilespmem:s0+$0xDA0];
	v39 =	vmul.f32 v29, v32;
	[tilespmem:s0+$0x9E0] =	vst v49  }
0x3d4: {  	v50 =	vld [tilespmem:s0+$0xDB0];
	v20 =	vmul.f32 v55, v43;
	[tilespmem:s0+$0x9F0] =	vst v51  }
0x3d5: {  	v52 =	vld [tilespmem:s0+$0xDC0];
	v37 =	vmul.f32 v27, v32;
	[tilespmem:s0+$0x990] =	vst v39  }
0x3d6: {  	v54 =	vld [tilespmem:s0+$0xDD0];
	v43 =	vmul.f32 v34, v32;
	[tilespmem:s0+$0xD00] =	vst v20  }
0x3d7: {  	v31 =	vld [tilespmem:s0+$0x9A0];
	v55 =	vmul.f32 v46, v32;
	[tilespmem:s0+$0x980] =	vst v37  }
0x3d8: {  	v56 =	vld [tilespmem:s0+$0xDE0];
	v57 =	vmul.f32 v48, v32;
	[tilespmem:s0+$0x9B0] =	vst v43  }
0x3d9: {  	v58 =	vld [tilespmem:s0+$0xDF0];
	v59 =	vmul.f32 v50, v32;
	[tilespmem:s0+$0xD90] =	vst v55  }
0x3da: {  	v60 =	vld [tilespmem:s0+$0xA00];
	v61 =	vmul.f32 v52, v32;
	[tilespmem:s0+$0xDA0] =	vst v57  }
0x3db: {  	v23 =	vld [tilespmem:s0+$0xA30];
	v63 =	vmul.f32 v54, v32;
	[tilespmem:s0+$0xDB0] =	vst v59  }
0x3dc: {  	v25 =	vld [tilespmem:s0+$0xA40];
	v41 =	vmul.f32 v31, v32;
	[tilespmem:s0+$0xDC0] =	vst v61  }
0x3dd: {  	v21 =	vbroadcast v9, $0xC;
	v62 =	vld [tilespmem:s0+$0xA10];
	v22 =	vmul.f32 v56, v32;
	[tilespmem:s0+$0xDD0] =	vst v63  }
0x3de: {  	v29 =	vld [tilespmem:s0+$0xA60];
	v24 =	vmul.f32 v58, v32;
	[tilespmem:s0+$0x9A0] =	vst v41  }
0x3df: {  	v33 =	vld [tilespmem:s0+$0xE00];
	v26 =	vmul.f32 v60, v21;
	[tilespmem:s0+$0xDE0] =	vst v22  }
0x3e0: {  	v35 =	vld [tilespmem:s0+$0xE10];
	v32 =	vmul.f32 v23, v21;
	[tilespmem:s0+$0xDF0] =	vst v24  }
0x3e1: {  	v45 =	vld [tilespmem:s0+$0xE60];
	v34 =	vmul.f32 v25, v21;
	[tilespmem:s0+$0xA00] =	vst v26  }
0x3e2: {  	v53 =	vld [tilespmem:s0+$0xAA0];
	v28 =	vmul.f32 v62, v21;
	[tilespmem:s0+$0xA30] =	vst v32  }
0x3e3: {  	v27 =	vld [tilespmem:s0+$0xA50];
	[tilespmem:s0+$0xA40] =	vst v34;
	v38 =	vmul.f32 v29, v21  }
0x3e4: {  	v47 =	vld [tilespmem:s0+$0xE70];
	v42 =	vmul.f32 v33, v21;
	[tilespmem:s0+$0xA10] =	vst v28  }
0x3e5: {  	v9 =	vbroadcast v9, $0xD;
	v49 =	vld [tilespmem:s0+$0xA80];
	v44 =	vmul.f32 v35, v21;
	[tilespmem:s0+$0xA60] =	vst v38  }
0x3e6: {  	v51 =	vld [tilespmem:s0+$0xA90];
	v54 =	vmul.f32 v45, v21;
	[tilespmem:s0+$0xE00] =	vst v42  }
0x3e7: {  	v39 =	vld [tilespmem:s0+$0xE30];
	v62 =	vmul.f32 v53, v9;
	[tilespmem:s0+$0xE10] =	vst v44  }
0x3e8: {  	v20 =	vld [tilespmem:s0+$0xA20];
	v36 =	vmul.f32 v27, v21;
	[tilespmem:s0+$0xE60] =	vst v54  }
0x3e9: {  	v31 =	vld [tilespmem:s0+$0xA70];
	v56 =	vmul.f32 v47, v21;
	[tilespmem:s0+$0xAA0] =	vst v62  }
0x3ea: {  	v37 =	vld [tilespmem:s0+$0xE20];
	v58 =	vmul.f32 v49, v9;
	[tilespmem:s0+$0xA50] =	vst v36  }
0x3eb: {  	v43 =	vld [tilespmem:s0+$0xE50];
	v60 =	vmul.f32 v51, v9;
	[tilespmem:s0+$0xE70] =	vst v56  }
0x3ec: {  	v55 =	vld [tilespmem:s0+$0xAB0];
	v48 =	vmul.f32 v39, v21;
	[tilespmem:s0+$0xA80] =	vst v58  }
0x3ed: {  	v59 =	vld [tilespmem:s0+$0xAD0];
	v30 =	vmul.f32 v20, v21;
	[tilespmem:s0+$0xA90] =	vst v60  }
0x3ee: {  	v61 =	vld [tilespmem:s0+$0xAE0];
	v40 =	vmul.f32 v31, v21;
	[tilespmem:s0+$0xE30] =	vst v48  }
0x3ef: {  	v63 =	vld [tilespmem:s0+$0xAF0];
	v46 =	vmul.f32 v37, v21;
	[tilespmem:s0+$0xA20] =	vst v30  }
0x3f0: {  	v41 =	vld [tilespmem:s0+$0xE40];
	v52 =	vmul.f32 v43, v21;
	[tilespmem:s0+$0xA70] =	vst v40  }
0x3f1: {  	v57 =	vld [tilespmem:s0+$0xAC0];
	v19 =	vmul.f32 v55, v9;
	[tilespmem:s0+$0xE20] =	vst v46  }
0x3f2: {  	v22 =	vld [tilespmem:s0+$0xE90];
	v23 =	vmul.f32 v59, v9;
	[tilespmem:s0+$0xE50] =	vst v52  }
0x3f3: {  	v24 =	vld [tilespmem:s0+$0xEA0];
	v25 =	vmul.f32 v61, v9;
	[tilespmem:s0+$0xAB0] =	vst v19  }
0x3f4: {  	v26 =	vld [tilespmem:s0+$0xEB0];
	v27 =	vmul.f32 v63, v9;
	[tilespmem:s0+$0xAD0] =	vst v23  }
0x3f5: {  	v32 =	vld [tilespmem:s0+$0xEE0];
	v50 =	vmul.f32 v41, v21;
	[tilespmem:s0+$0xAE0] =	vst v25  }
0x3f6: {  	v45 =	vld [tilespmem:s0+$0xB50];
	v21 =	vmul.f32 v57, v9;
	[tilespmem:s0+$0xAF0] =	vst v27  }
0x3f7: {  	v53 =	vld [tilespmem:s0+$0xF10];
	v31 =	vmul.f32 v22, v9;
	[tilespmem:s0+$0xE40] =	vst v50  }
0x3f8: {  	v47 =	vld [tilespmem:s0+$0xB60];
	v33 =	vmul.f32 v24, v9;
	[tilespmem:s0+$0xAC0] =	vst v21  }
0x3f9: {  	v49 =	vld [tilespmem:s0+$0xB70];
	v35 =	vmul.f32 v26, v9;
	[tilespmem:s0+$0xE90] =	vst v31  }
0x3fa: {  	v51 =	vld [tilespmem:s0+$0xF00];
	v41 =	vmul.f32 v32, v9;
	[tilespmem:s0+$0xEA0] =	vst v33  }
0x3fb: {  	v28 =	vld [tilespmem:s0+$0xEC0];
	v54 =	vmul.f32 v45, v8;
	[tilespmem:s0+$0xEB0] =	vst v35  }
0x3fc: {  	v38 =	vld [tilespmem:s0+$0xB10];
	v61 =	vmul.f32 v53, v8;
	[tilespmem:s0+$0xEE0] =	vst v41  }
0x3fd: {  	v42 =	vld [tilespmem:s0+$0xB30];
	v56 =	vmul.f32 v47, v8;
	[tilespmem:s0+$0xB50] =	vst v54  }
0x3fe: {  	v20 =	vld [tilespmem:s0+$0xE80];
	v58 =	vmul.f32 v49, v8;
	[tilespmem:s0+$0xF10] =	vst v61  }
0x3ff: {  	v36 =	vld [tilespmem:s0+$0xB00];
	v60 =	vmul.f32 v51, v8;
	[tilespmem:s0+$0xB60] =	vst v56  }
0x400: {  	v43 =	vld [tilespmem:s0+$0xB40];
	v37 =	vmul.f32 v28, v9;
	[tilespmem:s0+$0xB70] =	vst v58  }
0x401: {  	v55 =	vld [tilespmem:s0+$0xF20];
	v46 =	vmul.f32 v38, v8;
	[tilespmem:s0+$0xF00] =	vst v60  }
0x402: {  	v30 =	vld [tilespmem:s0+$0xED0];
	v50 =	vmul.f32 v42, v8;
	[tilespmem:s0+$0xEC0] =	vst v37  }
0x403: {  	v34 =	vld [tilespmem:s0+$0xEF0];
	v29 =	vmul.f32 v20, v9;
	[tilespmem:s0+$0xB10] =	vst v46  }
0x404: {  	v40 =	vld [tilespmem:s0+$0xB20];
	v44 =	vmul.f32 v36, v8;
	[tilespmem:s0+$0xB30] =	vst v50  }
0x405: {  	v57 =	vld [tilespmem:s0+$0xF30];
	v52 =	vmul.f32 v43, v8;
	[tilespmem:s0+$0xE80] =	vst v29  }
0x406: {  	v59 =	vld [tilespmem:s0+$0xF40];
	v62 =	vmul.f32 v55, v8;
	[tilespmem:s0+$0xB00] =	vst v44  }
0x407: {  	v39 =	vmul.f32 v30, v9;
	[tilespmem:s0+$0xB40] =	vst v52  }
0x408: {  	v9 =	vmul.f32 v34, v9;
	[tilespmem:s0+$0xF20] =	vst v62  }
0x409: {  	v48 =	vmul.f32 v40, v8;
	[tilespmem:s0+$0xED0] =	vst v39  }
0x40a: {  	v63 =	vmul.f32 v57, v8;
	[tilespmem:s0+$0xEF0] =	vst v9  }
0x40b: {  	v8 =	vmul.f32 v59, v8;
	[tilespmem:s0+$0xB20] =	vst v48  }
0x40c: {  	[tilespmem:s0+$0xF30] =	vst v63  }
0x40d: {  	[tilespmem:s0+$0xF40] =	vst v8  }
0x40e: {  	[hbm4b:s12+s2] =	stream.linear.scatter [tilespmem:s2], [sflag:$0x7], $0xA000, $0x38;
	[tilespmem:$0x16A00] =	vst v63  }
0x40f: {  	_ =	swait.ge [sflag:s29], $0xA000  }
0x410: {  	[sflag:s29] =	ssyncset.done $0x0  }
0x411: {  	s30 =	sadd.s32 $0x1, s30;
	s0 =	simm.s32 @p0 $0x6;
	[sflag:s29] =	ssyncadd.s32 $0xFFFF6000  }
0x412: {  	p1 =	sne.s32 s30, s13;
	_ =	swait.ge @p0 [sflag:s0], $0x2700  }
.Ltmp7:
0x413: {  	[sflag:s0] =	ssyncset.done @p0 $0x0;
	(pc) =	sbr.rel @p1 .LBB2_1-.Ltmp7, $4  }
.Ltmp8:
0x414: {  	[sflag:s0] =	ssyncadd.s32 @p0 $0xFFFFD900;
	s0 =	simm.s32 @!p0 $0x6;
	(pc) =	sbr.rel @!p1 .LBB2_13-.Ltmp8, $4  }
0x415: {  	_ =	swait.ge @!p0 [sflag:s0], $0x2800  }
0x416: {  	[sflag:s0] =	ssyncset.done @!p0 $0x0  }
0x417: {  	[sflag:s0] =	ssyncadd.s32 @!p0 $0xFFFFD800  }
0x418: {  	_ = 	snop  }
.LBB2_3:
.Ltmp9:
0x419: {  	(pc) =	sbr.rel .LBB2_7-.Ltmp9, $2  }
0x41a: {  	_ =	sdelay $0x2  }
0x41b: {  	s31 =	smov.u32 s0;
	s21 =	simm.s32 $0x0  }
.LBB2_5:
.Ltmp10:
0x41c: {  	(pc) =	sbr.rel .LBB2_7-.Ltmp10, $2  }
0x41d: {  	_ =	sdelay $0x2  }
0x41e: {  	s31 =	smov.u32 s0;
	s21 =	simm.s32 $0x0  }
.LBB2_13:
0x41f: {  	_ =	sfence.sel $0x180000  }
0x420: {  	[bflag:$0x0] =	sbarrier.arrive $0xFFFF  }
0x421: {  	_ =	strace $0x90000047  }
0x422: {  	[bflag:$0x2] =	sbarrier.arrive $0xFFFF  }
0x423: {  	s0 =	rddreg [dreg:$0x5]  }
0x424: {  	s0 =	sadd.s32 @!p0 $0x100000, s0  }
0x425: {  	[sflag:s0] =	ssyncadd.tile.s32 @!p0 $0x1;
	_ =	shalt  }
.Lfunc_end2:
_tile_overlayer_lowered:
.L_overlay_start_2:
0x426: {  	(tag) =	ssettag $0x2  }
0x427: {  	s0 =	rddreg [dreg:$0x0];
	s2 =	stileid.u32  }
0x428: {  	s1 =	rddreg [dreg:$0x1];
	p0 =	sne.s32 s2, $0x0  }
0x429: {  	s3 =	rddreg [dreg:$0x2];
	[bflag:$0x3] =	sbarrier.arrive $0xFFFF;
	s2 =	simm.s32 @!p0 $0x1C07  }
0x42a: {  	[timem:s3], [sflag:s2] =	dma.local @!p0 [hbm:s0], s1  }
0x42b: {  	s0 =	simm.s32 @!p0 $0x7  }
0x42c: {  	_ =	swait.ge @!p0 [sflag:s0], s1  }
0x42d: {  	s1 =	ssub.s32 @!p0 $0x0, s1;
	[sflag:s0] =	ssyncset.done @!p0 $0x0  }
0x42e: {  	[sflag:s0] =	ssyncadd.s32 @!p0 s1  }
0x42f: {  	[bflag:$0x3] =	sbarrier.arrive $0xFFFF  }
0x430: {  	_ =	shalt  }

</sc_bundles>
